<compile_context>
chip_gen: v7x
topology: tpu7x:2x2x1
jax: 0.10.2.dev20260603
libtpu: 0.0.44.dev20260713+nightly
codegen_flags: <defaults>
</compile_context>

<pallas_src>
import functools

import jax
import jax.numpy as jnp
from jax import lax
from jax.experimental import pallas as pl
from jax.experimental.pallas import tpu as pltpu
from jax.experimental.pallas import tpu_sc as plsc

KNN = 16
N = 10000
NP = 10240
NA = 5120
NB = N - NA
D_IN = 128
BIG = 1e30
HI = jax.lax.Precision.HIGHEST

R1 = 256


def _lrelu(x):
    return jnp.where(x >= 0, x, 0.2 * x)


def _k1_body(off, xb_ref, xbt_ref, xxr_ref, xxc_ref, idx_ref):
    i = pl.program_id(0)
    dot = jnp.dot(xb_ref[...], xbt_ref[...], preferred_element_type=jnp.float32)
    inner = -2.0 * dot
    dmat = -xxc_ref[...] - inner - xxr_ref[...]
    ci = lax.broadcasted_iota(jnp.int32, (R1, NP), 1)
    grow = off + i * R1 + lax.broadcasted_iota(jnp.int32, (R1, 1), 0)
    dmat = jnp.where(ci == grow, -BIG, dmat)

    ninf = jnp.full((R1, 128), -jnp.inf, jnp.float32)
    zero = jnp.zeros((R1, 128), jnp.int32)
    sv1 = [ninf] * 2
    sv2 = [ninf] * 2
    si1 = [zero] * 2
    si2 = [zero] * 2
    for c in range(NP // 128):
        st = c % 2
        v = dmat[:, c * 128:(c + 1) * 128]
        b1 = v > sv1[st]
        b2 = v > sv2[st]
        n2 = jnp.where(b1, sv1[st], jnp.where(b2, v, sv2[st]))
        m2 = jnp.where(b1, si1[st], jnp.where(b2, c, si2[st]))
        sv1[st] = jnp.maximum(v, sv1[st])
        si1[st] = jnp.where(b1, c, si1[st])
        sv2[st] = n2
        si2[st] = m2

    lane = lax.broadcasted_iota(jnp.int32, (R1, 128), 1)
    av = jnp.concatenate(sv1 + sv2, axis=1)
    gidx = jnp.concatenate([i_ * 128 + lane for i_ in si1 + si2], axis=1)
    cols = []
    for _ in range(KNN):
        m = jnp.max(av, axis=1, keepdims=True)
        am = jnp.min(jnp.where(av == m, gidx, NP), axis=1)
        cols.append(am)
        av = jnp.where(gidx == am[:, None], -jnp.inf, av)
    idx_ref[...] = jnp.stack(cols, axis=1)


def _run_k1(xb_half, xbt, xxr_half, xxc, off):
    rows = xb_half.shape[0]
    grid = (rows // R1,)
    return pl.pallas_call(
        functools.partial(_k1_body, off),
        grid=grid,
        in_specs=[
            pl.BlockSpec((R1, D_IN), lambda i: (i, 0)),
            pl.BlockSpec((D_IN, NP), lambda i: (0, 0)),
            pl.BlockSpec((R1, 1), lambda i: (i, 0)),
            pl.BlockSpec((1, NP), lambda i: (0, 0)),
        ],
        out_specs=pl.BlockSpec((R1, KNN), lambda i: (i, 0)),
        out_shape=jax.ShapeDtypeStruct((rows, KNN), jnp.int32),
    )(xb_half, xbt, xxr_half, xxc)


def _k0_body(xt_ref, xx_ref):
    xt = xt_ref[...]
    xx_ref[...] = jnp.sum(xt * xt, axis=0, keepdims=True)


def _run_k0(xt):
    return pl.pallas_call(
        _k0_body,
        in_specs=[pl.BlockSpec((D_IN, NP), lambda: (0, 0))],
        out_specs=pl.BlockSpec((1, NP), lambda: (0, 0)),
        out_shape=jax.ShapeDtypeStruct((1, NP), jnp.float32),
        grid=(),
    )(xt)


def _k5_body(x_ref, w1at_ref, w1vt_ref, u_ref, v_ref):
    u_ref[...] = jnp.dot(x_ref[...], w1at_ref[...],
                         preferred_element_type=jnp.float32, precision=HI)
    v_ref[...] = jnp.dot(x_ref[...], w1vt_ref[...],
                         preferred_element_type=jnp.float32, precision=HI)


def _run_k5(xp, w1at, w1vt):
    grid = (NP // 1024,)
    return pl.pallas_call(
        _k5_body,
        grid=grid,
        in_specs=[
            pl.BlockSpec((1024, D_IN), lambda i: (i, 0)),
            pl.BlockSpec((D_IN, 256), lambda i: (0, 0)),
            pl.BlockSpec((D_IN, 256), lambda i: (0, 0)),
        ],
        out_specs=[
            pl.BlockSpec((1024, 256), lambda i: (i, 0)),
            pl.BlockSpec((1024, 256), lambda i: (i, 0)),
        ],
        out_shape=[
            jax.ShapeDtypeStruct((NP, 256), jnp.float32),
            jax.ShapeDtypeStruct((NP, 256), jnp.float32),
        ],
    )(xp, w1at, w1vt)


_NW = 32


def _k2_body(epw, chunk, u_hbm, idx_hbm, g_hbm, idx_v, rows_v, sem):
    wid = lax.axis_index("s") * 2 + lax.axis_index("c")
    base = wid * epw

    def step(t, _):
        off = base + t * chunk
        pltpu.sync_copy(idx_hbm.at[pl.ds(off, chunk)], idx_v)
        pltpu.async_copy(u_hbm.at[idx_v], rows_v, sem).wait()
        pltpu.sync_copy(rows_v, g_hbm.at[pl.ds(off, chunk)])
        return 0

    lax.fori_loop(0, epw // chunk, step, 0)


def _run_k2(u, idxf, chunk):
    ne = idxf.shape[0]
    epw = ne // _NW
    mesh = plsc.VectorSubcoreMesh(core_axis_name="c", subcore_axis_name="s")
    fn = functools.partial(
        pl.kernel, mesh=mesh,
        out_type=jax.ShapeDtypeStruct((ne, 256), jnp.float32),
        scratch_types=[
            pltpu.VMEM((chunk,), jnp.int32),
            pltpu.VMEM((chunk, 256), jnp.float32),
            pltpu.SemaphoreType.DMA,
        ],
    )(functools.partial(_k2_body, epw, chunk))
    return fn(u, idxf)


def _k3_body(r3, g_ref, v_ref, a1_ref, b1_ref, w2t_ref, b2_ref,
             feat1_ref, gmax_ref, gsum_ref):
    i = pl.program_id(0)
    v = v_ref[...]
    vrep = jnp.broadcast_to(v.reshape(r3, 1, 256), (r3, KNN, 256))
    vrep = vrep.reshape(r3 * KNN, 256)
    h = g_ref[...] + vrep
    h = _lrelu(h * a1_ref[...] + b1_ref[...])
    h2 = jnp.dot(h, w2t_ref[...],
                 preferred_element_type=jnp.float32) + b2_ref[...]
    f1 = jnp.max(h2.reshape(r3, KNN, 128), axis=1)
    feat1_ref[...] = f1
    tm = jnp.max(f1.reshape(r3 // 8, 8, 128), axis=0)
    ts = jnp.sum(f1.reshape(r3 // 8, 8, 128), axis=0)
    gmax_ref[...] = jnp.where(i == 0, tm, jnp.maximum(gmax_ref[...], tm))
    gsum_ref[...] = jnp.where(i == 0, ts, gsum_ref[...] + ts)


def _run_k3(g, v, a1, b1, w2t, b2, r3):
    rows = v.shape[0]
    grid = (rows // r3,)
    return pl.pallas_call(
        functools.partial(_k3_body, r3),
        grid=grid,
        in_specs=[
            pl.BlockSpec((r3 * KNN, 256), lambda i: (i, 0)),
            pl.BlockSpec((r3, 256), lambda i: (i, 0)),
            pl.BlockSpec((1, 256), lambda i: (0, 0)),
            pl.BlockSpec((1, 256), lambda i: (0, 0)),
            pl.BlockSpec((256, 128), lambda i: (0, 0)),
            pl.BlockSpec((1, 128), lambda i: (0, 0)),
        ],
        out_specs=[
            pl.BlockSpec((r3, 128), lambda i: (i, 0)),
            pl.BlockSpec((8, 128), lambda i: (0, 0)),
            pl.BlockSpec((8, 128), lambda i: (0, 0)),
        ],
        out_shape=[
            jax.ShapeDtypeStruct((rows, 128), jnp.float32),
            jax.ShapeDtypeStruct((8, 128), jnp.float32),
            jax.ShapeDtypeStruct((8, 128), jnp.float32),
        ],
    )(g, v, a1, b1, w2t, b2)


def _k4_body(r4, x_ref, f1_ref, gma_ref, gmb_ref, gsa_ref, gsb_ref,
             w3t_ref, a3_ref, b3_ref, w4t_ref, a4_ref, b4_ref,
             w5t_ref, a5_ref, b5_ref, w6t_ref, b6_ref, out_ref):
    gm = jnp.maximum(gma_ref[...], gmb_ref[...])
    fm = jnp.max(gm, axis=0, keepdims=True)
    fa = (jnp.sum(gsa_ref[...], axis=0, keepdims=True) +
          jnp.sum(gsb_ref[...], axis=0, keepdims=True)) * (1.0 / N)
    cat = jnp.concatenate(
        [x_ref[...], f1_ref[...],
         jnp.broadcast_to(fm, (r4, 128)), jnp.broadcast_to(fa, (r4, 128))],
        axis=1)
    y = _lrelu(jnp.dot(cat, w3t_ref[...],
                       preferred_element_type=jnp.float32) * a3_ref[...] + b3_ref[...])
    y = _lrelu(jnp.dot(y, w4t_ref[...],
                       preferred_element_type=jnp.float32) * a4_ref[...] + b4_ref[...])
    y = _lrelu(jnp.dot(y, w5t_ref[...],
                       preferred_element_type=jnp.float32) * a5_ref[...] + b5_ref[...])
    out_ref[...] = jnp.dot(y, w6t_ref[...],
                           preferred_element_type=jnp.float32) + b6_ref[...]


def _run_k4(x, f1, gma, gmb, gsa, gsb,
            w3t, a3, b3, w4t, a4, b4, w5t, a5, b5, w6t, b6, r4):
    rows = x.shape[0]
    grid = (rows // r4,)
    row = lambda c: pl.BlockSpec((1, c), lambda i: (0, 0))
    small = lambda: pl.BlockSpec((8, 128), lambda i: (0, 0))
    return pl.pallas_call(
        functools.partial(_k4_body, r4),
        grid=grid,
        in_specs=[
            pl.BlockSpec((r4, 128), lambda i: (i, 0)),
            pl.BlockSpec((r4, 128), lambda i: (i, 0)),
            small(), small(), small(), small(),
            pl.BlockSpec((512, 384), lambda i: (0, 0)), row(384), row(384),
            pl.BlockSpec((384, 256), lambda i: (0, 0)), row(256), row(256),
            pl.BlockSpec((256, 128), lambda i: (0, 0)), row(128), row(128),
            pl.BlockSpec((128, 128), lambda i: (0, 0)), row(128),
        ],
        out_specs=pl.BlockSpec((r4, 128), lambda i: (i, 0)),
        out_shape=jax.ShapeDtypeStruct((rows, 128), jnp.float32),
    )(x, f1, gma, gmb, gsa, gsb,
      w3t, a3, b3, w4t, a4, b4, w5t, a5, b5, w6t, b6)


def kernel(feat, W1, g1, be1, W2, b2, W3, g3, be3, W4, g4, be4, W5, g5, be5,
           W6, b6):
    X = feat[0]
    xp = jnp.zeros((NP, D_IN), jnp.float32).at[:N].set(X)
    xb = xp.astype(jnp.bfloat16)
    xbt = xb.T

    xxc = _run_k0(xp.T)
    pad_mask = (jnp.arange(NP) >= N)[None, :]
    xxc = jnp.where(pad_mask, BIG, xxc)
    xxr = xxc.reshape(NP, 1)

    scale = 1.0 / jnp.sqrt(jnp.float32(1.0 + 1e-5))
    W1a = W1[:, :D_IN]
    W1v = W1[:, D_IN:] - W1a
    u, v = _run_k5(xp, W1a.T, W1v.T)

    idxA = _run_k1(xb[:NA], xbt, xxr[:NA], xxc, 0)
    gA = _run_k2(u, idxA.reshape(-1), 320)
    idxB = _run_k1(xb[NA:], xbt, xxr[NA:], xxc, NA)
    gB = _run_k2(u, idxB[:NB].reshape(-1), 488)

    a1 = (g1 * scale).reshape(1, 256)
    b1 = be1.reshape(1, 256)
    w2t = W2.T
    b2r = b2.reshape(1, 128)
    f1A, gmA, gsA = _run_k3(gA, v[:NA], a1, b1, w2t, b2r, 320)
    f1B, gmB, gsB = _run_k3(gB, v[NA:N], a1, b1, w2t, b2r, 488)

    mlp = (W3.T, (g3 * scale).reshape(1, 384), be3.reshape(1, 384),
           W4.T, (g4 * scale).reshape(1, 256), be4.reshape(1, 256),
           W5.T, (g5 * scale).reshape(1, 128), be5.reshape(1, 128),
           W6.T, b6.reshape(1, 128))
    outA = _run_k4(X[:NA], f1A, gmA, gmB, gsA, gsB, *mlp, r4=320)
    outB = _run_k4(X[NA:], f1B, gmA, gmB, gsA, gsB, *mlp, r4=488)
    return jnp.concatenate([outA, outB], axis=0)[None]

# --- scband reference (transcript-rebuilt; emitter-appended) ---
"""Pipeline reference for scband-super-res-69406671503911 (READ-ONLY COPY).

The authoritative reference and input builder live on the scoring server;
editing this copy changes nothing except your own understanding.
"""

import jax, jax.numpy as jnp
import numpy as np

K = 16
IN_DIM = 128
OUT_DIM = 128


def _lrelu(x):
    return jnp.where(x >= 0, x, 0.2 * x)


def _bn(x, gamma, beta, axis):
    # eval-mode BatchNorm with fresh running stats (mean=0, var=1)
    eps = 1e-5
    shape = [1] * x.ndim
    shape[axis] = -1
    return x / jnp.sqrt(1.0 + eps) * gamma.reshape(shape) + beta.reshape(shape)


def _knn_idx(x, k):
    # x: [B, d, n]
    inner = -2.0 * jnp.einsum('bdn,bdm->bnm', x, x)
    xx = jnp.sum(x ** 2, axis=1, keepdims=True)  # [B,1,n]
    pairwise = -xx - inner - jnp.transpose(xx, (0, 2, 1))
    _, idx = jax.lax.top_k(pairwise, k)
    return idx


def _get_graph_feature(x, k):
    # x: [B, d, n] -> [B, 2d, n, k]
    B, d, n = x.shape
    idx = _knn_idx(x, k + 1)[:, :, 1:]  # [B,n,k]
    xt = jnp.transpose(x, (0, 2, 1))  # [B,n,d]
    flat = xt.reshape(B * n, d)
    idx_base = jnp.arange(B).reshape(-1, 1, 1) * n
    idxf = (idx + idx_base).reshape(-1)
    feature = flat[idxf].reshape(B, n, k, d)
    xe = jnp.broadcast_to(xt[:, :, None, :], (B, n, k, d))
    feature = jnp.concatenate([feature - xe, xe], axis=3)
    return jnp.transpose(feature, (0, 3, 1, 2))


def setup_inputs(seed: int = 0) -> dict:
    key = jax.random.key(seed)
    ks = jax.random.split(key, 12)
    B, n, d = 1, 10000, IN_DIM
    od = OUT_DIM
    feat = jax.random.normal(ks[0], (B, n, d), dtype=jnp.float32)
    s = lambda fan_in: 1.0 / np.sqrt(fan_in)
    W1 = jax.random.normal(ks[1], (2 * od, 2 * d), dtype=jnp.float32) * s(2 * d)
    g1 = jnp.ones((2 * od,), jnp.float32)
    be1 = jnp.zeros((2 * od,), jnp.float32)
    W2 = jax.random.normal(ks[2], (od, 2 * od), dtype=jnp.float32) * s(2 * od)
    b2 = jnp.zeros((od,), jnp.float32)
    c_in = 3 * od + d
    W3 = jax.random.normal(ks[3], (3 * od, c_in), dtype=jnp.float32) * s(c_in)
    g3 = jnp.ones((3 * od,), jnp.float32)
    be3 = jnp.zeros((3 * od,), jnp.float32)
    W4 = jax.random.normal(ks[4], (2 * od, 3 * od), dtype=jnp.float32) * s(3 * od)
    g4 = jnp.ones((2 * od,), jnp.float32)
    be4 = jnp.zeros((2 * od,), jnp.float32)
    W5 = jax.random.normal(ks[5], (od, 2 * od), dtype=jnp.float32) * s(2 * od)
    g5 = jnp.ones((od,), jnp.float32)
    be5 = jnp.zeros((od,), jnp.float32)
    W6 = jax.random.normal(ks[6], (od, od), dtype=jnp.float32) * s(od)
    b6 = jnp.zeros((od,), jnp.float32)
    return {"feat": feat, "W1": W1, "g1": g1, "be1": be1, "W2": W2, "b2": b2,
            "W3": W3, "g3": g3, "be3": be3, "W4": W4, "g4": g4, "be4": be4,
            "W5": W5, "g5": g5, "be5": be5, "W6": W6, "b6": b6}


def reference(feat, W1, g1, be1, W2, b2, W3, g3, be3, W4, g4, be4, W5, g5, be5, W6, b6):
    B, n, d = feat.shape
    x = jnp.transpose(feat, (0, 2, 1))  # [B,d,n]
    f = _get_graph_feature(x, K)  # [B,2d,n,K]
    h = jnp.einsum('oc,bcnk->bonk', W1, f)
    h = _lrelu(_bn(h, g1, be1, 1))
    h = jnp.einsum('oc,bcnk->bonk', W2, h) + b2.reshape(1, -1, 1, 1)
    feat1 = jnp.max(h, axis=-1)  # [B,od,n]
    f_max = jnp.max(feat1, axis=-1, keepdims=True)  # [B,od,1]
    f_avg = jnp.mean(feat1, axis=-1, keepdims=True)
    feat1t = jnp.transpose(feat1, (0, 2, 1))  # [B,n,od]
    od = feat1.shape[1]
    fmax = jnp.broadcast_to(jnp.transpose(f_max, (0, 2, 1)), (B, n, od))
    favg = jnp.broadcast_to(jnp.transpose(f_avg, (0, 2, 1)), (B, n, od))
    cat = jnp.concatenate([feat, feat1t, fmax, favg], axis=-1)  # [B,n,3*od+d]
    y = jnp.transpose(cat, (0, 2, 1))
    y = _lrelu(_bn(jnp.einsum('oc,bcn->bon', W3, y), g3, be3, 1))
    y = _lrelu(_bn(jnp.einsum('oc,bcn->bon', W4, y), g4, be4, 1))
    y = _lrelu(_bn(jnp.einsum('oc,bcn->bon', W5, y), g5, be5, 1))
    y = jnp.einsum('oc,bcn->bon', W6, y) + b6.reshape(1, -1, 1)
    return jnp.transpose(y, (0, 2, 1))

if __name__ == "__main__":
    import jax
    _d = setup_inputs()
    print(jax.jit(kernel)(*tuple(_d.values())))

</pallas_src>

<mosaic_0001>
#map = affine_map<(d0, d1) -> (0, 0)>
#map1 = affine_map<(d0, d1) -> (0)>
module attributes {stable_mosaic.version = 14 : i64} {
  func.func @_k2_body(%arg0: i32, %arg1: i32, %arg2: memref<10240x256xf32, #tpu.memory_space<hbm>>, %arg3: memref<81920xi32, #tpu.memory_space<hbm>>, %arg4: memref<81920x256xf32, #tpu.memory_space<hbm>>, %arg5: memref<320xi32, #tpu.memory_space<vmem>>, %arg6: memref<320x256xf32, #tpu.memory_space<vmem>>, %arg7: memref<!tpu.dma_semaphore, #tpu.memory_space<semaphore_mem>>) attributes {dimension_semantics = [#tpu.dimension_semantics<core_parallel>, #tpu.dimension_semantics<subcore_parallel>], iteration_bounds = array<i64: 2, 16>, scalar_prefetch = 0 : i64, scratch_operands = 3 : i64, tpu.core_type = #tpu.core_type<sc_vector_subcore>, window_params = [{transform_indices = #map}, {transform_indices = #map1}, {transform_indices = #map}]} {
    %mul3A = arith.constant 2 : i32
    %mul3A_0 = arith.muli %arg1, %mul3A : i32
    %add3A = arith.addi %mul3A_0, %arg0 : i32
    %mul3A_1 = arith.constant 2560 : i32
    %mul3A_2 = arith.muli %add3A, %mul3A_1 : i32
    %scan3A = arith.constant 0 : i32
    %scan3A_3 = arith.constant 0 : i32
    %scan3A_4 = arith.constant 8 : i32
    %scan3A_5 = arith.addi %scan3A_3, %scan3A_4 : i32
    %scan3A_6 = arith.constant 1 : i32
    %scan3A_7 = scf.for %scan3A_9 = %scan3A_3 to %scan3A_5 step %scan3A_6 iter_args(%scan3A_10 = %scan3A) -> (i32)  : i32 {
      %mul3A_11 = arith.constant 320 : i32
      %mul3A_12 = arith.muli %scan3A_9, %mul3A_11 : i32
      %add3A_13 = arith.addi %mul3A_2, %mul3A_12 : i32
      "tpu.region"() ({
        %run_scoped3A = tpu.sem_alloc : memref<!tpu.dma_semaphore, #tpu.memory_space<semaphore_mem>>
        %dma_start3A_19 = tpu.memref_slice %arg3[%add3A_13] : memref<81920xi32, #tpu.memory_space<hbm>> -> memref<320xi32, #tpu.memory_space<hbm>>
        %dma_start3A_20 = tpu.memref_slice %arg3[%add3A_13] : memref<81920xi32, #tpu.memory_space<hbm>> -> memref<320xi32, #tpu.memory_space<hbm>>
        tpu.enqueue_dma source(%dma_start3A_20 : memref<320xi32, #tpu.memory_space<hbm>>) target(%arg5 : memref<320xi32, #tpu.memory_space<vmem>>) target_semaphore(%run_scoped3A : memref<!tpu.dma_semaphore, #tpu.memory_space<semaphore_mem>>)
        %dma_wait3A_21 = tpu.memref_slice %arg3[%add3A_13] : memref<81920xi32, #tpu.memory_space<hbm>> -> memref<320xi32, #tpu.memory_space<hbm>>
        %dma_wait3A_22 = tpu.memref_slice %arg3[%add3A_13] : memref<81920xi32, #tpu.memory_space<hbm>> -> memref<320xi32, #tpu.memory_space<hbm>>
        tpu.wait_dma2 semaphore(%run_scoped3A : memref<!tpu.dma_semaphore, #tpu.memory_space<semaphore_mem>>) src(%dma_wait3A_22 : memref<320xi32, #tpu.memory_space<hbm>>) dst(%arg5 : memref<320xi32, #tpu.memory_space<vmem>>)
        tpu.yield
      }) : () -> ()
      %dma_start3A = arith.constant 0 : i32
      %dma_start3A_14 = arith.constant 0 : i32
      %dma_start3A_15 = tpu.memref_slice %arg2[%dma_start3A, %dma_start3A_14] : memref<10240x256xf32, #tpu.memory_space<hbm>> -> memref<10240x256xf32, #tpu.memory_space<hbm>>
      tpu.enqueue_indirect_dma source(%dma_start3A_15 : memref<10240x256xf32, #tpu.memory_space<hbm>>) target(%arg6 : memref<320x256xf32, #tpu.memory_space<vmem>>) offsets(%arg5 : memref<320xi32, #tpu.memory_space<vmem>>) semaphore(%arg7 : memref<!tpu.dma_semaphore, #tpu.memory_space<semaphore_mem>>)
      %dma_wait3A = arith.constant 0 : i32
      %dma_wait3A_16 = arith.constant 0 : i32
      %dma_wait3A_17 = tpu.memref_slice %arg2[%dma_wait3A, %dma_wait3A_16] : memref<10240x256xf32, #tpu.memory_space<hbm>> -> memref<10240x256xf32, #tpu.memory_space<hbm>>
      tpu.wait_indirect_dma semaphore(%arg7 : memref<!tpu.dma_semaphore, #tpu.memory_space<semaphore_mem>>) src(%dma_wait3A_17 : memref<10240x256xf32, #tpu.memory_space<hbm>>) dst(%arg6 : memref<320x256xf32, #tpu.memory_space<vmem>>)
      "tpu.region"() ({
        %run_scoped3A = tpu.sem_alloc : memref<!tpu.dma_semaphore, #tpu.memory_space<semaphore_mem>>
        %dma_start3A_19 = arith.constant 0 : i32
        %dma_start3A_20 = tpu.memref_slice %arg4[%add3A_13, %dma_start3A_19] : memref<81920x256xf32, #tpu.memory_space<hbm>> -> memref<320x256xf32, #tpu.memory_space<hbm>>
        %dma_start3A_21 = arith.constant 0 : i32
        %dma_start3A_22 = tpu.memref_slice %arg4[%add3A_13, %dma_start3A_21] : memref<81920x256xf32, #tpu.memory_space<hbm>> -> memref<320x256xf32, #tpu.memory_space<hbm>>
        tpu.enqueue_dma source(%arg6 : memref<320x256xf32, #tpu.memory_space<vmem>>) target(%dma_start3A_22 : memref<320x256xf32, #tpu.memory_space<hbm>>) target_semaphore(%run_scoped3A : memref<!tpu.dma_semaphore, #tpu.memory_space<semaphore_mem>>)
        %dma_wait3A_23 = arith.constant 0 : i32
        %dma_wait3A_24 = tpu.memref_slice %arg4[%add3A_13, %dma_wait3A_23] : memref<81920x256xf32, #tpu.memory_space<hbm>> -> memref<320x256xf32, #tpu.memory_space<hbm>>
        %dma_wait3A_25 = arith.constant 0 : i32
        %dma_wait3A_26 = tpu.memref_slice %arg4[%add3A_13, %dma_wait3A_25] : memref<81920x256xf32, #tpu.memory_space<hbm>> -> memref<320x256xf32, #tpu.memory_space<hbm>>
        tpu.wait_dma2 semaphore(%run_scoped3A : memref<!tpu.dma_semaphore, #tpu.memory_space<semaphore_mem>>) src(%arg6 : memref<320x256xf32, #tpu.memory_space<vmem>>) dst(%dma_wait3A_26 : memref<320x256xf32, #tpu.memory_space<hbm>>)
        tpu.yield
      }) : () -> ()
      %scan3A_18 = arith.constant 0 : i32
      scf.yield %scan3A_18 : i32
    }
    %scan3A_8 = arith.constant 8 : i32
    return
  }
}

#map = affine_map<(d0, d1) -> (0, 0)>
#map1 = affine_map<(d0, d1) -> (0)>
module attributes {stable_mosaic.version = 14 : i64} {
  func.func @_k2_body(%arg0: i32, %arg1: i32, %arg2: memref<10240x256xf32, #tpu.memory_space<hbm>>, %arg3: memref<78080xi32, #tpu.memory_space<hbm>>, %arg4: memref<78080x256xf32, #tpu.memory_space<hbm>>, %arg5: memref<488xi32, #tpu.memory_space<vmem>>, %arg6: memref<488x256xf32, #tpu.memory_space<vmem>>, %arg7: memref<!tpu.dma_semaphore, #tpu.memory_space<semaphore_mem>>) attributes {dimension_semantics = [#tpu.dimension_semantics<core_parallel>, #tpu.dimension_semantics<subcore_parallel>], iteration_bounds = array<i64: 2, 16>, scalar_prefetch = 0 : i64, scratch_operands = 3 : i64, tpu.core_type = #tpu.core_type<sc_vector_subcore>, window_params = [{transform_indices = #map}, {transform_indices = #map1}, {transform_indices = #map}]} {
    %mul3A = arith.constant 2 : i32
    %mul3A_0 = arith.muli %arg1, %mul3A : i32
    %add3A = arith.addi %mul3A_0, %arg0 : i32
    %mul3A_1 = arith.constant 2440 : i32
    %mul3A_2 = arith.muli %add3A, %mul3A_1 : i32
    %scan3A = arith.constant 0 : i32
    %scan3A_3 = arith.constant 0 : i32
    %scan3A_4 = arith.constant 5 : i32
    %scan3A_5 = arith.addi %scan3A_3, %scan3A_4 : i32
    %scan3A_6 = arith.constant 1 : i32
    %scan3A_7 = scf.for %scan3A_9 = %scan3A_3 to %scan3A_5 step %scan3A_6 iter_args(%scan3A_10 = %scan3A) -> (i32)  : i32 {
      %mul3A_11 = arith.constant 488 : i32
      %mul3A_12 = arith.muli %scan3A_9, %mul3A_11 : i32
      %add3A_13 = arith.addi %mul3A_2, %mul3A_12 : i32
      "tpu.region"() ({
        %run_scoped3A = tpu.sem_alloc : memref<!tpu.dma_semaphore, #tpu.memory_space<semaphore_mem>>
        %dma_start3A_19 = tpu.memref_slice %arg3[%add3A_13] : memref<78080xi32, #tpu.memory_space<hbm>> -> memref<488xi32, #tpu.memory_space<hbm>>
        %dma_start3A_20 = tpu.memref_slice %arg3[%add3A_13] : memref<78080xi32, #tpu.memory_space<hbm>> -> memref<488xi32, #tpu.memory_space<hbm>>
        tpu.enqueue_dma source(%dma_start3A_20 : memref<488xi32, #tpu.memory_space<hbm>>) target(%arg5 : memref<488xi32, #tpu.memory_space<vmem>>) target_semaphore(%run_scoped3A : memref<!tpu.dma_semaphore, #tpu.memory_space<semaphore_mem>>)
        %dma_wait3A_21 = tpu.memref_slice %arg3[%add3A_13] : memref<78080xi32, #tpu.memory_space<hbm>> -> memref<488xi32, #tpu.memory_space<hbm>>
        %dma_wait3A_22 = tpu.memref_slice %arg3[%add3A_13] : memref<78080xi32, #tpu.memory_space<hbm>> -> memref<488xi32, #tpu.memory_space<hbm>>
        tpu.wait_dma2 semaphore(%run_scoped3A : memref<!tpu.dma_semaphore, #tpu.memory_space<semaphore_mem>>) src(%dma_wait3A_22 : memref<488xi32, #tpu.memory_space<hbm>>) dst(%arg5 : memref<488xi32, #tpu.memory_space<vmem>>)
        tpu.yield
      }) : () -> ()
      %dma_start3A = arith.constant 0 : i32
      %dma_start3A_14 = arith.constant 0 : i32
      %dma_start3A_15 = tpu.memref_slice %arg2[%dma_start3A, %dma_start3A_14] : memref<10240x256xf32, #tpu.memory_space<hbm>> -> memref<10240x256xf32, #tpu.memory_space<hbm>>
      tpu.enqueue_indirect_dma source(%dma_start3A_15 : memref<10240x256xf32, #tpu.memory_space<hbm>>) target(%arg6 : memref<488x256xf32, #tpu.memory_space<vmem>>) offsets(%arg5 : memref<488xi32, #tpu.memory_space<vmem>>) semaphore(%arg7 : memref<!tpu.dma_semaphore, #tpu.memory_space<semaphore_mem>>)
      %dma_wait3A = arith.constant 0 : i32
      %dma_wait3A_16 = arith.constant 0 : i32
      %dma_wait3A_17 = tpu.memref_slice %arg2[%dma_wait3A, %dma_wait3A_16] : memref<10240x256xf32, #tpu.memory_space<hbm>> -> memref<10240x256xf32, #tpu.memory_space<hbm>>
      tpu.wait_indirect_dma semaphore(%arg7 : memref<!tpu.dma_semaphore, #tpu.memory_space<semaphore_mem>>) src(%dma_wait3A_17 : memref<10240x256xf32, #tpu.memory_space<hbm>>) dst(%arg6 : memref<488x256xf32, #tpu.memory_space<vmem>>)
      "tpu.region"() ({
        %run_scoped3A = tpu.sem_alloc : memref<!tpu.dma_semaphore, #tpu.memory_space<semaphore_mem>>
        %dma_start3A_19 = arith.constant 0 : i32
        %dma_start3A_20 = tpu.memref_slice %arg4[%add3A_13, %dma_start3A_19] : memref<78080x256xf32, #tpu.memory_space<hbm>> -> memref<488x256xf32, #tpu.memory_space<hbm>>
        %dma_start3A_21 = arith.constant 0 : i32
        %dma_start3A_22 = tpu.memref_slice %arg4[%add3A_13, %dma_start3A_21] : memref<78080x256xf32, #tpu.memory_space<hbm>> -> memref<488x256xf32, #tpu.memory_space<hbm>>
        tpu.enqueue_dma source(%arg6 : memref<488x256xf32, #tpu.memory_space<vmem>>) target(%dma_start3A_22 : memref<488x256xf32, #tpu.memory_space<hbm>>) target_semaphore(%run_scoped3A : memref<!tpu.dma_semaphore, #tpu.memory_space<semaphore_mem>>)
        %dma_wait3A_23 = arith.constant 0 : i32
        %dma_wait3A_24 = tpu.memref_slice %arg4[%add3A_13, %dma_wait3A_23] : memref<78080x256xf32, #tpu.memory_space<hbm>> -> memref<488x256xf32, #tpu.memory_space<hbm>>
        %dma_wait3A_25 = arith.constant 0 : i32
        %dma_wait3A_26 = tpu.memref_slice %arg4[%add3A_13, %dma_wait3A_25] : memref<78080x256xf32, #tpu.memory_space<hbm>> -> memref<488x256xf32, #tpu.memory_space<hbm>>
        tpu.wait_dma2 semaphore(%run_scoped3A : memref<!tpu.dma_semaphore, #tpu.memory_space<semaphore_mem>>) src(%arg6 : memref<488x256xf32, #tpu.memory_space<vmem>>) dst(%dma_wait3A_26 : memref<488x256xf32, #tpu.memory_space<hbm>>)
        tpu.yield
      }) : () -> ()
      %scan3A_18 = arith.constant 0 : i32
      scf.yield %scan3A_18 : i32
    }
    %scan3A_8 = arith.constant 5 : i32
    return
  }
}

module attributes {stable_mosaic.version = 14 : i64} {
  func.func @_k0_body(%arg0: memref<128x10240xf32, #tpu.memory_space<vmem>>, %arg1: memref<1x10240xf32, #tpu.memory_space<vmem>>) attributes {dimension_semantics = [], scalar_prefetch = 0 : i64, scratch_operands = 0 : i64, tpu.core_type = #tpu.core_type<tc>} {
    %get3A = arith.constant 0 : index
    %get3A_0 = arith.constant 0 : index
    %get3A_1 = vector.load %arg0[%get3A, %get3A_0] : memref<128x10240xf32, #tpu.memory_space<vmem>>, vector<128x10240xf32>
    %mul3A = arith.mulf %get3A_1, %get3A_1 : vector<128x10240xf32>
    %reduce_sum3A = arith.constant dense<0.000000e+00> : vector<10240xf32>
    %reduce_sum3A_2 = vector.multi_reduction <add>, %mul3A, %reduce_sum3A [0] : vector<128x10240xf32> to vector<10240xf32>
    %broadcast_in_dim3A = vector.shape_cast %reduce_sum3A_2 : vector<10240xf32> to vector<1x10240xf32>
    %swap3A = arith.constant 0 : index
    %swap3A_3 = arith.constant 0 : index
    %swap3A_4 = vector.load %arg1[%swap3A, %swap3A_3] : memref<1x10240xf32, #tpu.memory_space<vmem>>, vector<1x10240xf32>
    tpu.vector_store %arg1[%swap3A, %swap3A_3], %broadcast_in_dim3A {strides = array<i32>} : memref<1x10240xf32, #tpu.memory_space<vmem>>, vector<1x10240xf32>,
    return
  }
}

module attributes {stable_mosaic.version = 14 : i64} {
  func.func @_k1_body(%arg0: i32, %arg1: memref<256x128xbf16, #tpu.memory_space<vmem>>, %arg2: memref<128x10240xbf16, #tpu.memory_space<vmem>>, %arg3: memref<256x1xf32, #tpu.memory_space<vmem>>, %arg4: memref<1x10240xf32, #tpu.memory_space<vmem>>, %arg5: memref<256x16xi32, #tpu.memory_space<vmem>>) attributes {dimension_semantics = [#tpu.dimension_semantics<arbitrary>], iteration_bounds = array<i64: 20>, scalar_prefetch = 0 : i64, scratch_operands = 0 : i64, tpu.core_type = #tpu.core_type<tc>, window_params = [{transform_indices = @transform_0, window_bounds = array<i64: 256, 128>}, {pipeline_mode = #tpu.pipeline_mode<synchronous>, transform_indices = @transform_1, window_bounds = array<i64: 128, 10240>}, {transform_indices = @transform_2, window_bounds = array<i64: 256, 1>}, {pipeline_mode = #tpu.pipeline_mode<synchronous>, transform_indices = @transform_3, window_bounds = array<i64: 1, 10240>}, {transform_indices = @transform_4, window_bounds = array<i64: 256, 16>}]} {
    %get3A = arith.constant 0 : index
    %get3A_0 = arith.constant 0 : index
    %get3A_1 = vector.load %arg1[%get3A, %get3A_0] : memref<256x128xbf16, #tpu.memory_space<vmem>>, vector<256x128xbf16>
    %get3A_2 = arith.constant 0 : index
    %get3A_3 = arith.constant 0 : index
    %get3A_4 = vector.load %arg2[%get3A_2, %get3A_3] : memref<128x10240xbf16, #tpu.memory_space<vmem>>, vector<128x10240xbf16>
    %dot_general3A = arith.constant dense<0.000000e+00> : vector<256x10240xf32>
    %dot_general3A_5 = tpu.matmul %get3A_1, %get3A_4, %dot_general3A {dimension_numbers = #tpu.dot_dimension_numbers<[1], [0], [0], [1], [0, 0, 1, 1], [], []>, transpose_lhs_hint = false} : vector<256x128xbf16>, vector<128x10240xbf16>, vector<256x10240xf32> -> vector<256x10240xf32>
    %mul3A = arith.constant -2.000000e+00 : f32
    %mul3A_6 = vector.broadcast %mul3A : f32 to vector<256x10240xf32>
    %mul3A_7 = arith.mulf %mul3A_6, %dot_general3A_5 : vector<256x10240xf32>
    %get3A_8 = arith.constant 0 : index
    %get3A_9 = arith.constant 0 : index
    %get3A_10 = vector.load %arg4[%get3A_8, %get3A_9] : memref<1x10240xf32, #tpu.memory_space<vmem>>, vector<1x10240xf32>
    %neg3A = arith.constant 0.000000e+00 : f32
    %neg3A_11 = vector.broadcast %neg3A : f32 to vector<1x10240xf32>
    %neg3A_12 = arith.subf %neg3A_11, %get3A_10 : vector<1x10240xf32>
    %sub3A = vector.broadcast %neg3A_12 : vector<1x10240xf32> to vector<256x10240xf32>
    %sub3A_13 = arith.subf %sub3A, %mul3A_7 : vector<256x10240xf32>
    %get3A_14 = arith.constant 0 : index
    %get3A_15 = arith.constant 0 : index
    %get3A_16 = vector.load %arg3[%get3A_14, %get3A_15] : memref<256x1xf32, #tpu.memory_space<vmem>>, vector<256x1xf32>
    %sub3A_17 = vector.broadcast %get3A_16 : vector<256x1xf32> to vector<256x10240xf32>
    %sub3A_18 = arith.subf %sub3A_13, %sub3A_17 : vector<256x10240xf32>
    %iota3A = tpu.iota {dimensions = array<i32: 1>} : vector<256x10240xi32>
    %mul3A_19 = arith.constant 256 : i32
    %mul3A_20 = arith.muli %arg0, %mul3A_19 : i32
    %add3A = arith.constant 5120 : i32
    %add3A_21 = arith.addi %add3A, %mul3A_20 : i32
    %iota3A_22 = tpu.iota {dimensions = array<i32: 0>} : vector<256x1xi32>
    %add3A_23 = vector.broadcast %add3A_21 : i32 to vector<256x1xi32>
    %add3A_24 = arith.addi %add3A_23, %iota3A_22 : vector<256x1xi32>
    %eq3A = vector.broadcast %add3A_24 : vector<256x1xi32> to vector<256x10240xi32>
    %eq3A_25 = arith.cmpi eq, %iota3A, %eq3A : vector<256x10240xi32>
    %jit3A = arith.constant -1.000000e+30 : f32
    %broadcast_in_dim3A = vector.broadcast %jit3A : f32 to vector<256x10240xf32>
    %select_n3A = arith.select %eq3A_25, %broadcast_in_dim3A, %sub3A_18 : vector<256x10240xi1>, vector<256x10240xf32>
    %broadcast_in_dim3A_26 = arith.constant 0xFF800000 : f32
    %broadcast_in_dim3A_27 = vector.broadcast %broadcast_in_dim3A_26 : f32 to vector<256x128xf32>
    %broadcast_in_dim3A_28 = arith.constant 0 : i32
    %broadcast_in_dim3A_29 = vector.broadcast %broadcast_in_dim3A_28 : i32 to vector<256x128xi32>
    %slice3A = vector.extract_strided_slice %select_n3A {offsets = [0, 0], sizes = [256, 128], strides = [1, 1]} : vector<256x10240xf32> to vector<256x128xf32>
    %gt3A = arith.cmpf ogt, %slice3A, %broadcast_in_dim3A_27 : vector<256x128xf32>
    %gt3A_30 = arith.cmpf ogt, %slice3A, %broadcast_in_dim3A_27 : vector<256x128xf32>
    %select_n3A_31 = arith.select %gt3A_30, %slice3A, %broadcast_in_dim3A_27 : vector<256x128xi1>, vector<256x128xf32>
    %select_n3A_32 = arith.select %gt3A, %broadcast_in_dim3A_27, %select_n3A_31 : vector<256x128xi1>, vector<256x128xf32>
    %jit3A_33 = arith.constant 0 : i32
    %broadcast_in_dim3A_34 = vector.broadcast %jit3A_33 : i32 to vector<256x128xi32>
    %select_n3A_35 = arith.select %gt3A_30, %broadcast_in_dim3A_34, %broadcast_in_dim3A_29 : vector<256x128xi1>, vector<256x128xi32>
    %select_n3A_36 = arith.select %gt3A, %broadcast_in_dim3A_29, %select_n3A_35 : vector<256x128xi1>, vector<256x128xi32>
    %max3A = arith.maximumf %slice3A, %broadcast_in_dim3A_27 : vector<256x128xf32>
    %jit3A_37 = arith.constant 0 : i32
    %broadcast_in_dim3A_38 = vector.broadcast %jit3A_37 : i32 to vector<256x128xi32>
    %select_n3A_39 = arith.select %gt3A, %broadcast_in_dim3A_38, %broadcast_in_dim3A_29 : vector<256x128xi1>, vector<256x128xi32>
    %slice3A_40 = vector.extract_strided_slice %select_n3A {offsets = [0, 128], sizes = [256, 128], strides = [1, 1]} : vector<256x10240xf32> to vector<256x128xf32>
    %gt3A_41 = arith.cmpf ogt, %slice3A_40, %broadcast_in_dim3A_27 : vector<256x128xf32>
    %gt3A_42 = arith.cmpf ogt, %slice3A_40, %broadcast_in_dim3A_27 : vector<256x128xf32>
    %select_n3A_43 = arith.select %gt3A_42, %slice3A_40, %broadcast_in_dim3A_27 : vector<256x128xi1>, vector<256x128xf32>
    %select_n3A_44 = arith.select %gt3A_41, %broadcast_in_dim3A_27, %select_n3A_43 : vector<256x128xi1>, vector<256x128xf32>
    %jit3A_45 = arith.constant 1 : i32
    %broadcast_in_dim3A_46 = vector.broadcast %jit3A_45 : i32 to vector<256x128xi32>
    %select_n3A_47 = arith.select %gt3A_42, %broadcast_in_dim3A_46, %broadcast_in_dim3A_29 : vector<256x128xi1>, vector<256x128xi32>
    %select_n3A_48 = arith.select %gt3A_41, %broadcast_in_dim3A_29, %select_n3A_47 : vector<256x128xi1>, vector<256x128xi32>
    %max3A_49 = arith.maximumf %slice3A_40, %broadcast_in_dim3A_27 : vector<256x128xf32>
    %jit3A_50 = arith.constant 1 : i32
    %broadcast_in_dim3A_51 = vector.broadcast %jit3A_50 : i32 to vector<256x128xi32>
    %select_n3A_52 = arith.select %gt3A_41, %broadcast_in_dim3A_51, %broadcast_in_dim3A_29 : vector<256x128xi1>, vector<256x128xi32>
    %slice3A_53 = vector.extract_strided_slice %select_n3A {offsets = [0, 256], sizes = [256, 128], strides = [1, 1]} : vector<256x10240xf32> to vector<256x128xf32>
    %gt3A_54 = arith.cmpf ogt, %slice3A_53, %max3A : vector<256x128xf32>
    %gt3A_55 = arith.cmpf ogt, %slice3A_53, %select_n3A_32 : vector<256x128xf32>
    %select_n3A_56 = arith.select %gt3A_55, %slice3A_53, %select_n3A_32 : vector<256x128xi1>, vector<256x128xf32>
    %select_n3A_57 = arith.select %gt3A_54, %max3A, %select_n3A_56 : vector<256x128xi1>, vector<256x128xf32>
    %jit3A_58 = arith.constant 2 : i32
    %broadcast_in_dim3A_59 = vector.broadcast %jit3A_58 : i32 to vector<256x128xi32>
    %select_n3A_60 = arith.select %gt3A_55, %broadcast_in_dim3A_59, %select_n3A_36 : vector<256x128xi1>, vector<256x128xi32>
    %select_n3A_61 = arith.select %gt3A_54, %select_n3A_39, %select_n3A_60 : vector<256x128xi1>, vector<256x128xi32>
    %max3A_62 = arith.maximumf %slice3A_53, %max3A : vector<256x128xf32>
    %jit3A_63 = arith.constant 2 : i32
    %broadcast_in_dim3A_64 = vector.broadcast %jit3A_63 : i32 to vector<256x128xi32>
    %select_n3A_65 = arith.select %gt3A_54, %broadcast_in_dim3A_64, %select_n3A_39 : vector<256x128xi1>, vector<256x128xi32>
    %slice3A_66 = vector.extract_strided_slice %select_n3A {offsets = [0, 384], sizes = [256, 128], strides = [1, 1]} : vector<256x10240xf32> to vector<256x128xf32>
    %gt3A_67 = arith.cmpf ogt, %slice3A_66, %max3A_49 : vector<256x128xf32>
    %gt3A_68 = arith.cmpf ogt, %slice3A_66, %select_n3A_44 : vector<256x128xf32>
    %select_n3A_69 = arith.select %gt3A_68, %slice3A_66, %select_n3A_44 : vector<256x128xi1>, vector<256x128xf32>
    %select_n3A_70 = arith.select %gt3A_67, %max3A_49, %select_n3A_69 : vector<256x128xi1>, vector<256x128xf32>
    %jit3A_71 = arith.constant 3 : i32
    %broadcast_in_dim3A_72 = vector.broadcast %jit3A_71 : i32 to vector<256x128xi32>
    %select_n3A_73 = arith.select %gt3A_68, %broadcast_in_dim3A_72, %select_n3A_48 : vector<256x128xi1>, vector<256x128xi32>
    %select_n3A_74 = arith.select %gt3A_67, %select_n3A_52, %select_n3A_73 : vector<256x128xi1>, vector<256x128xi32>
    %max3A_75 = arith.maximumf %slice3A_66, %max3A_49 : vector<256x128xf32>
    %jit3A_76 = arith.constant 3 : i32
    %broadcast_in_dim3A_77 = vector.broadcast %jit3A_76 : i32 to vector<256x128xi32>
    %select_n3A_78 = arith.select %gt3A_67, %broadcast_in_dim3A_77, %select_n3A_52 : vector<256x128xi1>, vector<256x128xi32>
    %slice3A_79 = vector.extract_strided_slice %select_n3A {offsets = [0, 512], sizes = [256, 128], strides = [1, 1]} : vector<256x10240xf32> to vector<256x128xf32>
    %gt3A_80 = arith.cmpf ogt, %slice3A_79, %max3A_62 : vector<256x128xf32>
    %gt3A_81 = arith.cmpf ogt, %slice3A_79, %select_n3A_57 : vector<256x128xf32>
    %select_n3A_82 = arith.select %gt3A_81, %slice3A_79, %select_n3A_57 : vector<256x128xi1>, vector<256x128xf32>
    %select_n3A_83 = arith.select %gt3A_80, %max3A_62, %select_n3A_82 : vector<256x128xi1>, vector<256x128xf32>
    %jit3A_84 = arith.constant 4 : i32
    %broadcast_in_dim3A_85 = vector.broadcast %jit3A_84 : i32 to vector<256x128xi32>
    %select_n3A_86 = arith.select %gt3A_81, %broadcast_in_dim3A_85, %select_n3A_61 : vector<256x128xi1>, vector<256x128xi32>
    %select_n3A_87 = arith.select %gt3A_80, %select_n3A_65, %select_n3A_86 : vector<256x128xi1>, vector<256x128xi32>
    %max3A_88 = arith.maximumf %slice3A_79, %max3A_62 : vector<256x128xf32>
    %jit3A_89 = arith.constant 4 : i32
    %broadcast_in_dim3A_90 = vector.broadcast %jit3A_89 : i32 to vector<256x128xi32>
    %select_n3A_91 = arith.select %gt3A_80, %broadcast_in_dim3A_90, %select_n3A_65 : vector<256x128xi1>, vector<256x128xi32>
    %slice3A_92 = vector.extract_strided_slice %select_n3A {offsets = [0, 640], sizes = [256, 128], strides = [1, 1]} : vector<256x10240xf32> to vector<256x128xf32>
    %gt3A_93 = arith.cmpf ogt, %slice3A_92, %max3A_75 : vector<256x128xf32>
    %gt3A_94 = arith.cmpf ogt, %slice3A_92, %select_n3A_70 : vector<256x128xf32>
    %select_n3A_95 = arith.select %gt3A_94, %slice3A_92, %select_n3A_70 : vector<256x128xi1>, vector<256x128xf32>
    %select_n3A_96 = arith.select %gt3A_93, %max3A_75, %select_n3A_95 : vector<256x128xi1>, vector<256x128xf32>
    %jit3A_97 = arith.constant 5 : i32
    %broadcast_in_dim3A_98 = vector.broadcast %jit3A_97 : i32 to vector<256x128xi32>
    %select_n3A_99 = arith.select %gt3A_94, %broadcast_in_dim3A_98, %select_n3A_74 : vector<256x128xi1>, vector<256x128xi32>
    %select_n3A_100 = arith.select %gt3A_93, %select_n3A_78, %select_n3A_99 : vector<256x128xi1>, vector<256x128xi32>
    %max3A_101 = arith.maximumf %slice3A_92, %max3A_75 : vector<256x128xf32>
    %jit3A_102 = arith.constant 5 : i32
    %broadcast_in_dim3A_103 = vector.broadcast %jit3A_102 : i32 to vector<256x128xi32>
    %select_n3A_104 = arith.select %gt3A_93, %broadcast_in_dim3A_103, %select_n3A_78 : vector<256x128xi1>, vector<256x128xi32>
    %slice3A_105 = vector.extract_strided_slice %select_n3A {offsets = [0, 768], sizes = [256, 128], strides = [1, 1]} : vector<256x10240xf32> to vector<256x128xf32>
    %gt3A_106 = arith.cmpf ogt, %slice3A_105, %max3A_88 : vector<256x128xf32>
    %gt3A_107 = arith.cmpf ogt, %slice3A_105, %select_n3A_83 : vector<256x128xf32>
    %select_n3A_108 = arith.select %gt3A_107, %slice3A_105, %select_n3A_83 : vector<256x128xi1>, vector<256x128xf32>
    %select_n3A_109 = arith.select %gt3A_106, %max3A_88, %select_n3A_108 : vector<256x128xi1>, vector<256x128xf32>
    %jit3A_110 = arith.constant 6 : i32
    %broadcast_in_dim3A_111 = vector.broadcast %jit3A_110 : i32 to vector<256x128xi32>
    %select_n3A_112 = arith.select %gt3A_107, %broadcast_in_dim3A_111, %select_n3A_87 : vector<256x128xi1>, vector<256x128xi32>
    %select_n3A_113 = arith.select %gt3A_106, %select_n3A_91, %select_n3A_112 : vector<256x128xi1>, vector<256x128xi32>
    %max3A_114 = arith.maximumf %slice3A_105, %max3A_88 : vector<256x128xf32>
    %jit3A_115 = arith.constant 6 : i32
    %broadcast_in_dim3A_116 = vector.broadcast %jit3A_115 : i32 to vector<256x128xi32>
    %select_n3A_117 = arith.select %gt3A_106, %broadcast_in_dim3A_116, %select_n3A_91 : vector<256x128xi1>, vector<256x128xi32>
    %slice3A_118 = vector.extract_strided_slice %select_n3A {offsets = [0, 896], sizes = [256, 128], strides = [1, 1]} : vector<256x10240xf32> to vector<256x128xf32>
    %gt3A_119 = arith.cmpf ogt, %slice3A_118, %max3A_101 : vector<256x128xf32>
    %gt3A_120 = arith.cmpf ogt, %slice3A_118, %select_n3A_96 : vector<256x128xf32>
    %select_n3A_121 = arith.select %gt3A_120, %slice3A_118, %select_n3A_96 : vector<256x128xi1>, vector<256x128xf32>
    %select_n3A_122 = arith.select %gt3A_119, %max3A_101, %select_n3A_121 : vector<256x128xi1>, vector<256x128xf32>
    %jit3A_123 = arith.constant 7 : i32
    %broadcast_in_dim3A_124 = vector.broadcast %jit3A_123 : i32 to vector<256x128xi32>
    %select_n3A_125 = arith.select %gt3A_120, %broadcast_in_dim3A_124, %select_n3A_100 : vector<256x128xi1>, vector<256x128xi32>
    %select_n3A_126 = arith.select %gt3A_119, %select_n3A_104, %select_n3A_125 : vector<256x128xi1>, vector<256x128xi32>
    %max3A_127 = arith.maximumf %slice3A_118, %max3A_101 : vector<256x128xf32>
    %jit3A_128 = arith.constant 7 : i32
    %broadcast_in_dim3A_129 = vector.broadcast %jit3A_128 : i32 to vector<256x128xi32>
    %select_n3A_130 = arith.select %gt3A_119, %broadcast_in_dim3A_129, %select_n3A_104 : vector<256x128xi1>, vector<256x128xi32>
    %slice3A_131 = vector.extract_strided_slice %select_n3A {offsets = [0, 1024], sizes = [256, 128], strides = [1, 1]} : vector<256x10240xf32> to vector<256x128xf32>
    %gt3A_132 = arith.cmpf ogt, %slice3A_131, %max3A_114 : vector<256x128xf32>
    %gt3A_133 = arith.cmpf ogt, %slice3A_131, %select_n3A_109 : vector<256x128xf32>
    %select_n3A_134 = arith.select %gt3A_133, %slice3A_131, %select_n3A_109 : vector<256x128xi1>, vector<256x128xf32>
    %select_n3A_135 = arith.select %gt3A_132, %max3A_114, %select_n3A_134 : vector<256x128xi1>, vector<256x128xf32>
    %jit3A_136 = arith.constant 8 : i32
    %broadcast_in_dim3A_137 = vector.broadcast %jit3A_136 : i32 to vector<256x128xi32>
    %select_n3A_138 = arith.select %gt3A_133, %broadcast_in_dim3A_137, %select_n3A_113 : vector<256x128xi1>, vector<256x128xi32>
    %select_n3A_139 = arith.select %gt3A_132, %select_n3A_117, %select_n3A_138 : vector<256x128xi1>, vector<256x128xi32>
    %max3A_140 = arith.maximumf %slice3A_131, %max3A_114 : vector<256x128xf32>
    %jit3A_141 = arith.constant 8 : i32
    %broadcast_in_dim3A_142 = vector.broadcast %jit3A_141 : i32 to vector<256x128xi32>
    %select_n3A_143 = arith.select %gt3A_132, %broadcast_in_dim3A_142, %select_n3A_117 : vector<256x128xi1>, vector<256x128xi32>
    %slice3A_144 = vector.extract_strided_slice %select_n3A {offsets = [0, 1152], sizes = [256, 128], strides = [1, 1]} : vector<256x10240xf32> to vector<256x128xf32>
    %gt3A_145 = arith.cmpf ogt, %slice3A_144, %max3A_127 : vector<256x128xf32>
    %gt3A_146 = arith.cmpf ogt, %slice3A_144, %select_n3A_122 : vector<256x128xf32>
    %select_n3A_147 = arith.select %gt3A_146, %slice3A_144, %select_n3A_122 : vector<256x128xi1>, vector<256x128xf32>
    %select_n3A_148 = arith.select %gt3A_145, %max3A_127, %select_n3A_147 : vector<256x128xi1>, vector<256x128xf32>
    %jit3A_149 = arith.constant 9 : i32
    %broadcast_in_dim3A_150 = vector.broadcast %jit3A_149 : i32 to vector<256x128xi32>
    %select_n3A_151 = arith.select %gt3A_146, %broadcast_in_dim3A_150, %select_n3A_126 : vector<256x128xi1>, vector<256x128xi32>
    %select_n3A_152 = arith.select %gt3A_145, %select_n3A_130, %select_n3A_151 : vector<256x128xi1>, vector<256x128xi32>
    %max3A_153 = arith.maximumf %slice3A_144, %max3A_127 : vector<256x128xf32>
    %jit3A_154 = arith.constant 9 : i32
    %broadcast_in_dim3A_155 = vector.broadcast %jit3A_154 : i32 to vector<256x128xi32>
    %select_n3A_156 = arith.select %gt3A_145, %broadcast_in_dim3A_155, %select_n3A_130 : vector<256x128xi1>, vector<256x128xi32>
    %slice3A_157 = vector.extract_strided_slice %select_n3A {offsets = [0, 1280], sizes = [256, 128], strides = [1, 1]} : vector<256x10240xf32> to vector<256x128xf32>
    %gt3A_158 = arith.cmpf ogt, %slice3A_157, %max3A_140 : vector<256x128xf32>
    %gt3A_159 = arith.cmpf ogt, %slice3A_157, %select_n3A_135 : vector<256x128xf32>
    %select_n3A_160 = arith.select %gt3A_159, %slice3A_157, %select_n3A_135 : vector<256x128xi1>, vector<256x128xf32>
    %select_n3A_161 = arith.select %gt3A_158, %max3A_140, %select_n3A_160 : vector<256x128xi1>, vector<256x128xf32>
    %jit3A_162 = arith.constant 10 : i32
    %broadcast_in_dim3A_163 = vector.broadcast %jit3A_162 : i32 to vector<256x128xi32>
    %select_n3A_164 = arith.select %gt3A_159, %broadcast_in_dim3A_163, %select_n3A_139 : vector<256x128xi1>, vector<256x128xi32>
    %select_n3A_165 = arith.select %gt3A_158, %select_n3A_143, %select_n3A_164 : vector<256x128xi1>, vector<256x128xi32>
    %max3A_166 = arith.maximumf %slice3A_157, %max3A_140 : vector<256x128xf32>
    %jit3A_167 = arith.constant 10 : i32
    %broadcast_in_dim3A_168 = vector.broadcast %jit3A_167 : i32 to vector<256x128xi32>
    %select_n3A_169 = arith.select %gt3A_158, %broadcast_in_dim3A_168, %select_n3A_143 : vector<256x128xi1>, vector<256x128xi32>
    %slice3A_170 = vector.extract_strided_slice %select_n3A {offsets = [0, 1408], sizes = [256, 128], strides = [1, 1]} : vector<256x10240xf32> to vector<256x128xf32>
    %gt3A_171 = arith.cmpf ogt, %slice3A_170, %max3A_153 : vector<256x128xf32>
    %gt3A_172 = arith.cmpf ogt, %slice3A_170, %select_n3A_148 : vector<256x128xf32>
    %select_n3A_173 = arith.select %gt3A_172, %slice3A_170, %select_n3A_148 : vector<256x128xi1>, vector<256x128xf32>
    %select_n3A_174 = arith.select %gt3A_171, %max3A_153, %select_n3A_173 : vector<256x128xi1>, vector<256x128xf32>
    %jit3A_175 = arith.constant 11 : i32
    %broadcast_in_dim3A_176 = vector.broadcast %jit3A_175 : i32 to vector<256x128xi32>
    %select_n3A_177 = arith.select %gt3A_172, %broadcast_in_dim3A_176, %select_n3A_152 : vector<256x128xi1>, vector<256x128xi32>
    %select_n3A_178 = arith.select %gt3A_171, %select_n3A_156, %select_n3A_177 : vector<256x128xi1>, vector<256x128xi32>
    %max3A_179 = arith.maximumf %slice3A_170, %max3A_153 : vector<256x128xf32>
    %jit3A_180 = arith.constant 11 : i32
    %broadcast_in_dim3A_181 = vector.broadcast %jit3A_180 : i32 to vector<256x128xi32>
    %select_n3A_182 = arith.select %gt3A_171, %broadcast_in_dim3A_181, %select_n3A_156 : vector<256x128xi1>, vector<256x128xi32>
    %slice3A_183 = vector.extract_strided_slice %select_n3A {offsets = [0, 1536], sizes = [256, 128], strides = [1, 1]} : vector<256x10240xf32> to vector<256x128xf32>
    %gt3A_184 = arith.cmpf ogt, %slice3A_183, %max3A_166 : vector<256x128xf32>
    %gt3A_185 = arith.cmpf ogt, %slice3A_183, %select_n3A_161 : vector<256x128xf32>
    %select_n3A_186 = arith.select %gt3A_185, %slice3A_183, %select_n3A_161 : vector<256x128xi1>, vector<256x128xf32>
    %select_n3A_187 = arith.select %gt3A_184, %max3A_166, %select_n3A_186 : vector<256x128xi1>, vector<256x128xf32>
    %jit3A_188 = arith.constant 12 : i32
    %broadcast_in_dim3A_189 = vector.broadcast %jit3A_188 : i32 to vector<256x128xi32>
    %select_n3A_190 = arith.select %gt3A_185, %broadcast_in_dim3A_189, %select_n3A_165 : vector<256x128xi1>, vector<256x128xi32>
    %select_n3A_191 = arith.select %gt3A_184, %select_n3A_169, %select_n3A_190 : vector<256x128xi1>, vector<256x128xi32>
    %max3A_192 = arith.maximumf %slice3A_183, %max3A_166 : vector<256x128xf32>
    %jit3A_193 = arith.constant 12 : i32
    %broadcast_in_dim3A_194 = vector.broadcast %jit3A_193 : i32 to vector<256x128xi32>
    %select_n3A_195 = arith.select %gt3A_184, %broadcast_in_dim3A_194, %select_n3A_169 : vector<256x128xi1>, vector<256x128xi32>
    %slice3A_196 = vector.extract_strided_slice %select_n3A {offsets = [0, 1664], sizes = [256, 128], strides = [1, 1]} : vector<256x10240xf32> to vector<256x128xf32>
    %gt3A_197 = arith.cmpf ogt, %slice3A_196, %max3A_179 : vector<256x128xf32>
    %gt3A_198 = arith.cmpf ogt, %slice3A_196, %select_n3A_174 : vector<256x128xf32>
    %select_n3A_199 = arith.select %gt3A_198, %slice3A_196, %select_n3A_174 : vector<256x128xi1>, vector<256x128xf32>
    %select_n3A_200 = arith.select %gt3A_197, %max3A_179, %select_n3A_199 : vector<256x128xi1>, vector<256x128xf32>
    %jit3A_201 = arith.constant 13 : i32
    %broadcast_in_dim3A_202 = vector.broadcast %jit3A_201 : i32 to vector<256x128xi32>
    %select_n3A_203 = arith.select %gt3A_198, %broadcast_in_dim3A_202, %select_n3A_178 : vector<256x128xi1>, vector<256x128xi32>
    %select_n3A_204 = arith.select %gt3A_197, %select_n3A_182, %select_n3A_203 : vector<256x128xi1>, vector<256x128xi32>
    %max3A_205 = arith.maximumf %slice3A_196, %max3A_179 : vector<256x128xf32>
    %jit3A_206 = arith.constant 13 : i32
    %broadcast_in_dim3A_207 = vector.broadcast %jit3A_206 : i32 to vector<256x128xi32>
    %select_n3A_208 = arith.select %gt3A_197, %broadcast_in_dim3A_207, %select_n3A_182 : vector<256x128xi1>, vector<256x128xi32>
    %slice3A_209 = vector.extract_strided_slice %select_n3A {offsets = [0, 1792], sizes = [256, 128], strides = [1, 1]} : vector<256x10240xf32> to vector<256x128xf32>
    %gt3A_210 = arith.cmpf ogt, %slice3A_209, %max3A_192 : vector<256x128xf32>
    %gt3A_211 = arith.cmpf ogt, %slice3A_209, %select_n3A_187 : vector<256x128xf32>
    %select_n3A_212 = arith.select %gt3A_211, %slice3A_209, %select_n3A_187 : vector<256x128xi1>, vector<256x128xf32>
    %select_n3A_213 = arith.select %gt3A_210, %max3A_192, %select_n3A_212 : vector<256x128xi1>, vector<256x128xf32>
    %jit3A_214 = arith.constant 14 : i32
    %broadcast_in_dim3A_215 = vector.broadcast %jit3A_214 : i32 to vector<256x128xi32>
    %select_n3A_216 = arith.select %gt3A_211, %broadcast_in_dim3A_215, %select_n3A_191 : vector<256x128xi1>, vector<256x128xi32>
    %select_n3A_217 = arith.select %gt3A_210, %select_n3A_195, %select_n3A_216 : vector<256x128xi1>, vector<256x128xi32>
    %max3A_218 = arith.maximumf %slice3A_209, %max3A_192 : vector<256x128xf32>
    %jit3A_219 = arith.constant 14 : i32
    %broadcast_in_dim3A_220 = vector.broadcast %jit3A_219 : i32 to vector<256x128xi32>
    %select_n3A_221 = arith.select %gt3A_210, %broadcast_in_dim3A_220, %select_n3A_195 : vector<256x128xi1>, vector<256x128xi32>
    %slice3A_222 = vector.extract_strided_slice %select_n3A {offsets = [0, 1920], sizes = [256, 128], strides = [1, 1]} : vector<256x10240xf32> to vector<256x128xf32>
    %gt3A_223 = arith.cmpf ogt, %slice3A_222, %max3A_205 : vector<256x128xf32>
    %gt3A_224 = arith.cmpf ogt, %slice3A_222, %select_n3A_200 : vector<256x128xf32>
    %select_n3A_225 = arith.select %gt3A_224, %slice3A_222, %select_n3A_200 : vector<256x128xi1>, vector<256x128xf32>
    %select_n3A_226 = arith.select %gt3A_223, %max3A_205, %select_n3A_225 : vector<256x128xi1>, vector<256x128xf32>
    %jit3A_227 = arith.constant 15 : i32
    %broadcast_in_dim3A_228 = vector.broadcast %jit3A_227 : i32 to vector<256x128xi32>
    %select_n3A_229 = arith.select %gt3A_224, %broadcast_in_dim3A_228, %select_n3A_204 : vector<256x128xi1>, vector<256x128xi32>
    %select_n3A_230 = arith.select %gt3A_223, %select_n3A_208, %select_n3A_229 : vector<256x128xi1>, vector<256x128xi32>
    %max3A_231 = arith.maximumf %slice3A_222, %max3A_205 : vector<256x128xf32>
    %jit3A_232 = arith.constant 15 : i32
    %broadcast_in_dim3A_233 = vector.broadcast %jit3A_232 : i32 to vector<256x128xi32>
    %select_n3A_234 = arith.select %gt3A_223, %broadcast_in_dim3A_233, %select_n3A_208 : vector<256x128xi1>, vector<256x128xi32>
    %slice3A_235 = vector.extract_strided_slice %select_n3A {offsets = [0, 2048], sizes = [256, 128], strides = [1, 1]} : vector<256x10240xf32> to vector<256x128xf32>
    %gt3A_236 = arith.cmpf ogt, %slice3A_235, %max3A_218 : vector<256x128xf32>
    %gt3A_237 = arith.cmpf ogt, %slice3A_235, %select_n3A_213 : vector<256x128xf32>
    %select_n3A_238 = arith.select %gt3A_237, %slice3A_235, %select_n3A_213 : vector<256x128xi1>, vector<256x128xf32>
    %select_n3A_239 = arith.select %gt3A_236, %max3A_218, %select_n3A_238 : vector<256x128xi1>, vector<256x128xf32>
    %jit3A_240 = arith.constant 16 : i32
    %broadcast_in_dim3A_241 = vector.broadcast %jit3A_240 : i32 to vector<256x128xi32>
    %select_n3A_242 = arith.select %gt3A_237, %broadcast_in_dim3A_241, %select_n3A_217 : vector<256x128xi1>, vector<256x128xi32>
    %select_n3A_243 = arith.select %gt3A_236, %select_n3A_221, %select_n3A_242 : vector<256x128xi1>, vector<256x128xi32>
    %max3A_244 = arith.maximumf %slice3A_235, %max3A_218 : vector<256x128xf32>
    %jit3A_245 = arith.constant 16 : i32
    %broadcast_in_dim3A_246 = vector.broadcast %jit3A_245 : i32 to vector<256x128xi32>
    %select_n3A_247 = arith.select %gt3A_236, %broadcast_in_dim3A_246, %select_n3A_221 : vector<256x128xi1>, vector<256x128xi32>
    %slice3A_248 = vector.extract_strided_slice %select_n3A {offsets = [0, 2176], sizes = [256, 128], strides = [1, 1]} : vector<256x10240xf32> to vector<256x128xf32>
    %gt3A_249 = arith.cmpf ogt, %slice3A_248, %max3A_231 : vector<256x128xf32>
    %gt3A_250 = arith.cmpf ogt, %slice3A_248, %select_n3A_226 : vector<256x128xf32>
    %select_n3A_251 = arith.select %gt3A_250, %slice3A_248, %select_n3A_226 : vector<256x128xi1>, vector<256x128xf32>
    %select_n3A_252 = arith.select %gt3A_249, %max3A_231, %select_n3A_251 : vector<256x128xi1>, vector<256x128xf32>
    %jit3A_253 = arith.constant 17 : i32
    %broadcast_in_dim3A_254 = vector.broadcast %jit3A_253 : i32 to vector<256x128xi32>
    %select_n3A_255 = arith.select %gt3A_250, %broadcast_in_dim3A_254, %select_n3A_230 : vector<256x128xi1>, vector<256x128xi32>
    %select_n3A_256 = arith.select %gt3A_249, %select_n3A_234, %select_n3A_255 : vector<256x128xi1>, vector<256x128xi32>
    %max3A_257 = arith.maximumf %slice3A_248, %max3A_231 : vector<256x128xf32>
    %jit3A_258 = arith.constant 17 : i32
    %broadcast_in_dim3A_259 = vector.broadcast %jit3A_258 : i32 to vector<256x128xi32>
    %select_n3A_260 = arith.select %gt3A_249, %broadcast_in_dim3A_259, %select_n3A_234 : vector<256x128xi1>, vector<256x128xi32>
    %slice3A_261 = vector.extract_strided_slice %select_n3A {offsets = [0, 2304], sizes = [256, 128], strides = [1, 1]} : vector<256x10240xf32> to vector<256x128xf32>
    %gt3A_262 = arith.cmpf ogt, %slice3A_261, %max3A_244 : vector<256x128xf32>
    %gt3A_263 = arith.cmpf ogt, %slice3A_261, %select_n3A_239 : vector<256x128xf32>
    %select_n3A_264 = arith.select %gt3A_263, %slice3A_261, %select_n3A_239 : vector<256x128xi1>, vector<256x128xf32>
    %select_n3A_265 = arith.select %gt3A_262, %max3A_244, %select_n3A_264 : vector<256x128xi1>, vector<256x128xf32>
    %jit3A_266 = arith.constant 18 : i32
    %broadcast_in_dim3A_267 = vector.broadcast %jit3A_266 : i32 to vector<256x128xi32>
    %select_n3A_268 = arith.select %gt3A_263, %broadcast_in_dim3A_267, %select_n3A_243 : vector<256x128xi1>, vector<256x128xi32>
    %select_n3A_269 = arith.select %gt3A_262, %select_n3A_247, %select_n3A_268 : vector<256x128xi1>, vector<256x128xi32>
    %max3A_270 = arith.maximumf %slice3A_261, %max3A_244 : vector<256x128xf32>
    %jit3A_271 = arith.constant 18 : i32
    %broadcast_in_dim3A_272 = vector.broadcast %jit3A_271 : i32 to vector<256x128xi32>
    %select_n3A_273 = arith.select %gt3A_262, %broadcast_in_dim3A_272, %select_n3A_247 : vector<256x128xi1>, vector<256x128xi32>
    %slice3A_274 = vector.extract_strided_slice %select_n3A {offsets = [0, 2432], sizes = [256, 128], strides = [1, 1]} : vector<256x10240xf32> to vector<256x128xf32>
    %gt3A_275 = arith.cmpf ogt, %slice3A_274, %max3A_257 : vector<256x128xf32>
    %gt3A_276 = arith.cmpf ogt, %slice3A_274, %select_n3A_252 : vector<256x128xf32>
    %select_n3A_277 = arith.select %gt3A_276, %slice3A_274, %select_n3A_252 : vector<256x128xi1>, vector<256x128xf32>
    %select_n3A_278 = arith.select %gt3A_275, %max3A_257, %select_n3A_277 : vector<256x128xi1>, vector<256x128xf32>
    %jit3A_279 = arith.constant 19 : i32
    %broadcast_in_dim3A_280 = vector.broadcast %jit3A_279 : i32 to vector<256x128xi32>
    %select_n3A_281 = arith.select %gt3A_276, %broadcast_in_dim3A_280, %select_n3A_256 : vector<256x128xi1>, vector<256x128xi32>
    %select_n3A_282 = arith.select %gt3A_275, %select_n3A_260, %select_n3A_281 : vector<256x128xi1>, vector<256x128xi32>
    %max3A_283 = arith.maximumf %slice3A_274, %max3A_257 : vector<256x128xf32>
    %jit3A_284 = arith.constant 19 : i32
    %broadcast_in_dim3A_285 = vector.broadcast %jit3A_284 : i32 to vector<256x128xi32>
    %select_n3A_286 = arith.select %gt3A_275, %broadcast_in_dim3A_285, %select_n3A_260 : vector<256x128xi1>, vector<256x128xi32>
    %slice3A_287 = vector.extract_strided_slice %select_n3A {offsets = [0, 2560], sizes = [256, 128], strides = [1, 1]} : vector<256x10240xf32> to vector<256x128xf32>
    %gt3A_288 = arith.cmpf ogt, %slice3A_287, %max3A_270 : vector<256x128xf32>
    %gt3A_289 = arith.cmpf ogt, %slice3A_287, %select_n3A_265 : vector<256x128xf32>
    %select_n3A_290 = arith.select %gt3A_289, %slice3A_287, %select_n3A_265 : vector<256x128xi1>, vector<256x128xf32>
    %select_n3A_291 = arith.select %gt3A_288, %max3A_270, %select_n3A_290 : vector<256x128xi1>, vector<256x128xf32>
    %jit3A_292 = arith.constant 20 : i32
    %broadcast_in_dim3A_293 = vector.broadcast %jit3A_292 : i32 to vector<256x128xi32>
    %select_n3A_294 = arith.select %gt3A_289, %broadcast_in_dim3A_293, %select_n3A_269 : vector<256x128xi1>, vector<256x128xi32>
    %select_n3A_295 = arith.select %gt3A_288, %select_n3A_273, %select_n3A_294 : vector<256x128xi1>, vector<256x128xi32>
    %max3A_296 = arith.maximumf %slice3A_287, %max3A_270 : vector<256x128xf32>
    %jit3A_297 = arith.constant 20 : i32
    %broadcast_in_dim3A_298 = vector.broadcast %jit3A_297 : i32 to vector<256x128xi32>
    %select_n3A_299 = arith.select %gt3A_288, %broadcast_in_dim3A_298, %select_n3A_273 : vector<256x128xi1>, vector<256x128xi32>
    %slice3A_300 = vector.extract_strided_slice %select_n3A {offsets = [0, 2688], sizes = [256, 128], strides = [1, 1]} : vector<256x10240xf32> to vector<256x128xf32>
    %gt3A_301 = arith.cmpf ogt, %slice3A_300, %max3A_283 : vector<256x128xf32>
    %gt3A_302 = arith.cmpf ogt, %slice3A_300, %select_n3A_278 : vector<256x128xf32>
    %select_n3A_303 = arith.select %gt3A_302, %slice3A_300, %select_n3A_278 : vector<256x128xi1>, vector<256x128xf32>
    %select_n3A_304 = arith.select %gt3A_301, %max3A_283, %select_n3A_303 : vector<256x128xi1>, vector<256x128xf32>
    %jit3A_305 = arith.constant 21 : i32
    %broadcast_in_dim3A_306 = vector.broadcast %jit3A_305 : i32 to vector<256x128xi32>
    %select_n3A_307 = arith.select %gt3A_302, %broadcast_in_dim3A_306, %select_n3A_282 : vector<256x128xi1>, vector<256x128xi32>
    %select_n3A_308 = arith.select %gt3A_301, %select_n3A_286, %select_n3A_307 : vector<256x128xi1>, vector<256x128xi32>
    %max3A_309 = arith.maximumf %slice3A_300, %max3A_283 : vector<256x128xf32>
    %jit3A_310 = arith.constant 21 : i32
    %broadcast_in_dim3A_311 = vector.broadcast %jit3A_310 : i32 to vector<256x128xi32>
    %select_n3A_312 = arith.select %gt3A_301, %broadcast_in_dim3A_311, %select_n3A_286 : vector<256x128xi1>, vector<256x128xi32>
    %slice3A_313 = vector.extract_strided_slice %select_n3A {offsets = [0, 2816], sizes = [256, 128], strides = [1, 1]} : vector<256x10240xf32> to vector<256x128xf32>
    %gt3A_314 = arith.cmpf ogt, %slice3A_313, %max3A_296 : vector<256x128xf32>
    %gt3A_315 = arith.cmpf ogt, %slice3A_313, %select_n3A_291 : vector<256x128xf32>
    %select_n3A_316 = arith.select %gt3A_315, %slice3A_313, %select_n3A_291 : vector<256x128xi1>, vector<256x128xf32>
    %select_n3A_317 = arith.select %gt3A_314, %max3A_296, %select_n3A_316 : vector<256x128xi1>, vector<256x128xf32>
    %jit3A_318 = arith.constant 22 : i32
    %broadcast_in_dim3A_319 = vector.broadcast %jit3A_318 : i32 to vector<256x128xi32>
    %select_n3A_320 = arith.select %gt3A_315, %broadcast_in_dim3A_319, %select_n3A_295 : vector<256x128xi1>, vector<256x128xi32>
    %select_n3A_321 = arith.select %gt3A_314, %select_n3A_299, %select_n3A_320 : vector<256x128xi1>, vector<256x128xi32>
    %max3A_322 = arith.maximumf %slice3A_313, %max3A_296 : vector<256x128xf32>
    %jit3A_323 = arith.constant 22 : i32
    %broadcast_in_dim3A_324 = vector.broadcast %jit3A_323 : i32 to vector<256x128xi32>
    %select_n3A_325 = arith.select %gt3A_314, %broadcast_in_dim3A_324, %select_n3A_299 : vector<256x128xi1>, vector<256x128xi32>
    %slice3A_326 = vector.extract_strided_slice %select_n3A {offsets = [0, 2944], sizes = [256, 128], strides = [1, 1]} : vector<256x10240xf32> to vector<256x128xf32>
    %gt3A_327 = arith.cmpf ogt, %slice3A_326, %max3A_309 : vector<256x128xf32>
    %gt3A_328 = arith.cmpf ogt, %slice3A_326, %select_n3A_304 : vector<256x128xf32>
    %select_n3A_329 = arith.select %gt3A_328, %slice3A_326, %select_n3A_304 : vector<256x128xi1>, vector<256x128xf32>
    %select_n3A_330 = arith.select %gt3A_327, %max3A_309, %select_n3A_329 : vector<256x128xi1>, vector<256x128xf32>
    %jit3A_331 = arith.constant 23 : i32
    %broadcast_in_dim3A_332 = vector.broadcast %jit3A_331 : i32 to vector<256x128xi32>
    %select_n3A_333 = arith.select %gt3A_328, %broadcast_in_dim3A_332, %select_n3A_308 : vector<256x128xi1>, vector<256x128xi32>
    %select_n3A_334 = arith.select %gt3A_327, %select_n3A_312, %select_n3A_333 : vector<256x128xi1>, vector<256x128xi32>
    %max3A_335 = arith.maximumf %slice3A_326, %max3A_309 : vector<256x128xf32>
    %jit3A_336 = arith.constant 23 : i32
    %broadcast_in_dim3A_337 = vector.broadcast %jit3A_336 : i32 to vector<256x128xi32>
    %select_n3A_338 = arith.select %gt3A_327, %broadcast_in_dim3A_337, %select_n3A_312 : vector<256x128xi1>, vector<256x128xi32>
    %slice3A_339 = vector.extract_strided_slice %select_n3A {offsets = [0, 3072], sizes = [256, 128], strides = [1, 1]} : vector<256x10240xf32> to vector<256x128xf32>
    %gt3A_340 = arith.cmpf ogt, %slice3A_339, %max3A_322 : vector<256x128xf32>
    %gt3A_341 = arith.cmpf ogt, %slice3A_339, %select_n3A_317 : vector<256x128xf32>
    %select_n3A_342 = arith.select %gt3A_341, %slice3A_339, %select_n3A_317 : vector<256x128xi1>, vector<256x128xf32>
    %select_n3A_343 = arith.select %gt3A_340, %max3A_322, %select_n3A_342 : vector<256x128xi1>, vector<256x128xf32>
    %jit3A_344 = arith.constant 24 : i32
    %broadcast_in_dim3A_345 = vector.broadcast %jit3A_344 : i32 to vector<256x128xi32>
    %select_n3A_346 = arith.select %gt3A_341, %broadcast_in_dim3A_345, %select_n3A_321 : vector<256x128xi1>, vector<256x128xi32>
    %select_n3A_347 = arith.select %gt3A_340, %select_n3A_325, %select_n3A_346 : vector<256x128xi1>, vector<256x128xi32>
    %max3A_348 = arith.maximumf %slice3A_339, %max3A_322 : vector<256x128xf32>
    %jit3A_349 = arith.constant 24 : i32
    %broadcast_in_dim3A_350 = vector.broadcast %jit3A_349 : i32 to vector<256x128xi32>
    %select_n3A_351 = arith.select %gt3A_340, %broadcast_in_dim3A_350, %select_n3A_325 : vector<256x128xi1>, vector<256x128xi32>
    %slice3A_352 = vector.extract_strided_slice %select_n3A {offsets = [0, 3200], sizes = [256, 128], strides = [1, 1]} : vector<256x10240xf32> to vector<256x128xf32>
    %gt3A_353 = arith.cmpf ogt, %slice3A_352, %max3A_335 : vector<256x128xf32>
    %gt3A_354 = arith.cmpf ogt, %slice3A_352, %select_n3A_330 : vector<256x128xf32>
    %select_n3A_355 = arith.select %gt3A_354, %slice3A_352, %select_n3A_330 : vector<256x128xi1>, vector<256x128xf32>
    %select_n3A_356 = arith.select %gt3A_353, %max3A_335, %select_n3A_355 : vector<256x128xi1>, vector<256x128xf32>
    %jit3A_357 = arith.constant 25 : i32
    %broadcast_in_dim3A_358 = vector.broadcast %jit3A_357 : i32 to vector<256x128xi32>
    %select_n3A_359 = arith.select %gt3A_354, %broadcast_in_dim3A_358, %select_n3A_334 : vector<256x128xi1>, vector<256x128xi32>
    %select_n3A_360 = arith.select %gt3A_353, %select_n3A_338, %select_n3A_359 : vector<256x128xi1>, vector<256x128xi32>
    %max3A_361 = arith.maximumf %slice3A_352, %max3A_335 : vector<256x128xf32>
    %jit3A_362 = arith.constant 25 : i32
    %broadcast_in_dim3A_363 = vector.broadcast %jit3A_362 : i32 to vector<256x128xi32>
    %select_n3A_364 = arith.select %gt3A_353, %broadcast_in_dim3A_363, %select_n3A_338 : vector<256x128xi1>, vector<256x128xi32>
    %slice3A_365 = vector.extract_strided_slice %select_n3A {offsets = [0, 3328], sizes = [256, 128], strides = [1, 1]} : vector<256x10240xf32> to vector<256x128xf32>
    %gt3A_366 = arith.cmpf ogt, %slice3A_365, %max3A_348 : vector<256x128xf32>
    %gt3A_367 = arith.cmpf ogt, %slice3A_365, %select_n3A_343 : vector<256x128xf32>
    %select_n3A_368 = arith.select %gt3A_367, %slice3A_365, %select_n3A_343 : vector<256x128xi1>, vector<256x128xf32>
    %select_n3A_369 = arith.select %gt3A_366, %max3A_348, %select_n3A_368 : vector<256x128xi1>, vector<256x128xf32>
    %jit3A_370 = arith.constant 26 : i32
    %broadcast_in_dim3A_371 = vector.broadcast %jit3A_370 : i32 to vector<256x128xi32>
    %select_n3A_372 = arith.select %gt3A_367, %broadcast_in_dim3A_371, %select_n3A_347 : vector<256x128xi1>, vector<256x128xi32>
    %select_n3A_373 = arith.select %gt3A_366, %select_n3A_351, %select_n3A_372 : vector<256x128xi1>, vector<256x128xi32>
    %max3A_374 = arith.maximumf %slice3A_365, %max3A_348 : vector<256x128xf32>
    %jit3A_375 = arith.constant 26 : i32
    %broadcast_in_dim3A_376 = vector.broadcast %jit3A_375 : i32 to vector<256x128xi32>
    %select_n3A_377 = arith.select %gt3A_366, %broadcast_in_dim3A_376, %select_n3A_351 : vector<256x128xi1>, vector<256x128xi32>
    %slice3A_378 = vector.extract_strided_slice %select_n3A {offsets = [0, 3456], sizes = [256, 128], strides = [1, 1]} : vector<256x10240xf32> to vector<256x128xf32>
    %gt3A_379 = arith.cmpf ogt, %slice3A_378, %max3A_361 : vector<256x128xf32>
    %gt3A_380 = arith.cmpf ogt, %slice3A_378, %select_n3A_356 : vector<256x128xf32>
    %select_n3A_381 = arith.select %gt3A_380, %slice3A_378, %select_n3A_356 : vector<256x128xi1>, vector<256x128xf32>
    %select_n3A_382 = arith.select %gt3A_379, %max3A_361, %select_n3A_381 : vector<256x128xi1>, vector<256x128xf32>
    %jit3A_383 = arith.constant 27 : i32
    %broadcast_in_dim3A_384 = vector.broadcast %jit3A_383 : i32 to vector<256x128xi32>
    %select_n3A_385 = arith.select %gt3A_380, %broadcast_in_dim3A_384, %select_n3A_360 : vector<256x128xi1>, vector<256x128xi32>
    %select_n3A_386 = arith.select %gt3A_379, %select_n3A_364, %select_n3A_385 : vector<256x128xi1>, vector<256x128xi32>
    %max3A_387 = arith.maximumf %slice3A_378, %max3A_361 : vector<256x128xf32>
    %jit3A_388 = arith.constant 27 : i32
    %broadcast_in_dim3A_389 = vector.broadcast %jit3A_388 : i32 to vector<256x128xi32>
    %select_n3A_390 = arith.select %gt3A_379, %broadcast_in_dim3A_389, %select_n3A_364 : vector<256x128xi1>, vector<256x128xi32>
    %slice3A_391 = vector.extract_strided_slice %select_n3A {offsets = [0, 3584], sizes = [256, 128], strides = [1, 1]} : vector<256x10240xf32> to vector<256x128xf32>
    %gt3A_392 = arith.cmpf ogt, %slice3A_391, %max3A_374 : vector<256x128xf32>
    %gt3A_393 = arith.cmpf ogt, %slice3A_391, %select_n3A_369 : vector<256x128xf32>
    %select_n3A_394 = arith.select %gt3A_393, %slice3A_391, %select_n3A_369 : vector<256x128xi1>, vector<256x128xf32>
    %select_n3A_395 = arith.select %gt3A_392, %max3A_374, %select_n3A_394 : vector<256x128xi1>, vector<256x128xf32>
    %jit3A_396 = arith.constant 28 : i32
    %broadcast_in_dim3A_397 = vector.broadcast %jit3A_396 : i32 to vector<256x128xi32>
    %select_n3A_398 = arith.select %gt3A_393, %broadcast_in_dim3A_397, %select_n3A_373 : vector<256x128xi1>, vector<256x128xi32>
    %select_n3A_399 = arith.select %gt3A_392, %select_n3A_377, %select_n3A_398 : vector<256x128xi1>, vector<256x128xi32>
    %max3A_400 = arith.maximumf %slice3A_391, %max3A_374 : vector<256x128xf32>
    %jit3A_401 = arith.constant 28 : i32
    %broadcast_in_dim3A_402 = vector.broadcast %jit3A_401 : i32 to vector<256x128xi32>
    %select_n3A_403 = arith.select %gt3A_392, %broadcast_in_dim3A_402, %select_n3A_377 : vector<256x128xi1>, vector<256x128xi32>
    %slice3A_404 = vector.extract_strided_slice %select_n3A {offsets = [0, 3712], sizes = [256, 128], strides = [1, 1]} : vector<256x10240xf32> to vector<256x128xf32>
    %gt3A_405 = arith.cmpf ogt, %slice3A_404, %max3A_387 : vector<256x128xf32>
    %gt3A_406 = arith.cmpf ogt, %slice3A_404, %select_n3A_382 : vector<256x128xf32>
    %select_n3A_407 = arith.select %gt3A_406, %slice3A_404, %select_n3A_382 : vector<256x128xi1>, vector<256x128xf32>
    %select_n3A_408 = arith.select %gt3A_405, %max3A_387, %select_n3A_407 : vector<256x128xi1>, vector<256x128xf32>
    %jit3A_409 = arith.constant 29 : i32
    %broadcast_in_dim3A_410 = vector.broadcast %jit3A_409 : i32 to vector<256x128xi32>
    %select_n3A_411 = arith.select %gt3A_406, %broadcast_in_dim3A_410, %select_n3A_386 : vector<256x128xi1>, vector<256x128xi32>
    %select_n3A_412 = arith.select %gt3A_405, %select_n3A_390, %select_n3A_411 : vector<256x128xi1>, vector<256x128xi32>
    %max3A_413 = arith.maximumf %slice3A_404, %max3A_387 : vector<256x128xf32>
    %jit3A_414 = arith.constant 29 : i32
    %broadcast_in_dim3A_415 = vector.broadcast %jit3A_414 : i32 to vector<256x128xi32>
    %select_n3A_416 = arith.select %gt3A_405, %broadcast_in_dim3A_415, %select_n3A_390 : vector<256x128xi1>, vector<256x128xi32>
    %slice3A_417 = vector.extract_strided_slice %select_n3A {offsets = [0, 3840], sizes = [256, 128], strides = [1, 1]} : vector<256x10240xf32> to vector<256x128xf32>
    %gt3A_418 = arith.cmpf ogt, %slice3A_417, %max3A_400 : vector<256x128xf32>
    %gt3A_419 = arith.cmpf ogt, %slice3A_417, %select_n3A_395 : vector<256x128xf32>
    %select_n3A_420 = arith.select %gt3A_419, %slice3A_417, %select_n3A_395 : vector<256x128xi1>, vector<256x128xf32>
    %select_n3A_421 = arith.select %gt3A_418, %max3A_400, %select_n3A_420 : vector<256x128xi1>, vector<256x128xf32>
    %jit3A_422 = arith.constant 30 : i32
    %broadcast_in_dim3A_423 = vector.broadcast %jit3A_422 : i32 to vector<256x128xi32>
    %select_n3A_424 = arith.select %gt3A_419, %broadcast_in_dim3A_423, %select_n3A_399 : vector<256x128xi1>, vector<256x128xi32>
    %select_n3A_425 = arith.select %gt3A_418, %select_n3A_403, %select_n3A_424 : vector<256x128xi1>, vector<256x128xi32>
    %max3A_426 = arith.maximumf %slice3A_417, %max3A_400 : vector<256x128xf32>
    %jit3A_427 = arith.constant 30 : i32
    %broadcast_in_dim3A_428 = vector.broadcast %jit3A_427 : i32 to vector<256x128xi32>
    %select_n3A_429 = arith.select %gt3A_418, %broadcast_in_dim3A_428, %select_n3A_403 : vector<256x128xi1>, vector<256x128xi32>
    %slice3A_430 = vector.extract_strided_slice %select_n3A {offsets = [0, 3968], sizes = [256, 128], strides = [1, 1]} : vector<256x10240xf32> to vector<256x128xf32>
    %gt3A_431 = arith.cmpf ogt, %slice3A_430, %max3A_413 : vector<256x128xf32>
    %gt3A_432 = arith.cmpf ogt, %slice3A_430, %select_n3A_408 : vector<256x128xf32>
    %select_n3A_433 = arith.select %gt3A_432, %slice3A_430, %select_n3A_408 : vector<256x128xi1>, vector<256x128xf32>
    %select_n3A_434 = arith.select %gt3A_431, %max3A_413, %select_n3A_433 : vector<256x128xi1>, vector<256x128xf32>
    %jit3A_435 = arith.constant 31 : i32
    %broadcast_in_dim3A_436 = vector.broadcast %jit3A_435 : i32 to vector<256x128xi32>
    %select_n3A_437 = arith.select %gt3A_432, %broadcast_in_dim3A_436, %select_n3A_412 : vector<256x128xi1>, vector<256x128xi32>
    %select_n3A_438 = arith.select %gt3A_431, %select_n3A_416, %select_n3A_437 : vector<256x128xi1>, vector<256x128xi32>
    %max3A_439 = arith.maximumf %slice3A_430, %max3A_413 : vector<256x128xf32>
    %jit3A_440 = arith.constant 31 : i32
    %broadcast_in_dim3A_441 = vector.broadcast %jit3A_440 : i32 to vector<256x128xi32>
    %select_n3A_442 = arith.select %gt3A_431, %broadcast_in_dim3A_441, %select_n3A_416 : vector<256x128xi1>, vector<256x128xi32>
    %slice3A_443 = vector.extract_strided_slice %select_n3A {offsets = [0, 4096], sizes = [256, 128], strides = [1, 1]} : vector<256x10240xf32> to vector<256x128xf32>
    %gt3A_444 = arith.cmpf ogt, %slice3A_443, %max3A_426 : vector<256x128xf32>
    %gt3A_445 = arith.cmpf ogt, %slice3A_443, %select_n3A_421 : vector<256x128xf32>
    %select_n3A_446 = arith.select %gt3A_445, %slice3A_443, %select_n3A_421 : vector<256x128xi1>, vector<256x128xf32>
    %select_n3A_447 = arith.select %gt3A_444, %max3A_426, %select_n3A_446 : vector<256x128xi1>, vector<256x128xf32>
    %jit3A_448 = arith.constant 32 : i32
    %broadcast_in_dim3A_449 = vector.broadcast %jit3A_448 : i32 to vector<256x128xi32>
    %select_n3A_450 = arith.select %gt3A_445, %broadcast_in_dim3A_449, %select_n3A_425 : vector<256x128xi1>, vector<256x128xi32>
    %select_n3A_451 = arith.select %gt3A_444, %select_n3A_429, %select_n3A_450 : vector<256x128xi1>, vector<256x128xi32>
    %max3A_452 = arith.maximumf %slice3A_443, %max3A_426 : vector<256x128xf32>
    %jit3A_453 = arith.constant 32 : i32
    %broadcast_in_dim3A_454 = vector.broadcast %jit3A_453 : i32 to vector<256x128xi32>
    %select_n3A_455 = arith.select %gt3A_444, %broadcast_in_dim3A_454, %select_n3A_429 : vector<256x128xi1>, vector<256x128xi32>
    %slice3A_456 = vector.extract_strided_slice %select_n3A {offsets = [0, 4224], sizes = [256, 128], strides = [1, 1]} : vector<256x10240xf32> to vector<256x128xf32>
    %gt3A_457 = arith.cmpf ogt, %slice3A_456, %max3A_439 : vector<256x128xf32>
    %gt3A_458 = arith.cmpf ogt, %slice3A_456, %select_n3A_434 : vector<256x128xf32>
    %select_n3A_459 = arith.select %gt3A_458, %slice3A_456, %select_n3A_434 : vector<256x128xi1>, vector<256x128xf32>
    %select_n3A_460 = arith.select %gt3A_457, %max3A_439, %select_n3A_459 : vector<256x128xi1>, vector<256x128xf32>
    %jit3A_461 = arith.constant 33 : i32
    %broadcast_in_dim3A_462 = vector.broadcast %jit3A_461 : i32 to vector<256x128xi32>
    %select_n3A_463 = arith.select %gt3A_458, %broadcast_in_dim3A_462, %select_n3A_438 : vector<256x128xi1>, vector<256x128xi32>
    %select_n3A_464 = arith.select %gt3A_457, %select_n3A_442, %select_n3A_463 : vector<256x128xi1>, vector<256x128xi32>
    %max3A_465 = arith.maximumf %slice3A_456, %max3A_439 : vector<256x128xf32>
    %jit3A_466 = arith.constant 33 : i32
    %broadcast_in_dim3A_467 = vector.broadcast %jit3A_466 : i32 to vector<256x128xi32>
    %select_n3A_468 = arith.select %gt3A_457, %broadcast_in_dim3A_467, %select_n3A_442 : vector<256x128xi1>, vector<256x128xi32>
    %slice3A_469 = vector.extract_strided_slice %select_n3A {offsets = [0, 4352], sizes = [256, 128], strides = [1, 1]} : vector<256x10240xf32> to vector<256x128xf32>
    %gt3A_470 = arith.cmpf ogt, %slice3A_469, %max3A_452 : vector<256x128xf32>
    %gt3A_471 = arith.cmpf ogt, %slice3A_469, %select_n3A_447 : vector<256x128xf32>
    %select_n3A_472 = arith.select %gt3A_471, %slice3A_469, %select_n3A_447 : vector<256x128xi1>, vector<256x128xf32>
    %select_n3A_473 = arith.select %gt3A_470, %max3A_452, %select_n3A_472 : vector<256x128xi1>, vector<256x128xf32>
    %jit3A_474 = arith.constant 34 : i32
    %broadcast_in_dim3A_475 = vector.broadcast %jit3A_474 : i32 to vector<256x128xi32>
    %select_n3A_476 = arith.select %gt3A_471, %broadcast_in_dim3A_475, %select_n3A_451 : vector<256x128xi1>, vector<256x128xi32>
    %select_n3A_477 = arith.select %gt3A_470, %select_n3A_455, %select_n3A_476 : vector<256x128xi1>, vector<256x128xi32>
    %max3A_478 = arith.maximumf %slice3A_469, %max3A_452 : vector<256x128xf32>
    %jit3A_479 = arith.constant 34 : i32
    %broadcast_in_dim3A_480 = vector.broadcast %jit3A_479 : i32 to vector<256x128xi32>
    %select_n3A_481 = arith.select %gt3A_470, %broadcast_in_dim3A_480, %select_n3A_455 : vector<256x128xi1>, vector<256x128xi32>
    %slice3A_482 = vector.extract_strided_slice %select_n3A {offsets = [0, 4480], sizes = [256, 128], strides = [1, 1]} : vector<256x10240xf32> to vector<256x128xf32>
    %gt3A_483 = arith.cmpf ogt, %slice3A_482, %max3A_465 : vector<256x128xf32>
    %gt3A_484 = arith.cmpf ogt, %slice3A_482, %select_n3A_460 : vector<256x128xf32>
    %select_n3A_485 = arith.select %gt3A_484, %slice3A_482, %select_n3A_460 : vector<256x128xi1>, vector<256x128xf32>
    %select_n3A_486 = arith.select %gt3A_483, %max3A_465, %select_n3A_485 : vector<256x128xi1>, vector<256x128xf32>
    %jit3A_487 = arith.constant 35 : i32
    %broadcast_in_dim3A_488 = vector.broadcast %jit3A_487 : i32 to vector<256x128xi32>
    %select_n3A_489 = arith.select %gt3A_484, %broadcast_in_dim3A_488, %select_n3A_464 : vector<256x128xi1>, vector<256x128xi32>
    %select_n3A_490 = arith.select %gt3A_483, %select_n3A_468, %select_n3A_489 : vector<256x128xi1>, vector<256x128xi32>
    %max3A_491 = arith.maximumf %slice3A_482, %max3A_465 : vector<256x128xf32>
    %jit3A_492 = arith.constant 35 : i32
    %broadcast_in_dim3A_493 = vector.broadcast %jit3A_492 : i32 to vector<256x128xi32>
    %select_n3A_494 = arith.select %gt3A_483, %broadcast_in_dim3A_493, %select_n3A_468 : vector<256x128xi1>, vector<256x128xi32>
    %slice3A_495 = vector.extract_strided_slice %select_n3A {offsets = [0, 4608], sizes = [256, 128], strides = [1, 1]} : vector<256x10240xf32> to vector<256x128xf32>
    %gt3A_496 = arith.cmpf ogt, %slice3A_495, %max3A_478 : vector<256x128xf32>
    %gt3A_497 = arith.cmpf ogt, %slice3A_495, %select_n3A_473 : vector<256x128xf32>
    %select_n3A_498 = arith.select %gt3A_497, %slice3A_495, %select_n3A_473 : vector<256x128xi1>, vector<256x128xf32>
    %select_n3A_499 = arith.select %gt3A_496, %max3A_478, %select_n3A_498 : vector<256x128xi1>, vector<256x128xf32>
    %jit3A_500 = arith.constant 36 : i32
    %broadcast_in_dim3A_501 = vector.broadcast %jit3A_500 : i32 to vector<256x128xi32>
    %select_n3A_502 = arith.select %gt3A_497, %broadcast_in_dim3A_501, %select_n3A_477 : vector<256x128xi1>, vector<256x128xi32>
    %select_n3A_503 = arith.select %gt3A_496, %select_n3A_481, %select_n3A_502 : vector<256x128xi1>, vector<256x128xi32>
    %max3A_504 = arith.maximumf %slice3A_495, %max3A_478 : vector<256x128xf32>
    %jit3A_505 = arith.constant 36 : i32
    %broadcast_in_dim3A_506 = vector.broadcast %jit3A_505 : i32 to vector<256x128xi32>
    %select_n3A_507 = arith.select %gt3A_496, %broadcast_in_dim3A_506, %select_n3A_481 : vector<256x128xi1>, vector<256x128xi32>
    %slice3A_508 = vector.extract_strided_slice %select_n3A {offsets = [0, 4736], sizes = [256, 128], strides = [1, 1]} : vector<256x10240xf32> to vector<256x128xf32>
    %gt3A_509 = arith.cmpf ogt, %slice3A_508, %max3A_491 : vector<256x128xf32>
    %gt3A_510 = arith.cmpf ogt, %slice3A_508, %select_n3A_486 : vector<256x128xf32>
    %select_n3A_511 = arith.select %gt3A_510, %slice3A_508, %select_n3A_486 : vector<256x128xi1>, vector<256x128xf32>
    %select_n3A_512 = arith.select %gt3A_509, %max3A_491, %select_n3A_511 : vector<256x128xi1>, vector<256x128xf32>
    %jit3A_513 = arith.constant 37 : i32
    %broadcast_in_dim3A_514 = vector.broadcast %jit3A_513 : i32 to vector<256x128xi32>
    %select_n3A_515 = arith.select %gt3A_510, %broadcast_in_dim3A_514, %select_n3A_490 : vector<256x128xi1>, vector<256x128xi32>
    %select_n3A_516 = arith.select %gt3A_509, %select_n3A_494, %select_n3A_515 : vector<256x128xi1>, vector<256x128xi32>
    %max3A_517 = arith.maximumf %slice3A_508, %max3A_491 : vector<256x128xf32>
    %jit3A_518 = arith.constant 37 : i32
    %broadcast_in_dim3A_519 = vector.broadcast %jit3A_518 : i32 to vector<256x128xi32>
    %select_n3A_520 = arith.select %gt3A_509, %broadcast_in_dim3A_519, %select_n3A_494 : vector<256x128xi1>, vector<256x128xi32>
    %slice3A_521 = vector.extract_strided_slice %select_n3A {offsets = [0, 4864], sizes = [256, 128], strides = [1, 1]} : vector<256x10240xf32> to vector<256x128xf32>
    %gt3A_522 = arith.cmpf ogt, %slice3A_521, %max3A_504 : vector<256x128xf32>
    %gt3A_523 = arith.cmpf ogt, %slice3A_521, %select_n3A_499 : vector<256x128xf32>
    %select_n3A_524 = arith.select %gt3A_523, %slice3A_521, %select_n3A_499 : vector<256x128xi1>, vector<256x128xf32>
    %select_n3A_525 = arith.select %gt3A_522, %max3A_504, %select_n3A_524 : vector<256x128xi1>, vector<256x128xf32>
    %jit3A_526 = arith.constant 38 : i32
    %broadcast_in_dim3A_527 = vector.broadcast %jit3A_526 : i32 to vector<256x128xi32>
    %select_n3A_528 = arith.select %gt3A_523, %broadcast_in_dim3A_527, %select_n3A_503 : vector<256x128xi1>, vector<256x128xi32>
    %select_n3A_529 = arith.select %gt3A_522, %select_n3A_507, %select_n3A_528 : vector<256x128xi1>, vector<256x128xi32>
    %max3A_530 = arith.maximumf %slice3A_521, %max3A_504 : vector<256x128xf32>
    %jit3A_531 = arith.constant 38 : i32
    %broadcast_in_dim3A_532 = vector.broadcast %jit3A_531 : i32 to vector<256x128xi32>
    %select_n3A_533 = arith.select %gt3A_522, %broadcast_in_dim3A_532, %select_n3A_507 : vector<256x128xi1>, vector<256x128xi32>
    %slice3A_534 = vector.extract_strided_slice %select_n3A {offsets = [0, 4992], sizes = [256, 128], strides = [1, 1]} : vector<256x10240xf32> to vector<256x128xf32>
    %gt3A_535 = arith.cmpf ogt, %slice3A_534, %max3A_517 : vector<256x128xf32>
    %gt3A_536 = arith.cmpf ogt, %slice3A_534, %select_n3A_512 : vector<256x128xf32>
    %select_n3A_537 = arith.select %gt3A_536, %slice3A_534, %select_n3A_512 : vector<256x128xi1>, vector<256x128xf32>
    %select_n3A_538 = arith.select %gt3A_535, %max3A_517, %select_n3A_537 : vector<256x128xi1>, vector<256x128xf32>
    %jit3A_539 = arith.constant 39 : i32
    %broadcast_in_dim3A_540 = vector.broadcast %jit3A_539 : i32 to vector<256x128xi32>
    %select_n3A_541 = arith.select %gt3A_536, %broadcast_in_dim3A_540, %select_n3A_516 : vector<256x128xi1>, vector<256x128xi32>
    %select_n3A_542 = arith.select %gt3A_535, %select_n3A_520, %select_n3A_541 : vector<256x128xi1>, vector<256x128xi32>
    %max3A_543 = arith.maximumf %slice3A_534, %max3A_517 : vector<256x128xf32>
    %jit3A_544 = arith.constant 39 : i32
    %broadcast_in_dim3A_545 = vector.broadcast %jit3A_544 : i32 to vector<256x128xi32>
    %select_n3A_546 = arith.select %gt3A_535, %broadcast_in_dim3A_545, %select_n3A_520 : vector<256x128xi1>, vector<256x128xi32>
    %slice3A_547 = vector.extract_strided_slice %select_n3A {offsets = [0, 5120], sizes = [256, 128], strides = [1, 1]} : vector<256x10240xf32> to vector<256x128xf32>
    %gt3A_548 = arith.cmpf ogt, %slice3A_547, %max3A_530 : vector<256x128xf32>
    %gt3A_549 = arith.cmpf ogt, %slice3A_547, %select_n3A_525 : vector<256x128xf32>
    %select_n3A_550 = arith.select %gt3A_549, %slice3A_547, %select_n3A_525 : vector<256x128xi1>, vector<256x128xf32>
    %select_n3A_551 = arith.select %gt3A_548, %max3A_530, %select_n3A_550 : vector<256x128xi1>, vector<256x128xf32>
    %jit3A_552 = arith.constant 40 : i32
    %broadcast_in_dim3A_553 = vector.broadcast %jit3A_552 : i32 to vector<256x128xi32>
    %select_n3A_554 = arith.select %gt3A_549, %broadcast_in_dim3A_553, %select_n3A_529 : vector<256x128xi1>, vector<256x128xi32>
    %select_n3A_555 = arith.select %gt3A_548, %select_n3A_533, %select_n3A_554 : vector<256x128xi1>, vector<256x128xi32>
    %max3A_556 = arith.maximumf %slice3A_547, %max3A_530 : vector<256x128xf32>
    %jit3A_557 = arith.constant 40 : i32
    %broadcast_in_dim3A_558 = vector.broadcast %jit3A_557 : i32 to vector<256x128xi32>
    %select_n3A_559 = arith.select %gt3A_548, %broadcast_in_dim3A_558, %select_n3A_533 : vector<256x128xi1>, vector<256x128xi32>
    %slice3A_560 = vector.extract_strided_slice %select_n3A {offsets = [0, 5248], sizes = [256, 128], strides = [1, 1]} : vector<256x10240xf32> to vector<256x128xf32>
    %gt3A_561 = arith.cmpf ogt, %slice3A_560, %max3A_543 : vector<256x128xf32>
    %gt3A_562 = arith.cmpf ogt, %slice3A_560, %select_n3A_538 : vector<256x128xf32>
    %select_n3A_563 = arith.select %gt3A_562, %slice3A_560, %select_n3A_538 : vector<256x128xi1>, vector<256x128xf32>
    %select_n3A_564 = arith.select %gt3A_561, %max3A_543, %select_n3A_563 : vector<256x128xi1>, vector<256x128xf32>
    %jit3A_565 = arith.constant 41 : i32
    %broadcast_in_dim3A_566 = vector.broadcast %jit3A_565 : i32 to vector<256x128xi32>
    %select_n3A_567 = arith.select %gt3A_562, %broadcast_in_dim3A_566, %select_n3A_542 : vector<256x128xi1>, vector<256x128xi32>
    %select_n3A_568 = arith.select %gt3A_561, %select_n3A_546, %select_n3A_567 : vector<256x128xi1>, vector<256x128xi32>
    %max3A_569 = arith.maximumf %slice3A_560, %max3A_543 : vector<256x128xf32>
    %jit3A_570 = arith.constant 41 : i32
    %broadcast_in_dim3A_571 = vector.broadcast %jit3A_570 : i32 to vector<256x128xi32>
    %select_n3A_572 = arith.select %gt3A_561, %broadcast_in_dim3A_571, %select_n3A_546 : vector<256x128xi1>, vector<256x128xi32>
    %slice3A_573 = vector.extract_strided_slice %select_n3A {offsets = [0, 5376], sizes = [256, 128], strides = [1, 1]} : vector<256x10240xf32> to vector<256x128xf32>
    %gt3A_574 = arith.cmpf ogt, %slice3A_573, %max3A_556 : vector<256x128xf32>
    %gt3A_575 = arith.cmpf ogt, %slice3A_573, %select_n3A_551 : vector<256x128xf32>
    %select_n3A_576 = arith.select %gt3A_575, %slice3A_573, %select_n3A_551 : vector<256x128xi1>, vector<256x128xf32>
    %select_n3A_577 = arith.select %gt3A_574, %max3A_556, %select_n3A_576 : vector<256x128xi1>, vector<256x128xf32>
    %jit3A_578 = arith.constant 42 : i32
    %broadcast_in_dim3A_579 = vector.broadcast %jit3A_578 : i32 to vector<256x128xi32>
    %select_n3A_580 = arith.select %gt3A_575, %broadcast_in_dim3A_579, %select_n3A_555 : vector<256x128xi1>, vector<256x128xi32>
    %select_n3A_581 = arith.select %gt3A_574, %select_n3A_559, %select_n3A_580 : vector<256x128xi1>, vector<256x128xi32>
    %max3A_582 = arith.maximumf %slice3A_573, %max3A_556 : vector<256x128xf32>
    %jit3A_583 = arith.constant 42 : i32
    %broadcast_in_dim3A_584 = vector.broadcast %jit3A_583 : i32 to vector<256x128xi32>
    %select_n3A_585 = arith.select %gt3A_574, %broadcast_in_dim3A_584, %select_n3A_559 : vector<256x128xi1>, vector<256x128xi32>
    %slice3A_586 = vector.extract_strided_slice %select_n3A {offsets = [0, 5504], sizes = [256, 128], strides = [1, 1]} : vector<256x10240xf32> to vector<256x128xf32>
    %gt3A_587 = arith.cmpf ogt, %slice3A_586, %max3A_569 : vector<256x128xf32>
    %gt3A_588 = arith.cmpf ogt, %slice3A_586, %select_n3A_564 : vector<256x128xf32>
    %select_n3A_589 = arith.select %gt3A_588, %slice3A_586, %select_n3A_564 : vector<256x128xi1>, vector<256x128xf32>
    %select_n3A_590 = arith.select %gt3A_587, %max3A_569, %select_n3A_589 : vector<256x128xi1>, vector<256x128xf32>
    %jit3A_591 = arith.constant 43 : i32
    %broadcast_in_dim3A_592 = vector.broadcast %jit3A_591 : i32 to vector<256x128xi32>
    %select_n3A_593 = arith.select %gt3A_588, %broadcast_in_dim3A_592, %select_n3A_568 : vector<256x128xi1>, vector<256x128xi32>
    %select_n3A_594 = arith.select %gt3A_587, %select_n3A_572, %select_n3A_593 : vector<256x128xi1>, vector<256x128xi32>
    %max3A_595 = arith.maximumf %slice3A_586, %max3A_569 : vector<256x128xf32>
    %jit3A_596 = arith.constant 43 : i32
    %broadcast_in_dim3A_597 = vector.broadcast %jit3A_596 : i32 to vector<256x128xi32>
    %select_n3A_598 = arith.select %gt3A_587, %broadcast_in_dim3A_597, %select_n3A_572 : vector<256x128xi1>, vector<256x128xi32>
    %slice3A_599 = vector.extract_strided_slice %select_n3A {offsets = [0, 5632], sizes = [256, 128], strides = [1, 1]} : vector<256x10240xf32> to vector<256x128xf32>
    %gt3A_600 = arith.cmpf ogt, %slice3A_599, %max3A_582 : vector<256x128xf32>
    %gt3A_601 = arith.cmpf ogt, %slice3A_599, %select_n3A_577 : vector<256x128xf32>
    %select_n3A_602 = arith.select %gt3A_601, %slice3A_599, %select_n3A_577 : vector<256x128xi1>, vector<256x128xf32>
    %select_n3A_603 = arith.select %gt3A_600, %max3A_582, %select_n3A_602 : vector<256x128xi1>, vector<256x128xf32>
    %jit3A_604 = arith.constant 44 : i32
    %broadcast_in_dim3A_605 = vector.broadcast %jit3A_604 : i32 to vector<256x128xi32>
    %select_n3A_606 = arith.select %gt3A_601, %broadcast_in_dim3A_605, %select_n3A_581 : vector<256x128xi1>, vector<256x128xi32>
    %select_n3A_607 = arith.select %gt3A_600, %select_n3A_585, %select_n3A_606 : vector<256x128xi1>, vector<256x128xi32>
    %max3A_608 = arith.maximumf %slice3A_599, %max3A_582 : vector<256x128xf32>
    %jit3A_609 = arith.constant 44 : i32
    %broadcast_in_dim3A_610 = vector.broadcast %jit3A_609 : i32 to vector<256x128xi32>
    %select_n3A_611 = arith.select %gt3A_600, %broadcast_in_dim3A_610, %select_n3A_585 : vector<256x128xi1>, vector<256x128xi32>
    %slice3A_612 = vector.extract_strided_slice %select_n3A {offsets = [0, 5760], sizes = [256, 128], strides = [1, 1]} : vector<256x10240xf32> to vector<256x128xf32>
    %gt3A_613 = arith.cmpf ogt, %slice3A_612, %max3A_595 : vector<256x128xf32>
    %gt3A_614 = arith.cmpf ogt, %slice3A_612, %select_n3A_590 : vector<256x128xf32>
    %select_n3A_615 = arith.select %gt3A_614, %slice3A_612, %select_n3A_590 : vector<256x128xi1>, vector<256x128xf32>
    %select_n3A_616 = arith.select %gt3A_613, %max3A_595, %select_n3A_615 : vector<256x128xi1>, vector<256x128xf32>
    %jit3A_617 = arith.constant 45 : i32
    %broadcast_in_dim3A_618 = vector.broadcast %jit3A_617 : i32 to vector<256x128xi32>
    %select_n3A_619 = arith.select %gt3A_614, %broadcast_in_dim3A_618, %select_n3A_594 : vector<256x128xi1>, vector<256x128xi32>
    %select_n3A_620 = arith.select %gt3A_613, %select_n3A_598, %select_n3A_619 : vector<256x128xi1>, vector<256x128xi32>
    %max3A_621 = arith.maximumf %slice3A_612, %max3A_595 : vector<256x128xf32>
    %jit3A_622 = arith.constant 45 : i32
    %broadcast_in_dim3A_623 = vector.broadcast %jit3A_622 : i32 to vector<256x128xi32>
    %select_n3A_624 = arith.select %gt3A_613, %broadcast_in_dim3A_623, %select_n3A_598 : vector<256x128xi1>, vector<256x128xi32>
    %slice3A_625 = vector.extract_strided_slice %select_n3A {offsets = [0, 5888], sizes = [256, 128], strides = [1, 1]} : vector<256x10240xf32> to vector<256x128xf32>
    %gt3A_626 = arith.cmpf ogt, %slice3A_625, %max3A_608 : vector<256x128xf32>
    %gt3A_627 = arith.cmpf ogt, %slice3A_625, %select_n3A_603 : vector<256x128xf32>
    %select_n3A_628 = arith.select %gt3A_627, %slice3A_625, %select_n3A_603 : vector<256x128xi1>, vector<256x128xf32>
    %select_n3A_629 = arith.select %gt3A_626, %max3A_608, %select_n3A_628 : vector<256x128xi1>, vector<256x128xf32>
    %jit3A_630 = arith.constant 46 : i32
    %broadcast_in_dim3A_631 = vector.broadcast %jit3A_630 : i32 to vector<256x128xi32>
    %select_n3A_632 = arith.select %gt3A_627, %broadcast_in_dim3A_631, %select_n3A_607 : vector<256x128xi1>, vector<256x128xi32>
    %select_n3A_633 = arith.select %gt3A_626, %select_n3A_611, %select_n3A_632 : vector<256x128xi1>, vector<256x128xi32>
    %max3A_634 = arith.maximumf %slice3A_625, %max3A_608 : vector<256x128xf32>
    %jit3A_635 = arith.constant 46 : i32
    %broadcast_in_dim3A_636 = vector.broadcast %jit3A_635 : i32 to vector<256x128xi32>
    %select_n3A_637 = arith.select %gt3A_626, %broadcast_in_dim3A_636, %select_n3A_611 : vector<256x128xi1>, vector<256x128xi32>
    %slice3A_638 = vector.extract_strided_slice %select_n3A {offsets = [0, 6016], sizes = [256, 128], strides = [1, 1]} : vector<256x10240xf32> to vector<256x128xf32>
    %gt3A_639 = arith.cmpf ogt, %slice3A_638, %max3A_621 : vector<256x128xf32>
    %gt3A_640 = arith.cmpf ogt, %slice3A_638, %select_n3A_616 : vector<256x128xf32>
    %select_n3A_641 = arith.select %gt3A_640, %slice3A_638, %select_n3A_616 : vector<256x128xi1>, vector<256x128xf32>
    %select_n3A_642 = arith.select %gt3A_639, %max3A_621, %select_n3A_641 : vector<256x128xi1>, vector<256x128xf32>
    %jit3A_643 = arith.constant 47 : i32
    %broadcast_in_dim3A_644 = vector.broadcast %jit3A_643 : i32 to vector<256x128xi32>
    %select_n3A_645 = arith.select %gt3A_640, %broadcast_in_dim3A_644, %select_n3A_620 : vector<256x128xi1>, vector<256x128xi32>
    %select_n3A_646 = arith.select %gt3A_639, %select_n3A_624, %select_n3A_645 : vector<256x128xi1>, vector<256x128xi32>
    %max3A_647 = arith.maximumf %slice3A_638, %max3A_621 : vector<256x128xf32>
    %jit3A_648 = arith.constant 47 : i32
    %broadcast_in_dim3A_649 = vector.broadcast %jit3A_648 : i32 to vector<256x128xi32>
    %select_n3A_650 = arith.select %gt3A_639, %broadcast_in_dim3A_649, %select_n3A_624 : vector<256x128xi1>, vector<256x128xi32>
    %slice3A_651 = vector.extract_strided_slice %select_n3A {offsets = [0, 6144], sizes = [256, 128], strides = [1, 1]} : vector<256x10240xf32> to vector<256x128xf32>
    %gt3A_652 = arith.cmpf ogt, %slice3A_651, %max3A_634 : vector<256x128xf32>
    %gt3A_653 = arith.cmpf ogt, %slice3A_651, %select_n3A_629 : vector<256x128xf32>
    %select_n3A_654 = arith.select %gt3A_653, %slice3A_651, %select_n3A_629 : vector<256x128xi1>, vector<256x128xf32>
    %select_n3A_655 = arith.select %gt3A_652, %max3A_634, %select_n3A_654 : vector<256x128xi1>, vector<256x128xf32>
    %jit3A_656 = arith.constant 48 : i32
    %broadcast_in_dim3A_657 = vector.broadcast %jit3A_656 : i32 to vector<256x128xi32>
    %select_n3A_658 = arith.select %gt3A_653, %broadcast_in_dim3A_657, %select_n3A_633 : vector<256x128xi1>, vector<256x128xi32>
    %select_n3A_659 = arith.select %gt3A_652, %select_n3A_637, %select_n3A_658 : vector<256x128xi1>, vector<256x128xi32>
    %max3A_660 = arith.maximumf %slice3A_651, %max3A_634 : vector<256x128xf32>
    %jit3A_661 = arith.constant 48 : i32
    %broadcast_in_dim3A_662 = vector.broadcast %jit3A_661 : i32 to vector<256x128xi32>
    %select_n3A_663 = arith.select %gt3A_652, %broadcast_in_dim3A_662, %select_n3A_637 : vector<256x128xi1>, vector<256x128xi32>
    %slice3A_664 = vector.extract_strided_slice %select_n3A {offsets = [0, 6272], sizes = [256, 128], strides = [1, 1]} : vector<256x10240xf32> to vector<256x128xf32>
    %gt3A_665 = arith.cmpf ogt, %slice3A_664, %max3A_647 : vector<256x128xf32>
    %gt3A_666 = arith.cmpf ogt, %slice3A_664, %select_n3A_642 : vector<256x128xf32>
    %select_n3A_667 = arith.select %gt3A_666, %slice3A_664, %select_n3A_642 : vector<256x128xi1>, vector<256x128xf32>
    %select_n3A_668 = arith.select %gt3A_665, %max3A_647, %select_n3A_667 : vector<256x128xi1>, vector<256x128xf32>
    %jit3A_669 = arith.constant 49 : i32
    %broadcast_in_dim3A_670 = vector.broadcast %jit3A_669 : i32 to vector<256x128xi32>
    %select_n3A_671 = arith.select %gt3A_666, %broadcast_in_dim3A_670, %select_n3A_646 : vector<256x128xi1>, vector<256x128xi32>
    %select_n3A_672 = arith.select %gt3A_665, %select_n3A_650, %select_n3A_671 : vector<256x128xi1>, vector<256x128xi32>
    %max3A_673 = arith.maximumf %slice3A_664, %max3A_647 : vector<256x128xf32>
    %jit3A_674 = arith.constant 49 : i32
    %broadcast_in_dim3A_675 = vector.broadcast %jit3A_674 : i32 to vector<256x128xi32>
    %select_n3A_676 = arith.select %gt3A_665, %broadcast_in_dim3A_675, %select_n3A_650 : vector<256x128xi1>, vector<256x128xi32>
    %slice3A_677 = vector.extract_strided_slice %select_n3A {offsets = [0, 6400], sizes = [256, 128], strides = [1, 1]} : vector<256x10240xf32> to vector<256x128xf32>
    %gt3A_678 = arith.cmpf ogt, %slice3A_677, %max3A_660 : vector<256x128xf32>
    %gt3A_679 = arith.cmpf ogt, %slice3A_677, %select_n3A_655 : vector<256x128xf32>
    %select_n3A_680 = arith.select %gt3A_679, %slice3A_677, %select_n3A_655 : vector<256x128xi1>, vector<256x128xf32>
    %select_n3A_681 = arith.select %gt3A_678, %max3A_660, %select_n3A_680 : vector<256x128xi1>, vector<256x128xf32>
    %jit3A_682 = arith.constant 50 : i32
    %broadcast_in_dim3A_683 = vector.broadcast %jit3A_682 : i32 to vector<256x128xi32>
    %select_n3A_684 = arith.select %gt3A_679, %broadcast_in_dim3A_683, %select_n3A_659 : vector<256x128xi1>, vector<256x128xi32>
    %select_n3A_685 = arith.select %gt3A_678, %select_n3A_663, %select_n3A_684 : vector<256x128xi1>, vector<256x128xi32>
    %max3A_686 = arith.maximumf %slice3A_677, %max3A_660 : vector<256x128xf32>
    %jit3A_687 = arith.constant 50 : i32
    %broadcast_in_dim3A_688 = vector.broadcast %jit3A_687 : i32 to vector<256x128xi32>
    %select_n3A_689 = arith.select %gt3A_678, %broadcast_in_dim3A_688, %select_n3A_663 : vector<256x128xi1>, vector<256x128xi32>
    %slice3A_690 = vector.extract_strided_slice %select_n3A {offsets = [0, 6528], sizes = [256, 128], strides = [1, 1]} : vector<256x10240xf32> to vector<256x128xf32>
    %gt3A_691 = arith.cmpf ogt, %slice3A_690, %max3A_673 : vector<256x128xf32>
    %gt3A_692 = arith.cmpf ogt, %slice3A_690, %select_n3A_668 : vector<256x128xf32>
    %select_n3A_693 = arith.select %gt3A_692, %slice3A_690, %select_n3A_668 : vector<256x128xi1>, vector<256x128xf32>
    %select_n3A_694 = arith.select %gt3A_691, %max3A_673, %select_n3A_693 : vector<256x128xi1>, vector<256x128xf32>
    %jit3A_695 = arith.constant 51 : i32
    %broadcast_in_dim3A_696 = vector.broadcast %jit3A_695 : i32 to vector<256x128xi32>
    %select_n3A_697 = arith.select %gt3A_692, %broadcast_in_dim3A_696, %select_n3A_672 : vector<256x128xi1>, vector<256x128xi32>
    %select_n3A_698 = arith.select %gt3A_691, %select_n3A_676, %select_n3A_697 : vector<256x128xi1>, vector<256x128xi32>
    %max3A_699 = arith.maximumf %slice3A_690, %max3A_673 : vector<256x128xf32>
    %jit3A_700 = arith.constant 51 : i32
    %broadcast_in_dim3A_701 = vector.broadcast %jit3A_700 : i32 to vector<256x128xi32>
    %select_n3A_702 = arith.select %gt3A_691, %broadcast_in_dim3A_701, %select_n3A_676 : vector<256x128xi1>, vector<256x128xi32>
    %slice3A_703 = vector.extract_strided_slice %select_n3A {offsets = [0, 6656], sizes = [256, 128], strides = [1, 1]} : vector<256x10240xf32> to vector<256x128xf32>
    %gt3A_704 = arith.cmpf ogt, %slice3A_703, %max3A_686 : vector<256x128xf32>
    %gt3A_705 = arith.cmpf ogt, %slice3A_703, %select_n3A_681 : vector<256x128xf32>
    %select_n3A_706 = arith.select %gt3A_705, %slice3A_703, %select_n3A_681 : vector<256x128xi1>, vector<256x128xf32>
    %select_n3A_707 = arith.select %gt3A_704, %max3A_686, %select_n3A_706 : vector<256x128xi1>, vector<256x128xf32>
    %jit3A_708 = arith.constant 52 : i32
    %broadcast_in_dim3A_709 = vector.broadcast %jit3A_708 : i32 to vector<256x128xi32>
    %select_n3A_710 = arith.select %gt3A_705, %broadcast_in_dim3A_709, %select_n3A_685 : vector<256x128xi1>, vector<256x128xi32>
    %select_n3A_711 = arith.select %gt3A_704, %select_n3A_689, %select_n3A_710 : vector<256x128xi1>, vector<256x128xi32>
    %max3A_712 = arith.maximumf %slice3A_703, %max3A_686 : vector<256x128xf32>
    %jit3A_713 = arith.constant 52 : i32
    %broadcast_in_dim3A_714 = vector.broadcast %jit3A_713 : i32 to vector<256x128xi32>
    %select_n3A_715 = arith.select %gt3A_704, %broadcast_in_dim3A_714, %select_n3A_689 : vector<256x128xi1>, vector<256x128xi32>
    %slice3A_716 = vector.extract_strided_slice %select_n3A {offsets = [0, 6784], sizes = [256, 128], strides = [1, 1]} : vector<256x10240xf32> to vector<256x128xf32>
    %gt3A_717 = arith.cmpf ogt, %slice3A_716, %max3A_699 : vector<256x128xf32>
    %gt3A_718 = arith.cmpf ogt, %slice3A_716, %select_n3A_694 : vector<256x128xf32>
    %select_n3A_719 = arith.select %gt3A_718, %slice3A_716, %select_n3A_694 : vector<256x128xi1>, vector<256x128xf32>
    %select_n3A_720 = arith.select %gt3A_717, %max3A_699, %select_n3A_719 : vector<256x128xi1>, vector<256x128xf32>
    %jit3A_721 = arith.constant 53 : i32
    %broadcast_in_dim3A_722 = vector.broadcast %jit3A_721 : i32 to vector<256x128xi32>
    %select_n3A_723 = arith.select %gt3A_718, %broadcast_in_dim3A_722, %select_n3A_698 : vector<256x128xi1>, vector<256x128xi32>
    %select_n3A_724 = arith.select %gt3A_717, %select_n3A_702, %select_n3A_723 : vector<256x128xi1>, vector<256x128xi32>
    %max3A_725 = arith.maximumf %slice3A_716, %max3A_699 : vector<256x128xf32>
    %jit3A_726 = arith.constant 53 : i32
    %broadcast_in_dim3A_727 = vector.broadcast %jit3A_726 : i32 to vector<256x128xi32>
    %select_n3A_728 = arith.select %gt3A_717, %broadcast_in_dim3A_727, %select_n3A_702 : vector<256x128xi1>, vector<256x128xi32>
    %slice3A_729 = vector.extract_strided_slice %select_n3A {offsets = [0, 6912], sizes = [256, 128], strides = [1, 1]} : vector<256x10240xf32> to vector<256x128xf32>
    %gt3A_730 = arith.cmpf ogt, %slice3A_729, %max3A_712 : vector<256x128xf32>
    %gt3A_731 = arith.cmpf ogt, %slice3A_729, %select_n3A_707 : vector<256x128xf32>
    %select_n3A_732 = arith.select %gt3A_731, %slice3A_729, %select_n3A_707 : vector<256x128xi1>, vector<256x128xf32>
    %select_n3A_733 = arith.select %gt3A_730, %max3A_712, %select_n3A_732 : vector<256x128xi1>, vector<256x128xf32>
    %jit3A_734 = arith.constant 54 : i32
    %broadcast_in_dim3A_735 = vector.broadcast %jit3A_734 : i32 to vector<256x128xi32>
    %select_n3A_736 = arith.select %gt3A_731, %broadcast_in_dim3A_735, %select_n3A_711 : vector<256x128xi1>, vector<256x128xi32>
    %select_n3A_737 = arith.select %gt3A_730, %select_n3A_715, %select_n3A_736 : vector<256x128xi1>, vector<256x128xi32>
    %max3A_738 = arith.maximumf %slice3A_729, %max3A_712 : vector<256x128xf32>
    %jit3A_739 = arith.constant 54 : i32
    %broadcast_in_dim3A_740 = vector.broadcast %jit3A_739 : i32 to vector<256x128xi32>
    %select_n3A_741 = arith.select %gt3A_730, %broadcast_in_dim3A_740, %select_n3A_715 : vector<256x128xi1>, vector<256x128xi32>
    %slice3A_742 = vector.extract_strided_slice %select_n3A {offsets = [0, 7040], sizes = [256, 128], strides = [1, 1]} : vector<256x10240xf32> to vector<256x128xf32>
    %gt3A_743 = arith.cmpf ogt, %slice3A_742, %max3A_725 : vector<256x128xf32>
    %gt3A_744 = arith.cmpf ogt, %slice3A_742, %select_n3A_720 : vector<256x128xf32>
    %select_n3A_745 = arith.select %gt3A_744, %slice3A_742, %select_n3A_720 : vector<256x128xi1>, vector<256x128xf32>
    %select_n3A_746 = arith.select %gt3A_743, %max3A_725, %select_n3A_745 : vector<256x128xi1>, vector<256x128xf32>
    %jit3A_747 = arith.constant 55 : i32
    %broadcast_in_dim3A_748 = vector.broadcast %jit3A_747 : i32 to vector<256x128xi32>
    %select_n3A_749 = arith.select %gt3A_744, %broadcast_in_dim3A_748, %select_n3A_724 : vector<256x128xi1>, vector<256x128xi32>
    %select_n3A_750 = arith.select %gt3A_743, %select_n3A_728, %select_n3A_749 : vector<256x128xi1>, vector<256x128xi32>
    %max3A_751 = arith.maximumf %slice3A_742, %max3A_725 : vector<256x128xf32>
    %jit3A_752 = arith.constant 55 : i32
    %broadcast_in_dim3A_753 = vector.broadcast %jit3A_752 : i32 to vector<256x128xi32>
    %select_n3A_754 = arith.select %gt3A_743, %broadcast_in_dim3A_753, %select_n3A_728 : vector<256x128xi1>, vector<256x128xi32>
    %slice3A_755 = vector.extract_strided_slice %select_n3A {offsets = [0, 7168], sizes = [256, 128], strides = [1, 1]} : vector<256x10240xf32> to vector<256x128xf32>
    %gt3A_756 = arith.cmpf ogt, %slice3A_755, %max3A_738 : vector<256x128xf32>
    %gt3A_757 = arith.cmpf ogt, %slice3A_755, %select_n3A_733 : vector<256x128xf32>
    %select_n3A_758 = arith.select %gt3A_757, %slice3A_755, %select_n3A_733 : vector<256x128xi1>, vector<256x128xf32>
    %select_n3A_759 = arith.select %gt3A_756, %max3A_738, %select_n3A_758 : vector<256x128xi1>, vector<256x128xf32>
    %jit3A_760 = arith.constant 56 : i32
    %broadcast_in_dim3A_761 = vector.broadcast %jit3A_760 : i32 to vector<256x128xi32>
    %select_n3A_762 = arith.select %gt3A_757, %broadcast_in_dim3A_761, %select_n3A_737 : vector<256x128xi1>, vector<256x128xi32>
    %select_n3A_763 = arith.select %gt3A_756, %select_n3A_741, %select_n3A_762 : vector<256x128xi1>, vector<256x128xi32>
    %max3A_764 = arith.maximumf %slice3A_755, %max3A_738 : vector<256x128xf32>
    %jit3A_765 = arith.constant 56 : i32
    %broadcast_in_dim3A_766 = vector.broadcast %jit3A_765 : i32 to vector<256x128xi32>
    %select_n3A_767 = arith.select %gt3A_756, %broadcast_in_dim3A_766, %select_n3A_741 : vector<256x128xi1>, vector<256x128xi32>
    %slice3A_768 = vector.extract_strided_slice %select_n3A {offsets = [0, 7296], sizes = [256, 128], strides = [1, 1]} : vector<256x10240xf32> to vector<256x128xf32>
    %gt3A_769 = arith.cmpf ogt, %slice3A_768, %max3A_751 : vector<256x128xf32>
    %gt3A_770 = arith.cmpf ogt, %slice3A_768, %select_n3A_746 : vector<256x128xf32>
    %select_n3A_771 = arith.select %gt3A_770, %slice3A_768, %select_n3A_746 : vector<256x128xi1>, vector<256x128xf32>
    %select_n3A_772 = arith.select %gt3A_769, %max3A_751, %select_n3A_771 : vector<256x128xi1>, vector<256x128xf32>
    %jit3A_773 = arith.constant 57 : i32
    %broadcast_in_dim3A_774 = vector.broadcast %jit3A_773 : i32 to vector<256x128xi32>
    %select_n3A_775 = arith.select %gt3A_770, %broadcast_in_dim3A_774, %select_n3A_750 : vector<256x128xi1>, vector<256x128xi32>
    %select_n3A_776 = arith.select %gt3A_769, %select_n3A_754, %select_n3A_775 : vector<256x128xi1>, vector<256x128xi32>
    %max3A_777 = arith.maximumf %slice3A_768, %max3A_751 : vector<256x128xf32>
    %jit3A_778 = arith.constant 57 : i32
    %broadcast_in_dim3A_779 = vector.broadcast %jit3A_778 : i32 to vector<256x128xi32>
    %select_n3A_780 = arith.select %gt3A_769, %broadcast_in_dim3A_779, %select_n3A_754 : vector<256x128xi1>, vector<256x128xi32>
    %slice3A_781 = vector.extract_strided_slice %select_n3A {offsets = [0, 7424], sizes = [256, 128], strides = [1, 1]} : vector<256x10240xf32> to vector<256x128xf32>
    %gt3A_782 = arith.cmpf ogt, %slice3A_781, %max3A_764 : vector<256x128xf32>
    %gt3A_783 = arith.cmpf ogt, %slice3A_781, %select_n3A_759 : vector<256x128xf32>
    %select_n3A_784 = arith.select %gt3A_783, %slice3A_781, %select_n3A_759 : vector<256x128xi1>, vector<256x128xf32>
    %select_n3A_785 = arith.select %gt3A_782, %max3A_764, %select_n3A_784 : vector<256x128xi1>, vector<256x128xf32>
    %jit3A_786 = arith.constant 58 : i32
    %broadcast_in_dim3A_787 = vector.broadcast %jit3A_786 : i32 to vector<256x128xi32>
    %select_n3A_788 = arith.select %gt3A_783, %broadcast_in_dim3A_787, %select_n3A_763 : vector<256x128xi1>, vector<256x128xi32>
    %select_n3A_789 = arith.select %gt3A_782, %select_n3A_767, %select_n3A_788 : vector<256x128xi1>, vector<256x128xi32>
    %max3A_790 = arith.maximumf %slice3A_781, %max3A_764 : vector<256x128xf32>
    %jit3A_791 = arith.constant 58 : i32
    %broadcast_in_dim3A_792 = vector.broadcast %jit3A_791 : i32 to vector<256x128xi32>
    %select_n3A_793 = arith.select %gt3A_782, %broadcast_in_dim3A_792, %select_n3A_767 : vector<256x128xi1>, vector<256x128xi32>
    %slice3A_794 = vector.extract_strided_slice %select_n3A {offsets = [0, 7552], sizes = [256, 128], strides = [1, 1]} : vector<256x10240xf32> to vector<256x128xf32>
    %gt3A_795 = arith.cmpf ogt, %slice3A_794, %max3A_777 : vector<256x128xf32>
    %gt3A_796 = arith.cmpf ogt, %slice3A_794, %select_n3A_772 : vector<256x128xf32>
    %select_n3A_797 = arith.select %gt3A_796, %slice3A_794, %select_n3A_772 : vector<256x128xi1>, vector<256x128xf32>
    %select_n3A_798 = arith.select %gt3A_795, %max3A_777, %select_n3A_797 : vector<256x128xi1>, vector<256x128xf32>
    %jit3A_799 = arith.constant 59 : i32
    %broadcast_in_dim3A_800 = vector.broadcast %jit3A_799 : i32 to vector<256x128xi32>
    %select_n3A_801 = arith.select %gt3A_796, %broadcast_in_dim3A_800, %select_n3A_776 : vector<256x128xi1>, vector<256x128xi32>
    %select_n3A_802 = arith.select %gt3A_795, %select_n3A_780, %select_n3A_801 : vector<256x128xi1>, vector<256x128xi32>
    %max3A_803 = arith.maximumf %slice3A_794, %max3A_777 : vector<256x128xf32>
    %jit3A_804 = arith.constant 59 : i32
    %broadcast_in_dim3A_805 = vector.broadcast %jit3A_804 : i32 to vector<256x128xi32>
    %select_n3A_806 = arith.select %gt3A_795, %broadcast_in_dim3A_805, %select_n3A_780 : vector<256x128xi1>, vector<256x128xi32>
    %slice3A_807 = vector.extract_strided_slice %select_n3A {offsets = [0, 7680], sizes = [256, 128], strides = [1, 1]} : vector<256x10240xf32> to vector<256x128xf32>
    %gt3A_808 = arith.cmpf ogt, %slice3A_807, %max3A_790 : vector<256x128xf32>
    %gt3A_809 = arith.cmpf ogt, %slice3A_807, %select_n3A_785 : vector<256x128xf32>
    %select_n3A_810 = arith.select %gt3A_809, %slice3A_807, %select_n3A_785 : vector<256x128xi1>, vector<256x128xf32>
    %select_n3A_811 = arith.select %gt3A_808, %max3A_790, %select_n3A_810 : vector<256x128xi1>, vector<256x128xf32>
    %jit3A_812 = arith.constant 60 : i32
    %broadcast_in_dim3A_813 = vector.broadcast %jit3A_812 : i32 to vector<256x128xi32>
    %select_n3A_814 = arith.select %gt3A_809, %broadcast_in_dim3A_813, %select_n3A_789 : vector<256x128xi1>, vector<256x128xi32>
    %select_n3A_815 = arith.select %gt3A_808, %select_n3A_793, %select_n3A_814 : vector<256x128xi1>, vector<256x128xi32>
    %max3A_816 = arith.maximumf %slice3A_807, %max3A_790 : vector<256x128xf32>
    %jit3A_817 = arith.constant 60 : i32
    %broadcast_in_dim3A_818 = vector.broadcast %jit3A_817 : i32 to vector<256x128xi32>
    %select_n3A_819 = arith.select %gt3A_808, %broadcast_in_dim3A_818, %select_n3A_793 : vector<256x128xi1>, vector<256x128xi32>
    %slice3A_820 = vector.extract_strided_slice %select_n3A {offsets = [0, 7808], sizes = [256, 128], strides = [1, 1]} : vector<256x10240xf32> to vector<256x128xf32>
    %gt3A_821 = arith.cmpf ogt, %slice3A_820, %max3A_803 : vector<256x128xf32>
    %gt3A_822 = arith.cmpf ogt, %slice3A_820, %select_n3A_798 : vector<256x128xf32>
    %select_n3A_823 = arith.select %gt3A_822, %slice3A_820, %select_n3A_798 : vector<256x128xi1>, vector<256x128xf32>
    %select_n3A_824 = arith.select %gt3A_821, %max3A_803, %select_n3A_823 : vector<256x128xi1>, vector<256x128xf32>
    %jit3A_825 = arith.constant 61 : i32
    %broadcast_in_dim3A_826 = vector.broadcast %jit3A_825 : i32 to vector<256x128xi32>
    %select_n3A_827 = arith.select %gt3A_822, %broadcast_in_dim3A_826, %select_n3A_802 : vector<256x128xi1>, vector<256x128xi32>
    %select_n3A_828 = arith.select %gt3A_821, %select_n3A_806, %select_n3A_827 : vector<256x128xi1>, vector<256x128xi32>
    %max3A_829 = arith.maximumf %slice3A_820, %max3A_803 : vector<256x128xf32>
    %jit3A_830 = arith.constant 61 : i32
    %broadcast_in_dim3A_831 = vector.broadcast %jit3A_830 : i32 to vector<256x128xi32>
    %select_n3A_832 = arith.select %gt3A_821, %broadcast_in_dim3A_831, %select_n3A_806 : vector<256x128xi1>, vector<256x128xi32>
    %slice3A_833 = vector.extract_strided_slice %select_n3A {offsets = [0, 7936], sizes = [256, 128], strides = [1, 1]} : vector<256x10240xf32> to vector<256x128xf32>
    %gt3A_834 = arith.cmpf ogt, %slice3A_833, %max3A_816 : vector<256x128xf32>
    %gt3A_835 = arith.cmpf ogt, %slice3A_833, %select_n3A_811 : vector<256x128xf32>
    %select_n3A_836 = arith.select %gt3A_835, %slice3A_833, %select_n3A_811 : vector<256x128xi1>, vector<256x128xf32>
    %select_n3A_837 = arith.select %gt3A_834, %max3A_816, %select_n3A_836 : vector<256x128xi1>, vector<256x128xf32>
    %jit3A_838 = arith.constant 62 : i32
    %broadcast_in_dim3A_839 = vector.broadcast %jit3A_838 : i32 to vector<256x128xi32>
    %select_n3A_840 = arith.select %gt3A_835, %broadcast_in_dim3A_839, %select_n3A_815 : vector<256x128xi1>, vector<256x128xi32>
    %select_n3A_841 = arith.select %gt3A_834, %select_n3A_819, %select_n3A_840 : vector<256x128xi1>, vector<256x128xi32>
    %max3A_842 = arith.maximumf %slice3A_833, %max3A_816 : vector<256x128xf32>
    %jit3A_843 = arith.constant 62 : i32
    %broadcast_in_dim3A_844 = vector.broadcast %jit3A_843 : i32 to vector<256x128xi32>
    %select_n3A_845 = arith.select %gt3A_834, %broadcast_in_dim3A_844, %select_n3A_819 : vector<256x128xi1>, vector<256x128xi32>
    %slice3A_846 = vector.extract_strided_slice %select_n3A {offsets = [0, 8064], sizes = [256, 128], strides = [1, 1]} : vector<256x10240xf32> to vector<256x128xf32>
    %gt3A_847 = arith.cmpf ogt, %slice3A_846, %max3A_829 : vector<256x128xf32>
    %gt3A_848 = arith.cmpf ogt, %slice3A_846, %select_n3A_824 : vector<256x128xf32>
    %select_n3A_849 = arith.select %gt3A_848, %slice3A_846, %select_n3A_824 : vector<256x128xi1>, vector<256x128xf32>
    %select_n3A_850 = arith.select %gt3A_847, %max3A_829, %select_n3A_849 : vector<256x128xi1>, vector<256x128xf32>
    %jit3A_851 = arith.constant 63 : i32
    %broadcast_in_dim3A_852 = vector.broadcast %jit3A_851 : i32 to vector<256x128xi32>
    %select_n3A_853 = arith.select %gt3A_848, %broadcast_in_dim3A_852, %select_n3A_828 : vector<256x128xi1>, vector<256x128xi32>
    %select_n3A_854 = arith.select %gt3A_847, %select_n3A_832, %select_n3A_853 : vector<256x128xi1>, vector<256x128xi32>
    %max3A_855 = arith.maximumf %slice3A_846, %max3A_829 : vector<256x128xf32>
    %jit3A_856 = arith.constant 63 : i32
    %broadcast_in_dim3A_857 = vector.broadcast %jit3A_856 : i32 to vector<256x128xi32>
    %select_n3A_858 = arith.select %gt3A_847, %broadcast_in_dim3A_857, %select_n3A_832 : vector<256x128xi1>, vector<256x128xi32>
    %slice3A_859 = vector.extract_strided_slice %select_n3A {offsets = [0, 8192], sizes = [256, 128], strides = [1, 1]} : vector<256x10240xf32> to vector<256x128xf32>
    %gt3A_860 = arith.cmpf ogt, %slice3A_859, %max3A_842 : vector<256x128xf32>
    %gt3A_861 = arith.cmpf ogt, %slice3A_859, %select_n3A_837 : vector<256x128xf32>
    %select_n3A_862 = arith.select %gt3A_861, %slice3A_859, %select_n3A_837 : vector<256x128xi1>, vector<256x128xf32>
    %select_n3A_863 = arith.select %gt3A_860, %max3A_842, %select_n3A_862 : vector<256x128xi1>, vector<256x128xf32>
    %jit3A_864 = arith.constant 64 : i32
    %broadcast_in_dim3A_865 = vector.broadcast %jit3A_864 : i32 to vector<256x128xi32>
    %select_n3A_866 = arith.select %gt3A_861, %broadcast_in_dim3A_865, %select_n3A_841 : vector<256x128xi1>, vector<256x128xi32>
    %select_n3A_867 = arith.select %gt3A_860, %select_n3A_845, %select_n3A_866 : vector<256x128xi1>, vector<256x128xi32>
    %max3A_868 = arith.maximumf %slice3A_859, %max3A_842 : vector<256x128xf32>
    %jit3A_869 = arith.constant 64 : i32
    %broadcast_in_dim3A_870 = vector.broadcast %jit3A_869 : i32 to vector<256x128xi32>
    %select_n3A_871 = arith.select %gt3A_860, %broadcast_in_dim3A_870, %select_n3A_845 : vector<256x128xi1>, vector<256x128xi32>
    %slice3A_872 = vector.extract_strided_slice %select_n3A {offsets = [0, 8320], sizes = [256, 128], strides = [1, 1]} : vector<256x10240xf32> to vector<256x128xf32>
    %gt3A_873 = arith.cmpf ogt, %slice3A_872, %max3A_855 : vector<256x128xf32>
    %gt3A_874 = arith.cmpf ogt, %slice3A_872, %select_n3A_850 : vector<256x128xf32>
    %select_n3A_875 = arith.select %gt3A_874, %slice3A_872, %select_n3A_850 : vector<256x128xi1>, vector<256x128xf32>
    %select_n3A_876 = arith.select %gt3A_873, %max3A_855, %select_n3A_875 : vector<256x128xi1>, vector<256x128xf32>
    %jit3A_877 = arith.constant 65 : i32
    %broadcast_in_dim3A_878 = vector.broadcast %jit3A_877 : i32 to vector<256x128xi32>
    %select_n3A_879 = arith.select %gt3A_874, %broadcast_in_dim3A_878, %select_n3A_854 : vector<256x128xi1>, vector<256x128xi32>
    %select_n3A_880 = arith.select %gt3A_873, %select_n3A_858, %select_n3A_879 : vector<256x128xi1>, vector<256x128xi32>
    %max3A_881 = arith.maximumf %slice3A_872, %max3A_855 : vector<256x128xf32>
    %jit3A_882 = arith.constant 65 : i32
    %broadcast_in_dim3A_883 = vector.broadcast %jit3A_882 : i32 to vector<256x128xi32>
    %select_n3A_884 = arith.select %gt3A_873, %broadcast_in_dim3A_883, %select_n3A_858 : vector<256x128xi1>, vector<256x128xi32>
    %slice3A_885 = vector.extract_strided_slice %select_n3A {offsets = [0, 8448], sizes = [256, 128], strides = [1, 1]} : vector<256x10240xf32> to vector<256x128xf32>
    %gt3A_886 = arith.cmpf ogt, %slice3A_885, %max3A_868 : vector<256x128xf32>
    %gt3A_887 = arith.cmpf ogt, %slice3A_885, %select_n3A_863 : vector<256x128xf32>
    %select_n3A_888 = arith.select %gt3A_887, %slice3A_885, %select_n3A_863 : vector<256x128xi1>, vector<256x128xf32>
    %select_n3A_889 = arith.select %gt3A_886, %max3A_868, %select_n3A_888 : vector<256x128xi1>, vector<256x128xf32>
    %jit3A_890 = arith.constant 66 : i32
    %broadcast_in_dim3A_891 = vector.broadcast %jit3A_890 : i32 to vector<256x128xi32>
    %select_n3A_892 = arith.select %gt3A_887, %broadcast_in_dim3A_891, %select_n3A_867 : vector<256x128xi1>, vector<256x128xi32>
    %select_n3A_893 = arith.select %gt3A_886, %select_n3A_871, %select_n3A_892 : vector<256x128xi1>, vector<256x128xi32>
    %max3A_894 = arith.maximumf %slice3A_885, %max3A_868 : vector<256x128xf32>
    %jit3A_895 = arith.constant 66 : i32
    %broadcast_in_dim3A_896 = vector.broadcast %jit3A_895 : i32 to vector<256x128xi32>
    %select_n3A_897 = arith.select %gt3A_886, %broadcast_in_dim3A_896, %select_n3A_871 : vector<256x128xi1>, vector<256x128xi32>
    %slice3A_898 = vector.extract_strided_slice %select_n3A {offsets = [0, 8576], sizes = [256, 128], strides = [1, 1]} : vector<256x10240xf32> to vector<256x128xf32>
    %gt3A_899 = arith.cmpf ogt, %slice3A_898, %max3A_881 : vector<256x128xf32>
    %gt3A_900 = arith.cmpf ogt, %slice3A_898, %select_n3A_876 : vector<256x128xf32>
    %select_n3A_901 = arith.select %gt3A_900, %slice3A_898, %select_n3A_876 : vector<256x128xi1>, vector<256x128xf32>
    %select_n3A_902 = arith.select %gt3A_899, %max3A_881, %select_n3A_901 : vector<256x128xi1>, vector<256x128xf32>
    %jit3A_903 = arith.constant 67 : i32
    %broadcast_in_dim3A_904 = vector.broadcast %jit3A_903 : i32 to vector<256x128xi32>
    %select_n3A_905 = arith.select %gt3A_900, %broadcast_in_dim3A_904, %select_n3A_880 : vector<256x128xi1>, vector<256x128xi32>
    %select_n3A_906 = arith.select %gt3A_899, %select_n3A_884, %select_n3A_905 : vector<256x128xi1>, vector<256x128xi32>
    %max3A_907 = arith.maximumf %slice3A_898, %max3A_881 : vector<256x128xf32>
    %jit3A_908 = arith.constant 67 : i32
    %broadcast_in_dim3A_909 = vector.broadcast %jit3A_908 : i32 to vector<256x128xi32>
    %select_n3A_910 = arith.select %gt3A_899, %broadcast_in_dim3A_909, %select_n3A_884 : vector<256x128xi1>, vector<256x128xi32>
    %slice3A_911 = vector.extract_strided_slice %select_n3A {offsets = [0, 8704], sizes = [256, 128], strides = [1, 1]} : vector<256x10240xf32> to vector<256x128xf32>
    %gt3A_912 = arith.cmpf ogt, %slice3A_911, %max3A_894 : vector<256x128xf32>
    %gt3A_913 = arith.cmpf ogt, %slice3A_911, %select_n3A_889 : vector<256x128xf32>
    %select_n3A_914 = arith.select %gt3A_913, %slice3A_911, %select_n3A_889 : vector<256x128xi1>, vector<256x128xf32>
    %select_n3A_915 = arith.select %gt3A_912, %max3A_894, %select_n3A_914 : vector<256x128xi1>, vector<256x128xf32>
    %jit3A_916 = arith.constant 68 : i32
    %broadcast_in_dim3A_917 = vector.broadcast %jit3A_916 : i32 to vector<256x128xi32>
    %select_n3A_918 = arith.select %gt3A_913, %broadcast_in_dim3A_917, %select_n3A_893 : vector<256x128xi1>, vector<256x128xi32>
    %select_n3A_919 = arith.select %gt3A_912, %select_n3A_897, %select_n3A_918 : vector<256x128xi1>, vector<256x128xi32>
    %max3A_920 = arith.maximumf %slice3A_911, %max3A_894 : vector<256x128xf32>
    %jit3A_921 = arith.constant 68 : i32
    %broadcast_in_dim3A_922 = vector.broadcast %jit3A_921 : i32 to vector<256x128xi32>
    %select_n3A_923 = arith.select %gt3A_912, %broadcast_in_dim3A_922, %select_n3A_897 : vector<256x128xi1>, vector<256x128xi32>
    %slice3A_924 = vector.extract_strided_slice %select_n3A {offsets = [0, 8832], sizes = [256, 128], strides = [1, 1]} : vector<256x10240xf32> to vector<256x128xf32>
    %gt3A_925 = arith.cmpf ogt, %slice3A_924, %max3A_907 : vector<256x128xf32>
    %gt3A_926 = arith.cmpf ogt, %slice3A_924, %select_n3A_902 : vector<256x128xf32>
    %select_n3A_927 = arith.select %gt3A_926, %slice3A_924, %select_n3A_902 : vector<256x128xi1>, vector<256x128xf32>
    %select_n3A_928 = arith.select %gt3A_925, %max3A_907, %select_n3A_927 : vector<256x128xi1>, vector<256x128xf32>
    %jit3A_929 = arith.constant 69 : i32
    %broadcast_in_dim3A_930 = vector.broadcast %jit3A_929 : i32 to vector<256x128xi32>
    %select_n3A_931 = arith.select %gt3A_926, %broadcast_in_dim3A_930, %select_n3A_906 : vector<256x128xi1>, vector<256x128xi32>
    %select_n3A_932 = arith.select %gt3A_925, %select_n3A_910, %select_n3A_931 : vector<256x128xi1>, vector<256x128xi32>
    %max3A_933 = arith.maximumf %slice3A_924, %max3A_907 : vector<256x128xf32>
    %jit3A_934 = arith.constant 69 : i32
    %broadcast_in_dim3A_935 = vector.broadcast %jit3A_934 : i32 to vector<256x128xi32>
    %select_n3A_936 = arith.select %gt3A_925, %broadcast_in_dim3A_935, %select_n3A_910 : vector<256x128xi1>, vector<256x128xi32>
    %slice3A_937 = vector.extract_strided_slice %select_n3A {offsets = [0, 8960], sizes = [256, 128], strides = [1, 1]} : vector<256x10240xf32> to vector<256x128xf32>
    %gt3A_938 = arith.cmpf ogt, %slice3A_937, %max3A_920 : vector<256x128xf32>
    %gt3A_939 = arith.cmpf ogt, %slice3A_937, %select_n3A_915 : vector<256x128xf32>
    %select_n3A_940 = arith.select %gt3A_939, %slice3A_937, %select_n3A_915 : vector<256x128xi1>, vector<256x128xf32>
    %select_n3A_941 = arith.select %gt3A_938, %max3A_920, %select_n3A_940 : vector<256x128xi1>, vector<256x128xf32>
    %jit3A_942 = arith.constant 70 : i32
    %broadcast_in_dim3A_943 = vector.broadcast %jit3A_942 : i32 to vector<256x128xi32>
    %select_n3A_944 = arith.select %gt3A_939, %broadcast_in_dim3A_943, %select_n3A_919 : vector<256x128xi1>, vector<256x128xi32>
    %select_n3A_945 = arith.select %gt3A_938, %select_n3A_923, %select_n3A_944 : vector<256x128xi1>, vector<256x128xi32>
    %max3A_946 = arith.maximumf %slice3A_937, %max3A_920 : vector<256x128xf32>
    %jit3A_947 = arith.constant 70 : i32
    %broadcast_in_dim3A_948 = vector.broadcast %jit3A_947 : i32 to vector<256x128xi32>
    %select_n3A_949 = arith.select %gt3A_938, %broadcast_in_dim3A_948, %select_n3A_923 : vector<256x128xi1>, vector<256x128xi32>
    %slice3A_950 = vector.extract_strided_slice %select_n3A {offsets = [0, 9088], sizes = [256, 128], strides = [1, 1]} : vector<256x10240xf32> to vector<256x128xf32>
    %gt3A_951 = arith.cmpf ogt, %slice3A_950, %max3A_933 : vector<256x128xf32>
    %gt3A_952 = arith.cmpf ogt, %slice3A_950, %select_n3A_928 : vector<256x128xf32>
    %select_n3A_953 = arith.select %gt3A_952, %slice3A_950, %select_n3A_928 : vector<256x128xi1>, vector<256x128xf32>
    %select_n3A_954 = arith.select %gt3A_951, %max3A_933, %select_n3A_953 : vector<256x128xi1>, vector<256x128xf32>
    %jit3A_955 = arith.constant 71 : i32
    %broadcast_in_dim3A_956 = vector.broadcast %jit3A_955 : i32 to vector<256x128xi32>
    %select_n3A_957 = arith.select %gt3A_952, %broadcast_in_dim3A_956, %select_n3A_932 : vector<256x128xi1>, vector<256x128xi32>
    %select_n3A_958 = arith.select %gt3A_951, %select_n3A_936, %select_n3A_957 : vector<256x128xi1>, vector<256x128xi32>
    %max3A_959 = arith.maximumf %slice3A_950, %max3A_933 : vector<256x128xf32>
    %jit3A_960 = arith.constant 71 : i32
    %broadcast_in_dim3A_961 = vector.broadcast %jit3A_960 : i32 to vector<256x128xi32>
    %select_n3A_962 = arith.select %gt3A_951, %broadcast_in_dim3A_961, %select_n3A_936 : vector<256x128xi1>, vector<256x128xi32>
    %slice3A_963 = vector.extract_strided_slice %select_n3A {offsets = [0, 9216], sizes = [256, 128], strides = [1, 1]} : vector<256x10240xf32> to vector<256x128xf32>
    %gt3A_964 = arith.cmpf ogt, %slice3A_963, %max3A_946 : vector<256x128xf32>
    %gt3A_965 = arith.cmpf ogt, %slice3A_963, %select_n3A_941 : vector<256x128xf32>
    %select_n3A_966 = arith.select %gt3A_965, %slice3A_963, %select_n3A_941 : vector<256x128xi1>, vector<256x128xf32>
    %select_n3A_967 = arith.select %gt3A_964, %max3A_946, %select_n3A_966 : vector<256x128xi1>, vector<256x128xf32>
    %jit3A_968 = arith.constant 72 : i32
    %broadcast_in_dim3A_969 = vector.broadcast %jit3A_968 : i32 to vector<256x128xi32>
    %select_n3A_970 = arith.select %gt3A_965, %broadcast_in_dim3A_969, %select_n3A_945 : vector<256x128xi1>, vector<256x128xi32>
    %select_n3A_971 = arith.select %gt3A_964, %select_n3A_949, %select_n3A_970 : vector<256x128xi1>, vector<256x128xi32>
    %max3A_972 = arith.maximumf %slice3A_963, %max3A_946 : vector<256x128xf32>
    %jit3A_973 = arith.constant 72 : i32
    %broadcast_in_dim3A_974 = vector.broadcast %jit3A_973 : i32 to vector<256x128xi32>
    %select_n3A_975 = arith.select %gt3A_964, %broadcast_in_dim3A_974, %select_n3A_949 : vector<256x128xi1>, vector<256x128xi32>
    %slice3A_976 = vector.extract_strided_slice %select_n3A {offsets = [0, 9344], sizes = [256, 128], strides = [1, 1]} : vector<256x10240xf32> to vector<256x128xf32>
    %gt3A_977 = arith.cmpf ogt, %slice3A_976, %max3A_959 : vector<256x128xf32>
    %gt3A_978 = arith.cmpf ogt, %slice3A_976, %select_n3A_954 : vector<256x128xf32>
    %select_n3A_979 = arith.select %gt3A_978, %slice3A_976, %select_n3A_954 : vector<256x128xi1>, vector<256x128xf32>
    %select_n3A_980 = arith.select %gt3A_977, %max3A_959, %select_n3A_979 : vector<256x128xi1>, vector<256x128xf32>
    %jit3A_981 = arith.constant 73 : i32
    %broadcast_in_dim3A_982 = vector.broadcast %jit3A_981 : i32 to vector<256x128xi32>
    %select_n3A_983 = arith.select %gt3A_978, %broadcast_in_dim3A_982, %select_n3A_958 : vector<256x128xi1>, vector<256x128xi32>
    %select_n3A_984 = arith.select %gt3A_977, %select_n3A_962, %select_n3A_983 : vector<256x128xi1>, vector<256x128xi32>
    %max3A_985 = arith.maximumf %slice3A_976, %max3A_959 : vector<256x128xf32>
    %jit3A_986 = arith.constant 73 : i32
    %broadcast_in_dim3A_987 = vector.broadcast %jit3A_986 : i32 to vector<256x128xi32>
    %select_n3A_988 = arith.select %gt3A_977, %broadcast_in_dim3A_987, %select_n3A_962 : vector<256x128xi1>, vector<256x128xi32>
    %slice3A_989 = vector.extract_strided_slice %select_n3A {offsets = [0, 9472], sizes = [256, 128], strides = [1, 1]} : vector<256x10240xf32> to vector<256x128xf32>
    %gt3A_990 = arith.cmpf ogt, %slice3A_989, %max3A_972 : vector<256x128xf32>
    %gt3A_991 = arith.cmpf ogt, %slice3A_989, %select_n3A_967 : vector<256x128xf32>
    %select_n3A_992 = arith.select %gt3A_991, %slice3A_989, %select_n3A_967 : vector<256x128xi1>, vector<256x128xf32>
    %select_n3A_993 = arith.select %gt3A_990, %max3A_972, %select_n3A_992 : vector<256x128xi1>, vector<256x128xf32>
    %jit3A_994 = arith.constant 74 : i32
    %broadcast_in_dim3A_995 = vector.broadcast %jit3A_994 : i32 to vector<256x128xi32>
    %select_n3A_996 = arith.select %gt3A_991, %broadcast_in_dim3A_995, %select_n3A_971 : vector<256x128xi1>, vector<256x128xi32>
    %select_n3A_997 = arith.select %gt3A_990, %select_n3A_975, %select_n3A_996 : vector<256x128xi1>, vector<256x128xi32>
    %max3A_998 = arith.maximumf %slice3A_989, %max3A_972 : vector<256x128xf32>
    %jit3A_999 = arith.constant 74 : i32
    %broadcast_in_dim3A_1000 = vector.broadcast %jit3A_999 : i32 to vector<256x128xi32>
    %select_n3A_1001 = arith.select %gt3A_990, %broadcast_in_dim3A_1000, %select_n3A_975 : vector<256x128xi1>, vector<256x128xi32>
    %slice3A_1002 = vector.extract_strided_slice %select_n3A {offsets = [0, 9600], sizes = [256, 128], strides = [1, 1]} : vector<256x10240xf32> to vector<256x128xf32>
    %gt3A_1003 = arith.cmpf ogt, %slice3A_1002, %max3A_985 : vector<256x128xf32>
    %gt3A_1004 = arith.cmpf ogt, %slice3A_1002, %select_n3A_980 : vector<256x128xf32>
    %select_n3A_1005 = arith.select %gt3A_1004, %slice3A_1002, %select_n3A_980 : vector<256x128xi1>, vector<256x128xf32>
    %select_n3A_1006 = arith.select %gt3A_1003, %max3A_985, %select_n3A_1005 : vector<256x128xi1>, vector<256x128xf32>
    %jit3A_1007 = arith.constant 75 : i32
    %broadcast_in_dim3A_1008 = vector.broadcast %jit3A_1007 : i32 to vector<256x128xi32>
    %select_n3A_1009 = arith.select %gt3A_1004, %broadcast_in_dim3A_1008, %select_n3A_984 : vector<256x128xi1>, vector<256x128xi32>
    %select_n3A_1010 = arith.select %gt3A_1003, %select_n3A_988, %select_n3A_1009 : vector<256x128xi1>, vector<256x128xi32>
    %max3A_1011 = arith.maximumf %slice3A_1002, %max3A_985 : vector<256x128xf32>
    %jit3A_1012 = arith.constant 75 : i32
    %broadcast_in_dim3A_1013 = vector.broadcast %jit3A_1012 : i32 to vector<256x128xi32>
    %select_n3A_1014 = arith.select %gt3A_1003, %broadcast_in_dim3A_1013, %select_n3A_988 : vector<256x128xi1>, vector<256x128xi32>
    %slice3A_1015 = vector.extract_strided_slice %select_n3A {offsets = [0, 9728], sizes = [256, 128], strides = [1, 1]} : vector<256x10240xf32> to vector<256x128xf32>
    %gt3A_1016 = arith.cmpf ogt, %slice3A_1015, %max3A_998 : vector<256x128xf32>
    %gt3A_1017 = arith.cmpf ogt, %slice3A_1015, %select_n3A_993 : vector<256x128xf32>
    %select_n3A_1018 = arith.select %gt3A_1017, %slice3A_1015, %select_n3A_993 : vector<256x128xi1>, vector<256x128xf32>
    %select_n3A_1019 = arith.select %gt3A_1016, %max3A_998, %select_n3A_1018 : vector<256x128xi1>, vector<256x128xf32>
    %jit3A_1020 = arith.constant 76 : i32
    %broadcast_in_dim3A_1021 = vector.broadcast %jit3A_1020 : i32 to vector<256x128xi32>
    %select_n3A_1022 = arith.select %gt3A_1017, %broadcast_in_dim3A_1021, %select_n3A_997 : vector<256x128xi1>, vector<256x128xi32>
    %select_n3A_1023 = arith.select %gt3A_1016, %select_n3A_1001, %select_n3A_1022 : vector<256x128xi1>, vector<256x128xi32>
    %max3A_1024 = arith.maximumf %slice3A_1015, %max3A_998 : vector<256x128xf32>
    %jit3A_1025 = arith.constant 76 : i32
    %broadcast_in_dim3A_1026 = vector.broadcast %jit3A_1025 : i32 to vector<256x128xi32>
    %select_n3A_1027 = arith.select %gt3A_1016, %broadcast_in_dim3A_1026, %select_n3A_1001 : vector<256x128xi1>, vector<256x128xi32>
    %slice3A_1028 = vector.extract_strided_slice %select_n3A {offsets = [0, 9856], sizes = [256, 128], strides = [1, 1]} : vector<256x10240xf32> to vector<256x128xf32>
    %gt3A_1029 = arith.cmpf ogt, %slice3A_1028, %max3A_1011 : vector<256x128xf32>
    %gt3A_1030 = arith.cmpf ogt, %slice3A_1028, %select_n3A_1006 : vector<256x128xf32>
    %select_n3A_1031 = arith.select %gt3A_1030, %slice3A_1028, %select_n3A_1006 : vector<256x128xi1>, vector<256x128xf32>
    %select_n3A_1032 = arith.select %gt3A_1029, %max3A_1011, %select_n3A_1031 : vector<256x128xi1>, vector<256x128xf32>
    %jit3A_1033 = arith.constant 77 : i32
    %broadcast_in_dim3A_1034 = vector.broadcast %jit3A_1033 : i32 to vector<256x128xi32>
    %select_n3A_1035 = arith.select %gt3A_1030, %broadcast_in_dim3A_1034, %select_n3A_1010 : vector<256x128xi1>, vector<256x128xi32>
    %select_n3A_1036 = arith.select %gt3A_1029, %select_n3A_1014, %select_n3A_1035 : vector<256x128xi1>, vector<256x128xi32>
    %max3A_1037 = arith.maximumf %slice3A_1028, %max3A_1011 : vector<256x128xf32>
    %jit3A_1038 = arith.constant 77 : i32
    %broadcast_in_dim3A_1039 = vector.broadcast %jit3A_1038 : i32 to vector<256x128xi32>
    %select_n3A_1040 = arith.select %gt3A_1029, %broadcast_in_dim3A_1039, %select_n3A_1014 : vector<256x128xi1>, vector<256x128xi32>
    %slice3A_1041 = vector.extract_strided_slice %select_n3A {offsets = [0, 9984], sizes = [256, 128], strides = [1, 1]} : vector<256x10240xf32> to vector<256x128xf32>
    %gt3A_1042 = arith.cmpf ogt, %slice3A_1041, %max3A_1024 : vector<256x128xf32>
    %gt3A_1043 = arith.cmpf ogt, %slice3A_1041, %select_n3A_1019 : vector<256x128xf32>
    %select_n3A_1044 = arith.select %gt3A_1043, %slice3A_1041, %select_n3A_1019 : vector<256x128xi1>, vector<256x128xf32>
    %select_n3A_1045 = arith.select %gt3A_1042, %max3A_1024, %select_n3A_1044 : vector<256x128xi1>, vector<256x128xf32>
    %jit3A_1046 = arith.constant 78 : i32
    %broadcast_in_dim3A_1047 = vector.broadcast %jit3A_1046 : i32 to vector<256x128xi32>
    %select_n3A_1048 = arith.select %gt3A_1043, %broadcast_in_dim3A_1047, %select_n3A_1023 : vector<256x128xi1>, vector<256x128xi32>
    %select_n3A_1049 = arith.select %gt3A_1042, %select_n3A_1027, %select_n3A_1048 : vector<256x128xi1>, vector<256x128xi32>
    %max3A_1050 = arith.maximumf %slice3A_1041, %max3A_1024 : vector<256x128xf32>
    %jit3A_1051 = arith.constant 78 : i32
    %broadcast_in_dim3A_1052 = vector.broadcast %jit3A_1051 : i32 to vector<256x128xi32>
    %select_n3A_1053 = arith.select %gt3A_1042, %broadcast_in_dim3A_1052, %select_n3A_1027 : vector<256x128xi1>, vector<256x128xi32>
    %slice3A_1054 = vector.extract_strided_slice %select_n3A {offsets = [0, 10112], sizes = [256, 128], strides = [1, 1]} : vector<256x10240xf32> to vector<256x128xf32>
    %gt3A_1055 = arith.cmpf ogt, %slice3A_1054, %max3A_1037 : vector<256x128xf32>
    %gt3A_1056 = arith.cmpf ogt, %slice3A_1054, %select_n3A_1032 : vector<256x128xf32>
    %select_n3A_1057 = arith.select %gt3A_1056, %slice3A_1054, %select_n3A_1032 : vector<256x128xi1>, vector<256x128xf32>
    %select_n3A_1058 = arith.select %gt3A_1055, %max3A_1037, %select_n3A_1057 : vector<256x128xi1>, vector<256x128xf32>
    %jit3A_1059 = arith.constant 79 : i32
    %broadcast_in_dim3A_1060 = vector.broadcast %jit3A_1059 : i32 to vector<256x128xi32>
    %select_n3A_1061 = arith.select %gt3A_1056, %broadcast_in_dim3A_1060, %select_n3A_1036 : vector<256x128xi1>, vector<256x128xi32>
    %select_n3A_1062 = arith.select %gt3A_1055, %select_n3A_1040, %select_n3A_1061 : vector<256x128xi1>, vector<256x128xi32>
    %max3A_1063 = arith.maximumf %slice3A_1054, %max3A_1037 : vector<256x128xf32>
    %jit3A_1064 = arith.constant 79 : i32
    %broadcast_in_dim3A_1065 = vector.broadcast %jit3A_1064 : i32 to vector<256x128xi32>
    %select_n3A_1066 = arith.select %gt3A_1055, %broadcast_in_dim3A_1065, %select_n3A_1040 : vector<256x128xi1>, vector<256x128xi32>
    %iota3A_1067 = tpu.iota {dimensions = array<i32: 1>} : vector<256x128xi32>
    %concatenate3A = tpu.concatenate %max3A_1050, %max3A_1063, %select_n3A_1045, %select_n3A_1058 in 1 : vector<256x128xf32>, vector<256x128xf32>, vector<256x128xf32>, vector<256x128xf32> -> vector<256x512xf32>
    %mul3A_1068 = arith.constant 128 : i32
    %mul3A_1069 = vector.broadcast %mul3A_1068 : i32 to vector<256x128xi32>
    %mul3A_1070 = arith.muli %select_n3A_1053, %mul3A_1069 : vector<256x128xi32>
    %add3A_1071 = arith.addi %mul3A_1070, %iota3A_1067 : vector<256x128xi32>
    %mul3A_1072 = arith.constant 128 : i32
    %mul3A_1073 = vector.broadcast %mul3A_1072 : i32 to vector<256x128xi32>
    %mul3A_1074 = arith.muli %select_n3A_1066, %mul3A_1073 : vector<256x128xi32>
    %add3A_1075 = arith.addi %mul3A_1074, %iota3A_1067 : vector<256x128xi32>
    %mul3A_1076 = arith.constant 128 : i32
    %mul3A_1077 = vector.broadcast %mul3A_1076 : i32 to vector<256x128xi32>
    %mul3A_1078 = arith.muli %select_n3A_1049, %mul3A_1077 : vector<256x128xi32>
    %add3A_1079 = arith.addi %mul3A_1078, %iota3A_1067 : vector<256x128xi32>
    %mul3A_1080 = arith.constant 128 : i32
    %mul3A_1081 = vector.broadcast %mul3A_1080 : i32 to vector<256x128xi32>
    %mul3A_1082 = arith.muli %select_n3A_1062, %mul3A_1081 : vector<256x128xi32>
    %add3A_1083 = arith.addi %mul3A_1082, %iota3A_1067 : vector<256x128xi32>
    %concatenate3A_1084 = tpu.concatenate %add3A_1071, %add3A_1075, %add3A_1079, %add3A_1083 in 1 : vector<256x128xi32>, vector<256x128xi32>, vector<256x128xi32>, vector<256x128xi32> -> vector<256x512xi32>
    %reduce_max3A = arith.constant dense<0xFF800000> : vector<256xf32>
    %reduce_max3A_1085 = vector.multi_reduction <maximumf>, %concatenate3A, %reduce_max3A [1] : vector<256x512xf32> to vector<256xf32>
    %broadcast_in_dim3A_1086 = vector.shape_cast %reduce_max3A_1085 : vector<256xf32> to vector<256x1xf32>
    %eq3A_1087 = vector.broadcast %broadcast_in_dim3A_1086 : vector<256x1xf32> to vector<256x512xf32>
    %eq3A_1088 = arith.cmpf oeq, %concatenate3A, %eq3A_1087 : vector<256x512xf32>
    %jit3A_1089 = arith.constant 10240 : i32
    %broadcast_in_dim3A_1090 = vector.broadcast %jit3A_1089 : i32 to vector<256x512xi32>
    %select_n3A_1091 = arith.select %eq3A_1088, %concatenate3A_1084, %broadcast_in_dim3A_1090 : vector<256x512xi1>, vector<256x512xi32>
    %reduce_min3A = arith.constant dense<2147483647> : vector<256xi32>
    %reduce_min3A_1092 = vector.multi_reduction <minsi>, %select_n3A_1091, %reduce_min3A [1] : vector<256x512xi32> to vector<256xi32>
    %broadcast_in_dim3A_1093 = vector.shape_cast %reduce_min3A_1092 : vector<256xi32> to vector<256x1xi32>
    %eq3A_1094 = vector.broadcast %broadcast_in_dim3A_1093 : vector<256x1xi32> to vector<256x512xi32>
    %eq3A_1095 = arith.cmpi eq, %concatenate3A_1084, %eq3A_1094 : vector<256x512xi32>
    %jit3A_1096 = arith.constant 0xFF800000 : f32
    %broadcast_in_dim3A_1097 = vector.broadcast %jit3A_1096 : f32 to vector<256x512xf32>
    %select_n3A_1098 = arith.select %eq3A_1095, %broadcast_in_dim3A_1097, %concatenate3A : vector<256x512xi1>, vector<256x512xf32>
    %reduce_max3A_1099 = arith.constant dense<0xFF800000> : vector<256xf32>
    %reduce_max3A_1100 = vector.multi_reduction <maximumf>, %select_n3A_1098, %reduce_max3A_1099 [1] : vector<256x512xf32> to vector<256xf32>
    %broadcast_in_dim3A_1101 = vector.shape_cast %reduce_max3A_1100 : vector<256xf32> to vector<256x1xf32>
    %eq3A_1102 = vector.broadcast %broadcast_in_dim3A_1101 : vector<256x1xf32> to vector<256x512xf32>
    %eq3A_1103 = arith.cmpf oeq, %select_n3A_1098, %eq3A_1102 : vector<256x512xf32>
    %jit3A_1104 = arith.constant 10240 : i32
    %broadcast_in_dim3A_1105 = vector.broadcast %jit3A_1104 : i32 to vector<256x512xi32>
    %select_n3A_1106 = arith.select %eq3A_1103, %concatenate3A_1084, %broadcast_in_dim3A_1105 : vector<256x512xi1>, vector<256x512xi32>
    %reduce_min3A_1107 = arith.constant dense<2147483647> : vector<256xi32>
    %reduce_min3A_1108 = vector.multi_reduction <minsi>, %select_n3A_1106, %reduce_min3A_1107 [1] : vector<256x512xi32> to vector<256xi32>
    %broadcast_in_dim3A_1109 = vector.shape_cast %reduce_min3A_1108 : vector<256xi32> to vector<256x1xi32>
    %eq3A_1110 = vector.broadcast %broadcast_in_dim3A_1109 : vector<256x1xi32> to vector<256x512xi32>
    %eq3A_1111 = arith.cmpi eq, %concatenate3A_1084, %eq3A_1110 : vector<256x512xi32>
    %jit3A_1112 = arith.constant 0xFF800000 : f32
    %broadcast_in_dim3A_1113 = vector.broadcast %jit3A_1112 : f32 to vector<256x512xf32>
    %select_n3A_1114 = arith.select %eq3A_1111, %broadcast_in_dim3A_1113, %select_n3A_1098 : vector<256x512xi1>, vector<256x512xf32>
    %reduce_max3A_1115 = arith.constant dense<0xFF800000> : vector<256xf32>
    %reduce_max3A_1116 = vector.multi_reduction <maximumf>, %select_n3A_1114, %reduce_max3A_1115 [1] : vector<256x512xf32> to vector<256xf32>
    %broadcast_in_dim3A_1117 = vector.shape_cast %reduce_max3A_1116 : vector<256xf32> to vector<256x1xf32>
    %eq3A_1118 = vector.broadcast %broadcast_in_dim3A_1117 : vector<256x1xf32> to vector<256x512xf32>
    %eq3A_1119 = arith.cmpf oeq, %select_n3A_1114, %eq3A_1118 : vector<256x512xf32>
    %jit3A_1120 = arith.constant 10240 : i32
    %broadcast_in_dim3A_1121 = vector.broadcast %jit3A_1120 : i32 to vector<256x512xi32>
    %select_n3A_1122 = arith.select %eq3A_1119, %concatenate3A_1084, %broadcast_in_dim3A_1121 : vector<256x512xi1>, vector<256x512xi32>
    %reduce_min3A_1123 = arith.constant dense<2147483647> : vector<256xi32>
    %reduce_min3A_1124 = vector.multi_reduction <minsi>, %select_n3A_1122, %reduce_min3A_1123 [1] : vector<256x512xi32> to vector<256xi32>
    %broadcast_in_dim3A_1125 = vector.shape_cast %reduce_min3A_1124 : vector<256xi32> to vector<256x1xi32>
    %eq3A_1126 = vector.broadcast %broadcast_in_dim3A_1125 : vector<256x1xi32> to vector<256x512xi32>
    %eq3A_1127 = arith.cmpi eq, %concatenate3A_1084, %eq3A_1126 : vector<256x512xi32>
    %jit3A_1128 = arith.constant 0xFF800000 : f32
    %broadcast_in_dim3A_1129 = vector.broadcast %jit3A_1128 : f32 to vector<256x512xf32>
    %select_n3A_1130 = arith.select %eq3A_1127, %broadcast_in_dim3A_1129, %select_n3A_1114 : vector<256x512xi1>, vector<256x512xf32>
    %reduce_max3A_1131 = arith.constant dense<0xFF800000> : vector<256xf32>
    %reduce_max3A_1132 = vector.multi_reduction <maximumf>, %select_n3A_1130, %reduce_max3A_1131 [1] : vector<256x512xf32> to vector<256xf32>
    %broadcast_in_dim3A_1133 = vector.shape_cast %reduce_max3A_1132 : vector<256xf32> to vector<256x1xf32>
    %eq3A_1134 = vector.broadcast %broadcast_in_dim3A_1133 : vector<256x1xf32> to vector<256x512xf32>
    %eq3A_1135 = arith.cmpf oeq, %select_n3A_1130, %eq3A_1134 : vector<256x512xf32>
    %jit3A_1136 = arith.constant 10240 : i32
    %broadcast_in_dim3A_1137 = vector.broadcast %jit3A_1136 : i32 to vector<256x512xi32>
    %select_n3A_1138 = arith.select %eq3A_1135, %concatenate3A_1084, %broadcast_in_dim3A_1137 : vector<256x512xi1>, vector<256x512xi32>
    %reduce_min3A_1139 = arith.constant dense<2147483647> : vector<256xi32>
    %reduce_min3A_1140 = vector.multi_reduction <minsi>, %select_n3A_1138, %reduce_min3A_1139 [1] : vector<256x512xi32> to vector<256xi32>
    %broadcast_in_dim3A_1141 = vector.shape_cast %reduce_min3A_1140 : vector<256xi32> to vector<256x1xi32>
    %eq3A_1142 = vector.broadcast %broadcast_in_dim3A_1141 : vector<256x1xi32> to vector<256x512xi32>
    %eq3A_1143 = arith.cmpi eq, %concatenate3A_1084, %eq3A_1142 : vector<256x512xi32>
    %jit3A_1144 = arith.constant 0xFF800000 : f32
    %broadcast_in_dim3A_1145 = vector.broadcast %jit3A_1144 : f32 to vector<256x512xf32>
    %select_n3A_1146 = arith.select %eq3A_1143, %broadcast_in_dim3A_1145, %select_n3A_1130 : vector<256x512xi1>, vector<256x512xf32>
    %reduce_max3A_1147 = arith.constant dense<0xFF800000> : vector<256xf32>
    %reduce_max3A_1148 = vector.multi_reduction <maximumf>, %select_n3A_1146, %reduce_max3A_1147 [1] : vector<256x512xf32> to vector<256xf32>
    %broadcast_in_dim3A_1149 = vector.shape_cast %reduce_max3A_1148 : vector<256xf32> to vector<256x1xf32>
    %eq3A_1150 = vector.broadcast %broadcast_in_dim3A_1149 : vector<256x1xf32> to vector<256x512xf32>
    %eq3A_1151 = arith.cmpf oeq, %select_n3A_1146, %eq3A_1150 : vector<256x512xf32>
    %jit3A_1152 = arith.constant 10240 : i32
    %broadcast_in_dim3A_1153 = vector.broadcast %jit3A_1152 : i32 to vector<256x512xi32>
    %select_n3A_1154 = arith.select %eq3A_1151, %concatenate3A_1084, %broadcast_in_dim3A_1153 : vector<256x512xi1>, vector<256x512xi32>
    %reduce_min3A_1155 = arith.constant dense<2147483647> : vector<256xi32>
    %reduce_min3A_1156 = vector.multi_reduction <minsi>, %select_n3A_1154, %reduce_min3A_1155 [1] : vector<256x512xi32> to vector<256xi32>
    %broadcast_in_dim3A_1157 = vector.shape_cast %reduce_min3A_1156 : vector<256xi32> to vector<256x1xi32>
    %eq3A_1158 = vector.broadcast %broadcast_in_dim3A_1157 : vector<256x1xi32> to vector<256x512xi32>
    %eq3A_1159 = arith.cmpi eq, %concatenate3A_1084, %eq3A_1158 : vector<256x512xi32>
    %jit3A_1160 = arith.constant 0xFF800000 : f32
    %broadcast_in_dim3A_1161 = vector.broadcast %jit3A_1160 : f32 to vector<256x512xf32>
    %select_n3A_1162 = arith.select %eq3A_1159, %broadcast_in_dim3A_1161, %select_n3A_1146 : vector<256x512xi1>, vector<256x512xf32>
    %reduce_max3A_1163 = arith.constant dense<0xFF800000> : vector<256xf32>
    %reduce_max3A_1164 = vector.multi_reduction <maximumf>, %select_n3A_1162, %reduce_max3A_1163 [1] : vector<256x512xf32> to vector<256xf32>
    %broadcast_in_dim3A_1165 = vector.shape_cast %reduce_max3A_1164 : vector<256xf32> to vector<256x1xf32>
    %eq3A_1166 = vector.broadcast %broadcast_in_dim3A_1165 : vector<256x1xf32> to vector<256x512xf32>
    %eq3A_1167 = arith.cmpf oeq, %select_n3A_1162, %eq3A_1166 : vector<256x512xf32>
    %jit3A_1168 = arith.constant 10240 : i32
    %broadcast_in_dim3A_1169 = vector.broadcast %jit3A_1168 : i32 to vector<256x512xi32>
    %select_n3A_1170 = arith.select %eq3A_1167, %concatenate3A_1084, %broadcast_in_dim3A_1169 : vector<256x512xi1>, vector<256x512xi32>
    %reduce_min3A_1171 = arith.constant dense<2147483647> : vector<256xi32>
    %reduce_min3A_1172 = vector.multi_reduction <minsi>, %select_n3A_1170, %reduce_min3A_1171 [1] : vector<256x512xi32> to vector<256xi32>
    %broadcast_in_dim3A_1173 = vector.shape_cast %reduce_min3A_1172 : vector<256xi32> to vector<256x1xi32>
    %eq3A_1174 = vector.broadcast %broadcast_in_dim3A_1173 : vector<256x1xi32> to vector<256x512xi32>
    %eq3A_1175 = arith.cmpi eq, %concatenate3A_1084, %eq3A_1174 : vector<256x512xi32>
    %jit3A_1176 = arith.constant 0xFF800000 : f32
    %broadcast_in_dim3A_1177 = vector.broadcast %jit3A_1176 : f32 to vector<256x512xf32>
    %select_n3A_1178 = arith.select %eq3A_1175, %broadcast_in_dim3A_1177, %select_n3A_1162 : vector<256x512xi1>, vector<256x512xf32>
    %reduce_max3A_1179 = arith.constant dense<0xFF800000> : vector<256xf32>
    %reduce_max3A_1180 = vector.multi_reduction <maximumf>, %select_n3A_1178, %reduce_max3A_1179 [1] : vector<256x512xf32> to vector<256xf32>
    %broadcast_in_dim3A_1181 = vector.shape_cast %reduce_max3A_1180 : vector<256xf32> to vector<256x1xf32>
    %eq3A_1182 = vector.broadcast %broadcast_in_dim3A_1181 : vector<256x1xf32> to vector<256x512xf32>
    %eq3A_1183 = arith.cmpf oeq, %select_n3A_1178, %eq3A_1182 : vector<256x512xf32>
    %jit3A_1184 = arith.constant 10240 : i32
    %broadcast_in_dim3A_1185 = vector.broadcast %jit3A_1184 : i32 to vector<256x512xi32>
    %select_n3A_1186 = arith.select %eq3A_1183, %concatenate3A_1084, %broadcast_in_dim3A_1185 : vector<256x512xi1>, vector<256x512xi32>
    %reduce_min3A_1187 = arith.constant dense<2147483647> : vector<256xi32>
    %reduce_min3A_1188 = vector.multi_reduction <minsi>, %select_n3A_1186, %reduce_min3A_1187 [1] : vector<256x512xi32> to vector<256xi32>
    %broadcast_in_dim3A_1189 = vector.shape_cast %reduce_min3A_1188 : vector<256xi32> to vector<256x1xi32>
    %eq3A_1190 = vector.broadcast %broadcast_in_dim3A_1189 : vector<256x1xi32> to vector<256x512xi32>
    %eq3A_1191 = arith.cmpi eq, %concatenate3A_1084, %eq3A_1190 : vector<256x512xi32>
    %jit3A_1192 = arith.constant 0xFF800000 : f32
    %broadcast_in_dim3A_1193 = vector.broadcast %jit3A_1192 : f32 to vector<256x512xf32>
    %select_n3A_1194 = arith.select %eq3A_1191, %broadcast_in_dim3A_1193, %select_n3A_1178 : vector<256x512xi1>, vector<256x512xf32>
    %reduce_max3A_1195 = arith.constant dense<0xFF800000> : vector<256xf32>
    %reduce_max3A_1196 = vector.multi_reduction <maximumf>, %select_n3A_1194, %reduce_max3A_1195 [1] : vector<256x512xf32> to vector<256xf32>
    %broadcast_in_dim3A_1197 = vector.shape_cast %reduce_max3A_1196 : vector<256xf32> to vector<256x1xf32>
    %eq3A_1198 = vector.broadcast %broadcast_in_dim3A_1197 : vector<256x1xf32> to vector<256x512xf32>
    %eq3A_1199 = arith.cmpf oeq, %select_n3A_1194, %eq3A_1198 : vector<256x512xf32>
    %jit3A_1200 = arith.constant 10240 : i32
    %broadcast_in_dim3A_1201 = vector.broadcast %jit3A_1200 : i32 to vector<256x512xi32>
    %select_n3A_1202 = arith.select %eq3A_1199, %concatenate3A_1084, %broadcast_in_dim3A_1201 : vector<256x512xi1>, vector<256x512xi32>
    %reduce_min3A_1203 = arith.constant dense<2147483647> : vector<256xi32>
    %reduce_min3A_1204 = vector.multi_reduction <minsi>, %select_n3A_1202, %reduce_min3A_1203 [1] : vector<256x512xi32> to vector<256xi32>
    %broadcast_in_dim3A_1205 = vector.shape_cast %reduce_min3A_1204 : vector<256xi32> to vector<256x1xi32>
    %eq3A_1206 = vector.broadcast %broadcast_in_dim3A_1205 : vector<256x1xi32> to vector<256x512xi32>
    %eq3A_1207 = arith.cmpi eq, %concatenate3A_1084, %eq3A_1206 : vector<256x512xi32>
    %jit3A_1208 = arith.constant 0xFF800000 : f32
    %broadcast_in_dim3A_1209 = vector.broadcast %jit3A_1208 : f32 to vector<256x512xf32>
    %select_n3A_1210 = arith.select %eq3A_1207, %broadcast_in_dim3A_1209, %select_n3A_1194 : vector<256x512xi1>, vector<256x512xf32>
    %reduce_max3A_1211 = arith.constant dense<0xFF800000> : vector<256xf32>
    %reduce_max3A_1212 = vector.multi_reduction <maximumf>, %select_n3A_1210, %reduce_max3A_1211 [1] : vector<256x512xf32> to vector<256xf32>
    %broadcast_in_dim3A_1213 = vector.shape_cast %reduce_max3A_1212 : vector<256xf32> to vector<256x1xf32>
    %eq3A_1214 = vector.broadcast %broadcast_in_dim3A_1213 : vector<256x1xf32> to vector<256x512xf32>
    %eq3A_1215 = arith.cmpf oeq, %select_n3A_1210, %eq3A_1214 : vector<256x512xf32>
    %jit3A_1216 = arith.constant 10240 : i32
    %broadcast_in_dim3A_1217 = vector.broadcast %jit3A_1216 : i32 to vector<256x512xi32>
    %select_n3A_1218 = arith.select %eq3A_1215, %concatenate3A_1084, %broadcast_in_dim3A_1217 : vector<256x512xi1>, vector<256x512xi32>
    %reduce_min3A_1219 = arith.constant dense<2147483647> : vector<256xi32>
    %reduce_min3A_1220 = vector.multi_reduction <minsi>, %select_n3A_1218, %reduce_min3A_1219 [1] : vector<256x512xi32> to vector<256xi32>
    %broadcast_in_dim3A_1221 = vector.shape_cast %reduce_min3A_1220 : vector<256xi32> to vector<256x1xi32>
    %eq3A_1222 = vector.broadcast %broadcast_in_dim3A_1221 : vector<256x1xi32> to vector<256x512xi32>
    %eq3A_1223 = arith.cmpi eq, %concatenate3A_1084, %eq3A_1222 : vector<256x512xi32>
    %jit3A_1224 = arith.constant 0xFF800000 : f32
    %broadcast_in_dim3A_1225 = vector.broadcast %jit3A_1224 : f32 to vector<256x512xf32>
    %select_n3A_1226 = arith.select %eq3A_1223, %broadcast_in_dim3A_1225, %select_n3A_1210 : vector<256x512xi1>, vector<256x512xf32>
    %reduce_max3A_1227 = arith.constant dense<0xFF800000> : vector<256xf32>
    %reduce_max3A_1228 = vector.multi_reduction <maximumf>, %select_n3A_1226, %reduce_max3A_1227 [1] : vector<256x512xf32> to vector<256xf32>
    %broadcast_in_dim3A_1229 = vector.shape_cast %reduce_max3A_1228 : vector<256xf32> to vector<256x1xf32>
    %eq3A_1230 = vector.broadcast %broadcast_in_dim3A_1229 : vector<256x1xf32> to vector<256x512xf32>
    %eq3A_1231 = arith.cmpf oeq, %select_n3A_1226, %eq3A_1230 : vector<256x512xf32>
    %jit3A_1232 = arith.constant 10240 : i32
    %broadcast_in_dim3A_1233 = vector.broadcast %jit3A_1232 : i32 to vector<256x512xi32>
    %select_n3A_1234 = arith.select %eq3A_1231, %concatenate3A_1084, %broadcast_in_dim3A_1233 : vector<256x512xi1>, vector<256x512xi32>
    %reduce_min3A_1235 = arith.constant dense<2147483647> : vector<256xi32>
    %reduce_min3A_1236 = vector.multi_reduction <minsi>, %select_n3A_1234, %reduce_min3A_1235 [1] : vector<256x512xi32> to vector<256xi32>
    %broadcast_in_dim3A_1237 = vector.shape_cast %reduce_min3A_1236 : vector<256xi32> to vector<256x1xi32>
    %eq3A_1238 = vector.broadcast %broadcast_in_dim3A_1237 : vector<256x1xi32> to vector<256x512xi32>
    %eq3A_1239 = arith.cmpi eq, %concatenate3A_1084, %eq3A_1238 : vector<256x512xi32>
    %jit3A_1240 = arith.constant 0xFF800000 : f32
    %broadcast_in_dim3A_1241 = vector.broadcast %jit3A_1240 : f32 to vector<256x512xf32>
    %select_n3A_1242 = arith.select %eq3A_1239, %broadcast_in_dim3A_1241, %select_n3A_1226 : vector<256x512xi1>, vector<256x512xf32>
    %reduce_max3A_1243 = arith.constant dense<0xFF800000> : vector<256xf32>
    %reduce_max3A_1244 = vector.multi_reduction <maximumf>, %select_n3A_1242, %reduce_max3A_1243 [1] : vector<256x512xf32> to vector<256xf32>
    %broadcast_in_dim3A_1245 = vector.shape_cast %reduce_max3A_1244 : vector<256xf32> to vector<256x1xf32>
    %eq3A_1246 = vector.broadcast %broadcast_in_dim3A_1245 : vector<256x1xf32> to vector<256x512xf32>
    %eq3A_1247 = arith.cmpf oeq, %select_n3A_1242, %eq3A_1246 : vector<256x512xf32>
    %jit3A_1248 = arith.constant 10240 : i32
    %broadcast_in_dim3A_1249 = vector.broadcast %jit3A_1248 : i32 to vector<256x512xi32>
    %select_n3A_1250 = arith.select %eq3A_1247, %concatenate3A_1084, %broadcast_in_dim3A_1249 : vector<256x512xi1>, vector<256x512xi32>
    %reduce_min3A_1251 = arith.constant dense<2147483647> : vector<256xi32>
    %reduce_min3A_1252 = vector.multi_reduction <minsi>, %select_n3A_1250, %reduce_min3A_1251 [1] : vector<256x512xi32> to vector<256xi32>
    %broadcast_in_dim3A_1253 = vector.shape_cast %reduce_min3A_1252 : vector<256xi32> to vector<256x1xi32>
    %eq3A_1254 = vector.broadcast %broadcast_in_dim3A_1253 : vector<256x1xi32> to vector<256x512xi32>
    %eq3A_1255 = arith.cmpi eq, %concatenate3A_1084, %eq3A_1254 : vector<256x512xi32>
    %jit3A_1256 = arith.constant 0xFF800000 : f32
    %broadcast_in_dim3A_1257 = vector.broadcast %jit3A_1256 : f32 to vector<256x512xf32>
    %select_n3A_1258 = arith.select %eq3A_1255, %broadcast_in_dim3A_1257, %select_n3A_1242 : vector<256x512xi1>, vector<256x512xf32>
    %reduce_max3A_1259 = arith.constant dense<0xFF800000> : vector<256xf32>
    %reduce_max3A_1260 = vector.multi_reduction <maximumf>, %select_n3A_1258, %reduce_max3A_1259 [1] : vector<256x512xf32> to vector<256xf32>
    %broadcast_in_dim3A_1261 = vector.shape_cast %reduce_max3A_1260 : vector<256xf32> to vector<256x1xf32>
    %eq3A_1262 = vector.broadcast %broadcast_in_dim3A_1261 : vector<256x1xf32> to vector<256x512xf32>
    %eq3A_1263 = arith.cmpf oeq, %select_n3A_1258, %eq3A_1262 : vector<256x512xf32>
    %jit3A_1264 = arith.constant 10240 : i32
    %broadcast_in_dim3A_1265 = vector.broadcast %jit3A_1264 : i32 to vector<256x512xi32>
    %select_n3A_1266 = arith.select %eq3A_1263, %concatenate3A_1084, %broadcast_in_dim3A_1265 : vector<256x512xi1>, vector<256x512xi32>
    %reduce_min3A_1267 = arith.constant dense<2147483647> : vector<256xi32>
    %reduce_min3A_1268 = vector.multi_reduction <minsi>, %select_n3A_1266, %reduce_min3A_1267 [1] : vector<256x512xi32> to vector<256xi32>
    %broadcast_in_dim3A_1269 = vector.shape_cast %reduce_min3A_1268 : vector<256xi32> to vector<256x1xi32>
    %eq3A_1270 = vector.broadcast %broadcast_in_dim3A_1269 : vector<256x1xi32> to vector<256x512xi32>
    %eq3A_1271 = arith.cmpi eq, %concatenate3A_1084, %eq3A_1270 : vector<256x512xi32>
    %jit3A_1272 = arith.constant 0xFF800000 : f32
    %broadcast_in_dim3A_1273 = vector.broadcast %jit3A_1272 : f32 to vector<256x512xf32>
    %select_n3A_1274 = arith.select %eq3A_1271, %broadcast_in_dim3A_1273, %select_n3A_1258 : vector<256x512xi1>, vector<256x512xf32>
    %reduce_max3A_1275 = arith.constant dense<0xFF800000> : vector<256xf32>
    %reduce_max3A_1276 = vector.multi_reduction <maximumf>, %select_n3A_1274, %reduce_max3A_1275 [1] : vector<256x512xf32> to vector<256xf32>
    %broadcast_in_dim3A_1277 = vector.shape_cast %reduce_max3A_1276 : vector<256xf32> to vector<256x1xf32>
    %eq3A_1278 = vector.broadcast %broadcast_in_dim3A_1277 : vector<256x1xf32> to vector<256x512xf32>
    %eq3A_1279 = arith.cmpf oeq, %select_n3A_1274, %eq3A_1278 : vector<256x512xf32>
    %jit3A_1280 = arith.constant 10240 : i32
    %broadcast_in_dim3A_1281 = vector.broadcast %jit3A_1280 : i32 to vector<256x512xi32>
    %select_n3A_1282 = arith.select %eq3A_1279, %concatenate3A_1084, %broadcast_in_dim3A_1281 : vector<256x512xi1>, vector<256x512xi32>
    %reduce_min3A_1283 = arith.constant dense<2147483647> : vector<256xi32>
    %reduce_min3A_1284 = vector.multi_reduction <minsi>, %select_n3A_1282, %reduce_min3A_1283 [1] : vector<256x512xi32> to vector<256xi32>
    %broadcast_in_dim3A_1285 = vector.shape_cast %reduce_min3A_1284 : vector<256xi32> to vector<256x1xi32>
    %eq3A_1286 = vector.broadcast %broadcast_in_dim3A_1285 : vector<256x1xi32> to vector<256x512xi32>
    %eq3A_1287 = arith.cmpi eq, %concatenate3A_1084, %eq3A_1286 : vector<256x512xi32>
    %jit3A_1288 = arith.constant 0xFF800000 : f32
    %broadcast_in_dim3A_1289 = vector.broadcast %jit3A_1288 : f32 to vector<256x512xf32>
    %select_n3A_1290 = arith.select %eq3A_1287, %broadcast_in_dim3A_1289, %select_n3A_1274 : vector<256x512xi1>, vector<256x512xf32>
    %reduce_max3A_1291 = arith.constant dense<0xFF800000> : vector<256xf32>
    %reduce_max3A_1292 = vector.multi_reduction <maximumf>, %select_n3A_1290, %reduce_max3A_1291 [1] : vector<256x512xf32> to vector<256xf32>
    %broadcast_in_dim3A_1293 = vector.shape_cast %reduce_max3A_1292 : vector<256xf32> to vector<256x1xf32>
    %eq3A_1294 = vector.broadcast %broadcast_in_dim3A_1293 : vector<256x1xf32> to vector<256x512xf32>
    %eq3A_1295 = arith.cmpf oeq, %select_n3A_1290, %eq3A_1294 : vector<256x512xf32>
    %jit3A_1296 = arith.constant 10240 : i32
    %broadcast_in_dim3A_1297 = vector.broadcast %jit3A_1296 : i32 to vector<256x512xi32>
    %select_n3A_1298 = arith.select %eq3A_1295, %concatenate3A_1084, %broadcast_in_dim3A_1297 : vector<256x512xi1>, vector<256x512xi32>
    %reduce_min3A_1299 = arith.constant dense<2147483647> : vector<256xi32>
    %reduce_min3A_1300 = vector.multi_reduction <minsi>, %select_n3A_1298, %reduce_min3A_1299 [1] : vector<256x512xi32> to vector<256xi32>
    %broadcast_in_dim3A_1301 = vector.shape_cast %reduce_min3A_1300 : vector<256xi32> to vector<256x1xi32>
    %eq3A_1302 = vector.broadcast %broadcast_in_dim3A_1301 : vector<256x1xi32> to vector<256x512xi32>
    %eq3A_1303 = arith.cmpi eq, %concatenate3A_1084, %eq3A_1302 : vector<256x512xi32>
    %jit3A_1304 = arith.constant 0xFF800000 : f32
    %broadcast_in_dim3A_1305 = vector.broadcast %jit3A_1304 : f32 to vector<256x512xf32>
    %select_n3A_1306 = arith.select %eq3A_1303, %broadcast_in_dim3A_1305, %select_n3A_1290 : vector<256x512xi1>, vector<256x512xf32>
    %reduce_max3A_1307 = arith.constant dense<0xFF800000> : vector<256xf32>
    %reduce_max3A_1308 = vector.multi_reduction <maximumf>, %select_n3A_1306, %reduce_max3A_1307 [1] : vector<256x512xf32> to vector<256xf32>
    %broadcast_in_dim3A_1309 = vector.shape_cast %reduce_max3A_1308 : vector<256xf32> to vector<256x1xf32>
    %eq3A_1310 = vector.broadcast %broadcast_in_dim3A_1309 : vector<256x1xf32> to vector<256x512xf32>
    %eq3A_1311 = arith.cmpf oeq, %select_n3A_1306, %eq3A_1310 : vector<256x512xf32>
    %jit3A_1312 = arith.constant 10240 : i32
    %broadcast_in_dim3A_1313 = vector.broadcast %jit3A_1312 : i32 to vector<256x512xi32>
    %select_n3A_1314 = arith.select %eq3A_1311, %concatenate3A_1084, %broadcast_in_dim3A_1313 : vector<256x512xi1>, vector<256x512xi32>
    %reduce_min3A_1315 = arith.constant dense<2147483647> : vector<256xi32>
    %reduce_min3A_1316 = vector.multi_reduction <minsi>, %select_n3A_1314, %reduce_min3A_1315 [1] : vector<256x512xi32> to vector<256xi32>
    %broadcast_in_dim3A_1317 = vector.shape_cast %reduce_min3A_1316 : vector<256xi32> to vector<256x1xi32>
    %eq3A_1318 = vector.broadcast %broadcast_in_dim3A_1317 : vector<256x1xi32> to vector<256x512xi32>
    %eq3A_1319 = arith.cmpi eq, %concatenate3A_1084, %eq3A_1318 : vector<256x512xi32>
    %jit3A_1320 = arith.constant 0xFF800000 : f32
    %broadcast_in_dim3A_1321 = vector.broadcast %jit3A_1320 : f32 to vector<256x512xf32>
    %select_n3A_1322 = arith.select %eq3A_1319, %broadcast_in_dim3A_1321, %select_n3A_1306 : vector<256x512xi1>, vector<256x512xf32>
    %reduce_max3A_1323 = arith.constant dense<0xFF800000> : vector<256xf32>
    %reduce_max3A_1324 = vector.multi_reduction <maximumf>, %select_n3A_1322, %reduce_max3A_1323 [1] : vector<256x512xf32> to vector<256xf32>
    %broadcast_in_dim3A_1325 = vector.shape_cast %reduce_max3A_1324 : vector<256xf32> to vector<256x1xf32>
    %eq3A_1326 = vector.broadcast %broadcast_in_dim3A_1325 : vector<256x1xf32> to vector<256x512xf32>
    %eq3A_1327 = arith.cmpf oeq, %select_n3A_1322, %eq3A_1326 : vector<256x512xf32>
    %jit3A_1328 = arith.constant 10240 : i32
    %broadcast_in_dim3A_1329 = vector.broadcast %jit3A_1328 : i32 to vector<256x512xi32>
    %select_n3A_1330 = arith.select %eq3A_1327, %concatenate3A_1084, %broadcast_in_dim3A_1329 : vector<256x512xi1>, vector<256x512xi32>
    %reduce_min3A_1331 = arith.constant dense<2147483647> : vector<256xi32>
    %reduce_min3A_1332 = vector.multi_reduction <minsi>, %select_n3A_1330, %reduce_min3A_1331 [1] : vector<256x512xi32> to vector<256xi32>
    %stack3A = vector.shape_cast %reduce_min3A_1092 : vector<256xi32> to vector<256x1xi32>
    %stack3A_1333 = vector.shape_cast %reduce_min3A_1108 : vector<256xi32> to vector<256x1xi32>
    %stack3A_1334 = vector.shape_cast %reduce_min3A_1124 : vector<256xi32> to vector<256x1xi32>
    %stack3A_1335 = vector.shape_cast %reduce_min3A_1140 : vector<256xi32> to vector<256x1xi32>
    %stack3A_1336 = vector.shape_cast %reduce_min3A_1156 : vector<256xi32> to vector<256x1xi32>
    %stack3A_1337 = vector.shape_cast %reduce_min3A_1172 : vector<256xi32> to vector<256x1xi32>
    %stack3A_1338 = vector.shape_cast %reduce_min3A_1188 : vector<256xi32> to vector<256x1xi32>
    %stack3A_1339 = vector.shape_cast %reduce_min3A_1204 : vector<256xi32> to vector<256x1xi32>
    %stack3A_1340 = vector.shape_cast %reduce_min3A_1220 : vector<256xi32> to vector<256x1xi32>
    %stack3A_1341 = vector.shape_cast %reduce_min3A_1236 : vector<256xi32> to vector<256x1xi32>
    %stack3A_1342 = vector.shape_cast %reduce_min3A_1252 : vector<256xi32> to vector<256x1xi32>
    %stack3A_1343 = vector.shape_cast %reduce_min3A_1268 : vector<256xi32> to vector<256x1xi32>
    %stack3A_1344 = vector.shape_cast %reduce_min3A_1284 : vector<256xi32> to vector<256x1xi32>
    %stack3A_1345 = vector.shape_cast %reduce_min3A_1300 : vector<256xi32> to vector<256x1xi32>
    %stack3A_1346 = vector.shape_cast %reduce_min3A_1316 : vector<256xi32> to vector<256x1xi32>
    %stack3A_1347 = vector.shape_cast %reduce_min3A_1332 : vector<256xi32> to vector<256x1xi32>
    %stack3A_1348 = tpu.concatenate %stack3A, %stack3A_1333, %stack3A_1334, %stack3A_1335, %stack3A_1336, %stack3A_1337, %stack3A_1338, %stack3A_1339, %stack3A_1340, %stack3A_1341, %stack3A_1342, %stack3A_1343, %stack3A_1344, %stack3A_1345, %stack3A_1346, %stack3A_1347 in 1 : vector<256x1xi32>, vector<256x1xi32>, vector<256x1xi32>, vector<256x1xi32>, vector<256x1xi32>, vector<256x1xi32>, vector<256x1xi32>, vector<256x1xi32>, vector<256x1xi32>, vector<256x1xi32>, vector<256x1xi32>, vector<256x1xi32>, vector<256x1xi32>, vector<256x1xi32>, vector<256x1xi32>, vector<256x1xi32> -> vector<256x16xi32>
    %swap3A = arith.constant 0 : index
    %swap3A_1349 = arith.constant 0 : index
    %swap3A_1350 = vector.load %arg5[%swap3A, %swap3A_1349] : memref<256x16xi32, #tpu.memory_space<vmem>>, vector<256x16xi32>
    tpu.vector_store %arg5[%swap3A, %swap3A_1349], %stack3A_1348 {strides = array<i32>} : memref<256x16xi32, #tpu.memory_space<vmem>>, vector<256x16xi32>,
    return
  }
  func.func @transform_0(%arg0: i32) -> (i32, i32) {
    %c0_i32 = arith.constant 0 : i32
    %c0_i32_0 = arith.constant 0 : i32
    return %arg0, %c0_i32 : i32, i32
  }
  func.func @transform_1(%arg0: i32) -> (i32, i32) {
    %c0_i32 = arith.constant 0 : i32
    %c0_i32_0 = arith.constant 0 : i32
    %c0_i32_1 = arith.constant 0 : i32
    return %c0_i32, %c0_i32_0 : i32, i32
  }
  func.func @transform_2(%arg0: i32) -> (i32, i32) {
    %c0_i32 = arith.constant 0 : i32
    %c0_i32_0 = arith.constant 0 : i32
    return %arg0, %c0_i32 : i32, i32
  }
  func.func @transform_3(%arg0: i32) -> (i32, i32) {
    %c0_i32 = arith.constant 0 : i32
    %c0_i32_0 = arith.constant 0 : i32
    %c0_i32_1 = arith.constant 0 : i32
    return %c0_i32, %c0_i32_0 : i32, i32
  }
  func.func @transform_4(%arg0: i32) -> (i32, i32) {
    %c0_i32 = arith.constant 0 : i32
    %c0_i32_0 = arith.constant 0 : i32
    return %arg0, %c0_i32 : i32, i32
  }
}

module attributes {stable_mosaic.version = 14 : i64} {
  func.func @_k5_body(%arg0: i32, %arg1: memref<1024x128xf32, #tpu.memory_space<vmem>>, %arg2: memref<128x256xf32, #tpu.memory_space<vmem>>, %arg3: memref<128x256xf32, #tpu.memory_space<vmem>>, %arg4: memref<1024x256xf32, #tpu.memory_space<vmem>>, %arg5: memref<1024x256xf32, #tpu.memory_space<vmem>>) attributes {dimension_semantics = [#tpu.dimension_semantics<arbitrary>], iteration_bounds = array<i64: 10>, scalar_prefetch = 0 : i64, scratch_operands = 0 : i64, tpu.core_type = #tpu.core_type<tc>, window_params = [{transform_indices = @transform_0, window_bounds = array<i64: 1024, 128>}, {pipeline_mode = #tpu.pipeline_mode<synchronous>, transform_indices = @transform_1, window_bounds = array<i64: 128, 256>}, {pipeline_mode = #tpu.pipeline_mode<synchronous>, transform_indices = @transform_2, window_bounds = array<i64: 128, 256>}, {transform_indices = @transform_3, window_bounds = array<i64: 1024, 256>}, {transform_indices = @transform_4, window_bounds = array<i64: 1024, 256>}]} {
    %get3A = arith.constant 0 : index
    %get3A_0 = arith.constant 0 : index
    %get3A_1 = vector.load %arg1[%get3A, %get3A_0] : memref<1024x128xf32, #tpu.memory_space<vmem>>, vector<1024x128xf32>
    %get3A_2 = arith.constant 0 : index
    %get3A_3 = arith.constant 0 : index
    %get3A_4 = vector.load %arg2[%get3A_2, %get3A_3] : memref<128x256xf32, #tpu.memory_space<vmem>>, vector<128x256xf32>
    %dot_general3A = arith.constant dense<0.000000e+00> : vector<1024x256xf32>
    %dot_general3A_5 = tpu.matmul %get3A_1, %get3A_4, %dot_general3A {dimension_numbers = #tpu.dot_dimension_numbers<[1], [0], [0], [1], [0, 0, 1, 1], [], []>, precision = #tpu.contract_precision<fp32>, transpose_lhs_hint = false} : vector<1024x128xf32>, vector<128x256xf32>, vector<1024x256xf32> -> vector<1024x256xf32>
    %swap3A = arith.constant 0 : index
    %swap3A_6 = arith.constant 0 : index
    %swap3A_7 = vector.load %arg4[%swap3A, %swap3A_6] : memref<1024x256xf32, #tpu.memory_space<vmem>>, vector<1024x256xf32>
    tpu.vector_store %arg4[%swap3A, %swap3A_6], %dot_general3A_5 {strides = array<i32>} : memref<1024x256xf32, #tpu.memory_space<vmem>>, vector<1024x256xf32>,
    %get3A_8 = arith.constant 0 : index
    %get3A_9 = arith.constant 0 : index
    %get3A_10 = vector.load %arg1[%get3A_8, %get3A_9] : memref<1024x128xf32, #tpu.memory_space<vmem>>, vector<1024x128xf32>
    %get3A_11 = arith.constant 0 : index
    %get3A_12 = arith.constant 0 : index
    %get3A_13 = vector.load %arg3[%get3A_11, %get3A_12] : memref<128x256xf32, #tpu.memory_space<vmem>>, vector<128x256xf32>
    %dot_general3A_14 = arith.constant dense<0.000000e+00> : vector<1024x256xf32>
    %dot_general3A_15 = tpu.matmul %get3A_10, %get3A_13, %dot_general3A_14 {dimension_numbers = #tpu.dot_dimension_numbers<[1], [0], [0], [1], [0, 0, 1, 1], [], []>, precision = #tpu.contract_precision<fp32>, transpose_lhs_hint = false} : vector<1024x128xf32>, vector<128x256xf32>, vector<1024x256xf32> -> vector<1024x256xf32>
    %swap3A_16 = arith.constant 0 : index
    %swap3A_17 = arith.constant 0 : index
    %swap3A_18 = vector.load %arg5[%swap3A_16, %swap3A_17] : memref<1024x256xf32, #tpu.memory_space<vmem>>, vector<1024x256xf32>
    tpu.vector_store %arg5[%swap3A_16, %swap3A_17], %dot_general3A_15 {strides = array<i32>} : memref<1024x256xf32, #tpu.memory_space<vmem>>, vector<1024x256xf32>,
    return
  }
  func.func @transform_0(%arg0: i32) -> (i32, i32) {
    %c0_i32 = arith.constant 0 : i32
    %c0_i32_0 = arith.constant 0 : i32
    return %arg0, %c0_i32 : i32, i32
  }
  func.func @transform_1(%arg0: i32) -> (i32, i32) {
    %c0_i32 = arith.constant 0 : i32
    %c0_i32_0 = arith.constant 0 : i32
    %c0_i32_1 = arith.constant 0 : i32
    return %c0_i32, %c0_i32_0 : i32, i32
  }
  func.func @transform_2(%arg0: i32) -> (i32, i32) {
    %c0_i32 = arith.constant 0 : i32
    %c0_i32_0 = arith.constant 0 : i32
    %c0_i32_1 = arith.constant 0 : i32
    return %c0_i32, %c0_i32_0 : i32, i32
  }
  func.func @transform_3(%arg0: i32) -> (i32, i32) {
    %c0_i32 = arith.constant 0 : i32
    %c0_i32_0 = arith.constant 0 : i32
    return %arg0, %c0_i32 : i32, i32
  }
  func.func @transform_4(%arg0: i32) -> (i32, i32) {
    %c0_i32 = arith.constant 0 : i32
    %c0_i32_0 = arith.constant 0 : i32
    return %arg0, %c0_i32 : i32, i32
  }
}

module attributes {stable_mosaic.version = 14 : i64} {
  func.func @_k1_body(%arg0: i32, %arg1: memref<256x128xbf16, #tpu.memory_space<vmem>>, %arg2: memref<128x10240xbf16, #tpu.memory_space<vmem>>, %arg3: memref<256x1xf32, #tpu.memory_space<vmem>>, %arg4: memref<1x10240xf32, #tpu.memory_space<vmem>>, %arg5: memref<256x16xi32, #tpu.memory_space<vmem>>) attributes {dimension_semantics = [#tpu.dimension_semantics<arbitrary>], iteration_bounds = array<i64: 20>, scalar_prefetch = 0 : i64, scratch_operands = 0 : i64, tpu.core_type = #tpu.core_type<tc>, window_params = [{transform_indices = @transform_0, window_bounds = array<i64: 256, 128>}, {pipeline_mode = #tpu.pipeline_mode<synchronous>, transform_indices = @transform_1, window_bounds = array<i64: 128, 10240>}, {transform_indices = @transform_2, window_bounds = array<i64: 256, 1>}, {pipeline_mode = #tpu.pipeline_mode<synchronous>, transform_indices = @transform_3, window_bounds = array<i64: 1, 10240>}, {transform_indices = @transform_4, window_bounds = array<i64: 256, 16>}]} {
    %get3A = arith.constant 0 : index
    %get3A_0 = arith.constant 0 : index
    %get3A_1 = vector.load %arg1[%get3A, %get3A_0] : memref<256x128xbf16, #tpu.memory_space<vmem>>, vector<256x128xbf16>
    %get3A_2 = arith.constant 0 : index
    %get3A_3 = arith.constant 0 : index
    %get3A_4 = vector.load %arg2[%get3A_2, %get3A_3] : memref<128x10240xbf16, #tpu.memory_space<vmem>>, vector<128x10240xbf16>
    %dot_general3A = arith.constant dense<0.000000e+00> : vector<256x10240xf32>
    %dot_general3A_5 = tpu.matmul %get3A_1, %get3A_4, %dot_general3A {dimension_numbers = #tpu.dot_dimension_numbers<[1], [0], [0], [1], [0, 0, 1, 1], [], []>, transpose_lhs_hint = false} : vector<256x128xbf16>, vector<128x10240xbf16>, vector<256x10240xf32> -> vector<256x10240xf32>
    %mul3A = arith.constant -2.000000e+00 : f32
    %mul3A_6 = vector.broadcast %mul3A : f32 to vector<256x10240xf32>
    %mul3A_7 = arith.mulf %mul3A_6, %dot_general3A_5 : vector<256x10240xf32>
    %get3A_8 = arith.constant 0 : index
    %get3A_9 = arith.constant 0 : index
    %get3A_10 = vector.load %arg4[%get3A_8, %get3A_9] : memref<1x10240xf32, #tpu.memory_space<vmem>>, vector<1x10240xf32>
    %neg3A = arith.constant 0.000000e+00 : f32
    %neg3A_11 = vector.broadcast %neg3A : f32 to vector<1x10240xf32>
    %neg3A_12 = arith.subf %neg3A_11, %get3A_10 : vector<1x10240xf32>
    %sub3A = vector.broadcast %neg3A_12 : vector<1x10240xf32> to vector<256x10240xf32>
    %sub3A_13 = arith.subf %sub3A, %mul3A_7 : vector<256x10240xf32>
    %get3A_14 = arith.constant 0 : index
    %get3A_15 = arith.constant 0 : index
    %get3A_16 = vector.load %arg3[%get3A_14, %get3A_15] : memref<256x1xf32, #tpu.memory_space<vmem>>, vector<256x1xf32>
    %sub3A_17 = vector.broadcast %get3A_16 : vector<256x1xf32> to vector<256x10240xf32>
    %sub3A_18 = arith.subf %sub3A_13, %sub3A_17 : vector<256x10240xf32>
    %iota3A = tpu.iota {dimensions = array<i32: 1>} : vector<256x10240xi32>
    %mul3A_19 = arith.constant 256 : i32
    %mul3A_20 = arith.muli %arg0, %mul3A_19 : i32
    %add3A = arith.constant 0 : i32
    %add3A_21 = arith.addi %add3A, %mul3A_20 : i32
    %iota3A_22 = tpu.iota {dimensions = array<i32: 0>} : vector<256x1xi32>
    %add3A_23 = vector.broadcast %add3A_21 : i32 to vector<256x1xi32>
    %add3A_24 = arith.addi %add3A_23, %iota3A_22 : vector<256x1xi32>
    %eq3A = vector.broadcast %add3A_24 : vector<256x1xi32> to vector<256x10240xi32>
    %eq3A_25 = arith.cmpi eq, %iota3A, %eq3A : vector<256x10240xi32>
    %jit3A = arith.constant -1.000000e+30 : f32
    %broadcast_in_dim3A = vector.broadcast %jit3A : f32 to vector<256x10240xf32>
    %select_n3A = arith.select %eq3A_25, %broadcast_in_dim3A, %sub3A_18 : vector<256x10240xi1>, vector<256x10240xf32>
    %broadcast_in_dim3A_26 = arith.constant 0xFF800000 : f32
    %broadcast_in_dim3A_27 = vector.broadcast %broadcast_in_dim3A_26 : f32 to vector<256x128xf32>
    %broadcast_in_dim3A_28 = arith.constant 0 : i32
    %broadcast_in_dim3A_29 = vector.broadcast %broadcast_in_dim3A_28 : i32 to vector<256x128xi32>
    %slice3A = vector.extract_strided_slice %select_n3A {offsets = [0, 0], sizes = [256, 128], strides = [1, 1]} : vector<256x10240xf32> to vector<256x128xf32>
    %gt3A = arith.cmpf ogt, %slice3A, %broadcast_in_dim3A_27 : vector<256x128xf32>
    %gt3A_30 = arith.cmpf ogt, %slice3A, %broadcast_in_dim3A_27 : vector<256x128xf32>
    %select_n3A_31 = arith.select %gt3A_30, %slice3A, %broadcast_in_dim3A_27 : vector<256x128xi1>, vector<256x128xf32>
    %select_n3A_32 = arith.select %gt3A, %broadcast_in_dim3A_27, %select_n3A_31 : vector<256x128xi1>, vector<256x128xf32>
    %jit3A_33 = arith.constant 0 : i32
    %broadcast_in_dim3A_34 = vector.broadcast %jit3A_33 : i32 to vector<256x128xi32>
    %select_n3A_35 = arith.select %gt3A_30, %broadcast_in_dim3A_34, %broadcast_in_dim3A_29 : vector<256x128xi1>, vector<256x128xi32>
    %select_n3A_36 = arith.select %gt3A, %broadcast_in_dim3A_29, %select_n3A_35 : vector<256x128xi1>, vector<256x128xi32>
    %max3A = arith.maximumf %slice3A, %broadcast_in_dim3A_27 : vector<256x128xf32>
    %jit3A_37 = arith.constant 0 : i32
    %broadcast_in_dim3A_38 = vector.broadcast %jit3A_37 : i32 to vector<256x128xi32>
    %select_n3A_39 = arith.select %gt3A, %broadcast_in_dim3A_38, %broadcast_in_dim3A_29 : vector<256x128xi1>, vector<256x128xi32>
    %slice3A_40 = vector.extract_strided_slice %select_n3A {offsets = [0, 128], sizes = [256, 128], strides = [1, 1]} : vector<256x10240xf32> to vector<256x128xf32>
    %gt3A_41 = arith.cmpf ogt, %slice3A_40, %broadcast_in_dim3A_27 : vector<256x128xf32>
    %gt3A_42 = arith.cmpf ogt, %slice3A_40, %broadcast_in_dim3A_27 : vector<256x128xf32>
    %select_n3A_43 = arith.select %gt3A_42, %slice3A_40, %broadcast_in_dim3A_27 : vector<256x128xi1>, vector<256x128xf32>
    %select_n3A_44 = arith.select %gt3A_41, %broadcast_in_dim3A_27, %select_n3A_43 : vector<256x128xi1>, vector<256x128xf32>
    %jit3A_45 = arith.constant 1 : i32
    %broadcast_in_dim3A_46 = vector.broadcast %jit3A_45 : i32 to vector<256x128xi32>
    %select_n3A_47 = arith.select %gt3A_42, %broadcast_in_dim3A_46, %broadcast_in_dim3A_29 : vector<256x128xi1>, vector<256x128xi32>
    %select_n3A_48 = arith.select %gt3A_41, %broadcast_in_dim3A_29, %select_n3A_47 : vector<256x128xi1>, vector<256x128xi32>
    %max3A_49 = arith.maximumf %slice3A_40, %broadcast_in_dim3A_27 : vector<256x128xf32>
    %jit3A_50 = arith.constant 1 : i32
    %broadcast_in_dim3A_51 = vector.broadcast %jit3A_50 : i32 to vector<256x128xi32>
    %select_n3A_52 = arith.select %gt3A_41, %broadcast_in_dim3A_51, %broadcast_in_dim3A_29 : vector<256x128xi1>, vector<256x128xi32>
    %slice3A_53 = vector.extract_strided_slice %select_n3A {offsets = [0, 256], sizes = [256, 128], strides = [1, 1]} : vector<256x10240xf32> to vector<256x128xf32>
    %gt3A_54 = arith.cmpf ogt, %slice3A_53, %max3A : vector<256x128xf32>
    %gt3A_55 = arith.cmpf ogt, %slice3A_53, %select_n3A_32 : vector<256x128xf32>
    %select_n3A_56 = arith.select %gt3A_55, %slice3A_53, %select_n3A_32 : vector<256x128xi1>, vector<256x128xf32>
    %select_n3A_57 = arith.select %gt3A_54, %max3A, %select_n3A_56 : vector<256x128xi1>, vector<256x128xf32>
    %jit3A_58 = arith.constant 2 : i32
    %broadcast_in_dim3A_59 = vector.broadcast %jit3A_58 : i32 to vector<256x128xi32>
    %select_n3A_60 = arith.select %gt3A_55, %broadcast_in_dim3A_59, %select_n3A_36 : vector<256x128xi1>, vector<256x128xi32>
    %select_n3A_61 = arith.select %gt3A_54, %select_n3A_39, %select_n3A_60 : vector<256x128xi1>, vector<256x128xi32>
    %max3A_62 = arith.maximumf %slice3A_53, %max3A : vector<256x128xf32>
    %jit3A_63 = arith.constant 2 : i32
    %broadcast_in_dim3A_64 = vector.broadcast %jit3A_63 : i32 to vector<256x128xi32>
    %select_n3A_65 = arith.select %gt3A_54, %broadcast_in_dim3A_64, %select_n3A_39 : vector<256x128xi1>, vector<256x128xi32>
    %slice3A_66 = vector.extract_strided_slice %select_n3A {offsets = [0, 384], sizes = [256, 128], strides = [1, 1]} : vector<256x10240xf32> to vector<256x128xf32>
    %gt3A_67 = arith.cmpf ogt, %slice3A_66, %max3A_49 : vector<256x128xf32>
    %gt3A_68 = arith.cmpf ogt, %slice3A_66, %select_n3A_44 : vector<256x128xf32>
    %select_n3A_69 = arith.select %gt3A_68, %slice3A_66, %select_n3A_44 : vector<256x128xi1>, vector<256x128xf32>
    %select_n3A_70 = arith.select %gt3A_67, %max3A_49, %select_n3A_69 : vector<256x128xi1>, vector<256x128xf32>
    %jit3A_71 = arith.constant 3 : i32
    %broadcast_in_dim3A_72 = vector.broadcast %jit3A_71 : i32 to vector<256x128xi32>
    %select_n3A_73 = arith.select %gt3A_68, %broadcast_in_dim3A_72, %select_n3A_48 : vector<256x128xi1>, vector<256x128xi32>
    %select_n3A_74 = arith.select %gt3A_67, %select_n3A_52, %select_n3A_73 : vector<256x128xi1>, vector<256x128xi32>
    %max3A_75 = arith.maximumf %slice3A_66, %max3A_49 : vector<256x128xf32>
    %jit3A_76 = arith.constant 3 : i32
    %broadcast_in_dim3A_77 = vector.broadcast %jit3A_76 : i32 to vector<256x128xi32>
    %select_n3A_78 = arith.select %gt3A_67, %broadcast_in_dim3A_77, %select_n3A_52 : vector<256x128xi1>, vector<256x128xi32>
    %slice3A_79 = vector.extract_strided_slice %select_n3A {offsets = [0, 512], sizes = [256, 128], strides = [1, 1]} : vector<256x10240xf32> to vector<256x128xf32>
    %gt3A_80 = arith.cmpf ogt, %slice3A_79, %max3A_62 : vector<256x128xf32>
    %gt3A_81 = arith.cmpf ogt, %slice3A_79, %select_n3A_57 : vector<256x128xf32>
    %select_n3A_82 = arith.select %gt3A_81, %slice3A_79, %select_n3A_57 : vector<256x128xi1>, vector<256x128xf32>
    %select_n3A_83 = arith.select %gt3A_80, %max3A_62, %select_n3A_82 : vector<256x128xi1>, vector<256x128xf32>
    %jit3A_84 = arith.constant 4 : i32
    %broadcast_in_dim3A_85 = vector.broadcast %jit3A_84 : i32 to vector<256x128xi32>
    %select_n3A_86 = arith.select %gt3A_81, %broadcast_in_dim3A_85, %select_n3A_61 : vector<256x128xi1>, vector<256x128xi32>
    %select_n3A_87 = arith.select %gt3A_80, %select_n3A_65, %select_n3A_86 : vector<256x128xi1>, vector<256x128xi32>
    %max3A_88 = arith.maximumf %slice3A_79, %max3A_62 : vector<256x128xf32>
    %jit3A_89 = arith.constant 4 : i32
    %broadcast_in_dim3A_90 = vector.broadcast %jit3A_89 : i32 to vector<256x128xi32>
    %select_n3A_91 = arith.select %gt3A_80, %broadcast_in_dim3A_90, %select_n3A_65 : vector<256x128xi1>, vector<256x128xi32>
    %slice3A_92 = vector.extract_strided_slice %select_n3A {offsets = [0, 640], sizes = [256, 128], strides = [1, 1]} : vector<256x10240xf32> to vector<256x128xf32>
    %gt3A_93 = arith.cmpf ogt, %slice3A_92, %max3A_75 : vector<256x128xf32>
    %gt3A_94 = arith.cmpf ogt, %slice3A_92, %select_n3A_70 : vector<256x128xf32>
    %select_n3A_95 = arith.select %gt3A_94, %slice3A_92, %select_n3A_70 : vector<256x128xi1>, vector<256x128xf32>
    %select_n3A_96 = arith.select %gt3A_93, %max3A_75, %select_n3A_95 : vector<256x128xi1>, vector<256x128xf32>
    %jit3A_97 = arith.constant 5 : i32
    %broadcast_in_dim3A_98 = vector.broadcast %jit3A_97 : i32 to vector<256x128xi32>
    %select_n3A_99 = arith.select %gt3A_94, %broadcast_in_dim3A_98, %select_n3A_74 : vector<256x128xi1>, vector<256x128xi32>
    %select_n3A_100 = arith.select %gt3A_93, %select_n3A_78, %select_n3A_99 : vector<256x128xi1>, vector<256x128xi32>
    %max3A_101 = arith.maximumf %slice3A_92, %max3A_75 : vector<256x128xf32>
    %jit3A_102 = arith.constant 5 : i32
    %broadcast_in_dim3A_103 = vector.broadcast %jit3A_102 : i32 to vector<256x128xi32>
    %select_n3A_104 = arith.select %gt3A_93, %broadcast_in_dim3A_103, %select_n3A_78 : vector<256x128xi1>, vector<256x128xi32>
    %slice3A_105 = vector.extract_strided_slice %select_n3A {offsets = [0, 768], sizes = [256, 128], strides = [1, 1]} : vector<256x10240xf32> to vector<256x128xf32>
    %gt3A_106 = arith.cmpf ogt, %slice3A_105, %max3A_88 : vector<256x128xf32>
    %gt3A_107 = arith.cmpf ogt, %slice3A_105, %select_n3A_83 : vector<256x128xf32>
    %select_n3A_108 = arith.select %gt3A_107, %slice3A_105, %select_n3A_83 : vector<256x128xi1>, vector<256x128xf32>
    %select_n3A_109 = arith.select %gt3A_106, %max3A_88, %select_n3A_108 : vector<256x128xi1>, vector<256x128xf32>
    %jit3A_110 = arith.constant 6 : i32
    %broadcast_in_dim3A_111 = vector.broadcast %jit3A_110 : i32 to vector<256x128xi32>
    %select_n3A_112 = arith.select %gt3A_107, %broadcast_in_dim3A_111, %select_n3A_87 : vector<256x128xi1>, vector<256x128xi32>
    %select_n3A_113 = arith.select %gt3A_106, %select_n3A_91, %select_n3A_112 : vector<256x128xi1>, vector<256x128xi32>
    %max3A_114 = arith.maximumf %slice3A_105, %max3A_88 : vector<256x128xf32>
    %jit3A_115 = arith.constant 6 : i32
    %broadcast_in_dim3A_116 = vector.broadcast %jit3A_115 : i32 to vector<256x128xi32>
    %select_n3A_117 = arith.select %gt3A_106, %broadcast_in_dim3A_116, %select_n3A_91 : vector<256x128xi1>, vector<256x128xi32>
    %slice3A_118 = vector.extract_strided_slice %select_n3A {offsets = [0, 896], sizes = [256, 128], strides = [1, 1]} : vector<256x10240xf32> to vector<256x128xf32>
    %gt3A_119 = arith.cmpf ogt, %slice3A_118, %max3A_101 : vector<256x128xf32>
    %gt3A_120 = arith.cmpf ogt, %slice3A_118, %select_n3A_96 : vector<256x128xf32>
    %select_n3A_121 = arith.select %gt3A_120, %slice3A_118, %select_n3A_96 : vector<256x128xi1>, vector<256x128xf32>
    %select_n3A_122 = arith.select %gt3A_119, %max3A_101, %select_n3A_121 : vector<256x128xi1>, vector<256x128xf32>
    %jit3A_123 = arith.constant 7 : i32
    %broadcast_in_dim3A_124 = vector.broadcast %jit3A_123 : i32 to vector<256x128xi32>
    %select_n3A_125 = arith.select %gt3A_120, %broadcast_in_dim3A_124, %select_n3A_100 : vector<256x128xi1>, vector<256x128xi32>
    %select_n3A_126 = arith.select %gt3A_119, %select_n3A_104, %select_n3A_125 : vector<256x128xi1>, vector<256x128xi32>
    %max3A_127 = arith.maximumf %slice3A_118, %max3A_101 : vector<256x128xf32>
    %jit3A_128 = arith.constant 7 : i32
    %broadcast_in_dim3A_129 = vector.broadcast %jit3A_128 : i32 to vector<256x128xi32>
    %select_n3A_130 = arith.select %gt3A_119, %broadcast_in_dim3A_129, %select_n3A_104 : vector<256x128xi1>, vector<256x128xi32>
    %slice3A_131 = vector.extract_strided_slice %select_n3A {offsets = [0, 1024], sizes = [256, 128], strides = [1, 1]} : vector<256x10240xf32> to vector<256x128xf32>
    %gt3A_132 = arith.cmpf ogt, %slice3A_131, %max3A_114 : vector<256x128xf32>
    %gt3A_133 = arith.cmpf ogt, %slice3A_131, %select_n3A_109 : vector<256x128xf32>
    %select_n3A_134 = arith.select %gt3A_133, %slice3A_131, %select_n3A_109 : vector<256x128xi1>, vector<256x128xf32>
    %select_n3A_135 = arith.select %gt3A_132, %max3A_114, %select_n3A_134 : vector<256x128xi1>, vector<256x128xf32>
    %jit3A_136 = arith.constant 8 : i32
    %broadcast_in_dim3A_137 = vector.broadcast %jit3A_136 : i32 to vector<256x128xi32>
    %select_n3A_138 = arith.select %gt3A_133, %broadcast_in_dim3A_137, %select_n3A_113 : vector<256x128xi1>, vector<256x128xi32>
    %select_n3A_139 = arith.select %gt3A_132, %select_n3A_117, %select_n3A_138 : vector<256x128xi1>, vector<256x128xi32>
    %max3A_140 = arith.maximumf %slice3A_131, %max3A_114 : vector<256x128xf32>
    %jit3A_141 = arith.constant 8 : i32
    %broadcast_in_dim3A_142 = vector.broadcast %jit3A_141 : i32 to vector<256x128xi32>
    %select_n3A_143 = arith.select %gt3A_132, %broadcast_in_dim3A_142, %select_n3A_117 : vector<256x128xi1>, vector<256x128xi32>
    %slice3A_144 = vector.extract_strided_slice %select_n3A {offsets = [0, 1152], sizes = [256, 128], strides = [1, 1]} : vector<256x10240xf32> to vector<256x128xf32>
    %gt3A_145 = arith.cmpf ogt, %slice3A_144, %max3A_127 : vector<256x128xf32>
    %gt3A_146 = arith.cmpf ogt, %slice3A_144, %select_n3A_122 : vector<256x128xf32>
    %select_n3A_147 = arith.select %gt3A_146, %slice3A_144, %select_n3A_122 : vector<256x128xi1>, vector<256x128xf32>
    %select_n3A_148 = arith.select %gt3A_145, %max3A_127, %select_n3A_147 : vector<256x128xi1>, vector<256x128xf32>
    %jit3A_149 = arith.constant 9 : i32
    %broadcast_in_dim3A_150 = vector.broadcast %jit3A_149 : i32 to vector<256x128xi32>
    %select_n3A_151 = arith.select %gt3A_146, %broadcast_in_dim3A_150, %select_n3A_126 : vector<256x128xi1>, vector<256x128xi32>
    %select_n3A_152 = arith.select %gt3A_145, %select_n3A_130, %select_n3A_151 : vector<256x128xi1>, vector<256x128xi32>
    %max3A_153 = arith.maximumf %slice3A_144, %max3A_127 : vector<256x128xf32>
    %jit3A_154 = arith.constant 9 : i32
    %broadcast_in_dim3A_155 = vector.broadcast %jit3A_154 : i32 to vector<256x128xi32>
    %select_n3A_156 = arith.select %gt3A_145, %broadcast_in_dim3A_155, %select_n3A_130 : vector<256x128xi1>, vector<256x128xi32>
    %slice3A_157 = vector.extract_strided_slice %select_n3A {offsets = [0, 1280], sizes = [256, 128], strides = [1, 1]} : vector<256x10240xf32> to vector<256x128xf32>
    %gt3A_158 = arith.cmpf ogt, %slice3A_157, %max3A_140 : vector<256x128xf32>
    %gt3A_159 = arith.cmpf ogt, %slice3A_157, %select_n3A_135 : vector<256x128xf32>
    %select_n3A_160 = arith.select %gt3A_159, %slice3A_157, %select_n3A_135 : vector<256x128xi1>, vector<256x128xf32>
    %select_n3A_161 = arith.select %gt3A_158, %max3A_140, %select_n3A_160 : vector<256x128xi1>, vector<256x128xf32>
    %jit3A_162 = arith.constant 10 : i32
    %broadcast_in_dim3A_163 = vector.broadcast %jit3A_162 : i32 to vector<256x128xi32>
    %select_n3A_164 = arith.select %gt3A_159, %broadcast_in_dim3A_163, %select_n3A_139 : vector<256x128xi1>, vector<256x128xi32>
    %select_n3A_165 = arith.select %gt3A_158, %select_n3A_143, %select_n3A_164 : vector<256x128xi1>, vector<256x128xi32>
    %max3A_166 = arith.maximumf %slice3A_157, %max3A_140 : vector<256x128xf32>
    %jit3A_167 = arith.constant 10 : i32
    %broadcast_in_dim3A_168 = vector.broadcast %jit3A_167 : i32 to vector<256x128xi32>
    %select_n3A_169 = arith.select %gt3A_158, %broadcast_in_dim3A_168, %select_n3A_143 : vector<256x128xi1>, vector<256x128xi32>
    %slice3A_170 = vector.extract_strided_slice %select_n3A {offsets = [0, 1408], sizes = [256, 128], strides = [1, 1]} : vector<256x10240xf32> to vector<256x128xf32>
    %gt3A_171 = arith.cmpf ogt, %slice3A_170, %max3A_153 : vector<256x128xf32>
    %gt3A_172 = arith.cmpf ogt, %slice3A_170, %select_n3A_148 : vector<256x128xf32>
    %select_n3A_173 = arith.select %gt3A_172, %slice3A_170, %select_n3A_148 : vector<256x128xi1>, vector<256x128xf32>
    %select_n3A_174 = arith.select %gt3A_171, %max3A_153, %select_n3A_173 : vector<256x128xi1>, vector<256x128xf32>
    %jit3A_175 = arith.constant 11 : i32
    %broadcast_in_dim3A_176 = vector.broadcast %jit3A_175 : i32 to vector<256x128xi32>
    %select_n3A_177 = arith.select %gt3A_172, %broadcast_in_dim3A_176, %select_n3A_152 : vector<256x128xi1>, vector<256x128xi32>
    %select_n3A_178 = arith.select %gt3A_171, %select_n3A_156, %select_n3A_177 : vector<256x128xi1>, vector<256x128xi32>
    %max3A_179 = arith.maximumf %slice3A_170, %max3A_153 : vector<256x128xf32>
    %jit3A_180 = arith.constant 11 : i32
    %broadcast_in_dim3A_181 = vector.broadcast %jit3A_180 : i32 to vector<256x128xi32>
    %select_n3A_182 = arith.select %gt3A_171, %broadcast_in_dim3A_181, %select_n3A_156 : vector<256x128xi1>, vector<256x128xi32>
    %slice3A_183 = vector.extract_strided_slice %select_n3A {offsets = [0, 1536], sizes = [256, 128], strides = [1, 1]} : vector<256x10240xf32> to vector<256x128xf32>
    %gt3A_184 = arith.cmpf ogt, %slice3A_183, %max3A_166 : vector<256x128xf32>
    %gt3A_185 = arith.cmpf ogt, %slice3A_183, %select_n3A_161 : vector<256x128xf32>
    %select_n3A_186 = arith.select %gt3A_185, %slice3A_183, %select_n3A_161 : vector<256x128xi1>, vector<256x128xf32>
    %select_n3A_187 = arith.select %gt3A_184, %max3A_166, %select_n3A_186 : vector<256x128xi1>, vector<256x128xf32>
    %jit3A_188 = arith.constant 12 : i32
    %broadcast_in_dim3A_189 = vector.broadcast %jit3A_188 : i32 to vector<256x128xi32>
    %select_n3A_190 = arith.select %gt3A_185, %broadcast_in_dim3A_189, %select_n3A_165 : vector<256x128xi1>, vector<256x128xi32>
    %select_n3A_191 = arith.select %gt3A_184, %select_n3A_169, %select_n3A_190 : vector<256x128xi1>, vector<256x128xi32>
    %max3A_192 = arith.maximumf %slice3A_183, %max3A_166 : vector<256x128xf32>
    %jit3A_193 = arith.constant 12 : i32
    %broadcast_in_dim3A_194 = vector.broadcast %jit3A_193 : i32 to vector<256x128xi32>
    %select_n3A_195 = arith.select %gt3A_184, %broadcast_in_dim3A_194, %select_n3A_169 : vector<256x128xi1>, vector<256x128xi32>
    %slice3A_196 = vector.extract_strided_slice %select_n3A {offsets = [0, 1664], sizes = [256, 128], strides = [1, 1]} : vector<256x10240xf32> to vector<256x128xf32>
    %gt3A_197 = arith.cmpf ogt, %slice3A_196, %max3A_179 : vector<256x128xf32>
    %gt3A_198 = arith.cmpf ogt, %slice3A_196, %select_n3A_174 : vector<256x128xf32>
    %select_n3A_199 = arith.select %gt3A_198, %slice3A_196, %select_n3A_174 : vector<256x128xi1>, vector<256x128xf32>
    %select_n3A_200 = arith.select %gt3A_197, %max3A_179, %select_n3A_199 : vector<256x128xi1>, vector<256x128xf32>
    %jit3A_201 = arith.constant 13 : i32
    %broadcast_in_dim3A_202 = vector.broadcast %jit3A_201 : i32 to vector<256x128xi32>
    %select_n3A_203 = arith.select %gt3A_198, %broadcast_in_dim3A_202, %select_n3A_178 : vector<256x128xi1>, vector<256x128xi32>
    %select_n3A_204 = arith.select %gt3A_197, %select_n3A_182, %select_n3A_203 : vector<256x128xi1>, vector<256x128xi32>
    %max3A_205 = arith.maximumf %slice3A_196, %max3A_179 : vector<256x128xf32>
    %jit3A_206 = arith.constant 13 : i32
    %broadcast_in_dim3A_207 = vector.broadcast %jit3A_206 : i32 to vector<256x128xi32>
    %select_n3A_208 = arith.select %gt3A_197, %broadcast_in_dim3A_207, %select_n3A_182 : vector<256x128xi1>, vector<256x128xi32>
    %slice3A_209 = vector.extract_strided_slice %select_n3A {offsets = [0, 1792], sizes = [256, 128], strides = [1, 1]} : vector<256x10240xf32> to vector<256x128xf32>
    %gt3A_210 = arith.cmpf ogt, %slice3A_209, %max3A_192 : vector<256x128xf32>
    %gt3A_211 = arith.cmpf ogt, %slice3A_209, %select_n3A_187 : vector<256x128xf32>
    %select_n3A_212 = arith.select %gt3A_211, %slice3A_209, %select_n3A_187 : vector<256x128xi1>, vector<256x128xf32>
    %select_n3A_213 = arith.select %gt3A_210, %max3A_192, %select_n3A_212 : vector<256x128xi1>, vector<256x128xf32>
    %jit3A_214 = arith.constant 14 : i32
    %broadcast_in_dim3A_215 = vector.broadcast %jit3A_214 : i32 to vector<256x128xi32>
    %select_n3A_216 = arith.select %gt3A_211, %broadcast_in_dim3A_215, %select_n3A_191 : vector<256x128xi1>, vector<256x128xi32>
    %select_n3A_217 = arith.select %gt3A_210, %select_n3A_195, %select_n3A_216 : vector<256x128xi1>, vector<256x128xi32>
    %max3A_218 = arith.maximumf %slice3A_209, %max3A_192 : vector<256x128xf32>
    %jit3A_219 = arith.constant 14 : i32
    %broadcast_in_dim3A_220 = vector.broadcast %jit3A_219 : i32 to vector<256x128xi32>
    %select_n3A_221 = arith.select %gt3A_210, %broadcast_in_dim3A_220, %select_n3A_195 : vector<256x128xi1>, vector<256x128xi32>
    %slice3A_222 = vector.extract_strided_slice %select_n3A {offsets = [0, 1920], sizes = [256, 128], strides = [1, 1]} : vector<256x10240xf32> to vector<256x128xf32>
    %gt3A_223 = arith.cmpf ogt, %slice3A_222, %max3A_205 : vector<256x128xf32>
    %gt3A_224 = arith.cmpf ogt, %slice3A_222, %select_n3A_200 : vector<256x128xf32>
    %select_n3A_225 = arith.select %gt3A_224, %slice3A_222, %select_n3A_200 : vector<256x128xi1>, vector<256x128xf32>
    %select_n3A_226 = arith.select %gt3A_223, %max3A_205, %select_n3A_225 : vector<256x128xi1>, vector<256x128xf32>
    %jit3A_227 = arith.constant 15 : i32
    %broadcast_in_dim3A_228 = vector.broadcast %jit3A_227 : i32 to vector<256x128xi32>
    %select_n3A_229 = arith.select %gt3A_224, %broadcast_in_dim3A_228, %select_n3A_204 : vector<256x128xi1>, vector<256x128xi32>
    %select_n3A_230 = arith.select %gt3A_223, %select_n3A_208, %select_n3A_229 : vector<256x128xi1>, vector<256x128xi32>
    %max3A_231 = arith.maximumf %slice3A_222, %max3A_205 : vector<256x128xf32>
    %jit3A_232 = arith.constant 15 : i32
    %broadcast_in_dim3A_233 = vector.broadcast %jit3A_232 : i32 to vector<256x128xi32>
    %select_n3A_234 = arith.select %gt3A_223, %broadcast_in_dim3A_233, %select_n3A_208 : vector<256x128xi1>, vector<256x128xi32>
    %slice3A_235 = vector.extract_strided_slice %select_n3A {offsets = [0, 2048], sizes = [256, 128], strides = [1, 1]} : vector<256x10240xf32> to vector<256x128xf32>
    %gt3A_236 = arith.cmpf ogt, %slice3A_235, %max3A_218 : vector<256x128xf32>
    %gt3A_237 = arith.cmpf ogt, %slice3A_235, %select_n3A_213 : vector<256x128xf32>
    %select_n3A_238 = arith.select %gt3A_237, %slice3A_235, %select_n3A_213 : vector<256x128xi1>, vector<256x128xf32>
    %select_n3A_239 = arith.select %gt3A_236, %max3A_218, %select_n3A_238 : vector<256x128xi1>, vector<256x128xf32>
    %jit3A_240 = arith.constant 16 : i32
    %broadcast_in_dim3A_241 = vector.broadcast %jit3A_240 : i32 to vector<256x128xi32>
    %select_n3A_242 = arith.select %gt3A_237, %broadcast_in_dim3A_241, %select_n3A_217 : vector<256x128xi1>, vector<256x128xi32>
    %select_n3A_243 = arith.select %gt3A_236, %select_n3A_221, %select_n3A_242 : vector<256x128xi1>, vector<256x128xi32>
    %max3A_244 = arith.maximumf %slice3A_235, %max3A_218 : vector<256x128xf32>
    %jit3A_245 = arith.constant 16 : i32
    %broadcast_in_dim3A_246 = vector.broadcast %jit3A_245 : i32 to vector<256x128xi32>
    %select_n3A_247 = arith.select %gt3A_236, %broadcast_in_dim3A_246, %select_n3A_221 : vector<256x128xi1>, vector<256x128xi32>
    %slice3A_248 = vector.extract_strided_slice %select_n3A {offsets = [0, 2176], sizes = [256, 128], strides = [1, 1]} : vector<256x10240xf32> to vector<256x128xf32>
    %gt3A_249 = arith.cmpf ogt, %slice3A_248, %max3A_231 : vector<256x128xf32>
    %gt3A_250 = arith.cmpf ogt, %slice3A_248, %select_n3A_226 : vector<256x128xf32>
    %select_n3A_251 = arith.select %gt3A_250, %slice3A_248, %select_n3A_226 : vector<256x128xi1>, vector<256x128xf32>
    %select_n3A_252 = arith.select %gt3A_249, %max3A_231, %select_n3A_251 : vector<256x128xi1>, vector<256x128xf32>
    %jit3A_253 = arith.constant 17 : i32
    %broadcast_in_dim3A_254 = vector.broadcast %jit3A_253 : i32 to vector<256x128xi32>
    %select_n3A_255 = arith.select %gt3A_250, %broadcast_in_dim3A_254, %select_n3A_230 : vector<256x128xi1>, vector<256x128xi32>
    %select_n3A_256 = arith.select %gt3A_249, %select_n3A_234, %select_n3A_255 : vector<256x128xi1>, vector<256x128xi32>
    %max3A_257 = arith.maximumf %slice3A_248, %max3A_231 : vector<256x128xf32>
    %jit3A_258 = arith.constant 17 : i32
    %broadcast_in_dim3A_259 = vector.broadcast %jit3A_258 : i32 to vector<256x128xi32>
    %select_n3A_260 = arith.select %gt3A_249, %broadcast_in_dim3A_259, %select_n3A_234 : vector<256x128xi1>, vector<256x128xi32>
    %slice3A_261 = vector.extract_strided_slice %select_n3A {offsets = [0, 2304], sizes = [256, 128], strides = [1, 1]} : vector<256x10240xf32> to vector<256x128xf32>
    %gt3A_262 = arith.cmpf ogt, %slice3A_261, %max3A_244 : vector<256x128xf32>
    %gt3A_263 = arith.cmpf ogt, %slice3A_261, %select_n3A_239 : vector<256x128xf32>
    %select_n3A_264 = arith.select %gt3A_263, %slice3A_261, %select_n3A_239 : vector<256x128xi1>, vector<256x128xf32>
    %select_n3A_265 = arith.select %gt3A_262, %max3A_244, %select_n3A_264 : vector<256x128xi1>, vector<256x128xf32>
    %jit3A_266 = arith.constant 18 : i32
    %broadcast_in_dim3A_267 = vector.broadcast %jit3A_266 : i32 to vector<256x128xi32>
    %select_n3A_268 = arith.select %gt3A_263, %broadcast_in_dim3A_267, %select_n3A_243 : vector<256x128xi1>, vector<256x128xi32>
    %select_n3A_269 = arith.select %gt3A_262, %select_n3A_247, %select_n3A_268 : vector<256x128xi1>, vector<256x128xi32>
    %max3A_270 = arith.maximumf %slice3A_261, %max3A_244 : vector<256x128xf32>
    %jit3A_271 = arith.constant 18 : i32
    %broadcast_in_dim3A_272 = vector.broadcast %jit3A_271 : i32 to vector<256x128xi32>
    %select_n3A_273 = arith.select %gt3A_262, %broadcast_in_dim3A_272, %select_n3A_247 : vector<256x128xi1>, vector<256x128xi32>
    %slice3A_274 = vector.extract_strided_slice %select_n3A {offsets = [0, 2432], sizes = [256, 128], strides = [1, 1]} : vector<256x10240xf32> to vector<256x128xf32>
    %gt3A_275 = arith.cmpf ogt, %slice3A_274, %max3A_257 : vector<256x128xf32>
    %gt3A_276 = arith.cmpf ogt, %slice3A_274, %select_n3A_252 : vector<256x128xf32>
    %select_n3A_277 = arith.select %gt3A_276, %slice3A_274, %select_n3A_252 : vector<256x128xi1>, vector<256x128xf32>
    %select_n3A_278 = arith.select %gt3A_275, %max3A_257, %select_n3A_277 : vector<256x128xi1>, vector<256x128xf32>
    %jit3A_279 = arith.constant 19 : i32
    %broadcast_in_dim3A_280 = vector.broadcast %jit3A_279 : i32 to vector<256x128xi32>
    %select_n3A_281 = arith.select %gt3A_276, %broadcast_in_dim3A_280, %select_n3A_256 : vector<256x128xi1>, vector<256x128xi32>
    %select_n3A_282 = arith.select %gt3A_275, %select_n3A_260, %select_n3A_281 : vector<256x128xi1>, vector<256x128xi32>
    %max3A_283 = arith.maximumf %slice3A_274, %max3A_257 : vector<256x128xf32>
    %jit3A_284 = arith.constant 19 : i32
    %broadcast_in_dim3A_285 = vector.broadcast %jit3A_284 : i32 to vector<256x128xi32>
    %select_n3A_286 = arith.select %gt3A_275, %broadcast_in_dim3A_285, %select_n3A_260 : vector<256x128xi1>, vector<256x128xi32>
    %slice3A_287 = vector.extract_strided_slice %select_n3A {offsets = [0, 2560], sizes = [256, 128], strides = [1, 1]} : vector<256x10240xf32> to vector<256x128xf32>
    %gt3A_288 = arith.cmpf ogt, %slice3A_287, %max3A_270 : vector<256x128xf32>
    %gt3A_289 = arith.cmpf ogt, %slice3A_287, %select_n3A_265 : vector<256x128xf32>
    %select_n3A_290 = arith.select %gt3A_289, %slice3A_287, %select_n3A_265 : vector<256x128xi1>, vector<256x128xf32>
    %select_n3A_291 = arith.select %gt3A_288, %max3A_270, %select_n3A_290 : vector<256x128xi1>, vector<256x128xf32>
    %jit3A_292 = arith.constant 20 : i32
    %broadcast_in_dim3A_293 = vector.broadcast %jit3A_292 : i32 to vector<256x128xi32>
    %select_n3A_294 = arith.select %gt3A_289, %broadcast_in_dim3A_293, %select_n3A_269 : vector<256x128xi1>, vector<256x128xi32>
    %select_n3A_295 = arith.select %gt3A_288, %select_n3A_273, %select_n3A_294 : vector<256x128xi1>, vector<256x128xi32>
    %max3A_296 = arith.maximumf %slice3A_287, %max3A_270 : vector<256x128xf32>
    %jit3A_297 = arith.constant 20 : i32
    %broadcast_in_dim3A_298 = vector.broadcast %jit3A_297 : i32 to vector<256x128xi32>
    %select_n3A_299 = arith.select %gt3A_288, %broadcast_in_dim3A_298, %select_n3A_273 : vector<256x128xi1>, vector<256x128xi32>
    %slice3A_300 = vector.extract_strided_slice %select_n3A {offsets = [0, 2688], sizes = [256, 128], strides = [1, 1]} : vector<256x10240xf32> to vector<256x128xf32>
    %gt3A_301 = arith.cmpf ogt, %slice3A_300, %max3A_283 : vector<256x128xf32>
    %gt3A_302 = arith.cmpf ogt, %slice3A_300, %select_n3A_278 : vector<256x128xf32>
    %select_n3A_303 = arith.select %gt3A_302, %slice3A_300, %select_n3A_278 : vector<256x128xi1>, vector<256x128xf32>
    %select_n3A_304 = arith.select %gt3A_301, %max3A_283, %select_n3A_303 : vector<256x128xi1>, vector<256x128xf32>
    %jit3A_305 = arith.constant 21 : i32
    %broadcast_in_dim3A_306 = vector.broadcast %jit3A_305 : i32 to vector<256x128xi32>
    %select_n3A_307 = arith.select %gt3A_302, %broadcast_in_dim3A_306, %select_n3A_282 : vector<256x128xi1>, vector<256x128xi32>
    %select_n3A_308 = arith.select %gt3A_301, %select_n3A_286, %select_n3A_307 : vector<256x128xi1>, vector<256x128xi32>
    %max3A_309 = arith.maximumf %slice3A_300, %max3A_283 : vector<256x128xf32>
    %jit3A_310 = arith.constant 21 : i32
    %broadcast_in_dim3A_311 = vector.broadcast %jit3A_310 : i32 to vector<256x128xi32>
    %select_n3A_312 = arith.select %gt3A_301, %broadcast_in_dim3A_311, %select_n3A_286 : vector<256x128xi1>, vector<256x128xi32>
    %slice3A_313 = vector.extract_strided_slice %select_n3A {offsets = [0, 2816], sizes = [256, 128], strides = [1, 1]} : vector<256x10240xf32> to vector<256x128xf32>
    %gt3A_314 = arith.cmpf ogt, %slice3A_313, %max3A_296 : vector<256x128xf32>
    %gt3A_315 = arith.cmpf ogt, %slice3A_313, %select_n3A_291 : vector<256x128xf32>
    %select_n3A_316 = arith.select %gt3A_315, %slice3A_313, %select_n3A_291 : vector<256x128xi1>, vector<256x128xf32>
    %select_n3A_317 = arith.select %gt3A_314, %max3A_296, %select_n3A_316 : vector<256x128xi1>, vector<256x128xf32>
    %jit3A_318 = arith.constant 22 : i32
    %broadcast_in_dim3A_319 = vector.broadcast %jit3A_318 : i32 to vector<256x128xi32>
    %select_n3A_320 = arith.select %gt3A_315, %broadcast_in_dim3A_319, %select_n3A_295 : vector<256x128xi1>, vector<256x128xi32>
    %select_n3A_321 = arith.select %gt3A_314, %select_n3A_299, %select_n3A_320 : vector<256x128xi1>, vector<256x128xi32>
    %max3A_322 = arith.maximumf %slice3A_313, %max3A_296 : vector<256x128xf32>
    %jit3A_323 = arith.constant 22 : i32
    %broadcast_in_dim3A_324 = vector.broadcast %jit3A_323 : i32 to vector<256x128xi32>
    %select_n3A_325 = arith.select %gt3A_314, %broadcast_in_dim3A_324, %select_n3A_299 : vector<256x128xi1>, vector<256x128xi32>
    %slice3A_326 = vector.extract_strided_slice %select_n3A {offsets = [0, 2944], sizes = [256, 128], strides = [1, 1]} : vector<256x10240xf32> to vector<256x128xf32>
    %gt3A_327 = arith.cmpf ogt, %slice3A_326, %max3A_309 : vector<256x128xf32>
    %gt3A_328 = arith.cmpf ogt, %slice3A_326, %select_n3A_304 : vector<256x128xf32>
    %select_n3A_329 = arith.select %gt3A_328, %slice3A_326, %select_n3A_304 : vector<256x128xi1>, vector<256x128xf32>
    %select_n3A_330 = arith.select %gt3A_327, %max3A_309, %select_n3A_329 : vector<256x128xi1>, vector<256x128xf32>
    %jit3A_331 = arith.constant 23 : i32
    %broadcast_in_dim3A_332 = vector.broadcast %jit3A_331 : i32 to vector<256x128xi32>
    %select_n3A_333 = arith.select %gt3A_328, %broadcast_in_dim3A_332, %select_n3A_308 : vector<256x128xi1>, vector<256x128xi32>
    %select_n3A_334 = arith.select %gt3A_327, %select_n3A_312, %select_n3A_333 : vector<256x128xi1>, vector<256x128xi32>
    %max3A_335 = arith.maximumf %slice3A_326, %max3A_309 : vector<256x128xf32>
    %jit3A_336 = arith.constant 23 : i32
    %broadcast_in_dim3A_337 = vector.broadcast %jit3A_336 : i32 to vector<256x128xi32>
    %select_n3A_338 = arith.select %gt3A_327, %broadcast_in_dim3A_337, %select_n3A_312 : vector<256x128xi1>, vector<256x128xi32>
    %slice3A_339 = vector.extract_strided_slice %select_n3A {offsets = [0, 3072], sizes = [256, 128], strides = [1, 1]} : vector<256x10240xf32> to vector<256x128xf32>
    %gt3A_340 = arith.cmpf ogt, %slice3A_339, %max3A_322 : vector<256x128xf32>
    %gt3A_341 = arith.cmpf ogt, %slice3A_339, %select_n3A_317 : vector<256x128xf32>
    %select_n3A_342 = arith.select %gt3A_341, %slice3A_339, %select_n3A_317 : vector<256x128xi1>, vector<256x128xf32>
    %select_n3A_343 = arith.select %gt3A_340, %max3A_322, %select_n3A_342 : vector<256x128xi1>, vector<256x128xf32>
    %jit3A_344 = arith.constant 24 : i32
    %broadcast_in_dim3A_345 = vector.broadcast %jit3A_344 : i32 to vector<256x128xi32>
    %select_n3A_346 = arith.select %gt3A_341, %broadcast_in_dim3A_345, %select_n3A_321 : vector<256x128xi1>, vector<256x128xi32>
    %select_n3A_347 = arith.select %gt3A_340, %select_n3A_325, %select_n3A_346 : vector<256x128xi1>, vector<256x128xi32>
    %max3A_348 = arith.maximumf %slice3A_339, %max3A_322 : vector<256x128xf32>
    %jit3A_349 = arith.constant 24 : i32
    %broadcast_in_dim3A_350 = vector.broadcast %jit3A_349 : i32 to vector<256x128xi32>
    %select_n3A_351 = arith.select %gt3A_340, %broadcast_in_dim3A_350, %select_n3A_325 : vector<256x128xi1>, vector<256x128xi32>
    %slice3A_352 = vector.extract_strided_slice %select_n3A {offsets = [0, 3200], sizes = [256, 128], strides = [1, 1]} : vector<256x10240xf32> to vector<256x128xf32>
    %gt3A_353 = arith.cmpf ogt, %slice3A_352, %max3A_335 : vector<256x128xf32>
    %gt3A_354 = arith.cmpf ogt, %slice3A_352, %select_n3A_330 : vector<256x128xf32>
    %select_n3A_355 = arith.select %gt3A_354, %slice3A_352, %select_n3A_330 : vector<256x128xi1>, vector<256x128xf32>
    %select_n3A_356 = arith.select %gt3A_353, %max3A_335, %select_n3A_355 : vector<256x128xi1>, vector<256x128xf32>
    %jit3A_357 = arith.constant 25 : i32
    %broadcast_in_dim3A_358 = vector.broadcast %jit3A_357 : i32 to vector<256x128xi32>
    %select_n3A_359 = arith.select %gt3A_354, %broadcast_in_dim3A_358, %select_n3A_334 : vector<256x128xi1>, vector<256x128xi32>
    %select_n3A_360 = arith.select %gt3A_353, %select_n3A_338, %select_n3A_359 : vector<256x128xi1>, vector<256x128xi32>
    %max3A_361 = arith.maximumf %slice3A_352, %max3A_335 : vector<256x128xf32>
    %jit3A_362 = arith.constant 25 : i32
    %broadcast_in_dim3A_363 = vector.broadcast %jit3A_362 : i32 to vector<256x128xi32>
    %select_n3A_364 = arith.select %gt3A_353, %broadcast_in_dim3A_363, %select_n3A_338 : vector<256x128xi1>, vector<256x128xi32>
    %slice3A_365 = vector.extract_strided_slice %select_n3A {offsets = [0, 3328], sizes = [256, 128], strides = [1, 1]} : vector<256x10240xf32> to vector<256x128xf32>
    %gt3A_366 = arith.cmpf ogt, %slice3A_365, %max3A_348 : vector<256x128xf32>
    %gt3A_367 = arith.cmpf ogt, %slice3A_365, %select_n3A_343 : vector<256x128xf32>
    %select_n3A_368 = arith.select %gt3A_367, %slice3A_365, %select_n3A_343 : vector<256x128xi1>, vector<256x128xf32>
    %select_n3A_369 = arith.select %gt3A_366, %max3A_348, %select_n3A_368 : vector<256x128xi1>, vector<256x128xf32>
    %jit3A_370 = arith.constant 26 : i32
    %broadcast_in_dim3A_371 = vector.broadcast %jit3A_370 : i32 to vector<256x128xi32>
    %select_n3A_372 = arith.select %gt3A_367, %broadcast_in_dim3A_371, %select_n3A_347 : vector<256x128xi1>, vector<256x128xi32>
    %select_n3A_373 = arith.select %gt3A_366, %select_n3A_351, %select_n3A_372 : vector<256x128xi1>, vector<256x128xi32>
    %max3A_374 = arith.maximumf %slice3A_365, %max3A_348 : vector<256x128xf32>
    %jit3A_375 = arith.constant 26 : i32
    %broadcast_in_dim3A_376 = vector.broadcast %jit3A_375 : i32 to vector<256x128xi32>
    %select_n3A_377 = arith.select %gt3A_366, %broadcast_in_dim3A_376, %select_n3A_351 : vector<256x128xi1>, vector<256x128xi32>
    %slice3A_378 = vector.extract_strided_slice %select_n3A {offsets = [0, 3456], sizes = [256, 128], strides = [1, 1]} : vector<256x10240xf32> to vector<256x128xf32>
    %gt3A_379 = arith.cmpf ogt, %slice3A_378, %max3A_361 : vector<256x128xf32>
    %gt3A_380 = arith.cmpf ogt, %slice3A_378, %select_n3A_356 : vector<256x128xf32>
    %select_n3A_381 = arith.select %gt3A_380, %slice3A_378, %select_n3A_356 : vector<256x128xi1>, vector<256x128xf32>
    %select_n3A_382 = arith.select %gt3A_379, %max3A_361, %select_n3A_381 : vector<256x128xi1>, vector<256x128xf32>
    %jit3A_383 = arith.constant 27 : i32
    %broadcast_in_dim3A_384 = vector.broadcast %jit3A_383 : i32 to vector<256x128xi32>
    %select_n3A_385 = arith.select %gt3A_380, %broadcast_in_dim3A_384, %select_n3A_360 : vector<256x128xi1>, vector<256x128xi32>
    %select_n3A_386 = arith.select %gt3A_379, %select_n3A_364, %select_n3A_385 : vector<256x128xi1>, vector<256x128xi32>
    %max3A_387 = arith.maximumf %slice3A_378, %max3A_361 : vector<256x128xf32>
    %jit3A_388 = arith.constant 27 : i32
    %broadcast_in_dim3A_389 = vector.broadcast %jit3A_388 : i32 to vector<256x128xi32>
    %select_n3A_390 = arith.select %gt3A_379, %broadcast_in_dim3A_389, %select_n3A_364 : vector<256x128xi1>, vector<256x128xi32>
    %slice3A_391 = vector.extract_strided_slice %select_n3A {offsets = [0, 3584], sizes = [256, 128], strides = [1, 1]} : vector<256x10240xf32> to vector<256x128xf32>
    %gt3A_392 = arith.cmpf ogt, %slice3A_391, %max3A_374 : vector<256x128xf32>
    %gt3A_393 = arith.cmpf ogt, %slice3A_391, %select_n3A_369 : vector<256x128xf32>
    %select_n3A_394 = arith.select %gt3A_393, %slice3A_391, %select_n3A_369 : vector<256x128xi1>, vector<256x128xf32>
    %select_n3A_395 = arith.select %gt3A_392, %max3A_374, %select_n3A_394 : vector<256x128xi1>, vector<256x128xf32>
    %jit3A_396 = arith.constant 28 : i32
    %broadcast_in_dim3A_397 = vector.broadcast %jit3A_396 : i32 to vector<256x128xi32>
    %select_n3A_398 = arith.select %gt3A_393, %broadcast_in_dim3A_397, %select_n3A_373 : vector<256x128xi1>, vector<256x128xi32>
    %select_n3A_399 = arith.select %gt3A_392, %select_n3A_377, %select_n3A_398 : vector<256x128xi1>, vector<256x128xi32>
    %max3A_400 = arith.maximumf %slice3A_391, %max3A_374 : vector<256x128xf32>
    %jit3A_401 = arith.constant 28 : i32
    %broadcast_in_dim3A_402 = vector.broadcast %jit3A_401 : i32 to vector<256x128xi32>
    %select_n3A_403 = arith.select %gt3A_392, %broadcast_in_dim3A_402, %select_n3A_377 : vector<256x128xi1>, vector<256x128xi32>
    %slice3A_404 = vector.extract_strided_slice %select_n3A {offsets = [0, 3712], sizes = [256, 128], strides = [1, 1]} : vector<256x10240xf32> to vector<256x128xf32>
    %gt3A_405 = arith.cmpf ogt, %slice3A_404, %max3A_387 : vector<256x128xf32>
    %gt3A_406 = arith.cmpf ogt, %slice3A_404, %select_n3A_382 : vector<256x128xf32>
    %select_n3A_407 = arith.select %gt3A_406, %slice3A_404, %select_n3A_382 : vector<256x128xi1>, vector<256x128xf32>
    %select_n3A_408 = arith.select %gt3A_405, %max3A_387, %select_n3A_407 : vector<256x128xi1>, vector<256x128xf32>
    %jit3A_409 = arith.constant 29 : i32
    %broadcast_in_dim3A_410 = vector.broadcast %jit3A_409 : i32 to vector<256x128xi32>
    %select_n3A_411 = arith.select %gt3A_406, %broadcast_in_dim3A_410, %select_n3A_386 : vector<256x128xi1>, vector<256x128xi32>
    %select_n3A_412 = arith.select %gt3A_405, %select_n3A_390, %select_n3A_411 : vector<256x128xi1>, vector<256x128xi32>
    %max3A_413 = arith.maximumf %slice3A_404, %max3A_387 : vector<256x128xf32>
    %jit3A_414 = arith.constant 29 : i32
    %broadcast_in_dim3A_415 = vector.broadcast %jit3A_414 : i32 to vector<256x128xi32>
    %select_n3A_416 = arith.select %gt3A_405, %broadcast_in_dim3A_415, %select_n3A_390 : vector<256x128xi1>, vector<256x128xi32>
    %slice3A_417 = vector.extract_strided_slice %select_n3A {offsets = [0, 3840], sizes = [256, 128], strides = [1, 1]} : vector<256x10240xf32> to vector<256x128xf32>
    %gt3A_418 = arith.cmpf ogt, %slice3A_417, %max3A_400 : vector<256x128xf32>
    %gt3A_419 = arith.cmpf ogt, %slice3A_417, %select_n3A_395 : vector<256x128xf32>
    %select_n3A_420 = arith.select %gt3A_419, %slice3A_417, %select_n3A_395 : vector<256x128xi1>, vector<256x128xf32>
    %select_n3A_421 = arith.select %gt3A_418, %max3A_400, %select_n3A_420 : vector<256x128xi1>, vector<256x128xf32>
    %jit3A_422 = arith.constant 30 : i32
    %broadcast_in_dim3A_423 = vector.broadcast %jit3A_422 : i32 to vector<256x128xi32>
    %select_n3A_424 = arith.select %gt3A_419, %broadcast_in_dim3A_423, %select_n3A_399 : vector<256x128xi1>, vector<256x128xi32>
    %select_n3A_425 = arith.select %gt3A_418, %select_n3A_403, %select_n3A_424 : vector<256x128xi1>, vector<256x128xi32>
    %max3A_426 = arith.maximumf %slice3A_417, %max3A_400 : vector<256x128xf32>
    %jit3A_427 = arith.constant 30 : i32
    %broadcast_in_dim3A_428 = vector.broadcast %jit3A_427 : i32 to vector<256x128xi32>
    %select_n3A_429 = arith.select %gt3A_418, %broadcast_in_dim3A_428, %select_n3A_403 : vector<256x128xi1>, vector<256x128xi32>
    %slice3A_430 = vector.extract_strided_slice %select_n3A {offsets = [0, 3968], sizes = [256, 128], strides = [1, 1]} : vector<256x10240xf32> to vector<256x128xf32>
    %gt3A_431 = arith.cmpf ogt, %slice3A_430, %max3A_413 : vector<256x128xf32>
    %gt3A_432 = arith.cmpf ogt, %slice3A_430, %select_n3A_408 : vector<256x128xf32>
    %select_n3A_433 = arith.select %gt3A_432, %slice3A_430, %select_n3A_408 : vector<256x128xi1>, vector<256x128xf32>
    %select_n3A_434 = arith.select %gt3A_431, %max3A_413, %select_n3A_433 : vector<256x128xi1>, vector<256x128xf32>
    %jit3A_435 = arith.constant 31 : i32
    %broadcast_in_dim3A_436 = vector.broadcast %jit3A_435 : i32 to vector<256x128xi32>
    %select_n3A_437 = arith.select %gt3A_432, %broadcast_in_dim3A_436, %select_n3A_412 : vector<256x128xi1>, vector<256x128xi32>
    %select_n3A_438 = arith.select %gt3A_431, %select_n3A_416, %select_n3A_437 : vector<256x128xi1>, vector<256x128xi32>
    %max3A_439 = arith.maximumf %slice3A_430, %max3A_413 : vector<256x128xf32>
    %jit3A_440 = arith.constant 31 : i32
    %broadcast_in_dim3A_441 = vector.broadcast %jit3A_440 : i32 to vector<256x128xi32>
    %select_n3A_442 = arith.select %gt3A_431, %broadcast_in_dim3A_441, %select_n3A_416 : vector<256x128xi1>, vector<256x128xi32>
    %slice3A_443 = vector.extract_strided_slice %select_n3A {offsets = [0, 4096], sizes = [256, 128], strides = [1, 1]} : vector<256x10240xf32> to vector<256x128xf32>
    %gt3A_444 = arith.cmpf ogt, %slice3A_443, %max3A_426 : vector<256x128xf32>
    %gt3A_445 = arith.cmpf ogt, %slice3A_443, %select_n3A_421 : vector<256x128xf32>
    %select_n3A_446 = arith.select %gt3A_445, %slice3A_443, %select_n3A_421 : vector<256x128xi1>, vector<256x128xf32>
    %select_n3A_447 = arith.select %gt3A_444, %max3A_426, %select_n3A_446 : vector<256x128xi1>, vector<256x128xf32>
    %jit3A_448 = arith.constant 32 : i32
    %broadcast_in_dim3A_449 = vector.broadcast %jit3A_448 : i32 to vector<256x128xi32>
    %select_n3A_450 = arith.select %gt3A_445, %broadcast_in_dim3A_449, %select_n3A_425 : vector<256x128xi1>, vector<256x128xi32>
    %select_n3A_451 = arith.select %gt3A_444, %select_n3A_429, %select_n3A_450 : vector<256x128xi1>, vector<256x128xi32>
    %max3A_452 = arith.maximumf %slice3A_443, %max3A_426 : vector<256x128xf32>
    %jit3A_453 = arith.constant 32 : i32
    %broadcast_in_dim3A_454 = vector.broadcast %jit3A_453 : i32 to vector<256x128xi32>
    %select_n3A_455 = arith.select %gt3A_444, %broadcast_in_dim3A_454, %select_n3A_429 : vector<256x128xi1>, vector<256x128xi32>
    %slice3A_456 = vector.extract_strided_slice %select_n3A {offsets = [0, 4224], sizes = [256, 128], strides = [1, 1]} : vector<256x10240xf32> to vector<256x128xf32>
    %gt3A_457 = arith.cmpf ogt, %slice3A_456, %max3A_439 : vector<256x128xf32>
    %gt3A_458 = arith.cmpf ogt, %slice3A_456, %select_n3A_434 : vector<256x128xf32>
    %select_n3A_459 = arith.select %gt3A_458, %slice3A_456, %select_n3A_434 : vector<256x128xi1>, vector<256x128xf32>
    %select_n3A_460 = arith.select %gt3A_457, %max3A_439, %select_n3A_459 : vector<256x128xi1>, vector<256x128xf32>
    %jit3A_461 = arith.constant 33 : i32
    %broadcast_in_dim3A_462 = vector.broadcast %jit3A_461 : i32 to vector<256x128xi32>
    %select_n3A_463 = arith.select %gt3A_458, %broadcast_in_dim3A_462, %select_n3A_438 : vector<256x128xi1>, vector<256x128xi32>
    %select_n3A_464 = arith.select %gt3A_457, %select_n3A_442, %select_n3A_463 : vector<256x128xi1>, vector<256x128xi32>
    %max3A_465 = arith.maximumf %slice3A_456, %max3A_439 : vector<256x128xf32>
    %jit3A_466 = arith.constant 33 : i32
    %broadcast_in_dim3A_467 = vector.broadcast %jit3A_466 : i32 to vector<256x128xi32>
    %select_n3A_468 = arith.select %gt3A_457, %broadcast_in_dim3A_467, %select_n3A_442 : vector<256x128xi1>, vector<256x128xi32>
    %slice3A_469 = vector.extract_strided_slice %select_n3A {offsets = [0, 4352], sizes = [256, 128], strides = [1, 1]} : vector<256x10240xf32> to vector<256x128xf32>
    %gt3A_470 = arith.cmpf ogt, %slice3A_469, %max3A_452 : vector<256x128xf32>
    %gt3A_471 = arith.cmpf ogt, %slice3A_469, %select_n3A_447 : vector<256x128xf32>
    %select_n3A_472 = arith.select %gt3A_471, %slice3A_469, %select_n3A_447 : vector<256x128xi1>, vector<256x128xf32>
    %select_n3A_473 = arith.select %gt3A_470, %max3A_452, %select_n3A_472 : vector<256x128xi1>, vector<256x128xf32>
    %jit3A_474 = arith.constant 34 : i32
    %broadcast_in_dim3A_475 = vector.broadcast %jit3A_474 : i32 to vector<256x128xi32>
    %select_n3A_476 = arith.select %gt3A_471, %broadcast_in_dim3A_475, %select_n3A_451 : vector<256x128xi1>, vector<256x128xi32>
    %select_n3A_477 = arith.select %gt3A_470, %select_n3A_455, %select_n3A_476 : vector<256x128xi1>, vector<256x128xi32>
    %max3A_478 = arith.maximumf %slice3A_469, %max3A_452 : vector<256x128xf32>
    %jit3A_479 = arith.constant 34 : i32
    %broadcast_in_dim3A_480 = vector.broadcast %jit3A_479 : i32 to vector<256x128xi32>
    %select_n3A_481 = arith.select %gt3A_470, %broadcast_in_dim3A_480, %select_n3A_455 : vector<256x128xi1>, vector<256x128xi32>
    %slice3A_482 = vector.extract_strided_slice %select_n3A {offsets = [0, 4480], sizes = [256, 128], strides = [1, 1]} : vector<256x10240xf32> to vector<256x128xf32>
    %gt3A_483 = arith.cmpf ogt, %slice3A_482, %max3A_465 : vector<256x128xf32>
    %gt3A_484 = arith.cmpf ogt, %slice3A_482, %select_n3A_460 : vector<256x128xf32>
    %select_n3A_485 = arith.select %gt3A_484, %slice3A_482, %select_n3A_460 : vector<256x128xi1>, vector<256x128xf32>
    %select_n3A_486 = arith.select %gt3A_483, %max3A_465, %select_n3A_485 : vector<256x128xi1>, vector<256x128xf32>
    %jit3A_487 = arith.constant 35 : i32
    %broadcast_in_dim3A_488 = vector.broadcast %jit3A_487 : i32 to vector<256x128xi32>
    %select_n3A_489 = arith.select %gt3A_484, %broadcast_in_dim3A_488, %select_n3A_464 : vector<256x128xi1>, vector<256x128xi32>
    %select_n3A_490 = arith.select %gt3A_483, %select_n3A_468, %select_n3A_489 : vector<256x128xi1>, vector<256x128xi32>
    %max3A_491 = arith.maximumf %slice3A_482, %max3A_465 : vector<256x128xf32>
    %jit3A_492 = arith.constant 35 : i32
    %broadcast_in_dim3A_493 = vector.broadcast %jit3A_492 : i32 to vector<256x128xi32>
    %select_n3A_494 = arith.select %gt3A_483, %broadcast_in_dim3A_493, %select_n3A_468 : vector<256x128xi1>, vector<256x128xi32>
    %slice3A_495 = vector.extract_strided_slice %select_n3A {offsets = [0, 4608], sizes = [256, 128], strides = [1, 1]} : vector<256x10240xf32> to vector<256x128xf32>
    %gt3A_496 = arith.cmpf ogt, %slice3A_495, %max3A_478 : vector<256x128xf32>
    %gt3A_497 = arith.cmpf ogt, %slice3A_495, %select_n3A_473 : vector<256x128xf32>
    %select_n3A_498 = arith.select %gt3A_497, %slice3A_495, %select_n3A_473 : vector<256x128xi1>, vector<256x128xf32>
    %select_n3A_499 = arith.select %gt3A_496, %max3A_478, %select_n3A_498 : vector<256x128xi1>, vector<256x128xf32>
    %jit3A_500 = arith.constant 36 : i32
    %broadcast_in_dim3A_501 = vector.broadcast %jit3A_500 : i32 to vector<256x128xi32>
    %select_n3A_502 = arith.select %gt3A_497, %broadcast_in_dim3A_501, %select_n3A_477 : vector<256x128xi1>, vector<256x128xi32>
    %select_n3A_503 = arith.select %gt3A_496, %select_n3A_481, %select_n3A_502 : vector<256x128xi1>, vector<256x128xi32>
    %max3A_504 = arith.maximumf %slice3A_495, %max3A_478 : vector<256x128xf32>
    %jit3A_505 = arith.constant 36 : i32
    %broadcast_in_dim3A_506 = vector.broadcast %jit3A_505 : i32 to vector<256x128xi32>
    %select_n3A_507 = arith.select %gt3A_496, %broadcast_in_dim3A_506, %select_n3A_481 : vector<256x128xi1>, vector<256x128xi32>
    %slice3A_508 = vector.extract_strided_slice %select_n3A {offsets = [0, 4736], sizes = [256, 128], strides = [1, 1]} : vector<256x10240xf32> to vector<256x128xf32>
    %gt3A_509 = arith.cmpf ogt, %slice3A_508, %max3A_491 : vector<256x128xf32>
    %gt3A_510 = arith.cmpf ogt, %slice3A_508, %select_n3A_486 : vector<256x128xf32>
    %select_n3A_511 = arith.select %gt3A_510, %slice3A_508, %select_n3A_486 : vector<256x128xi1>, vector<256x128xf32>
    %select_n3A_512 = arith.select %gt3A_509, %max3A_491, %select_n3A_511 : vector<256x128xi1>, vector<256x128xf32>
    %jit3A_513 = arith.constant 37 : i32
    %broadcast_in_dim3A_514 = vector.broadcast %jit3A_513 : i32 to vector<256x128xi32>
    %select_n3A_515 = arith.select %gt3A_510, %broadcast_in_dim3A_514, %select_n3A_490 : vector<256x128xi1>, vector<256x128xi32>
    %select_n3A_516 = arith.select %gt3A_509, %select_n3A_494, %select_n3A_515 : vector<256x128xi1>, vector<256x128xi32>
    %max3A_517 = arith.maximumf %slice3A_508, %max3A_491 : vector<256x128xf32>
    %jit3A_518 = arith.constant 37 : i32
    %broadcast_in_dim3A_519 = vector.broadcast %jit3A_518 : i32 to vector<256x128xi32>
    %select_n3A_520 = arith.select %gt3A_509, %broadcast_in_dim3A_519, %select_n3A_494 : vector<256x128xi1>, vector<256x128xi32>
    %slice3A_521 = vector.extract_strided_slice %select_n3A {offsets = [0, 4864], sizes = [256, 128], strides = [1, 1]} : vector<256x10240xf32> to vector<256x128xf32>
    %gt3A_522 = arith.cmpf ogt, %slice3A_521, %max3A_504 : vector<256x128xf32>
    %gt3A_523 = arith.cmpf ogt, %slice3A_521, %select_n3A_499 : vector<256x128xf32>
    %select_n3A_524 = arith.select %gt3A_523, %slice3A_521, %select_n3A_499 : vector<256x128xi1>, vector<256x128xf32>
    %select_n3A_525 = arith.select %gt3A_522, %max3A_504, %select_n3A_524 : vector<256x128xi1>, vector<256x128xf32>
    %jit3A_526 = arith.constant 38 : i32
    %broadcast_in_dim3A_527 = vector.broadcast %jit3A_526 : i32 to vector<256x128xi32>
    %select_n3A_528 = arith.select %gt3A_523, %broadcast_in_dim3A_527, %select_n3A_503 : vector<256x128xi1>, vector<256x128xi32>
    %select_n3A_529 = arith.select %gt3A_522, %select_n3A_507, %select_n3A_528 : vector<256x128xi1>, vector<256x128xi32>
    %max3A_530 = arith.maximumf %slice3A_521, %max3A_504 : vector<256x128xf32>
    %jit3A_531 = arith.constant 38 : i32
    %broadcast_in_dim3A_532 = vector.broadcast %jit3A_531 : i32 to vector<256x128xi32>
    %select_n3A_533 = arith.select %gt3A_522, %broadcast_in_dim3A_532, %select_n3A_507 : vector<256x128xi1>, vector<256x128xi32>
    %slice3A_534 = vector.extract_strided_slice %select_n3A {offsets = [0, 4992], sizes = [256, 128], strides = [1, 1]} : vector<256x10240xf32> to vector<256x128xf32>
    %gt3A_535 = arith.cmpf ogt, %slice3A_534, %max3A_517 : vector<256x128xf32>
    %gt3A_536 = arith.cmpf ogt, %slice3A_534, %select_n3A_512 : vector<256x128xf32>
    %select_n3A_537 = arith.select %gt3A_536, %slice3A_534, %select_n3A_512 : vector<256x128xi1>, vector<256x128xf32>
    %select_n3A_538 = arith.select %gt3A_535, %max3A_517, %select_n3A_537 : vector<256x128xi1>, vector<256x128xf32>
    %jit3A_539 = arith.constant 39 : i32
    %broadcast_in_dim3A_540 = vector.broadcast %jit3A_539 : i32 to vector<256x128xi32>
    %select_n3A_541 = arith.select %gt3A_536, %broadcast_in_dim3A_540, %select_n3A_516 : vector<256x128xi1>, vector<256x128xi32>
    %select_n3A_542 = arith.select %gt3A_535, %select_n3A_520, %select_n3A_541 : vector<256x128xi1>, vector<256x128xi32>
    %max3A_543 = arith.maximumf %slice3A_534, %max3A_517 : vector<256x128xf32>
    %jit3A_544 = arith.constant 39 : i32
    %broadcast_in_dim3A_545 = vector.broadcast %jit3A_544 : i32 to vector<256x128xi32>
    %select_n3A_546 = arith.select %gt3A_535, %broadcast_in_dim3A_545, %select_n3A_520 : vector<256x128xi1>, vector<256x128xi32>
    %slice3A_547 = vector.extract_strided_slice %select_n3A {offsets = [0, 5120], sizes = [256, 128], strides = [1, 1]} : vector<256x10240xf32> to vector<256x128xf32>
    %gt3A_548 = arith.cmpf ogt, %slice3A_547, %max3A_530 : vector<256x128xf32>
    %gt3A_549 = arith.cmpf ogt, %slice3A_547, %select_n3A_525 : vector<256x128xf32>
    %select_n3A_550 = arith.select %gt3A_549, %slice3A_547, %select_n3A_525 : vector<256x128xi1>, vector<256x128xf32>
    %select_n3A_551 = arith.select %gt3A_548, %max3A_530, %select_n3A_550 : vector<256x128xi1>, vector<256x128xf32>
    %jit3A_552 = arith.constant 40 : i32
    %broadcast_in_dim3A_553 = vector.broadcast %jit3A_552 : i32 to vector<256x128xi32>
    %select_n3A_554 = arith.select %gt3A_549, %broadcast_in_dim3A_553, %select_n3A_529 : vector<256x128xi1>, vector<256x128xi32>
    %select_n3A_555 = arith.select %gt3A_548, %select_n3A_533, %select_n3A_554 : vector<256x128xi1>, vector<256x128xi32>
    %max3A_556 = arith.maximumf %slice3A_547, %max3A_530 : vector<256x128xf32>
    %jit3A_557 = arith.constant 40 : i32
    %broadcast_in_dim3A_558 = vector.broadcast %jit3A_557 : i32 to vector<256x128xi32>
    %select_n3A_559 = arith.select %gt3A_548, %broadcast_in_dim3A_558, %select_n3A_533 : vector<256x128xi1>, vector<256x128xi32>
    %slice3A_560 = vector.extract_strided_slice %select_n3A {offsets = [0, 5248], sizes = [256, 128], strides = [1, 1]} : vector<256x10240xf32> to vector<256x128xf32>
    %gt3A_561 = arith.cmpf ogt, %slice3A_560, %max3A_543 : vector<256x128xf32>
    %gt3A_562 = arith.cmpf ogt, %slice3A_560, %select_n3A_538 : vector<256x128xf32>
    %select_n3A_563 = arith.select %gt3A_562, %slice3A_560, %select_n3A_538 : vector<256x128xi1>, vector<256x128xf32>
    %select_n3A_564 = arith.select %gt3A_561, %max3A_543, %select_n3A_563 : vector<256x128xi1>, vector<256x128xf32>
    %jit3A_565 = arith.constant 41 : i32
    %broadcast_in_dim3A_566 = vector.broadcast %jit3A_565 : i32 to vector<256x128xi32>
    %select_n3A_567 = arith.select %gt3A_562, %broadcast_in_dim3A_566, %select_n3A_542 : vector<256x128xi1>, vector<256x128xi32>
    %select_n3A_568 = arith.select %gt3A_561, %select_n3A_546, %select_n3A_567 : vector<256x128xi1>, vector<256x128xi32>
    %max3A_569 = arith.maximumf %slice3A_560, %max3A_543 : vector<256x128xf32>
    %jit3A_570 = arith.constant 41 : i32
    %broadcast_in_dim3A_571 = vector.broadcast %jit3A_570 : i32 to vector<256x128xi32>
    %select_n3A_572 = arith.select %gt3A_561, %broadcast_in_dim3A_571, %select_n3A_546 : vector<256x128xi1>, vector<256x128xi32>
    %slice3A_573 = vector.extract_strided_slice %select_n3A {offsets = [0, 5376], sizes = [256, 128], strides = [1, 1]} : vector<256x10240xf32> to vector<256x128xf32>
    %gt3A_574 = arith.cmpf ogt, %slice3A_573, %max3A_556 : vector<256x128xf32>
    %gt3A_575 = arith.cmpf ogt, %slice3A_573, %select_n3A_551 : vector<256x128xf32>
    %select_n3A_576 = arith.select %gt3A_575, %slice3A_573, %select_n3A_551 : vector<256x128xi1>, vector<256x128xf32>
    %select_n3A_577 = arith.select %gt3A_574, %max3A_556, %select_n3A_576 : vector<256x128xi1>, vector<256x128xf32>
    %jit3A_578 = arith.constant 42 : i32
    %broadcast_in_dim3A_579 = vector.broadcast %jit3A_578 : i32 to vector<256x128xi32>
    %select_n3A_580 = arith.select %gt3A_575, %broadcast_in_dim3A_579, %select_n3A_555 : vector<256x128xi1>, vector<256x128xi32>
    %select_n3A_581 = arith.select %gt3A_574, %select_n3A_559, %select_n3A_580 : vector<256x128xi1>, vector<256x128xi32>
    %max3A_582 = arith.maximumf %slice3A_573, %max3A_556 : vector<256x128xf32>
    %jit3A_583 = arith.constant 42 : i32
    %broadcast_in_dim3A_584 = vector.broadcast %jit3A_583 : i32 to vector<256x128xi32>
    %select_n3A_585 = arith.select %gt3A_574, %broadcast_in_dim3A_584, %select_n3A_559 : vector<256x128xi1>, vector<256x128xi32>
    %slice3A_586 = vector.extract_strided_slice %select_n3A {offsets = [0, 5504], sizes = [256, 128], strides = [1, 1]} : vector<256x10240xf32> to vector<256x128xf32>
    %gt3A_587 = arith.cmpf ogt, %slice3A_586, %max3A_569 : vector<256x128xf32>
    %gt3A_588 = arith.cmpf ogt, %slice3A_586, %select_n3A_564 : vector<256x128xf32>
    %select_n3A_589 = arith.select %gt3A_588, %slice3A_586, %select_n3A_564 : vector<256x128xi1>, vector<256x128xf32>
    %select_n3A_590 = arith.select %gt3A_587, %max3A_569, %select_n3A_589 : vector<256x128xi1>, vector<256x128xf32>
    %jit3A_591 = arith.constant 43 : i32
    %broadcast_in_dim3A_592 = vector.broadcast %jit3A_591 : i32 to vector<256x128xi32>
    %select_n3A_593 = arith.select %gt3A_588, %broadcast_in_dim3A_592, %select_n3A_568 : vector<256x128xi1>, vector<256x128xi32>
    %select_n3A_594 = arith.select %gt3A_587, %select_n3A_572, %select_n3A_593 : vector<256x128xi1>, vector<256x128xi32>
    %max3A_595 = arith.maximumf %slice3A_586, %max3A_569 : vector<256x128xf32>
    %jit3A_596 = arith.constant 43 : i32
    %broadcast_in_dim3A_597 = vector.broadcast %jit3A_596 : i32 to vector<256x128xi32>
    %select_n3A_598 = arith.select %gt3A_587, %broadcast_in_dim3A_597, %select_n3A_572 : vector<256x128xi1>, vector<256x128xi32>
    %slice3A_599 = vector.extract_strided_slice %select_n3A {offsets = [0, 5632], sizes = [256, 128], strides = [1, 1]} : vector<256x10240xf32> to vector<256x128xf32>
    %gt3A_600 = arith.cmpf ogt, %slice3A_599, %max3A_582 : vector<256x128xf32>
    %gt3A_601 = arith.cmpf ogt, %slice3A_599, %select_n3A_577 : vector<256x128xf32>
    %select_n3A_602 = arith.select %gt3A_601, %slice3A_599, %select_n3A_577 : vector<256x128xi1>, vector<256x128xf32>
    %select_n3A_603 = arith.select %gt3A_600, %max3A_582, %select_n3A_602 : vector<256x128xi1>, vector<256x128xf32>
    %jit3A_604 = arith.constant 44 : i32
    %broadcast_in_dim3A_605 = vector.broadcast %jit3A_604 : i32 to vector<256x128xi32>
    %select_n3A_606 = arith.select %gt3A_601, %broadcast_in_dim3A_605, %select_n3A_581 : vector<256x128xi1>, vector<256x128xi32>
    %select_n3A_607 = arith.select %gt3A_600, %select_n3A_585, %select_n3A_606 : vector<256x128xi1>, vector<256x128xi32>
    %max3A_608 = arith.maximumf %slice3A_599, %max3A_582 : vector<256x128xf32>
    %jit3A_609 = arith.constant 44 : i32
    %broadcast_in_dim3A_610 = vector.broadcast %jit3A_609 : i32 to vector<256x128xi32>
    %select_n3A_611 = arith.select %gt3A_600, %broadcast_in_dim3A_610, %select_n3A_585 : vector<256x128xi1>, vector<256x128xi32>
    %slice3A_612 = vector.extract_strided_slice %select_n3A {offsets = [0, 5760], sizes = [256, 128], strides = [1, 1]} : vector<256x10240xf32> to vector<256x128xf32>
    %gt3A_613 = arith.cmpf ogt, %slice3A_612, %max3A_595 : vector<256x128xf32>
    %gt3A_614 = arith.cmpf ogt, %slice3A_612, %select_n3A_590 : vector<256x128xf32>
    %select_n3A_615 = arith.select %gt3A_614, %slice3A_612, %select_n3A_590 : vector<256x128xi1>, vector<256x128xf32>
    %select_n3A_616 = arith.select %gt3A_613, %max3A_595, %select_n3A_615 : vector<256x128xi1>, vector<256x128xf32>
    %jit3A_617 = arith.constant 45 : i32
    %broadcast_in_dim3A_618 = vector.broadcast %jit3A_617 : i32 to vector<256x128xi32>
    %select_n3A_619 = arith.select %gt3A_614, %broadcast_in_dim3A_618, %select_n3A_594 : vector<256x128xi1>, vector<256x128xi32>
    %select_n3A_620 = arith.select %gt3A_613, %select_n3A_598, %select_n3A_619 : vector<256x128xi1>, vector<256x128xi32>
    %max3A_621 = arith.maximumf %slice3A_612, %max3A_595 : vector<256x128xf32>
    %jit3A_622 = arith.constant 45 : i32
    %broadcast_in_dim3A_623 = vector.broadcast %jit3A_622 : i32 to vector<256x128xi32>
    %select_n3A_624 = arith.select %gt3A_613, %broadcast_in_dim3A_623, %select_n3A_598 : vector<256x128xi1>, vector<256x128xi32>
    %slice3A_625 = vector.extract_strided_slice %select_n3A {offsets = [0, 5888], sizes = [256, 128], strides = [1, 1]} : vector<256x10240xf32> to vector<256x128xf32>
    %gt3A_626 = arith.cmpf ogt, %slice3A_625, %max3A_608 : vector<256x128xf32>
    %gt3A_627 = arith.cmpf ogt, %slice3A_625, %select_n3A_603 : vector<256x128xf32>
    %select_n3A_628 = arith.select %gt3A_627, %slice3A_625, %select_n3A_603 : vector<256x128xi1>, vector<256x128xf32>
    %select_n3A_629 = arith.select %gt3A_626, %max3A_608, %select_n3A_628 : vector<256x128xi1>, vector<256x128xf32>
    %jit3A_630 = arith.constant 46 : i32
    %broadcast_in_dim3A_631 = vector.broadcast %jit3A_630 : i32 to vector<256x128xi32>
    %select_n3A_632 = arith.select %gt3A_627, %broadcast_in_dim3A_631, %select_n3A_607 : vector<256x128xi1>, vector<256x128xi32>
    %select_n3A_633 = arith.select %gt3A_626, %select_n3A_611, %select_n3A_632 : vector<256x128xi1>, vector<256x128xi32>
    %max3A_634 = arith.maximumf %slice3A_625, %max3A_608 : vector<256x128xf32>
    %jit3A_635 = arith.constant 46 : i32
    %broadcast_in_dim3A_636 = vector.broadcast %jit3A_635 : i32 to vector<256x128xi32>
    %select_n3A_637 = arith.select %gt3A_626, %broadcast_in_dim3A_636, %select_n3A_611 : vector<256x128xi1>, vector<256x128xi32>
    %slice3A_638 = vector.extract_strided_slice %select_n3A {offsets = [0, 6016], sizes = [256, 128], strides = [1, 1]} : vector<256x10240xf32> to vector<256x128xf32>
    %gt3A_639 = arith.cmpf ogt, %slice3A_638, %max3A_621 : vector<256x128xf32>
    %gt3A_640 = arith.cmpf ogt, %slice3A_638, %select_n3A_616 : vector<256x128xf32>
    %select_n3A_641 = arith.select %gt3A_640, %slice3A_638, %select_n3A_616 : vector<256x128xi1>, vector<256x128xf32>
    %select_n3A_642 = arith.select %gt3A_639, %max3A_621, %select_n3A_641 : vector<256x128xi1>, vector<256x128xf32>
    %jit3A_643 = arith.constant 47 : i32
    %broadcast_in_dim3A_644 = vector.broadcast %jit3A_643 : i32 to vector<256x128xi32>
    %select_n3A_645 = arith.select %gt3A_640, %broadcast_in_dim3A_644, %select_n3A_620 : vector<256x128xi1>, vector<256x128xi32>
    %select_n3A_646 = arith.select %gt3A_639, %select_n3A_624, %select_n3A_645 : vector<256x128xi1>, vector<256x128xi32>
    %max3A_647 = arith.maximumf %slice3A_638, %max3A_621 : vector<256x128xf32>
    %jit3A_648 = arith.constant 47 : i32
    %broadcast_in_dim3A_649 = vector.broadcast %jit3A_648 : i32 to vector<256x128xi32>
    %select_n3A_650 = arith.select %gt3A_639, %broadcast_in_dim3A_649, %select_n3A_624 : vector<256x128xi1>, vector<256x128xi32>
    %slice3A_651 = vector.extract_strided_slice %select_n3A {offsets = [0, 6144], sizes = [256, 128], strides = [1, 1]} : vector<256x10240xf32> to vector<256x128xf32>
    %gt3A_652 = arith.cmpf ogt, %slice3A_651, %max3A_634 : vector<256x128xf32>
    %gt3A_653 = arith.cmpf ogt, %slice3A_651, %select_n3A_629 : vector<256x128xf32>
    %select_n3A_654 = arith.select %gt3A_653, %slice3A_651, %select_n3A_629 : vector<256x128xi1>, vector<256x128xf32>
    %select_n3A_655 = arith.select %gt3A_652, %max3A_634, %select_n3A_654 : vector<256x128xi1>, vector<256x128xf32>
    %jit3A_656 = arith.constant 48 : i32
    %broadcast_in_dim3A_657 = vector.broadcast %jit3A_656 : i32 to vector<256x128xi32>
    %select_n3A_658 = arith.select %gt3A_653, %broadcast_in_dim3A_657, %select_n3A_633 : vector<256x128xi1>, vector<256x128xi32>
    %select_n3A_659 = arith.select %gt3A_652, %select_n3A_637, %select_n3A_658 : vector<256x128xi1>, vector<256x128xi32>
    %max3A_660 = arith.maximumf %slice3A_651, %max3A_634 : vector<256x128xf32>
    %jit3A_661 = arith.constant 48 : i32
    %broadcast_in_dim3A_662 = vector.broadcast %jit3A_661 : i32 to vector<256x128xi32>
    %select_n3A_663 = arith.select %gt3A_652, %broadcast_in_dim3A_662, %select_n3A_637 : vector<256x128xi1>, vector<256x128xi32>
    %slice3A_664 = vector.extract_strided_slice %select_n3A {offsets = [0, 6272], sizes = [256, 128], strides = [1, 1]} : vector<256x10240xf32> to vector<256x128xf32>
    %gt3A_665 = arith.cmpf ogt, %slice3A_664, %max3A_647 : vector<256x128xf32>
    %gt3A_666 = arith.cmpf ogt, %slice3A_664, %select_n3A_642 : vector<256x128xf32>
    %select_n3A_667 = arith.select %gt3A_666, %slice3A_664, %select_n3A_642 : vector<256x128xi1>, vector<256x128xf32>
    %select_n3A_668 = arith.select %gt3A_665, %max3A_647, %select_n3A_667 : vector<256x128xi1>, vector<256x128xf32>
    %jit3A_669 = arith.constant 49 : i32
    %broadcast_in_dim3A_670 = vector.broadcast %jit3A_669 : i32 to vector<256x128xi32>
    %select_n3A_671 = arith.select %gt3A_666, %broadcast_in_dim3A_670, %select_n3A_646 : vector<256x128xi1>, vector<256x128xi32>
    %select_n3A_672 = arith.select %gt3A_665, %select_n3A_650, %select_n3A_671 : vector<256x128xi1>, vector<256x128xi32>
    %max3A_673 = arith.maximumf %slice3A_664, %max3A_647 : vector<256x128xf32>
    %jit3A_674 = arith.constant 49 : i32
    %broadcast_in_dim3A_675 = vector.broadcast %jit3A_674 : i32 to vector<256x128xi32>
    %select_n3A_676 = arith.select %gt3A_665, %broadcast_in_dim3A_675, %select_n3A_650 : vector<256x128xi1>, vector<256x128xi32>
    %slice3A_677 = vector.extract_strided_slice %select_n3A {offsets = [0, 6400], sizes = [256, 128], strides = [1, 1]} : vector<256x10240xf32> to vector<256x128xf32>
    %gt3A_678 = arith.cmpf ogt, %slice3A_677, %max3A_660 : vector<256x128xf32>
    %gt3A_679 = arith.cmpf ogt, %slice3A_677, %select_n3A_655 : vector<256x128xf32>
    %select_n3A_680 = arith.select %gt3A_679, %slice3A_677, %select_n3A_655 : vector<256x128xi1>, vector<256x128xf32>
    %select_n3A_681 = arith.select %gt3A_678, %max3A_660, %select_n3A_680 : vector<256x128xi1>, vector<256x128xf32>
    %jit3A_682 = arith.constant 50 : i32
    %broadcast_in_dim3A_683 = vector.broadcast %jit3A_682 : i32 to vector<256x128xi32>
    %select_n3A_684 = arith.select %gt3A_679, %broadcast_in_dim3A_683, %select_n3A_659 : vector<256x128xi1>, vector<256x128xi32>
    %select_n3A_685 = arith.select %gt3A_678, %select_n3A_663, %select_n3A_684 : vector<256x128xi1>, vector<256x128xi32>
    %max3A_686 = arith.maximumf %slice3A_677, %max3A_660 : vector<256x128xf32>
    %jit3A_687 = arith.constant 50 : i32
    %broadcast_in_dim3A_688 = vector.broadcast %jit3A_687 : i32 to vector<256x128xi32>
    %select_n3A_689 = arith.select %gt3A_678, %broadcast_in_dim3A_688, %select_n3A_663 : vector<256x128xi1>, vector<256x128xi32>
    %slice3A_690 = vector.extract_strided_slice %select_n3A {offsets = [0, 6528], sizes = [256, 128], strides = [1, 1]} : vector<256x10240xf32> to vector<256x128xf32>
    %gt3A_691 = arith.cmpf ogt, %slice3A_690, %max3A_673 : vector<256x128xf32>
    %gt3A_692 = arith.cmpf ogt, %slice3A_690, %select_n3A_668 : vector<256x128xf32>
    %select_n3A_693 = arith.select %gt3A_692, %slice3A_690, %select_n3A_668 : vector<256x128xi1>, vector<256x128xf32>
    %select_n3A_694 = arith.select %gt3A_691, %max3A_673, %select_n3A_693 : vector<256x128xi1>, vector<256x128xf32>
    %jit3A_695 = arith.constant 51 : i32
    %broadcast_in_dim3A_696 = vector.broadcast %jit3A_695 : i32 to vector<256x128xi32>
    %select_n3A_697 = arith.select %gt3A_692, %broadcast_in_dim3A_696, %select_n3A_672 : vector<256x128xi1>, vector<256x128xi32>
    %select_n3A_698 = arith.select %gt3A_691, %select_n3A_676, %select_n3A_697 : vector<256x128xi1>, vector<256x128xi32>
    %max3A_699 = arith.maximumf %slice3A_690, %max3A_673 : vector<256x128xf32>
    %jit3A_700 = arith.constant 51 : i32
    %broadcast_in_dim3A_701 = vector.broadcast %jit3A_700 : i32 to vector<256x128xi32>
    %select_n3A_702 = arith.select %gt3A_691, %broadcast_in_dim3A_701, %select_n3A_676 : vector<256x128xi1>, vector<256x128xi32>
    %slice3A_703 = vector.extract_strided_slice %select_n3A {offsets = [0, 6656], sizes = [256, 128], strides = [1, 1]} : vector<256x10240xf32> to vector<256x128xf32>
    %gt3A_704 = arith.cmpf ogt, %slice3A_703, %max3A_686 : vector<256x128xf32>
    %gt3A_705 = arith.cmpf ogt, %slice3A_703, %select_n3A_681 : vector<256x128xf32>
    %select_n3A_706 = arith.select %gt3A_705, %slice3A_703, %select_n3A_681 : vector<256x128xi1>, vector<256x128xf32>
    %select_n3A_707 = arith.select %gt3A_704, %max3A_686, %select_n3A_706 : vector<256x128xi1>, vector<256x128xf32>
    %jit3A_708 = arith.constant 52 : i32
    %broadcast_in_dim3A_709 = vector.broadcast %jit3A_708 : i32 to vector<256x128xi32>
    %select_n3A_710 = arith.select %gt3A_705, %broadcast_in_dim3A_709, %select_n3A_685 : vector<256x128xi1>, vector<256x128xi32>
    %select_n3A_711 = arith.select %gt3A_704, %select_n3A_689, %select_n3A_710 : vector<256x128xi1>, vector<256x128xi32>
    %max3A_712 = arith.maximumf %slice3A_703, %max3A_686 : vector<256x128xf32>
    %jit3A_713 = arith.constant 52 : i32
    %broadcast_in_dim3A_714 = vector.broadcast %jit3A_713 : i32 to vector<256x128xi32>
    %select_n3A_715 = arith.select %gt3A_704, %broadcast_in_dim3A_714, %select_n3A_689 : vector<256x128xi1>, vector<256x128xi32>
    %slice3A_716 = vector.extract_strided_slice %select_n3A {offsets = [0, 6784], sizes = [256, 128], strides = [1, 1]} : vector<256x10240xf32> to vector<256x128xf32>
    %gt3A_717 = arith.cmpf ogt, %slice3A_716, %max3A_699 : vector<256x128xf32>
    %gt3A_718 = arith.cmpf ogt, %slice3A_716, %select_n3A_694 : vector<256x128xf32>
    %select_n3A_719 = arith.select %gt3A_718, %slice3A_716, %select_n3A_694 : vector<256x128xi1>, vector<256x128xf32>
    %select_n3A_720 = arith.select %gt3A_717, %max3A_699, %select_n3A_719 : vector<256x128xi1>, vector<256x128xf32>
    %jit3A_721 = arith.constant 53 : i32
    %broadcast_in_dim3A_722 = vector.broadcast %jit3A_721 : i32 to vector<256x128xi32>
    %select_n3A_723 = arith.select %gt3A_718, %broadcast_in_dim3A_722, %select_n3A_698 : vector<256x128xi1>, vector<256x128xi32>
    %select_n3A_724 = arith.select %gt3A_717, %select_n3A_702, %select_n3A_723 : vector<256x128xi1>, vector<256x128xi32>
    %max3A_725 = arith.maximumf %slice3A_716, %max3A_699 : vector<256x128xf32>
    %jit3A_726 = arith.constant 53 : i32
    %broadcast_in_dim3A_727 = vector.broadcast %jit3A_726 : i32 to vector<256x128xi32>
    %select_n3A_728 = arith.select %gt3A_717, %broadcast_in_dim3A_727, %select_n3A_702 : vector<256x128xi1>, vector<256x128xi32>
    %slice3A_729 = vector.extract_strided_slice %select_n3A {offsets = [0, 6912], sizes = [256, 128], strides = [1, 1]} : vector<256x10240xf32> to vector<256x128xf32>
    %gt3A_730 = arith.cmpf ogt, %slice3A_729, %max3A_712 : vector<256x128xf32>
    %gt3A_731 = arith.cmpf ogt, %slice3A_729, %select_n3A_707 : vector<256x128xf32>
    %select_n3A_732 = arith.select %gt3A_731, %slice3A_729, %select_n3A_707 : vector<256x128xi1>, vector<256x128xf32>
    %select_n3A_733 = arith.select %gt3A_730, %max3A_712, %select_n3A_732 : vector<256x128xi1>, vector<256x128xf32>
    %jit3A_734 = arith.constant 54 : i32
    %broadcast_in_dim3A_735 = vector.broadcast %jit3A_734 : i32 to vector<256x128xi32>
    %select_n3A_736 = arith.select %gt3A_731, %broadcast_in_dim3A_735, %select_n3A_711 : vector<256x128xi1>, vector<256x128xi32>
    %select_n3A_737 = arith.select %gt3A_730, %select_n3A_715, %select_n3A_736 : vector<256x128xi1>, vector<256x128xi32>
    %max3A_738 = arith.maximumf %slice3A_729, %max3A_712 : vector<256x128xf32>
    %jit3A_739 = arith.constant 54 : i32
    %broadcast_in_dim3A_740 = vector.broadcast %jit3A_739 : i32 to vector<256x128xi32>
    %select_n3A_741 = arith.select %gt3A_730, %broadcast_in_dim3A_740, %select_n3A_715 : vector<256x128xi1>, vector<256x128xi32>
    %slice3A_742 = vector.extract_strided_slice %select_n3A {offsets = [0, 7040], sizes = [256, 128], strides = [1, 1]} : vector<256x10240xf32> to vector<256x128xf32>
    %gt3A_743 = arith.cmpf ogt, %slice3A_742, %max3A_725 : vector<256x128xf32>
    %gt3A_744 = arith.cmpf ogt, %slice3A_742, %select_n3A_720 : vector<256x128xf32>
    %select_n3A_745 = arith.select %gt3A_744, %slice3A_742, %select_n3A_720 : vector<256x128xi1>, vector<256x128xf32>
    %select_n3A_746 = arith.select %gt3A_743, %max3A_725, %select_n3A_745 : vector<256x128xi1>, vector<256x128xf32>
    %jit3A_747 = arith.constant 55 : i32
    %broadcast_in_dim3A_748 = vector.broadcast %jit3A_747 : i32 to vector<256x128xi32>
    %select_n3A_749 = arith.select %gt3A_744, %broadcast_in_dim3A_748, %select_n3A_724 : vector<256x128xi1>, vector<256x128xi32>
    %select_n3A_750 = arith.select %gt3A_743, %select_n3A_728, %select_n3A_749 : vector<256x128xi1>, vector<256x128xi32>
    %max3A_751 = arith.maximumf %slice3A_742, %max3A_725 : vector<256x128xf32>
    %jit3A_752 = arith.constant 55 : i32
    %broadcast_in_dim3A_753 = vector.broadcast %jit3A_752 : i32 to vector<256x128xi32>
    %select_n3A_754 = arith.select %gt3A_743, %broadcast_in_dim3A_753, %select_n3A_728 : vector<256x128xi1>, vector<256x128xi32>
    %slice3A_755 = vector.extract_strided_slice %select_n3A {offsets = [0, 7168], sizes = [256, 128], strides = [1, 1]} : vector<256x10240xf32> to vector<256x128xf32>
    %gt3A_756 = arith.cmpf ogt, %slice3A_755, %max3A_738 : vector<256x128xf32>
    %gt3A_757 = arith.cmpf ogt, %slice3A_755, %select_n3A_733 : vector<256x128xf32>
    %select_n3A_758 = arith.select %gt3A_757, %slice3A_755, %select_n3A_733 : vector<256x128xi1>, vector<256x128xf32>
    %select_n3A_759 = arith.select %gt3A_756, %max3A_738, %select_n3A_758 : vector<256x128xi1>, vector<256x128xf32>
    %jit3A_760 = arith.constant 56 : i32
    %broadcast_in_dim3A_761 = vector.broadcast %jit3A_760 : i32 to vector<256x128xi32>
    %select_n3A_762 = arith.select %gt3A_757, %broadcast_in_dim3A_761, %select_n3A_737 : vector<256x128xi1>, vector<256x128xi32>
    %select_n3A_763 = arith.select %gt3A_756, %select_n3A_741, %select_n3A_762 : vector<256x128xi1>, vector<256x128xi32>
    %max3A_764 = arith.maximumf %slice3A_755, %max3A_738 : vector<256x128xf32>
    %jit3A_765 = arith.constant 56 : i32
    %broadcast_in_dim3A_766 = vector.broadcast %jit3A_765 : i32 to vector<256x128xi32>
    %select_n3A_767 = arith.select %gt3A_756, %broadcast_in_dim3A_766, %select_n3A_741 : vector<256x128xi1>, vector<256x128xi32>
    %slice3A_768 = vector.extract_strided_slice %select_n3A {offsets = [0, 7296], sizes = [256, 128], strides = [1, 1]} : vector<256x10240xf32> to vector<256x128xf32>
    %gt3A_769 = arith.cmpf ogt, %slice3A_768, %max3A_751 : vector<256x128xf32>
    %gt3A_770 = arith.cmpf ogt, %slice3A_768, %select_n3A_746 : vector<256x128xf32>
    %select_n3A_771 = arith.select %gt3A_770, %slice3A_768, %select_n3A_746 : vector<256x128xi1>, vector<256x128xf32>
    %select_n3A_772 = arith.select %gt3A_769, %max3A_751, %select_n3A_771 : vector<256x128xi1>, vector<256x128xf32>
    %jit3A_773 = arith.constant 57 : i32
    %broadcast_in_dim3A_774 = vector.broadcast %jit3A_773 : i32 to vector<256x128xi32>
    %select_n3A_775 = arith.select %gt3A_770, %broadcast_in_dim3A_774, %select_n3A_750 : vector<256x128xi1>, vector<256x128xi32>
    %select_n3A_776 = arith.select %gt3A_769, %select_n3A_754, %select_n3A_775 : vector<256x128xi1>, vector<256x128xi32>
    %max3A_777 = arith.maximumf %slice3A_768, %max3A_751 : vector<256x128xf32>
    %jit3A_778 = arith.constant 57 : i32
    %broadcast_in_dim3A_779 = vector.broadcast %jit3A_778 : i32 to vector<256x128xi32>
    %select_n3A_780 = arith.select %gt3A_769, %broadcast_in_dim3A_779, %select_n3A_754 : vector<256x128xi1>, vector<256x128xi32>
    %slice3A_781 = vector.extract_strided_slice %select_n3A {offsets = [0, 7424], sizes = [256, 128], strides = [1, 1]} : vector<256x10240xf32> to vector<256x128xf32>
    %gt3A_782 = arith.cmpf ogt, %slice3A_781, %max3A_764 : vector<256x128xf32>
    %gt3A_783 = arith.cmpf ogt, %slice3A_781, %select_n3A_759 : vector<256x128xf32>
    %select_n3A_784 = arith.select %gt3A_783, %slice3A_781, %select_n3A_759 : vector<256x128xi1>, vector<256x128xf32>
    %select_n3A_785 = arith.select %gt3A_782, %max3A_764, %select_n3A_784 : vector<256x128xi1>, vector<256x128xf32>
    %jit3A_786 = arith.constant 58 : i32
    %broadcast_in_dim3A_787 = vector.broadcast %jit3A_786 : i32 to vector<256x128xi32>
    %select_n3A_788 = arith.select %gt3A_783, %broadcast_in_dim3A_787, %select_n3A_763 : vector<256x128xi1>, vector<256x128xi32>
    %select_n3A_789 = arith.select %gt3A_782, %select_n3A_767, %select_n3A_788 : vector<256x128xi1>, vector<256x128xi32>
    %max3A_790 = arith.maximumf %slice3A_781, %max3A_764 : vector<256x128xf32>
    %jit3A_791 = arith.constant 58 : i32
    %broadcast_in_dim3A_792 = vector.broadcast %jit3A_791 : i32 to vector<256x128xi32>
    %select_n3A_793 = arith.select %gt3A_782, %broadcast_in_dim3A_792, %select_n3A_767 : vector<256x128xi1>, vector<256x128xi32>
    %slice3A_794 = vector.extract_strided_slice %select_n3A {offsets = [0, 7552], sizes = [256, 128], strides = [1, 1]} : vector<256x10240xf32> to vector<256x128xf32>
    %gt3A_795 = arith.cmpf ogt, %slice3A_794, %max3A_777 : vector<256x128xf32>
    %gt3A_796 = arith.cmpf ogt, %slice3A_794, %select_n3A_772 : vector<256x128xf32>
    %select_n3A_797 = arith.select %gt3A_796, %slice3A_794, %select_n3A_772 : vector<256x128xi1>, vector<256x128xf32>
    %select_n3A_798 = arith.select %gt3A_795, %max3A_777, %select_n3A_797 : vector<256x128xi1>, vector<256x128xf32>
    %jit3A_799 = arith.constant 59 : i32
    %broadcast_in_dim3A_800 = vector.broadcast %jit3A_799 : i32 to vector<256x128xi32>
    %select_n3A_801 = arith.select %gt3A_796, %broadcast_in_dim3A_800, %select_n3A_776 : vector<256x128xi1>, vector<256x128xi32>
    %select_n3A_802 = arith.select %gt3A_795, %select_n3A_780, %select_n3A_801 : vector<256x128xi1>, vector<256x128xi32>
    %max3A_803 = arith.maximumf %slice3A_794, %max3A_777 : vector<256x128xf32>
    %jit3A_804 = arith.constant 59 : i32
    %broadcast_in_dim3A_805 = vector.broadcast %jit3A_804 : i32 to vector<256x128xi32>
    %select_n3A_806 = arith.select %gt3A_795, %broadcast_in_dim3A_805, %select_n3A_780 : vector<256x128xi1>, vector<256x128xi32>
    %slice3A_807 = vector.extract_strided_slice %select_n3A {offsets = [0, 7680], sizes = [256, 128], strides = [1, 1]} : vector<256x10240xf32> to vector<256x128xf32>
    %gt3A_808 = arith.cmpf ogt, %slice3A_807, %max3A_790 : vector<256x128xf32>
    %gt3A_809 = arith.cmpf ogt, %slice3A_807, %select_n3A_785 : vector<256x128xf32>
    %select_n3A_810 = arith.select %gt3A_809, %slice3A_807, %select_n3A_785 : vector<256x128xi1>, vector<256x128xf32>
    %select_n3A_811 = arith.select %gt3A_808, %max3A_790, %select_n3A_810 : vector<256x128xi1>, vector<256x128xf32>
    %jit3A_812 = arith.constant 60 : i32
    %broadcast_in_dim3A_813 = vector.broadcast %jit3A_812 : i32 to vector<256x128xi32>
    %select_n3A_814 = arith.select %gt3A_809, %broadcast_in_dim3A_813, %select_n3A_789 : vector<256x128xi1>, vector<256x128xi32>
    %select_n3A_815 = arith.select %gt3A_808, %select_n3A_793, %select_n3A_814 : vector<256x128xi1>, vector<256x128xi32>
    %max3A_816 = arith.maximumf %slice3A_807, %max3A_790 : vector<256x128xf32>
    %jit3A_817 = arith.constant 60 : i32
    %broadcast_in_dim3A_818 = vector.broadcast %jit3A_817 : i32 to vector<256x128xi32>
    %select_n3A_819 = arith.select %gt3A_808, %broadcast_in_dim3A_818, %select_n3A_793 : vector<256x128xi1>, vector<256x128xi32>
    %slice3A_820 = vector.extract_strided_slice %select_n3A {offsets = [0, 7808], sizes = [256, 128], strides = [1, 1]} : vector<256x10240xf32> to vector<256x128xf32>
    %gt3A_821 = arith.cmpf ogt, %slice3A_820, %max3A_803 : vector<256x128xf32>
    %gt3A_822 = arith.cmpf ogt, %slice3A_820, %select_n3A_798 : vector<256x128xf32>
    %select_n3A_823 = arith.select %gt3A_822, %slice3A_820, %select_n3A_798 : vector<256x128xi1>, vector<256x128xf32>
    %select_n3A_824 = arith.select %gt3A_821, %max3A_803, %select_n3A_823 : vector<256x128xi1>, vector<256x128xf32>
    %jit3A_825 = arith.constant 61 : i32
    %broadcast_in_dim3A_826 = vector.broadcast %jit3A_825 : i32 to vector<256x128xi32>
    %select_n3A_827 = arith.select %gt3A_822, %broadcast_in_dim3A_826, %select_n3A_802 : vector<256x128xi1>, vector<256x128xi32>
    %select_n3A_828 = arith.select %gt3A_821, %select_n3A_806, %select_n3A_827 : vector<256x128xi1>, vector<256x128xi32>
    %max3A_829 = arith.maximumf %slice3A_820, %max3A_803 : vector<256x128xf32>
    %jit3A_830 = arith.constant 61 : i32
    %broadcast_in_dim3A_831 = vector.broadcast %jit3A_830 : i32 to vector<256x128xi32>
    %select_n3A_832 = arith.select %gt3A_821, %broadcast_in_dim3A_831, %select_n3A_806 : vector<256x128xi1>, vector<256x128xi32>
    %slice3A_833 = vector.extract_strided_slice %select_n3A {offsets = [0, 7936], sizes = [256, 128], strides = [1, 1]} : vector<256x10240xf32> to vector<256x128xf32>
    %gt3A_834 = arith.cmpf ogt, %slice3A_833, %max3A_816 : vector<256x128xf32>
    %gt3A_835 = arith.cmpf ogt, %slice3A_833, %select_n3A_811 : vector<256x128xf32>
    %select_n3A_836 = arith.select %gt3A_835, %slice3A_833, %select_n3A_811 : vector<256x128xi1>, vector<256x128xf32>
    %select_n3A_837 = arith.select %gt3A_834, %max3A_816, %select_n3A_836 : vector<256x128xi1>, vector<256x128xf32>
    %jit3A_838 = arith.constant 62 : i32
    %broadcast_in_dim3A_839 = vector.broadcast %jit3A_838 : i32 to vector<256x128xi32>
    %select_n3A_840 = arith.select %gt3A_835, %broadcast_in_dim3A_839, %select_n3A_815 : vector<256x128xi1>, vector<256x128xi32>
    %select_n3A_841 = arith.select %gt3A_834, %select_n3A_819, %select_n3A_840 : vector<256x128xi1>, vector<256x128xi32>
    %max3A_842 = arith.maximumf %slice3A_833, %max3A_816 : vector<256x128xf32>
    %jit3A_843 = arith.constant 62 : i32
    %broadcast_in_dim3A_844 = vector.broadcast %jit3A_843 : i32 to vector<256x128xi32>
    %select_n3A_845 = arith.select %gt3A_834, %broadcast_in_dim3A_844, %select_n3A_819 : vector<256x128xi1>, vector<256x128xi32>
    %slice3A_846 = vector.extract_strided_slice %select_n3A {offsets = [0, 8064], sizes = [256, 128], strides = [1, 1]} : vector<256x10240xf32> to vector<256x128xf32>
    %gt3A_847 = arith.cmpf ogt, %slice3A_846, %max3A_829 : vector<256x128xf32>
    %gt3A_848 = arith.cmpf ogt, %slice3A_846, %select_n3A_824 : vector<256x128xf32>
    %select_n3A_849 = arith.select %gt3A_848, %slice3A_846, %select_n3A_824 : vector<256x128xi1>, vector<256x128xf32>
    %select_n3A_850 = arith.select %gt3A_847, %max3A_829, %select_n3A_849 : vector<256x128xi1>, vector<256x128xf32>
    %jit3A_851 = arith.constant 63 : i32
    %broadcast_in_dim3A_852 = vector.broadcast %jit3A_851 : i32 to vector<256x128xi32>
    %select_n3A_853 = arith.select %gt3A_848, %broadcast_in_dim3A_852, %select_n3A_828 : vector<256x128xi1>, vector<256x128xi32>
    %select_n3A_854 = arith.select %gt3A_847, %select_n3A_832, %select_n3A_853 : vector<256x128xi1>, vector<256x128xi32>
    %max3A_855 = arith.maximumf %slice3A_846, %max3A_829 : vector<256x128xf32>
    %jit3A_856 = arith.constant 63 : i32
    %broadcast_in_dim3A_857 = vector.broadcast %jit3A_856 : i32 to vector<256x128xi32>
    %select_n3A_858 = arith.select %gt3A_847, %broadcast_in_dim3A_857, %select_n3A_832 : vector<256x128xi1>, vector<256x128xi32>
    %slice3A_859 = vector.extract_strided_slice %select_n3A {offsets = [0, 8192], sizes = [256, 128], strides = [1, 1]} : vector<256x10240xf32> to vector<256x128xf32>
    %gt3A_860 = arith.cmpf ogt, %slice3A_859, %max3A_842 : vector<256x128xf32>
    %gt3A_861 = arith.cmpf ogt, %slice3A_859, %select_n3A_837 : vector<256x128xf32>
    %select_n3A_862 = arith.select %gt3A_861, %slice3A_859, %select_n3A_837 : vector<256x128xi1>, vector<256x128xf32>
    %select_n3A_863 = arith.select %gt3A_860, %max3A_842, %select_n3A_862 : vector<256x128xi1>, vector<256x128xf32>
    %jit3A_864 = arith.constant 64 : i32
    %broadcast_in_dim3A_865 = vector.broadcast %jit3A_864 : i32 to vector<256x128xi32>
    %select_n3A_866 = arith.select %gt3A_861, %broadcast_in_dim3A_865, %select_n3A_841 : vector<256x128xi1>, vector<256x128xi32>
    %select_n3A_867 = arith.select %gt3A_860, %select_n3A_845, %select_n3A_866 : vector<256x128xi1>, vector<256x128xi32>
    %max3A_868 = arith.maximumf %slice3A_859, %max3A_842 : vector<256x128xf32>
    %jit3A_869 = arith.constant 64 : i32
    %broadcast_in_dim3A_870 = vector.broadcast %jit3A_869 : i32 to vector<256x128xi32>
    %select_n3A_871 = arith.select %gt3A_860, %broadcast_in_dim3A_870, %select_n3A_845 : vector<256x128xi1>, vector<256x128xi32>
    %slice3A_872 = vector.extract_strided_slice %select_n3A {offsets = [0, 8320], sizes = [256, 128], strides = [1, 1]} : vector<256x10240xf32> to vector<256x128xf32>
    %gt3A_873 = arith.cmpf ogt, %slice3A_872, %max3A_855 : vector<256x128xf32>
    %gt3A_874 = arith.cmpf ogt, %slice3A_872, %select_n3A_850 : vector<256x128xf32>
    %select_n3A_875 = arith.select %gt3A_874, %slice3A_872, %select_n3A_850 : vector<256x128xi1>, vector<256x128xf32>
    %select_n3A_876 = arith.select %gt3A_873, %max3A_855, %select_n3A_875 : vector<256x128xi1>, vector<256x128xf32>
    %jit3A_877 = arith.constant 65 : i32
    %broadcast_in_dim3A_878 = vector.broadcast %jit3A_877 : i32 to vector<256x128xi32>
    %select_n3A_879 = arith.select %gt3A_874, %broadcast_in_dim3A_878, %select_n3A_854 : vector<256x128xi1>, vector<256x128xi32>
    %select_n3A_880 = arith.select %gt3A_873, %select_n3A_858, %select_n3A_879 : vector<256x128xi1>, vector<256x128xi32>
    %max3A_881 = arith.maximumf %slice3A_872, %max3A_855 : vector<256x128xf32>
    %jit3A_882 = arith.constant 65 : i32
    %broadcast_in_dim3A_883 = vector.broadcast %jit3A_882 : i32 to vector<256x128xi32>
    %select_n3A_884 = arith.select %gt3A_873, %broadcast_in_dim3A_883, %select_n3A_858 : vector<256x128xi1>, vector<256x128xi32>
    %slice3A_885 = vector.extract_strided_slice %select_n3A {offsets = [0, 8448], sizes = [256, 128], strides = [1, 1]} : vector<256x10240xf32> to vector<256x128xf32>
    %gt3A_886 = arith.cmpf ogt, %slice3A_885, %max3A_868 : vector<256x128xf32>
    %gt3A_887 = arith.cmpf ogt, %slice3A_885, %select_n3A_863 : vector<256x128xf32>
    %select_n3A_888 = arith.select %gt3A_887, %slice3A_885, %select_n3A_863 : vector<256x128xi1>, vector<256x128xf32>
    %select_n3A_889 = arith.select %gt3A_886, %max3A_868, %select_n3A_888 : vector<256x128xi1>, vector<256x128xf32>
    %jit3A_890 = arith.constant 66 : i32
    %broadcast_in_dim3A_891 = vector.broadcast %jit3A_890 : i32 to vector<256x128xi32>
    %select_n3A_892 = arith.select %gt3A_887, %broadcast_in_dim3A_891, %select_n3A_867 : vector<256x128xi1>, vector<256x128xi32>
    %select_n3A_893 = arith.select %gt3A_886, %select_n3A_871, %select_n3A_892 : vector<256x128xi1>, vector<256x128xi32>
    %max3A_894 = arith.maximumf %slice3A_885, %max3A_868 : vector<256x128xf32>
    %jit3A_895 = arith.constant 66 : i32
    %broadcast_in_dim3A_896 = vector.broadcast %jit3A_895 : i32 to vector<256x128xi32>
    %select_n3A_897 = arith.select %gt3A_886, %broadcast_in_dim3A_896, %select_n3A_871 : vector<256x128xi1>, vector<256x128xi32>
    %slice3A_898 = vector.extract_strided_slice %select_n3A {offsets = [0, 8576], sizes = [256, 128], strides = [1, 1]} : vector<256x10240xf32> to vector<256x128xf32>
    %gt3A_899 = arith.cmpf ogt, %slice3A_898, %max3A_881 : vector<256x128xf32>
    %gt3A_900 = arith.cmpf ogt, %slice3A_898, %select_n3A_876 : vector<256x128xf32>
    %select_n3A_901 = arith.select %gt3A_900, %slice3A_898, %select_n3A_876 : vector<256x128xi1>, vector<256x128xf32>
    %select_n3A_902 = arith.select %gt3A_899, %max3A_881, %select_n3A_901 : vector<256x128xi1>, vector<256x128xf32>
    %jit3A_903 = arith.constant 67 : i32
    %broadcast_in_dim3A_904 = vector.broadcast %jit3A_903 : i32 to vector<256x128xi32>
    %select_n3A_905 = arith.select %gt3A_900, %broadcast_in_dim3A_904, %select_n3A_880 : vector<256x128xi1>, vector<256x128xi32>
    %select_n3A_906 = arith.select %gt3A_899, %select_n3A_884, %select_n3A_905 : vector<256x128xi1>, vector<256x128xi32>
    %max3A_907 = arith.maximumf %slice3A_898, %max3A_881 : vector<256x128xf32>
    %jit3A_908 = arith.constant 67 : i32
    %broadcast_in_dim3A_909 = vector.broadcast %jit3A_908 : i32 to vector<256x128xi32>
    %select_n3A_910 = arith.select %gt3A_899, %broadcast_in_dim3A_909, %select_n3A_884 : vector<256x128xi1>, vector<256x128xi32>
    %slice3A_911 = vector.extract_strided_slice %select_n3A {offsets = [0, 8704], sizes = [256, 128], strides = [1, 1]} : vector<256x10240xf32> to vector<256x128xf32>
    %gt3A_912 = arith.cmpf ogt, %slice3A_911, %max3A_894 : vector<256x128xf32>
    %gt3A_913 = arith.cmpf ogt, %slice3A_911, %select_n3A_889 : vector<256x128xf32>
    %select_n3A_914 = arith.select %gt3A_913, %slice3A_911, %select_n3A_889 : vector<256x128xi1>, vector<256x128xf32>
    %select_n3A_915 = arith.select %gt3A_912, %max3A_894, %select_n3A_914 : vector<256x128xi1>, vector<256x128xf32>
    %jit3A_916 = arith.constant 68 : i32
    %broadcast_in_dim3A_917 = vector.broadcast %jit3A_916 : i32 to vector<256x128xi32>
    %select_n3A_918 = arith.select %gt3A_913, %broadcast_in_dim3A_917, %select_n3A_893 : vector<256x128xi1>, vector<256x128xi32>
    %select_n3A_919 = arith.select %gt3A_912, %select_n3A_897, %select_n3A_918 : vector<256x128xi1>, vector<256x128xi32>
    %max3A_920 = arith.maximumf %slice3A_911, %max3A_894 : vector<256x128xf32>
    %jit3A_921 = arith.constant 68 : i32
    %broadcast_in_dim3A_922 = vector.broadcast %jit3A_921 : i32 to vector<256x128xi32>
    %select_n3A_923 = arith.select %gt3A_912, %broadcast_in_dim3A_922, %select_n3A_897 : vector<256x128xi1>, vector<256x128xi32>
    %slice3A_924 = vector.extract_strided_slice %select_n3A {offsets = [0, 8832], sizes = [256, 128], strides = [1, 1]} : vector<256x10240xf32> to vector<256x128xf32>
    %gt3A_925 = arith.cmpf ogt, %slice3A_924, %max3A_907 : vector<256x128xf32>
    %gt3A_926 = arith.cmpf ogt, %slice3A_924, %select_n3A_902 : vector<256x128xf32>
    %select_n3A_927 = arith.select %gt3A_926, %slice3A_924, %select_n3A_902 : vector<256x128xi1>, vector<256x128xf32>
    %select_n3A_928 = arith.select %gt3A_925, %max3A_907, %select_n3A_927 : vector<256x128xi1>, vector<256x128xf32>
    %jit3A_929 = arith.constant 69 : i32
    %broadcast_in_dim3A_930 = vector.broadcast %jit3A_929 : i32 to vector<256x128xi32>
    %select_n3A_931 = arith.select %gt3A_926, %broadcast_in_dim3A_930, %select_n3A_906 : vector<256x128xi1>, vector<256x128xi32>
    %select_n3A_932 = arith.select %gt3A_925, %select_n3A_910, %select_n3A_931 : vector<256x128xi1>, vector<256x128xi32>
    %max3A_933 = arith.maximumf %slice3A_924, %max3A_907 : vector<256x128xf32>
    %jit3A_934 = arith.constant 69 : i32
    %broadcast_in_dim3A_935 = vector.broadcast %jit3A_934 : i32 to vector<256x128xi32>
    %select_n3A_936 = arith.select %gt3A_925, %broadcast_in_dim3A_935, %select_n3A_910 : vector<256x128xi1>, vector<256x128xi32>
    %slice3A_937 = vector.extract_strided_slice %select_n3A {offsets = [0, 8960], sizes = [256, 128], strides = [1, 1]} : vector<256x10240xf32> to vector<256x128xf32>
    %gt3A_938 = arith.cmpf ogt, %slice3A_937, %max3A_920 : vector<256x128xf32>
    %gt3A_939 = arith.cmpf ogt, %slice3A_937, %select_n3A_915 : vector<256x128xf32>
    %select_n3A_940 = arith.select %gt3A_939, %slice3A_937, %select_n3A_915 : vector<256x128xi1>, vector<256x128xf32>
    %select_n3A_941 = arith.select %gt3A_938, %max3A_920, %select_n3A_940 : vector<256x128xi1>, vector<256x128xf32>
    %jit3A_942 = arith.constant 70 : i32
    %broadcast_in_dim3A_943 = vector.broadcast %jit3A_942 : i32 to vector<256x128xi32>
    %select_n3A_944 = arith.select %gt3A_939, %broadcast_in_dim3A_943, %select_n3A_919 : vector<256x128xi1>, vector<256x128xi32>
    %select_n3A_945 = arith.select %gt3A_938, %select_n3A_923, %select_n3A_944 : vector<256x128xi1>, vector<256x128xi32>
    %max3A_946 = arith.maximumf %slice3A_937, %max3A_920 : vector<256x128xf32>
    %jit3A_947 = arith.constant 70 : i32
    %broadcast_in_dim3A_948 = vector.broadcast %jit3A_947 : i32 to vector<256x128xi32>
    %select_n3A_949 = arith.select %gt3A_938, %broadcast_in_dim3A_948, %select_n3A_923 : vector<256x128xi1>, vector<256x128xi32>
    %slice3A_950 = vector.extract_strided_slice %select_n3A {offsets = [0, 9088], sizes = [256, 128], strides = [1, 1]} : vector<256x10240xf32> to vector<256x128xf32>
    %gt3A_951 = arith.cmpf ogt, %slice3A_950, %max3A_933 : vector<256x128xf32>
    %gt3A_952 = arith.cmpf ogt, %slice3A_950, %select_n3A_928 : vector<256x128xf32>
    %select_n3A_953 = arith.select %gt3A_952, %slice3A_950, %select_n3A_928 : vector<256x128xi1>, vector<256x128xf32>
    %select_n3A_954 = arith.select %gt3A_951, %max3A_933, %select_n3A_953 : vector<256x128xi1>, vector<256x128xf32>
    %jit3A_955 = arith.constant 71 : i32
    %broadcast_in_dim3A_956 = vector.broadcast %jit3A_955 : i32 to vector<256x128xi32>
    %select_n3A_957 = arith.select %gt3A_952, %broadcast_in_dim3A_956, %select_n3A_932 : vector<256x128xi1>, vector<256x128xi32>
    %select_n3A_958 = arith.select %gt3A_951, %select_n3A_936, %select_n3A_957 : vector<256x128xi1>, vector<256x128xi32>
    %max3A_959 = arith.maximumf %slice3A_950, %max3A_933 : vector<256x128xf32>
    %jit3A_960 = arith.constant 71 : i32
    %broadcast_in_dim3A_961 = vector.broadcast %jit3A_960 : i32 to vector<256x128xi32>
    %select_n3A_962 = arith.select %gt3A_951, %broadcast_in_dim3A_961, %select_n3A_936 : vector<256x128xi1>, vector<256x128xi32>
    %slice3A_963 = vector.extract_strided_slice %select_n3A {offsets = [0, 9216], sizes = [256, 128], strides = [1, 1]} : vector<256x10240xf32> to vector<256x128xf32>
    %gt3A_964 = arith.cmpf ogt, %slice3A_963, %max3A_946 : vector<256x128xf32>
    %gt3A_965 = arith.cmpf ogt, %slice3A_963, %select_n3A_941 : vector<256x128xf32>
    %select_n3A_966 = arith.select %gt3A_965, %slice3A_963, %select_n3A_941 : vector<256x128xi1>, vector<256x128xf32>
    %select_n3A_967 = arith.select %gt3A_964, %max3A_946, %select_n3A_966 : vector<256x128xi1>, vector<256x128xf32>
    %jit3A_968 = arith.constant 72 : i32
    %broadcast_in_dim3A_969 = vector.broadcast %jit3A_968 : i32 to vector<256x128xi32>
    %select_n3A_970 = arith.select %gt3A_965, %broadcast_in_dim3A_969, %select_n3A_945 : vector<256x128xi1>, vector<256x128xi32>
    %select_n3A_971 = arith.select %gt3A_964, %select_n3A_949, %select_n3A_970 : vector<256x128xi1>, vector<256x128xi32>
    %max3A_972 = arith.maximumf %slice3A_963, %max3A_946 : vector<256x128xf32>
    %jit3A_973 = arith.constant 72 : i32
    %broadcast_in_dim3A_974 = vector.broadcast %jit3A_973 : i32 to vector<256x128xi32>
    %select_n3A_975 = arith.select %gt3A_964, %broadcast_in_dim3A_974, %select_n3A_949 : vector<256x128xi1>, vector<256x128xi32>
    %slice3A_976 = vector.extract_strided_slice %select_n3A {offsets = [0, 9344], sizes = [256, 128], strides = [1, 1]} : vector<256x10240xf32> to vector<256x128xf32>
    %gt3A_977 = arith.cmpf ogt, %slice3A_976, %max3A_959 : vector<256x128xf32>
    %gt3A_978 = arith.cmpf ogt, %slice3A_976, %select_n3A_954 : vector<256x128xf32>
    %select_n3A_979 = arith.select %gt3A_978, %slice3A_976, %select_n3A_954 : vector<256x128xi1>, vector<256x128xf32>
    %select_n3A_980 = arith.select %gt3A_977, %max3A_959, %select_n3A_979 : vector<256x128xi1>, vector<256x128xf32>
    %jit3A_981 = arith.constant 73 : i32
    %broadcast_in_dim3A_982 = vector.broadcast %jit3A_981 : i32 to vector<256x128xi32>
    %select_n3A_983 = arith.select %gt3A_978, %broadcast_in_dim3A_982, %select_n3A_958 : vector<256x128xi1>, vector<256x128xi32>
    %select_n3A_984 = arith.select %gt3A_977, %select_n3A_962, %select_n3A_983 : vector<256x128xi1>, vector<256x128xi32>
    %max3A_985 = arith.maximumf %slice3A_976, %max3A_959 : vector<256x128xf32>
    %jit3A_986 = arith.constant 73 : i32
    %broadcast_in_dim3A_987 = vector.broadcast %jit3A_986 : i32 to vector<256x128xi32>
    %select_n3A_988 = arith.select %gt3A_977, %broadcast_in_dim3A_987, %select_n3A_962 : vector<256x128xi1>, vector<256x128xi32>
    %slice3A_989 = vector.extract_strided_slice %select_n3A {offsets = [0, 9472], sizes = [256, 128], strides = [1, 1]} : vector<256x10240xf32> to vector<256x128xf32>
    %gt3A_990 = arith.cmpf ogt, %slice3A_989, %max3A_972 : vector<256x128xf32>
    %gt3A_991 = arith.cmpf ogt, %slice3A_989, %select_n3A_967 : vector<256x128xf32>
    %select_n3A_992 = arith.select %gt3A_991, %slice3A_989, %select_n3A_967 : vector<256x128xi1>, vector<256x128xf32>
    %select_n3A_993 = arith.select %gt3A_990, %max3A_972, %select_n3A_992 : vector<256x128xi1>, vector<256x128xf32>
    %jit3A_994 = arith.constant 74 : i32
    %broadcast_in_dim3A_995 = vector.broadcast %jit3A_994 : i32 to vector<256x128xi32>
    %select_n3A_996 = arith.select %gt3A_991, %broadcast_in_dim3A_995, %select_n3A_971 : vector<256x128xi1>, vector<256x128xi32>
    %select_n3A_997 = arith.select %gt3A_990, %select_n3A_975, %select_n3A_996 : vector<256x128xi1>, vector<256x128xi32>
    %max3A_998 = arith.maximumf %slice3A_989, %max3A_972 : vector<256x128xf32>
    %jit3A_999 = arith.constant 74 : i32
    %broadcast_in_dim3A_1000 = vector.broadcast %jit3A_999 : i32 to vector<256x128xi32>
    %select_n3A_1001 = arith.select %gt3A_990, %broadcast_in_dim3A_1000, %select_n3A_975 : vector<256x128xi1>, vector<256x128xi32>
    %slice3A_1002 = vector.extract_strided_slice %select_n3A {offsets = [0, 9600], sizes = [256, 128], strides = [1, 1]} : vector<256x10240xf32> to vector<256x128xf32>
    %gt3A_1003 = arith.cmpf ogt, %slice3A_1002, %max3A_985 : vector<256x128xf32>
    %gt3A_1004 = arith.cmpf ogt, %slice3A_1002, %select_n3A_980 : vector<256x128xf32>
    %select_n3A_1005 = arith.select %gt3A_1004, %slice3A_1002, %select_n3A_980 : vector<256x128xi1>, vector<256x128xf32>
    %select_n3A_1006 = arith.select %gt3A_1003, %max3A_985, %select_n3A_1005 : vector<256x128xi1>, vector<256x128xf32>
    %jit3A_1007 = arith.constant 75 : i32
    %broadcast_in_dim3A_1008 = vector.broadcast %jit3A_1007 : i32 to vector<256x128xi32>
    %select_n3A_1009 = arith.select %gt3A_1004, %broadcast_in_dim3A_1008, %select_n3A_984 : vector<256x128xi1>, vector<256x128xi32>
    %select_n3A_1010 = arith.select %gt3A_1003, %select_n3A_988, %select_n3A_1009 : vector<256x128xi1>, vector<256x128xi32>
    %max3A_1011 = arith.maximumf %slice3A_1002, %max3A_985 : vector<256x128xf32>
    %jit3A_1012 = arith.constant 75 : i32
    %broadcast_in_dim3A_1013 = vector.broadcast %jit3A_1012 : i32 to vector<256x128xi32>
    %select_n3A_1014 = arith.select %gt3A_1003, %broadcast_in_dim3A_1013, %select_n3A_988 : vector<256x128xi1>, vector<256x128xi32>
    %slice3A_1015 = vector.extract_strided_slice %select_n3A {offsets = [0, 9728], sizes = [256, 128], strides = [1, 1]} : vector<256x10240xf32> to vector<256x128xf32>
    %gt3A_1016 = arith.cmpf ogt, %slice3A_1015, %max3A_998 : vector<256x128xf32>
    %gt3A_1017 = arith.cmpf ogt, %slice3A_1015, %select_n3A_993 : vector<256x128xf32>
    %select_n3A_1018 = arith.select %gt3A_1017, %slice3A_1015, %select_n3A_993 : vector<256x128xi1>, vector<256x128xf32>
    %select_n3A_1019 = arith.select %gt3A_1016, %max3A_998, %select_n3A_1018 : vector<256x128xi1>, vector<256x128xf32>
    %jit3A_1020 = arith.constant 76 : i32
    %broadcast_in_dim3A_1021 = vector.broadcast %jit3A_1020 : i32 to vector<256x128xi32>
    %select_n3A_1022 = arith.select %gt3A_1017, %broadcast_in_dim3A_1021, %select_n3A_997 : vector<256x128xi1>, vector<256x128xi32>
    %select_n3A_1023 = arith.select %gt3A_1016, %select_n3A_1001, %select_n3A_1022 : vector<256x128xi1>, vector<256x128xi32>
    %max3A_1024 = arith.maximumf %slice3A_1015, %max3A_998 : vector<256x128xf32>
    %jit3A_1025 = arith.constant 76 : i32
    %broadcast_in_dim3A_1026 = vector.broadcast %jit3A_1025 : i32 to vector<256x128xi32>
    %select_n3A_1027 = arith.select %gt3A_1016, %broadcast_in_dim3A_1026, %select_n3A_1001 : vector<256x128xi1>, vector<256x128xi32>
    %slice3A_1028 = vector.extract_strided_slice %select_n3A {offsets = [0, 9856], sizes = [256, 128], strides = [1, 1]} : vector<256x10240xf32> to vector<256x128xf32>
    %gt3A_1029 = arith.cmpf ogt, %slice3A_1028, %max3A_1011 : vector<256x128xf32>
    %gt3A_1030 = arith.cmpf ogt, %slice3A_1028, %select_n3A_1006 : vector<256x128xf32>
    %select_n3A_1031 = arith.select %gt3A_1030, %slice3A_1028, %select_n3A_1006 : vector<256x128xi1>, vector<256x128xf32>
    %select_n3A_1032 = arith.select %gt3A_1029, %max3A_1011, %select_n3A_1031 : vector<256x128xi1>, vector<256x128xf32>
    %jit3A_1033 = arith.constant 77 : i32
    %broadcast_in_dim3A_1034 = vector.broadcast %jit3A_1033 : i32 to vector<256x128xi32>
    %select_n3A_1035 = arith.select %gt3A_1030, %broadcast_in_dim3A_1034, %select_n3A_1010 : vector<256x128xi1>, vector<256x128xi32>
    %select_n3A_1036 = arith.select %gt3A_1029, %select_n3A_1014, %select_n3A_1035 : vector<256x128xi1>, vector<256x128xi32>
    %max3A_1037 = arith.maximumf %slice3A_1028, %max3A_1011 : vector<256x128xf32>
    %jit3A_1038 = arith.constant 77 : i32
    %broadcast_in_dim3A_1039 = vector.broadcast %jit3A_1038 : i32 to vector<256x128xi32>
    %select_n3A_1040 = arith.select %gt3A_1029, %broadcast_in_dim3A_1039, %select_n3A_1014 : vector<256x128xi1>, vector<256x128xi32>
    %slice3A_1041 = vector.extract_strided_slice %select_n3A {offsets = [0, 9984], sizes = [256, 128], strides = [1, 1]} : vector<256x10240xf32> to vector<256x128xf32>
    %gt3A_1042 = arith.cmpf ogt, %slice3A_1041, %max3A_1024 : vector<256x128xf32>
    %gt3A_1043 = arith.cmpf ogt, %slice3A_1041, %select_n3A_1019 : vector<256x128xf32>
    %select_n3A_1044 = arith.select %gt3A_1043, %slice3A_1041, %select_n3A_1019 : vector<256x128xi1>, vector<256x128xf32>
    %select_n3A_1045 = arith.select %gt3A_1042, %max3A_1024, %select_n3A_1044 : vector<256x128xi1>, vector<256x128xf32>
    %jit3A_1046 = arith.constant 78 : i32
    %broadcast_in_dim3A_1047 = vector.broadcast %jit3A_1046 : i32 to vector<256x128xi32>
    %select_n3A_1048 = arith.select %gt3A_1043, %broadcast_in_dim3A_1047, %select_n3A_1023 : vector<256x128xi1>, vector<256x128xi32>
    %select_n3A_1049 = arith.select %gt3A_1042, %select_n3A_1027, %select_n3A_1048 : vector<256x128xi1>, vector<256x128xi32>
    %max3A_1050 = arith.maximumf %slice3A_1041, %max3A_1024 : vector<256x128xf32>
    %jit3A_1051 = arith.constant 78 : i32
    %broadcast_in_dim3A_1052 = vector.broadcast %jit3A_1051 : i32 to vector<256x128xi32>
    %select_n3A_1053 = arith.select %gt3A_1042, %broadcast_in_dim3A_1052, %select_n3A_1027 : vector<256x128xi1>, vector<256x128xi32>
    %slice3A_1054 = vector.extract_strided_slice %select_n3A {offsets = [0, 10112], sizes = [256, 128], strides = [1, 1]} : vector<256x10240xf32> to vector<256x128xf32>
    %gt3A_1055 = arith.cmpf ogt, %slice3A_1054, %max3A_1037 : vector<256x128xf32>
    %gt3A_1056 = arith.cmpf ogt, %slice3A_1054, %select_n3A_1032 : vector<256x128xf32>
    %select_n3A_1057 = arith.select %gt3A_1056, %slice3A_1054, %select_n3A_1032 : vector<256x128xi1>, vector<256x128xf32>
    %select_n3A_1058 = arith.select %gt3A_1055, %max3A_1037, %select_n3A_1057 : vector<256x128xi1>, vector<256x128xf32>
    %jit3A_1059 = arith.constant 79 : i32
    %broadcast_in_dim3A_1060 = vector.broadcast %jit3A_1059 : i32 to vector<256x128xi32>
    %select_n3A_1061 = arith.select %gt3A_1056, %broadcast_in_dim3A_1060, %select_n3A_1036 : vector<256x128xi1>, vector<256x128xi32>
    %select_n3A_1062 = arith.select %gt3A_1055, %select_n3A_1040, %select_n3A_1061 : vector<256x128xi1>, vector<256x128xi32>
    %max3A_1063 = arith.maximumf %slice3A_1054, %max3A_1037 : vector<256x128xf32>
    %jit3A_1064 = arith.constant 79 : i32
    %broadcast_in_dim3A_1065 = vector.broadcast %jit3A_1064 : i32 to vector<256x128xi32>
    %select_n3A_1066 = arith.select %gt3A_1055, %broadcast_in_dim3A_1065, %select_n3A_1040 : vector<256x128xi1>, vector<256x128xi32>
    %iota3A_1067 = tpu.iota {dimensions = array<i32: 1>} : vector<256x128xi32>
    %concatenate3A = tpu.concatenate %max3A_1050, %max3A_1063, %select_n3A_1045, %select_n3A_1058 in 1 : vector<256x128xf32>, vector<256x128xf32>, vector<256x128xf32>, vector<256x128xf32> -> vector<256x512xf32>
    %mul3A_1068 = arith.constant 128 : i32
    %mul3A_1069 = vector.broadcast %mul3A_1068 : i32 to vector<256x128xi32>
    %mul3A_1070 = arith.muli %select_n3A_1053, %mul3A_1069 : vector<256x128xi32>
    %add3A_1071 = arith.addi %mul3A_1070, %iota3A_1067 : vector<256x128xi32>
    %mul3A_1072 = arith.constant 128 : i32
    %mul3A_1073 = vector.broadcast %mul3A_1072 : i32 to vector<256x128xi32>
    %mul3A_1074 = arith.muli %select_n3A_1066, %mul3A_1073 : vector<256x128xi32>
    %add3A_1075 = arith.addi %mul3A_1074, %iota3A_1067 : vector<256x128xi32>
    %mul3A_1076 = arith.constant 128 : i32
    %mul3A_1077 = vector.broadcast %mul3A_1076 : i32 to vector<256x128xi32>
    %mul3A_1078 = arith.muli %select_n3A_1049, %mul3A_1077 : vector<256x128xi32>
    %add3A_1079 = arith.addi %mul3A_1078, %iota3A_1067 : vector<256x128xi32>
    %mul3A_1080 = arith.constant 128 : i32
    %mul3A_1081 = vector.broadcast %mul3A_1080 : i32 to vector<256x128xi32>
    %mul3A_1082 = arith.muli %select_n3A_1062, %mul3A_1081 : vector<256x128xi32>
    %add3A_1083 = arith.addi %mul3A_1082, %iota3A_1067 : vector<256x128xi32>
    %concatenate3A_1084 = tpu.concatenate %add3A_1071, %add3A_1075, %add3A_1079, %add3A_1083 in 1 : vector<256x128xi32>, vector<256x128xi32>, vector<256x128xi32>, vector<256x128xi32> -> vector<256x512xi32>
    %reduce_max3A = arith.constant dense<0xFF800000> : vector<256xf32>
    %reduce_max3A_1085 = vector.multi_reduction <maximumf>, %concatenate3A, %reduce_max3A [1] : vector<256x512xf32> to vector<256xf32>
    %broadcast_in_dim3A_1086 = vector.shape_cast %reduce_max3A_1085 : vector<256xf32> to vector<256x1xf32>
    %eq3A_1087 = vector.broadcast %broadcast_in_dim3A_1086 : vector<256x1xf32> to vector<256x512xf32>
    %eq3A_1088 = arith.cmpf oeq, %concatenate3A, %eq3A_1087 : vector<256x512xf32>
    %jit3A_1089 = arith.constant 10240 : i32
    %broadcast_in_dim3A_1090 = vector.broadcast %jit3A_1089 : i32 to vector<256x512xi32>
    %select_n3A_1091 = arith.select %eq3A_1088, %concatenate3A_1084, %broadcast_in_dim3A_1090 : vector<256x512xi1>, vector<256x512xi32>
    %reduce_min3A = arith.constant dense<2147483647> : vector<256xi32>
    %reduce_min3A_1092 = vector.multi_reduction <minsi>, %select_n3A_1091, %reduce_min3A [1] : vector<256x512xi32> to vector<256xi32>
    %broadcast_in_dim3A_1093 = vector.shape_cast %reduce_min3A_1092 : vector<256xi32> to vector<256x1xi32>
    %eq3A_1094 = vector.broadcast %broadcast_in_dim3A_1093 : vector<256x1xi32> to vector<256x512xi32>
    %eq3A_1095 = arith.cmpi eq, %concatenate3A_1084, %eq3A_1094 : vector<256x512xi32>
    %jit3A_1096 = arith.constant 0xFF800000 : f32
    %broadcast_in_dim3A_1097 = vector.broadcast %jit3A_1096 : f32 to vector<256x512xf32>
    %select_n3A_1098 = arith.select %eq3A_1095, %broadcast_in_dim3A_1097, %concatenate3A : vector<256x512xi1>, vector<256x512xf32>
    %reduce_max3A_1099 = arith.constant dense<0xFF800000> : vector<256xf32>
    %reduce_max3A_1100 = vector.multi_reduction <maximumf>, %select_n3A_1098, %reduce_max3A_1099 [1] : vector<256x512xf32> to vector<256xf32>
    %broadcast_in_dim3A_1101 = vector.shape_cast %reduce_max3A_1100 : vector<256xf32> to vector<256x1xf32>
    %eq3A_1102 = vector.broadcast %broadcast_in_dim3A_1101 : vector<256x1xf32> to vector<256x512xf32>
    %eq3A_1103 = arith.cmpf oeq, %select_n3A_1098, %eq3A_1102 : vector<256x512xf32>
    %jit3A_1104 = arith.constant 10240 : i32
    %broadcast_in_dim3A_1105 = vector.broadcast %jit3A_1104 : i32 to vector<256x512xi32>
    %select_n3A_1106 = arith.select %eq3A_1103, %concatenate3A_1084, %broadcast_in_dim3A_1105 : vector<256x512xi1>, vector<256x512xi32>
    %reduce_min3A_1107 = arith.constant dense<2147483647> : vector<256xi32>
    %reduce_min3A_1108 = vector.multi_reduction <minsi>, %select_n3A_1106, %reduce_min3A_1107 [1] : vector<256x512xi32> to vector<256xi32>
    %broadcast_in_dim3A_1109 = vector.shape_cast %reduce_min3A_1108 : vector<256xi32> to vector<256x1xi32>
    %eq3A_1110 = vector.broadcast %broadcast_in_dim3A_1109 : vector<256x1xi32> to vector<256x512xi32>
    %eq3A_1111 = arith.cmpi eq, %concatenate3A_1084, %eq3A_1110 : vector<256x512xi32>
    %jit3A_1112 = arith.constant 0xFF800000 : f32
    %broadcast_in_dim3A_1113 = vector.broadcast %jit3A_1112 : f32 to vector<256x512xf32>
    %select_n3A_1114 = arith.select %eq3A_1111, %broadcast_in_dim3A_1113, %select_n3A_1098 : vector<256x512xi1>, vector<256x512xf32>
    %reduce_max3A_1115 = arith.constant dense<0xFF800000> : vector<256xf32>
    %reduce_max3A_1116 = vector.multi_reduction <maximumf>, %select_n3A_1114, %reduce_max3A_1115 [1] : vector<256x512xf32> to vector<256xf32>
    %broadcast_in_dim3A_1117 = vector.shape_cast %reduce_max3A_1116 : vector<256xf32> to vector<256x1xf32>
    %eq3A_1118 = vector.broadcast %broadcast_in_dim3A_1117 : vector<256x1xf32> to vector<256x512xf32>
    %eq3A_1119 = arith.cmpf oeq, %select_n3A_1114, %eq3A_1118 : vector<256x512xf32>
    %jit3A_1120 = arith.constant 10240 : i32
    %broadcast_in_dim3A_1121 = vector.broadcast %jit3A_1120 : i32 to vector<256x512xi32>
    %select_n3A_1122 = arith.select %eq3A_1119, %concatenate3A_1084, %broadcast_in_dim3A_1121 : vector<256x512xi1>, vector<256x512xi32>
    %reduce_min3A_1123 = arith.constant dense<2147483647> : vector<256xi32>
    %reduce_min3A_1124 = vector.multi_reduction <minsi>, %select_n3A_1122, %reduce_min3A_1123 [1] : vector<256x512xi32> to vector<256xi32>
    %broadcast_in_dim3A_1125 = vector.shape_cast %reduce_min3A_1124 : vector<256xi32> to vector<256x1xi32>
    %eq3A_1126 = vector.broadcast %broadcast_in_dim3A_1125 : vector<256x1xi32> to vector<256x512xi32>
    %eq3A_1127 = arith.cmpi eq, %concatenate3A_1084, %eq3A_1126 : vector<256x512xi32>
    %jit3A_1128 = arith.constant 0xFF800000 : f32
    %broadcast_in_dim3A_1129 = vector.broadcast %jit3A_1128 : f32 to vector<256x512xf32>
    %select_n3A_1130 = arith.select %eq3A_1127, %broadcast_in_dim3A_1129, %select_n3A_1114 : vector<256x512xi1>, vector<256x512xf32>
    %reduce_max3A_1131 = arith.constant dense<0xFF800000> : vector<256xf32>
    %reduce_max3A_1132 = vector.multi_reduction <maximumf>, %select_n3A_1130, %reduce_max3A_1131 [1] : vector<256x512xf32> to vector<256xf32>
    %broadcast_in_dim3A_1133 = vector.shape_cast %reduce_max3A_1132 : vector<256xf32> to vector<256x1xf32>
    %eq3A_1134 = vector.broadcast %broadcast_in_dim3A_1133 : vector<256x1xf32> to vector<256x512xf32>
    %eq3A_1135 = arith.cmpf oeq, %select_n3A_1130, %eq3A_1134 : vector<256x512xf32>
    %jit3A_1136 = arith.constant 10240 : i32
    %broadcast_in_dim3A_1137 = vector.broadcast %jit3A_1136 : i32 to vector<256x512xi32>
    %select_n3A_1138 = arith.select %eq3A_1135, %concatenate3A_1084, %broadcast_in_dim3A_1137 : vector<256x512xi1>, vector<256x512xi32>
    %reduce_min3A_1139 = arith.constant dense<2147483647> : vector<256xi32>
    %reduce_min3A_1140 = vector.multi_reduction <minsi>, %select_n3A_1138, %reduce_min3A_1139 [1] : vector<256x512xi32> to vector<256xi32>
    %broadcast_in_dim3A_1141 = vector.shape_cast %reduce_min3A_1140 : vector<256xi32> to vector<256x1xi32>
    %eq3A_1142 = vector.broadcast %broadcast_in_dim3A_1141 : vector<256x1xi32> to vector<256x512xi32>
    %eq3A_1143 = arith.cmpi eq, %concatenate3A_1084, %eq3A_1142 : vector<256x512xi32>
    %jit3A_1144 = arith.constant 0xFF800000 : f32
    %broadcast_in_dim3A_1145 = vector.broadcast %jit3A_1144 : f32 to vector<256x512xf32>
    %select_n3A_1146 = arith.select %eq3A_1143, %broadcast_in_dim3A_1145, %select_n3A_1130 : vector<256x512xi1>, vector<256x512xf32>
    %reduce_max3A_1147 = arith.constant dense<0xFF800000> : vector<256xf32>
    %reduce_max3A_1148 = vector.multi_reduction <maximumf>, %select_n3A_1146, %reduce_max3A_1147 [1] : vector<256x512xf32> to vector<256xf32>
    %broadcast_in_dim3A_1149 = vector.shape_cast %reduce_max3A_1148 : vector<256xf32> to vector<256x1xf32>
    %eq3A_1150 = vector.broadcast %broadcast_in_dim3A_1149 : vector<256x1xf32> to vector<256x512xf32>
    %eq3A_1151 = arith.cmpf oeq, %select_n3A_1146, %eq3A_1150 : vector<256x512xf32>
    %jit3A_1152 = arith.constant 10240 : i32
    %broadcast_in_dim3A_1153 = vector.broadcast %jit3A_1152 : i32 to vector<256x512xi32>
    %select_n3A_1154 = arith.select %eq3A_1151, %concatenate3A_1084, %broadcast_in_dim3A_1153 : vector<256x512xi1>, vector<256x512xi32>
    %reduce_min3A_1155 = arith.constant dense<2147483647> : vector<256xi32>
    %reduce_min3A_1156 = vector.multi_reduction <minsi>, %select_n3A_1154, %reduce_min3A_1155 [1] : vector<256x512xi32> to vector<256xi32>
    %broadcast_in_dim3A_1157 = vector.shape_cast %reduce_min3A_1156 : vector<256xi32> to vector<256x1xi32>
    %eq3A_1158 = vector.broadcast %broadcast_in_dim3A_1157 : vector<256x1xi32> to vector<256x512xi32>
    %eq3A_1159 = arith.cmpi eq, %concatenate3A_1084, %eq3A_1158 : vector<256x512xi32>
    %jit3A_1160 = arith.constant 0xFF800000 : f32
    %broadcast_in_dim3A_1161 = vector.broadcast %jit3A_1160 : f32 to vector<256x512xf32>
    %select_n3A_1162 = arith.select %eq3A_1159, %broadcast_in_dim3A_1161, %select_n3A_1146 : vector<256x512xi1>, vector<256x512xf32>
    %reduce_max3A_1163 = arith.constant dense<0xFF800000> : vector<256xf32>
    %reduce_max3A_1164 = vector.multi_reduction <maximumf>, %select_n3A_1162, %reduce_max3A_1163 [1] : vector<256x512xf32> to vector<256xf32>
    %broadcast_in_dim3A_1165 = vector.shape_cast %reduce_max3A_1164 : vector<256xf32> to vector<256x1xf32>
    %eq3A_1166 = vector.broadcast %broadcast_in_dim3A_1165 : vector<256x1xf32> to vector<256x512xf32>
    %eq3A_1167 = arith.cmpf oeq, %select_n3A_1162, %eq3A_1166 : vector<256x512xf32>
    %jit3A_1168 = arith.constant 10240 : i32
    %broadcast_in_dim3A_1169 = vector.broadcast %jit3A_1168 : i32 to vector<256x512xi32>
    %select_n3A_1170 = arith.select %eq3A_1167, %concatenate3A_1084, %broadcast_in_dim3A_1169 : vector<256x512xi1>, vector<256x512xi32>
    %reduce_min3A_1171 = arith.constant dense<2147483647> : vector<256xi32>
    %reduce_min3A_1172 = vector.multi_reduction <minsi>, %select_n3A_1170, %reduce_min3A_1171 [1] : vector<256x512xi32> to vector<256xi32>
    %broadcast_in_dim3A_1173 = vector.shape_cast %reduce_min3A_1172 : vector<256xi32> to vector<256x1xi32>
    %eq3A_1174 = vector.broadcast %broadcast_in_dim3A_1173 : vector<256x1xi32> to vector<256x512xi32>
    %eq3A_1175 = arith.cmpi eq, %concatenate3A_1084, %eq3A_1174 : vector<256x512xi32>
    %jit3A_1176 = arith.constant 0xFF800000 : f32
    %broadcast_in_dim3A_1177 = vector.broadcast %jit3A_1176 : f32 to vector<256x512xf32>
    %select_n3A_1178 = arith.select %eq3A_1175, %broadcast_in_dim3A_1177, %select_n3A_1162 : vector<256x512xi1>, vector<256x512xf32>
    %reduce_max3A_1179 = arith.constant dense<0xFF800000> : vector<256xf32>
    %reduce_max3A_1180 = vector.multi_reduction <maximumf>, %select_n3A_1178, %reduce_max3A_1179 [1] : vector<256x512xf32> to vector<256xf32>
    %broadcast_in_dim3A_1181 = vector.shape_cast %reduce_max3A_1180 : vector<256xf32> to vector<256x1xf32>
    %eq3A_1182 = vector.broadcast %broadcast_in_dim3A_1181 : vector<256x1xf32> to vector<256x512xf32>
    %eq3A_1183 = arith.cmpf oeq, %select_n3A_1178, %eq3A_1182 : vector<256x512xf32>
    %jit3A_1184 = arith.constant 10240 : i32
    %broadcast_in_dim3A_1185 = vector.broadcast %jit3A_1184 : i32 to vector<256x512xi32>
    %select_n3A_1186 = arith.select %eq3A_1183, %concatenate3A_1084, %broadcast_in_dim3A_1185 : vector<256x512xi1>, vector<256x512xi32>
    %reduce_min3A_1187 = arith.constant dense<2147483647> : vector<256xi32>
    %reduce_min3A_1188 = vector.multi_reduction <minsi>, %select_n3A_1186, %reduce_min3A_1187 [1] : vector<256x512xi32> to vector<256xi32>
    %broadcast_in_dim3A_1189 = vector.shape_cast %reduce_min3A_1188 : vector<256xi32> to vector<256x1xi32>
    %eq3A_1190 = vector.broadcast %broadcast_in_dim3A_1189 : vector<256x1xi32> to vector<256x512xi32>
    %eq3A_1191 = arith.cmpi eq, %concatenate3A_1084, %eq3A_1190 : vector<256x512xi32>
    %jit3A_1192 = arith.constant 0xFF800000 : f32
    %broadcast_in_dim3A_1193 = vector.broadcast %jit3A_1192 : f32 to vector<256x512xf32>
    %select_n3A_1194 = arith.select %eq3A_1191, %broadcast_in_dim3A_1193, %select_n3A_1178 : vector<256x512xi1>, vector<256x512xf32>
    %reduce_max3A_1195 = arith.constant dense<0xFF800000> : vector<256xf32>
    %reduce_max3A_1196 = vector.multi_reduction <maximumf>, %select_n3A_1194, %reduce_max3A_1195 [1] : vector<256x512xf32> to vector<256xf32>
    %broadcast_in_dim3A_1197 = vector.shape_cast %reduce_max3A_1196 : vector<256xf32> to vector<256x1xf32>
    %eq3A_1198 = vector.broadcast %broadcast_in_dim3A_1197 : vector<256x1xf32> to vector<256x512xf32>
    %eq3A_1199 = arith.cmpf oeq, %select_n3A_1194, %eq3A_1198 : vector<256x512xf32>
    %jit3A_1200 = arith.constant 10240 : i32
    %broadcast_in_dim3A_1201 = vector.broadcast %jit3A_1200 : i32 to vector<256x512xi32>
    %select_n3A_1202 = arith.select %eq3A_1199, %concatenate3A_1084, %broadcast_in_dim3A_1201 : vector<256x512xi1>, vector<256x512xi32>
    %reduce_min3A_1203 = arith.constant dense<2147483647> : vector<256xi32>
    %reduce_min3A_1204 = vector.multi_reduction <minsi>, %select_n3A_1202, %reduce_min3A_1203 [1] : vector<256x512xi32> to vector<256xi32>
    %broadcast_in_dim3A_1205 = vector.shape_cast %reduce_min3A_1204 : vector<256xi32> to vector<256x1xi32>
    %eq3A_1206 = vector.broadcast %broadcast_in_dim3A_1205 : vector<256x1xi32> to vector<256x512xi32>
    %eq3A_1207 = arith.cmpi eq, %concatenate3A_1084, %eq3A_1206 : vector<256x512xi32>
    %jit3A_1208 = arith.constant 0xFF800000 : f32
    %broadcast_in_dim3A_1209 = vector.broadcast %jit3A_1208 : f32 to vector<256x512xf32>
    %select_n3A_1210 = arith.select %eq3A_1207, %broadcast_in_dim3A_1209, %select_n3A_1194 : vector<256x512xi1>, vector<256x512xf32>
    %reduce_max3A_1211 = arith.constant dense<0xFF800000> : vector<256xf32>
    %reduce_max3A_1212 = vector.multi_reduction <maximumf>, %select_n3A_1210, %reduce_max3A_1211 [1] : vector<256x512xf32> to vector<256xf32>
    %broadcast_in_dim3A_1213 = vector.shape_cast %reduce_max3A_1212 : vector<256xf32> to vector<256x1xf32>
    %eq3A_1214 = vector.broadcast %broadcast_in_dim3A_1213 : vector<256x1xf32> to vector<256x512xf32>
    %eq3A_1215 = arith.cmpf oeq, %select_n3A_1210, %eq3A_1214 : vector<256x512xf32>
    %jit3A_1216 = arith.constant 10240 : i32
    %broadcast_in_dim3A_1217 = vector.broadcast %jit3A_1216 : i32 to vector<256x512xi32>
    %select_n3A_1218 = arith.select %eq3A_1215, %concatenate3A_1084, %broadcast_in_dim3A_1217 : vector<256x512xi1>, vector<256x512xi32>
    %reduce_min3A_1219 = arith.constant dense<2147483647> : vector<256xi32>
    %reduce_min3A_1220 = vector.multi_reduction <minsi>, %select_n3A_1218, %reduce_min3A_1219 [1] : vector<256x512xi32> to vector<256xi32>
    %broadcast_in_dim3A_1221 = vector.shape_cast %reduce_min3A_1220 : vector<256xi32> to vector<256x1xi32>
    %eq3A_1222 = vector.broadcast %broadcast_in_dim3A_1221 : vector<256x1xi32> to vector<256x512xi32>
    %eq3A_1223 = arith.cmpi eq, %concatenate3A_1084, %eq3A_1222 : vector<256x512xi32>
    %jit3A_1224 = arith.constant 0xFF800000 : f32
    %broadcast_in_dim3A_1225 = vector.broadcast %jit3A_1224 : f32 to vector<256x512xf32>
    %select_n3A_1226 = arith.select %eq3A_1223, %broadcast_in_dim3A_1225, %select_n3A_1210 : vector<256x512xi1>, vector<256x512xf32>
    %reduce_max3A_1227 = arith.constant dense<0xFF800000> : vector<256xf32>
    %reduce_max3A_1228 = vector.multi_reduction <maximumf>, %select_n3A_1226, %reduce_max3A_1227 [1] : vector<256x512xf32> to vector<256xf32>
    %broadcast_in_dim3A_1229 = vector.shape_cast %reduce_max3A_1228 : vector<256xf32> to vector<256x1xf32>
    %eq3A_1230 = vector.broadcast %broadcast_in_dim3A_1229 : vector<256x1xf32> to vector<256x512xf32>
    %eq3A_1231 = arith.cmpf oeq, %select_n3A_1226, %eq3A_1230 : vector<256x512xf32>
    %jit3A_1232 = arith.constant 10240 : i32
    %broadcast_in_dim3A_1233 = vector.broadcast %jit3A_1232 : i32 to vector<256x512xi32>
    %select_n3A_1234 = arith.select %eq3A_1231, %concatenate3A_1084, %broadcast_in_dim3A_1233 : vector<256x512xi1>, vector<256x512xi32>
    %reduce_min3A_1235 = arith.constant dense<2147483647> : vector<256xi32>
    %reduce_min3A_1236 = vector.multi_reduction <minsi>, %select_n3A_1234, %reduce_min3A_1235 [1] : vector<256x512xi32> to vector<256xi32>
    %broadcast_in_dim3A_1237 = vector.shape_cast %reduce_min3A_1236 : vector<256xi32> to vector<256x1xi32>
    %eq3A_1238 = vector.broadcast %broadcast_in_dim3A_1237 : vector<256x1xi32> to vector<256x512xi32>
    %eq3A_1239 = arith.cmpi eq, %concatenate3A_1084, %eq3A_1238 : vector<256x512xi32>
    %jit3A_1240 = arith.constant 0xFF800000 : f32
    %broadcast_in_dim3A_1241 = vector.broadcast %jit3A_1240 : f32 to vector<256x512xf32>
    %select_n3A_1242 = arith.select %eq3A_1239, %broadcast_in_dim3A_1241, %select_n3A_1226 : vector<256x512xi1>, vector<256x512xf32>
    %reduce_max3A_1243 = arith.constant dense<0xFF800000> : vector<256xf32>
    %reduce_max3A_1244 = vector.multi_reduction <maximumf>, %select_n3A_1242, %reduce_max3A_1243 [1] : vector<256x512xf32> to vector<256xf32>
    %broadcast_in_dim3A_1245 = vector.shape_cast %reduce_max3A_1244 : vector<256xf32> to vector<256x1xf32>
    %eq3A_1246 = vector.broadcast %broadcast_in_dim3A_1245 : vector<256x1xf32> to vector<256x512xf32>
    %eq3A_1247 = arith.cmpf oeq, %select_n3A_1242, %eq3A_1246 : vector<256x512xf32>
    %jit3A_1248 = arith.constant 10240 : i32
    %broadcast_in_dim3A_1249 = vector.broadcast %jit3A_1248 : i32 to vector<256x512xi32>
    %select_n3A_1250 = arith.select %eq3A_1247, %concatenate3A_1084, %broadcast_in_dim3A_1249 : vector<256x512xi1>, vector<256x512xi32>
    %reduce_min3A_1251 = arith.constant dense<2147483647> : vector<256xi32>
    %reduce_min3A_1252 = vector.multi_reduction <minsi>, %select_n3A_1250, %reduce_min3A_1251 [1] : vector<256x512xi32> to vector<256xi32>
    %broadcast_in_dim3A_1253 = vector.shape_cast %reduce_min3A_1252 : vector<256xi32> to vector<256x1xi32>
    %eq3A_1254 = vector.broadcast %broadcast_in_dim3A_1253 : vector<256x1xi32> to vector<256x512xi32>
    %eq3A_1255 = arith.cmpi eq, %concatenate3A_1084, %eq3A_1254 : vector<256x512xi32>
    %jit3A_1256 = arith.constant 0xFF800000 : f32
    %broadcast_in_dim3A_1257 = vector.broadcast %jit3A_1256 : f32 to vector<256x512xf32>
    %select_n3A_1258 = arith.select %eq3A_1255, %broadcast_in_dim3A_1257, %select_n3A_1242 : vector<256x512xi1>, vector<256x512xf32>
    %reduce_max3A_1259 = arith.constant dense<0xFF800000> : vector<256xf32>
    %reduce_max3A_1260 = vector.multi_reduction <maximumf>, %select_n3A_1258, %reduce_max3A_1259 [1] : vector<256x512xf32> to vector<256xf32>
    %broadcast_in_dim3A_1261 = vector.shape_cast %reduce_max3A_1260 : vector<256xf32> to vector<256x1xf32>
    %eq3A_1262 = vector.broadcast %broadcast_in_dim3A_1261 : vector<256x1xf32> to vector<256x512xf32>
    %eq3A_1263 = arith.cmpf oeq, %select_n3A_1258, %eq3A_1262 : vector<256x512xf32>
    %jit3A_1264 = arith.constant 10240 : i32
    %broadcast_in_dim3A_1265 = vector.broadcast %jit3A_1264 : i32 to vector<256x512xi32>
    %select_n3A_1266 = arith.select %eq3A_1263, %concatenate3A_1084, %broadcast_in_dim3A_1265 : vector<256x512xi1>, vector<256x512xi32>
    %reduce_min3A_1267 = arith.constant dense<2147483647> : vector<256xi32>
    %reduce_min3A_1268 = vector.multi_reduction <minsi>, %select_n3A_1266, %reduce_min3A_1267 [1] : vector<256x512xi32> to vector<256xi32>
    %broadcast_in_dim3A_1269 = vector.shape_cast %reduce_min3A_1268 : vector<256xi32> to vector<256x1xi32>
    %eq3A_1270 = vector.broadcast %broadcast_in_dim3A_1269 : vector<256x1xi32> to vector<256x512xi32>
    %eq3A_1271 = arith.cmpi eq, %concatenate3A_1084, %eq3A_1270 : vector<256x512xi32>
    %jit3A_1272 = arith.constant 0xFF800000 : f32
    %broadcast_in_dim3A_1273 = vector.broadcast %jit3A_1272 : f32 to vector<256x512xf32>
    %select_n3A_1274 = arith.select %eq3A_1271, %broadcast_in_dim3A_1273, %select_n3A_1258 : vector<256x512xi1>, vector<256x512xf32>
    %reduce_max3A_1275 = arith.constant dense<0xFF800000> : vector<256xf32>
    %reduce_max3A_1276 = vector.multi_reduction <maximumf>, %select_n3A_1274, %reduce_max3A_1275 [1] : vector<256x512xf32> to vector<256xf32>
    %broadcast_in_dim3A_1277 = vector.shape_cast %reduce_max3A_1276 : vector<256xf32> to vector<256x1xf32>
    %eq3A_1278 = vector.broadcast %broadcast_in_dim3A_1277 : vector<256x1xf32> to vector<256x512xf32>
    %eq3A_1279 = arith.cmpf oeq, %select_n3A_1274, %eq3A_1278 : vector<256x512xf32>
    %jit3A_1280 = arith.constant 10240 : i32
    %broadcast_in_dim3A_1281 = vector.broadcast %jit3A_1280 : i32 to vector<256x512xi32>
    %select_n3A_1282 = arith.select %eq3A_1279, %concatenate3A_1084, %broadcast_in_dim3A_1281 : vector<256x512xi1>, vector<256x512xi32>
    %reduce_min3A_1283 = arith.constant dense<2147483647> : vector<256xi32>
    %reduce_min3A_1284 = vector.multi_reduction <minsi>, %select_n3A_1282, %reduce_min3A_1283 [1] : vector<256x512xi32> to vector<256xi32>
    %broadcast_in_dim3A_1285 = vector.shape_cast %reduce_min3A_1284 : vector<256xi32> to vector<256x1xi32>
    %eq3A_1286 = vector.broadcast %broadcast_in_dim3A_1285 : vector<256x1xi32> to vector<256x512xi32>
    %eq3A_1287 = arith.cmpi eq, %concatenate3A_1084, %eq3A_1286 : vector<256x512xi32>
    %jit3A_1288 = arith.constant 0xFF800000 : f32
    %broadcast_in_dim3A_1289 = vector.broadcast %jit3A_1288 : f32 to vector<256x512xf32>
    %select_n3A_1290 = arith.select %eq3A_1287, %broadcast_in_dim3A_1289, %select_n3A_1274 : vector<256x512xi1>, vector<256x512xf32>
    %reduce_max3A_1291 = arith.constant dense<0xFF800000> : vector<256xf32>
    %reduce_max3A_1292 = vector.multi_reduction <maximumf>, %select_n3A_1290, %reduce_max3A_1291 [1] : vector<256x512xf32> to vector<256xf32>
    %broadcast_in_dim3A_1293 = vector.shape_cast %reduce_max3A_1292 : vector<256xf32> to vector<256x1xf32>
    %eq3A_1294 = vector.broadcast %broadcast_in_dim3A_1293 : vector<256x1xf32> to vector<256x512xf32>
    %eq3A_1295 = arith.cmpf oeq, %select_n3A_1290, %eq3A_1294 : vector<256x512xf32>
    %jit3A_1296 = arith.constant 10240 : i32
    %broadcast_in_dim3A_1297 = vector.broadcast %jit3A_1296 : i32 to vector<256x512xi32>
    %select_n3A_1298 = arith.select %eq3A_1295, %concatenate3A_1084, %broadcast_in_dim3A_1297 : vector<256x512xi1>, vector<256x512xi32>
    %reduce_min3A_1299 = arith.constant dense<2147483647> : vector<256xi32>
    %reduce_min3A_1300 = vector.multi_reduction <minsi>, %select_n3A_1298, %reduce_min3A_1299 [1] : vector<256x512xi32> to vector<256xi32>
    %broadcast_in_dim3A_1301 = vector.shape_cast %reduce_min3A_1300 : vector<256xi32> to vector<256x1xi32>
    %eq3A_1302 = vector.broadcast %broadcast_in_dim3A_1301 : vector<256x1xi32> to vector<256x512xi32>
    %eq3A_1303 = arith.cmpi eq, %concatenate3A_1084, %eq3A_1302 : vector<256x512xi32>
    %jit3A_1304 = arith.constant 0xFF800000 : f32
    %broadcast_in_dim3A_1305 = vector.broadcast %jit3A_1304 : f32 to vector<256x512xf32>
    %select_n3A_1306 = arith.select %eq3A_1303, %broadcast_in_dim3A_1305, %select_n3A_1290 : vector<256x512xi1>, vector<256x512xf32>
    %reduce_max3A_1307 = arith.constant dense<0xFF800000> : vector<256xf32>
    %reduce_max3A_1308 = vector.multi_reduction <maximumf>, %select_n3A_1306, %reduce_max3A_1307 [1] : vector<256x512xf32> to vector<256xf32>
    %broadcast_in_dim3A_1309 = vector.shape_cast %reduce_max3A_1308 : vector<256xf32> to vector<256x1xf32>
    %eq3A_1310 = vector.broadcast %broadcast_in_dim3A_1309 : vector<256x1xf32> to vector<256x512xf32>
    %eq3A_1311 = arith.cmpf oeq, %select_n3A_1306, %eq3A_1310 : vector<256x512xf32>
    %jit3A_1312 = arith.constant 10240 : i32
    %broadcast_in_dim3A_1313 = vector.broadcast %jit3A_1312 : i32 to vector<256x512xi32>
    %select_n3A_1314 = arith.select %eq3A_1311, %concatenate3A_1084, %broadcast_in_dim3A_1313 : vector<256x512xi1>, vector<256x512xi32>
    %reduce_min3A_1315 = arith.constant dense<2147483647> : vector<256xi32>
    %reduce_min3A_1316 = vector.multi_reduction <minsi>, %select_n3A_1314, %reduce_min3A_1315 [1] : vector<256x512xi32> to vector<256xi32>
    %broadcast_in_dim3A_1317 = vector.shape_cast %reduce_min3A_1316 : vector<256xi32> to vector<256x1xi32>
    %eq3A_1318 = vector.broadcast %broadcast_in_dim3A_1317 : vector<256x1xi32> to vector<256x512xi32>
    %eq3A_1319 = arith.cmpi eq, %concatenate3A_1084, %eq3A_1318 : vector<256x512xi32>
    %jit3A_1320 = arith.constant 0xFF800000 : f32
    %broadcast_in_dim3A_1321 = vector.broadcast %jit3A_1320 : f32 to vector<256x512xf32>
    %select_n3A_1322 = arith.select %eq3A_1319, %broadcast_in_dim3A_1321, %select_n3A_1306 : vector<256x512xi1>, vector<256x512xf32>
    %reduce_max3A_1323 = arith.constant dense<0xFF800000> : vector<256xf32>
    %reduce_max3A_1324 = vector.multi_reduction <maximumf>, %select_n3A_1322, %reduce_max3A_1323 [1] : vector<256x512xf32> to vector<256xf32>
    %broadcast_in_dim3A_1325 = vector.shape_cast %reduce_max3A_1324 : vector<256xf32> to vector<256x1xf32>
    %eq3A_1326 = vector.broadcast %broadcast_in_dim3A_1325 : vector<256x1xf32> to vector<256x512xf32>
    %eq3A_1327 = arith.cmpf oeq, %select_n3A_1322, %eq3A_1326 : vector<256x512xf32>
    %jit3A_1328 = arith.constant 10240 : i32
    %broadcast_in_dim3A_1329 = vector.broadcast %jit3A_1328 : i32 to vector<256x512xi32>
    %select_n3A_1330 = arith.select %eq3A_1327, %concatenate3A_1084, %broadcast_in_dim3A_1329 : vector<256x512xi1>, vector<256x512xi32>
    %reduce_min3A_1331 = arith.constant dense<2147483647> : vector<256xi32>
    %reduce_min3A_1332 = vector.multi_reduction <minsi>, %select_n3A_1330, %reduce_min3A_1331 [1] : vector<256x512xi32> to vector<256xi32>
    %stack3A = vector.shape_cast %reduce_min3A_1092 : vector<256xi32> to vector<256x1xi32>
    %stack3A_1333 = vector.shape_cast %reduce_min3A_1108 : vector<256xi32> to vector<256x1xi32>
    %stack3A_1334 = vector.shape_cast %reduce_min3A_1124 : vector<256xi32> to vector<256x1xi32>
    %stack3A_1335 = vector.shape_cast %reduce_min3A_1140 : vector<256xi32> to vector<256x1xi32>
    %stack3A_1336 = vector.shape_cast %reduce_min3A_1156 : vector<256xi32> to vector<256x1xi32>
    %stack3A_1337 = vector.shape_cast %reduce_min3A_1172 : vector<256xi32> to vector<256x1xi32>
    %stack3A_1338 = vector.shape_cast %reduce_min3A_1188 : vector<256xi32> to vector<256x1xi32>
    %stack3A_1339 = vector.shape_cast %reduce_min3A_1204 : vector<256xi32> to vector<256x1xi32>
    %stack3A_1340 = vector.shape_cast %reduce_min3A_1220 : vector<256xi32> to vector<256x1xi32>
    %stack3A_1341 = vector.shape_cast %reduce_min3A_1236 : vector<256xi32> to vector<256x1xi32>
    %stack3A_1342 = vector.shape_cast %reduce_min3A_1252 : vector<256xi32> to vector<256x1xi32>
    %stack3A_1343 = vector.shape_cast %reduce_min3A_1268 : vector<256xi32> to vector<256x1xi32>
    %stack3A_1344 = vector.shape_cast %reduce_min3A_1284 : vector<256xi32> to vector<256x1xi32>
    %stack3A_1345 = vector.shape_cast %reduce_min3A_1300 : vector<256xi32> to vector<256x1xi32>
    %stack3A_1346 = vector.shape_cast %reduce_min3A_1316 : vector<256xi32> to vector<256x1xi32>
    %stack3A_1347 = vector.shape_cast %reduce_min3A_1332 : vector<256xi32> to vector<256x1xi32>
    %stack3A_1348 = tpu.concatenate %stack3A, %stack3A_1333, %stack3A_1334, %stack3A_1335, %stack3A_1336, %stack3A_1337, %stack3A_1338, %stack3A_1339, %stack3A_1340, %stack3A_1341, %stack3A_1342, %stack3A_1343, %stack3A_1344, %stack3A_1345, %stack3A_1346, %stack3A_1347 in 1 : vector<256x1xi32>, vector<256x1xi32>, vector<256x1xi32>, vector<256x1xi32>, vector<256x1xi32>, vector<256x1xi32>, vector<256x1xi32>, vector<256x1xi32>, vector<256x1xi32>, vector<256x1xi32>, vector<256x1xi32>, vector<256x1xi32>, vector<256x1xi32>, vector<256x1xi32>, vector<256x1xi32>, vector<256x1xi32> -> vector<256x16xi32>
    %swap3A = arith.constant 0 : index
    %swap3A_1349 = arith.constant 0 : index
    %swap3A_1350 = vector.load %arg5[%swap3A, %swap3A_1349] : memref<256x16xi32, #tpu.memory_space<vmem>>, vector<256x16xi32>
    tpu.vector_store %arg5[%swap3A, %swap3A_1349], %stack3A_1348 {strides = array<i32>} : memref<256x16xi32, #tpu.memory_space<vmem>>, vector<256x16xi32>,
    return
  }
  func.func @transform_0(%arg0: i32) -> (i32, i32) {
    %c0_i32 = arith.constant 0 : i32
    %c0_i32_0 = arith.constant 0 : i32
    return %arg0, %c0_i32 : i32, i32
  }
  func.func @transform_1(%arg0: i32) -> (i32, i32) {
    %c0_i32 = arith.constant 0 : i32
    %c0_i32_0 = arith.constant 0 : i32
    %c0_i32_1 = arith.constant 0 : i32
    return %c0_i32, %c0_i32_0 : i32, i32
  }
  func.func @transform_2(%arg0: i32) -> (i32, i32) {
    %c0_i32 = arith.constant 0 : i32
    %c0_i32_0 = arith.constant 0 : i32
    return %arg0, %c0_i32 : i32, i32
  }
  func.func @transform_3(%arg0: i32) -> (i32, i32) {
    %c0_i32 = arith.constant 0 : i32
    %c0_i32_0 = arith.constant 0 : i32
    %c0_i32_1 = arith.constant 0 : i32
    return %c0_i32, %c0_i32_0 : i32, i32
  }
  func.func @transform_4(%arg0: i32) -> (i32, i32) {
    %c0_i32 = arith.constant 0 : i32
    %c0_i32_0 = arith.constant 0 : i32
    return %arg0, %c0_i32 : i32, i32
  }
}

module attributes {stable_mosaic.version = 14 : i64} {
  func.func @_k3_body(%arg0: i32, %arg1: memref<7808x256xf32, #tpu.memory_space<vmem>>, %arg2: memref<488x256xf32, #tpu.memory_space<vmem>>, %arg3: memref<1x256xf32, #tpu.memory_space<vmem>>, %arg4: memref<1x256xf32, #tpu.memory_space<vmem>>, %arg5: memref<256x128xf32, #tpu.memory_space<vmem>>, %arg6: memref<1x128xf32, #tpu.memory_space<vmem>>, %arg7: memref<488x128xf32, #tpu.memory_space<vmem>>, %arg8: memref<8x128xf32, #tpu.memory_space<vmem>>, %arg9: memref<8x128xf32, #tpu.memory_space<vmem>>) attributes {dimension_semantics = [#tpu.dimension_semantics<arbitrary>], iteration_bounds = array<i64: 10>, scalar_prefetch = 0 : i64, scratch_operands = 0 : i64, tpu.core_type = #tpu.core_type<tc>, window_params = [{transform_indices = @transform_0, window_bounds = array<i64: 7808, 256>}, {transform_indices = @transform_1, window_bounds = array<i64: 488, 256>}, {pipeline_mode = #tpu.pipeline_mode<synchronous>, transform_indices = @transform_2, window_bounds = array<i64: 1, 256>}, {pipeline_mode = #tpu.pipeline_mode<synchronous>, transform_indices = @transform_3, window_bounds = array<i64: 1, 256>}, {pipeline_mode = #tpu.pipeline_mode<synchronous>, transform_indices = @transform_4, window_bounds = array<i64: 256, 128>}, {pipeline_mode = #tpu.pipeline_mode<synchronous>, transform_indices = @transform_5, window_bounds = array<i64: 1, 128>}, {transform_indices = @transform_6, window_bounds = array<i64: 488, 128>}, {pipeline_mode = #tpu.pipeline_mode<synchronous>, transform_indices = @transform_7, window_bounds = array<i64: 8, 128>}, {pipeline_mode = #tpu.pipeline_mode<synchronous>, transform_indices = @transform_8, window_bounds = array<i64: 8, 128>}]} {
    %get3A = arith.constant 0 : index
    %get3A_0 = arith.constant 0 : index
    %get3A_1 = vector.load %arg2[%get3A, %get3A_0] : memref<488x256xf32, #tpu.memory_space<vmem>>, vector<488x256xf32>
    %reshape3A = vector.shape_cast %get3A_1 : vector<488x256xf32> to vector<488x1x256xf32>
    %broadcast_in_dim3A = vector.shape_cast %reshape3A : vector<488x1x256xf32> to vector<488x1x256xf32>
    %broadcast_in_dim3A_2 = vector.broadcast %broadcast_in_dim3A : vector<488x1x256xf32> to vector<488x16x256xf32>
    %reshape3A_3 = vector.shape_cast %broadcast_in_dim3A_2 : vector<488x16x256xf32> to vector<7808x256xf32>
    %get3A_4 = arith.constant 0 : index
    %get3A_5 = arith.constant 0 : index
    %get3A_6 = vector.load %arg1[%get3A_4, %get3A_5] : memref<7808x256xf32, #tpu.memory_space<vmem>>, vector<7808x256xf32>
    %add3A = arith.addf %get3A_6, %reshape3A_3 : vector<7808x256xf32>
    %get3A_7 = arith.constant 0 : index
    %get3A_8 = arith.constant 0 : index
    %get3A_9 = vector.load %arg3[%get3A_7, %get3A_8] : memref<1x256xf32, #tpu.memory_space<vmem>>, vector<1x256xf32>
    %mul3A = vector.broadcast %get3A_9 : vector<1x256xf32> to vector<7808x256xf32>
    %mul3A_10 = arith.mulf %add3A, %mul3A : vector<7808x256xf32>
    %get3A_11 = arith.constant 0 : index
    %get3A_12 = arith.constant 0 : index
    %get3A_13 = vector.load %arg4[%get3A_11, %get3A_12] : memref<1x256xf32, #tpu.memory_space<vmem>>, vector<1x256xf32>
    %add3A_14 = vector.broadcast %get3A_13 : vector<1x256xf32> to vector<7808x256xf32>
    %add3A_15 = arith.addf %mul3A_10, %add3A_14 : vector<7808x256xf32>
    %ge3A = arith.constant 0.000000e+00 : f32
    %ge3A_16 = vector.broadcast %ge3A : f32 to vector<7808x256xf32>
    %ge3A_17 = arith.cmpf oge, %add3A_15, %ge3A_16 : vector<7808x256xf32>
    %mul3A_18 = arith.constant 2.000000e-01 : f32
    %mul3A_19 = vector.broadcast %mul3A_18 : f32 to vector<7808x256xf32>
    %mul3A_20 = arith.mulf %mul3A_19, %add3A_15 : vector<7808x256xf32>
    %select_n3A = arith.select %ge3A_17, %add3A_15, %mul3A_20 : vector<7808x256xi1>, vector<7808x256xf32>
    %get3A_21 = arith.constant 0 : index
    %get3A_22 = arith.constant 0 : index
    %get3A_23 = vector.load %arg5[%get3A_21, %get3A_22] : memref<256x128xf32, #tpu.memory_space<vmem>>, vector<256x128xf32>
    %dot_general3A = arith.constant dense<0.000000e+00> : vector<7808x128xf32>
    %dot_general3A_24 = tpu.matmul %select_n3A, %get3A_23, %dot_general3A {dimension_numbers = #tpu.dot_dimension_numbers<[1], [0], [0], [1], [0, 0, 1, 1], [], []>, transpose_lhs_hint = false} : vector<7808x256xf32>, vector<256x128xf32>, vector<7808x128xf32> -> vector<7808x128xf32>
    %get3A_25 = arith.constant 0 : index
    %get3A_26 = arith.constant 0 : index
    %get3A_27 = vector.load %arg6[%get3A_25, %get3A_26] : memref<1x128xf32, #tpu.memory_space<vmem>>, vector<1x128xf32>
    %add3A_28 = vector.broadcast %get3A_27 : vector<1x128xf32> to vector<7808x128xf32>
    %add3A_29 = arith.addf %dot_general3A_24, %add3A_28 : vector<7808x128xf32>
    %reshape3A_30 = vector.shape_cast %add3A_29 : vector<7808x128xf32> to vector<488x16x128xf32>
    %reduce_max3A = arith.constant dense<0xFF800000> : vector<488x128xf32>
    %reduce_max3A_31 = vector.multi_reduction <maximumf>, %reshape3A_30, %reduce_max3A [1] : vector<488x16x128xf32> to vector<488x128xf32>
    %swap3A = arith.constant 0 : index
    %swap3A_32 = arith.constant 0 : index
    %swap3A_33 = vector.load %arg7[%swap3A, %swap3A_32] : memref<488x128xf32, #tpu.memory_space<vmem>>, vector<488x128xf32>
    tpu.vector_store %arg7[%swap3A, %swap3A_32], %reduce_max3A_31 {strides = array<i32>} : memref<488x128xf32, #tpu.memory_space<vmem>>, vector<488x128xf32>,
    %reshape3A_34 = vector.shape_cast %reduce_max3A_31 : vector<488x128xf32> to vector<61x8x128xf32>
    %reduce_max3A_35 = arith.constant dense<0xFF800000> : vector<8x128xf32>
    %reduce_max3A_36 = vector.multi_reduction <maximumf>, %reshape3A_34, %reduce_max3A_35 [0] : vector<61x8x128xf32> to vector<8x128xf32>
    %reshape3A_37 = vector.shape_cast %reduce_max3A_31 : vector<488x128xf32> to vector<61x8x128xf32>
    %reduce_sum3A = arith.constant dense<0.000000e+00> : vector<8x128xf32>
    %reduce_sum3A_38 = vector.multi_reduction <add>, %reshape3A_37, %reduce_sum3A [0] : vector<61x8x128xf32> to vector<8x128xf32>
    %eq3A = arith.constant 0 : i32
    %eq3A_39 = arith.cmpi eq, %arg0, %eq3A : i32
    %get3A_40 = arith.constant 0 : index
    %get3A_41 = arith.constant 0 : index
    %get3A_42 = vector.load %arg8[%get3A_40, %get3A_41] : memref<8x128xf32, #tpu.memory_space<vmem>>, vector<8x128xf32>
    %max3A = arith.maximumf %get3A_42, %reduce_max3A_36 : vector<8x128xf32>
    %select_n3A_43 = arith.select %eq3A_39, %reduce_max3A_36, %max3A : vector<8x128xf32>
    %swap3A_44 = arith.constant 0 : index
    %swap3A_45 = arith.constant 0 : index
    %swap3A_46 = vector.load %arg8[%swap3A_44, %swap3A_45] : memref<8x128xf32, #tpu.memory_space<vmem>>, vector<8x128xf32>
    tpu.vector_store %arg8[%swap3A_44, %swap3A_45], %select_n3A_43 {strides = array<i32>} : memref<8x128xf32, #tpu.memory_space<vmem>>, vector<8x128xf32>,
    %eq3A_47 = arith.constant 0 : i32
    %eq3A_48 = arith.cmpi eq, %arg0, %eq3A_47 : i32
    %get3A_49 = arith.constant 0 : index
    %get3A_50 = arith.constant 0 : index
    %get3A_51 = vector.load %arg9[%get3A_49, %get3A_50] : memref<8x128xf32, #tpu.memory_space<vmem>>, vector<8x128xf32>
    %add3A_52 = arith.addf %get3A_51, %reduce_sum3A_38 : vector<8x128xf32>
    %select_n3A_53 = arith.select %eq3A_48, %reduce_sum3A_38, %add3A_52 : vector<8x128xf32>
    %swap3A_54 = arith.constant 0 : index
    %swap3A_55 = arith.constant 0 : index
    %swap3A_56 = vector.load %arg9[%swap3A_54, %swap3A_55] : memref<8x128xf32, #tpu.memory_space<vmem>>, vector<8x128xf32>
    tpu.vector_store %arg9[%swap3A_54, %swap3A_55], %select_n3A_53 {strides = array<i32>} : memref<8x128xf32, #tpu.memory_space<vmem>>, vector<8x128xf32>,
    return
  }
  func.func @transform_0(%arg0: i32) -> (i32, i32) {
    %c0_i32 = arith.constant 0 : i32
    %c0_i32_0 = arith.constant 0 : i32
    return %arg0, %c0_i32 : i32, i32
  }
  func.func @transform_1(%arg0: i32) -> (i32, i32) {
    %c0_i32 = arith.constant 0 : i32
    %c0_i32_0 = arith.constant 0 : i32
    return %arg0, %c0_i32 : i32, i32
  }
  func.func @transform_2(%arg0: i32) -> (i32, i32) {
    %c0_i32 = arith.constant 0 : i32
    %c0_i32_0 = arith.constant 0 : i32
    %c0_i32_1 = arith.constant 0 : i32
    return %c0_i32, %c0_i32_0 : i32, i32
  }
  func.func @transform_3(%arg0: i32) -> (i32, i32) {
    %c0_i32 = arith.constant 0 : i32
    %c0_i32_0 = arith.constant 0 : i32
    %c0_i32_1 = arith.constant 0 : i32
    return %c0_i32, %c0_i32_0 : i32, i32
  }
  func.func @transform_4(%arg0: i32) -> (i32, i32) {
    %c0_i32 = arith.constant 0 : i32
    %c0_i32_0 = arith.constant 0 : i32
    %c0_i32_1 = arith.constant 0 : i32
    return %c0_i32, %c0_i32_0 : i32, i32
  }
  func.func @transform_5(%arg0: i32) -> (i32, i32) {
    %c0_i32 = arith.constant 0 : i32
    %c0_i32_0 = arith.constant 0 : i32
    %c0_i32_1 = arith.constant 0 : i32
    return %c0_i32, %c0_i32_0 : i32, i32
  }
  func.func @transform_6(%arg0: i32) -> (i32, i32) {
    %c0_i32 = arith.constant 0 : i32
    %c0_i32_0 = arith.constant 0 : i32
    return %arg0, %c0_i32 : i32, i32
  }
  func.func @transform_7(%arg0: i32) -> (i32, i32) {
    %c0_i32 = arith.constant 0 : i32
    %c0_i32_0 = arith.constant 0 : i32
    %c0_i32_1 = arith.constant 0 : i32
    return %c0_i32, %c0_i32_0 : i32, i32
  }
  func.func @transform_8(%arg0: i32) -> (i32, i32) {
    %c0_i32 = arith.constant 0 : i32
    %c0_i32_0 = arith.constant 0 : i32
    %c0_i32_1 = arith.constant 0 : i32
    return %c0_i32, %c0_i32_0 : i32, i32
  }
}

module attributes {stable_mosaic.version = 14 : i64} {
  func.func @_k3_body(%arg0: i32, %arg1: memref<5120x256xf32, #tpu.memory_space<vmem>>, %arg2: memref<320x256xf32, #tpu.memory_space<vmem>>, %arg3: memref<1x256xf32, #tpu.memory_space<vmem>>, %arg4: memref<1x256xf32, #tpu.memory_space<vmem>>, %arg5: memref<256x128xf32, #tpu.memory_space<vmem>>, %arg6: memref<1x128xf32, #tpu.memory_space<vmem>>, %arg7: memref<320x128xf32, #tpu.memory_space<vmem>>, %arg8: memref<8x128xf32, #tpu.memory_space<vmem>>, %arg9: memref<8x128xf32, #tpu.memory_space<vmem>>) attributes {dimension_semantics = [#tpu.dimension_semantics<arbitrary>], iteration_bounds = array<i64: 16>, scalar_prefetch = 0 : i64, scratch_operands = 0 : i64, tpu.core_type = #tpu.core_type<tc>, window_params = [{transform_indices = @transform_0, window_bounds = array<i64: 5120, 256>}, {transform_indices = @transform_1, window_bounds = array<i64: 320, 256>}, {pipeline_mode = #tpu.pipeline_mode<synchronous>, transform_indices = @transform_2, window_bounds = array<i64: 1, 256>}, {pipeline_mode = #tpu.pipeline_mode<synchronous>, transform_indices = @transform_3, window_bounds = array<i64: 1, 256>}, {pipeline_mode = #tpu.pipeline_mode<synchronous>, transform_indices = @transform_4, window_bounds = array<i64: 256, 128>}, {pipeline_mode = #tpu.pipeline_mode<synchronous>, transform_indices = @transform_5, window_bounds = array<i64: 1, 128>}, {transform_indices = @transform_6, window_bounds = array<i64: 320, 128>}, {pipeline_mode = #tpu.pipeline_mode<synchronous>, transform_indices = @transform_7, window_bounds = array<i64: 8, 128>}, {pipeline_mode = #tpu.pipeline_mode<synchronous>, transform_indices = @transform_8, window_bounds = array<i64: 8, 128>}]} {
    %get3A = arith.constant 0 : index
    %get3A_0 = arith.constant 0 : index
    %get3A_1 = vector.load %arg2[%get3A, %get3A_0] : memref<320x256xf32, #tpu.memory_space<vmem>>, vector<320x256xf32>
    %reshape3A = vector.shape_cast %get3A_1 : vector<320x256xf32> to vector<320x1x256xf32>
    %broadcast_in_dim3A = vector.shape_cast %reshape3A : vector<320x1x256xf32> to vector<320x1x256xf32>
    %broadcast_in_dim3A_2 = vector.broadcast %broadcast_in_dim3A : vector<320x1x256xf32> to vector<320x16x256xf32>
    %reshape3A_3 = vector.shape_cast %broadcast_in_dim3A_2 : vector<320x16x256xf32> to vector<5120x256xf32>
    %get3A_4 = arith.constant 0 : index
    %get3A_5 = arith.constant 0 : index
    %get3A_6 = vector.load %arg1[%get3A_4, %get3A_5] : memref<5120x256xf32, #tpu.memory_space<vmem>>, vector<5120x256xf32>
    %add3A = arith.addf %get3A_6, %reshape3A_3 : vector<5120x256xf32>
    %get3A_7 = arith.constant 0 : index
    %get3A_8 = arith.constant 0 : index
    %get3A_9 = vector.load %arg3[%get3A_7, %get3A_8] : memref<1x256xf32, #tpu.memory_space<vmem>>, vector<1x256xf32>
    %mul3A = vector.broadcast %get3A_9 : vector<1x256xf32> to vector<5120x256xf32>
    %mul3A_10 = arith.mulf %add3A, %mul3A : vector<5120x256xf32>
    %get3A_11 = arith.constant 0 : index
    %get3A_12 = arith.constant 0 : index
    %get3A_13 = vector.load %arg4[%get3A_11, %get3A_12] : memref<1x256xf32, #tpu.memory_space<vmem>>, vector<1x256xf32>
    %add3A_14 = vector.broadcast %get3A_13 : vector<1x256xf32> to vector<5120x256xf32>
    %add3A_15 = arith.addf %mul3A_10, %add3A_14 : vector<5120x256xf32>
    %ge3A = arith.constant 0.000000e+00 : f32
    %ge3A_16 = vector.broadcast %ge3A : f32 to vector<5120x256xf32>
    %ge3A_17 = arith.cmpf oge, %add3A_15, %ge3A_16 : vector<5120x256xf32>
    %mul3A_18 = arith.constant 2.000000e-01 : f32
    %mul3A_19 = vector.broadcast %mul3A_18 : f32 to vector<5120x256xf32>
    %mul3A_20 = arith.mulf %mul3A_19, %add3A_15 : vector<5120x256xf32>
    %select_n3A = arith.select %ge3A_17, %add3A_15, %mul3A_20 : vector<5120x256xi1>, vector<5120x256xf32>
    %get3A_21 = arith.constant 0 : index
    %get3A_22 = arith.constant 0 : index
    %get3A_23 = vector.load %arg5[%get3A_21, %get3A_22] : memref<256x128xf32, #tpu.memory_space<vmem>>, vector<256x128xf32>
    %dot_general3A = arith.constant dense<0.000000e+00> : vector<5120x128xf32>
    %dot_general3A_24 = tpu.matmul %select_n3A, %get3A_23, %dot_general3A {dimension_numbers = #tpu.dot_dimension_numbers<[1], [0], [0], [1], [0, 0, 1, 1], [], []>, transpose_lhs_hint = false} : vector<5120x256xf32>, vector<256x128xf32>, vector<5120x128xf32> -> vector<5120x128xf32>
    %get3A_25 = arith.constant 0 : index
    %get3A_26 = arith.constant 0 : index
    %get3A_27 = vector.load %arg6[%get3A_25, %get3A_26] : memref<1x128xf32, #tpu.memory_space<vmem>>, vector<1x128xf32>
    %add3A_28 = vector.broadcast %get3A_27 : vector<1x128xf32> to vector<5120x128xf32>
    %add3A_29 = arith.addf %dot_general3A_24, %add3A_28 : vector<5120x128xf32>
    %reshape3A_30 = vector.shape_cast %add3A_29 : vector<5120x128xf32> to vector<320x16x128xf32>
    %reduce_max3A = arith.constant dense<0xFF800000> : vector<320x128xf32>
    %reduce_max3A_31 = vector.multi_reduction <maximumf>, %reshape3A_30, %reduce_max3A [1] : vector<320x16x128xf32> to vector<320x128xf32>
    %swap3A = arith.constant 0 : index
    %swap3A_32 = arith.constant 0 : index
    %swap3A_33 = vector.load %arg7[%swap3A, %swap3A_32] : memref<320x128xf32, #tpu.memory_space<vmem>>, vector<320x128xf32>
    tpu.vector_store %arg7[%swap3A, %swap3A_32], %reduce_max3A_31 {strides = array<i32>} : memref<320x128xf32, #tpu.memory_space<vmem>>, vector<320x128xf32>,
    %reshape3A_34 = vector.shape_cast %reduce_max3A_31 : vector<320x128xf32> to vector<40x8x128xf32>
    %reduce_max3A_35 = arith.constant dense<0xFF800000> : vector<8x128xf32>
    %reduce_max3A_36 = vector.multi_reduction <maximumf>, %reshape3A_34, %reduce_max3A_35 [0] : vector<40x8x128xf32> to vector<8x128xf32>
    %reshape3A_37 = vector.shape_cast %reduce_max3A_31 : vector<320x128xf32> to vector<40x8x128xf32>
    %reduce_sum3A = arith.constant dense<0.000000e+00> : vector<8x128xf32>
    %reduce_sum3A_38 = vector.multi_reduction <add>, %reshape3A_37, %reduce_sum3A [0] : vector<40x8x128xf32> to vector<8x128xf32>
    %eq3A = arith.constant 0 : i32
    %eq3A_39 = arith.cmpi eq, %arg0, %eq3A : i32
    %get3A_40 = arith.constant 0 : index
    %get3A_41 = arith.constant 0 : index
    %get3A_42 = vector.load %arg8[%get3A_40, %get3A_41] : memref<8x128xf32, #tpu.memory_space<vmem>>, vector<8x128xf32>
    %max3A = arith.maximumf %get3A_42, %reduce_max3A_36 : vector<8x128xf32>
    %select_n3A_43 = arith.select %eq3A_39, %reduce_max3A_36, %max3A : vector<8x128xf32>
    %swap3A_44 = arith.constant 0 : index
    %swap3A_45 = arith.constant 0 : index
    %swap3A_46 = vector.load %arg8[%swap3A_44, %swap3A_45] : memref<8x128xf32, #tpu.memory_space<vmem>>, vector<8x128xf32>
    tpu.vector_store %arg8[%swap3A_44, %swap3A_45], %select_n3A_43 {strides = array<i32>} : memref<8x128xf32, #tpu.memory_space<vmem>>, vector<8x128xf32>,
    %eq3A_47 = arith.constant 0 : i32
    %eq3A_48 = arith.cmpi eq, %arg0, %eq3A_47 : i32
    %get3A_49 = arith.constant 0 : index
    %get3A_50 = arith.constant 0 : index
    %get3A_51 = vector.load %arg9[%get3A_49, %get3A_50] : memref<8x128xf32, #tpu.memory_space<vmem>>, vector<8x128xf32>
    %add3A_52 = arith.addf %get3A_51, %reduce_sum3A_38 : vector<8x128xf32>
    %select_n3A_53 = arith.select %eq3A_48, %reduce_sum3A_38, %add3A_52 : vector<8x128xf32>
    %swap3A_54 = arith.constant 0 : index
    %swap3A_55 = arith.constant 0 : index
    %swap3A_56 = vector.load %arg9[%swap3A_54, %swap3A_55] : memref<8x128xf32, #tpu.memory_space<vmem>>, vector<8x128xf32>
    tpu.vector_store %arg9[%swap3A_54, %swap3A_55], %select_n3A_53 {strides = array<i32>} : memref<8x128xf32, #tpu.memory_space<vmem>>, vector<8x128xf32>,
    return
  }
  func.func @transform_0(%arg0: i32) -> (i32, i32) {
    %c0_i32 = arith.constant 0 : i32
    %c0_i32_0 = arith.constant 0 : i32
    return %arg0, %c0_i32 : i32, i32
  }
  func.func @transform_1(%arg0: i32) -> (i32, i32) {
    %c0_i32 = arith.constant 0 : i32
    %c0_i32_0 = arith.constant 0 : i32
    return %arg0, %c0_i32 : i32, i32
  }
  func.func @transform_2(%arg0: i32) -> (i32, i32) {
    %c0_i32 = arith.constant 0 : i32
    %c0_i32_0 = arith.constant 0 : i32
    %c0_i32_1 = arith.constant 0 : i32
    return %c0_i32, %c0_i32_0 : i32, i32
  }
  func.func @transform_3(%arg0: i32) -> (i32, i32) {
    %c0_i32 = arith.constant 0 : i32
    %c0_i32_0 = arith.constant 0 : i32
    %c0_i32_1 = arith.constant 0 : i32
    return %c0_i32, %c0_i32_0 : i32, i32
  }
  func.func @transform_4(%arg0: i32) -> (i32, i32) {
    %c0_i32 = arith.constant 0 : i32
    %c0_i32_0 = arith.constant 0 : i32
    %c0_i32_1 = arith.constant 0 : i32
    return %c0_i32, %c0_i32_0 : i32, i32
  }
  func.func @transform_5(%arg0: i32) -> (i32, i32) {
    %c0_i32 = arith.constant 0 : i32
    %c0_i32_0 = arith.constant 0 : i32
    %c0_i32_1 = arith.constant 0 : i32
    return %c0_i32, %c0_i32_0 : i32, i32
  }
  func.func @transform_6(%arg0: i32) -> (i32, i32) {
    %c0_i32 = arith.constant 0 : i32
    %c0_i32_0 = arith.constant 0 : i32
    return %arg0, %c0_i32 : i32, i32
  }
  func.func @transform_7(%arg0: i32) -> (i32, i32) {
    %c0_i32 = arith.constant 0 : i32
    %c0_i32_0 = arith.constant 0 : i32
    %c0_i32_1 = arith.constant 0 : i32
    return %c0_i32, %c0_i32_0 : i32, i32
  }
  func.func @transform_8(%arg0: i32) -> (i32, i32) {
    %c0_i32 = arith.constant 0 : i32
    %c0_i32_0 = arith.constant 0 : i32
    %c0_i32_1 = arith.constant 0 : i32
    return %c0_i32, %c0_i32_0 : i32, i32
  }
}

module attributes {stable_mosaic.version = 14 : i64} {
  func.func @_k4_body(%arg0: i32, %arg1: memref<488x128xf32, #tpu.memory_space<vmem>>, %arg2: memref<488x128xf32, #tpu.memory_space<vmem>>, %arg3: memref<8x128xf32, #tpu.memory_space<vmem>>, %arg4: memref<8x128xf32, #tpu.memory_space<vmem>>, %arg5: memref<8x128xf32, #tpu.memory_space<vmem>>, %arg6: memref<8x128xf32, #tpu.memory_space<vmem>>, %arg7: memref<512x384xf32, #tpu.memory_space<vmem>>, %arg8: memref<1x384xf32, #tpu.memory_space<vmem>>, %arg9: memref<1x384xf32, #tpu.memory_space<vmem>>, %arg10: memref<384x256xf32, #tpu.memory_space<vmem>>, %arg11: memref<1x256xf32, #tpu.memory_space<vmem>>, %arg12: memref<1x256xf32, #tpu.memory_space<vmem>>, %arg13: memref<256x128xf32, #tpu.memory_space<vmem>>, %arg14: memref<1x128xf32, #tpu.memory_space<vmem>>, %arg15: memref<1x128xf32, #tpu.memory_space<vmem>>, %arg16: memref<128x128xf32, #tpu.memory_space<vmem>>, %arg17: memref<1x128xf32, #tpu.memory_space<vmem>>, %arg18: memref<488x128xf32, #tpu.memory_space<vmem>>) attributes {dimension_semantics = [#tpu.dimension_semantics<arbitrary>], iteration_bounds = array<i64: 10>, scalar_prefetch = 0 : i64, scratch_operands = 0 : i64, tpu.core_type = #tpu.core_type<tc>, window_params = [{transform_indices = @transform_0, window_bounds = array<i64: 488, 128>}, {transform_indices = @transform_1, window_bounds = array<i64: 488, 128>}, {pipeline_mode = #tpu.pipeline_mode<synchronous>, transform_indices = @transform_2, window_bounds = array<i64: 8, 128>}, {pipeline_mode = #tpu.pipeline_mode<synchronous>, transform_indices = @transform_3, window_bounds = array<i64: 8, 128>}, {pipeline_mode = #tpu.pipeline_mode<synchronous>, transform_indices = @transform_4, window_bounds = array<i64: 8, 128>}, {pipeline_mode = #tpu.pipeline_mode<synchronous>, transform_indices = @transform_5, window_bounds = array<i64: 8, 128>}, {pipeline_mode = #tpu.pipeline_mode<synchronous>, transform_indices = @transform_6, window_bounds = array<i64: 512, 384>}, {pipeline_mode = #tpu.pipeline_mode<synchronous>, transform_indices = @transform_7, window_bounds = array<i64: 1, 384>}, {pipeline_mode = #tpu.pipeline_mode<synchronous>, transform_indices = @transform_8, window_bounds = array<i64: 1, 384>}, {pipeline_mode = #tpu.pipeline_mode<synchronous>, transform_indices = @transform_9, window_bounds = array<i64: 384, 256>}, {pipeline_mode = #tpu.pipeline_mode<synchronous>, transform_indices = @transform_10, window_bounds = array<i64: 1, 256>}, {pipeline_mode = #tpu.pipeline_mode<synchronous>, transform_indices = @transform_11, window_bounds = array<i64: 1, 256>}, {pipeline_mode = #tpu.pipeline_mode<synchronous>, transform_indices = @transform_12, window_bounds = array<i64: 256, 128>}, {pipeline_mode = #tpu.pipeline_mode<synchronous>, transform_indices = @transform_13, window_bounds = array<i64: 1, 128>}, {pipeline_mode = #tpu.pipeline_mode<synchronous>, transform_indices = @transform_14, window_bounds = array<i64: 1, 128>}, {pipeline_mode = #tpu.pipeline_mode<synchronous>, transform_indices = @transform_15, window_bounds = array<i64: 128, 128>}, {pipeline_mode = #tpu.pipeline_mode<synchronous>, transform_indices = @transform_16, window_bounds = array<i64: 1, 128>}, {transform_indices = @transform_17, window_bounds = array<i64: 488, 128>}]} {
    %get3A = arith.constant 0 : index
    %get3A_0 = arith.constant 0 : index
    %get3A_1 = vector.load %arg3[%get3A, %get3A_0] : memref<8x128xf32, #tpu.memory_space<vmem>>, vector<8x128xf32>
    %get3A_2 = arith.constant 0 : index
    %get3A_3 = arith.constant 0 : index
    %get3A_4 = vector.load %arg4[%get3A_2, %get3A_3] : memref<8x128xf32, #tpu.memory_space<vmem>>, vector<8x128xf32>
    %max3A = arith.maximumf %get3A_1, %get3A_4 : vector<8x128xf32>
    %reduce_max3A = arith.constant dense<0xFF800000> : vector<128xf32>
    %reduce_max3A_5 = vector.multi_reduction <maximumf>, %max3A, %reduce_max3A [0] : vector<8x128xf32> to vector<128xf32>
    %broadcast_in_dim3A = vector.shape_cast %reduce_max3A_5 : vector<128xf32> to vector<1x128xf32>
    %get3A_6 = arith.constant 0 : index
    %get3A_7 = arith.constant 0 : index
    %get3A_8 = vector.load %arg5[%get3A_6, %get3A_7] : memref<8x128xf32, #tpu.memory_space<vmem>>, vector<8x128xf32>
    %reduce_sum3A = arith.constant dense<0.000000e+00> : vector<128xf32>
    %reduce_sum3A_9 = vector.multi_reduction <add>, %get3A_8, %reduce_sum3A [0] : vector<8x128xf32> to vector<128xf32>
    %broadcast_in_dim3A_10 = vector.shape_cast %reduce_sum3A_9 : vector<128xf32> to vector<1x128xf32>
    %get3A_11 = arith.constant 0 : index
    %get3A_12 = arith.constant 0 : index
    %get3A_13 = vector.load %arg6[%get3A_11, %get3A_12] : memref<8x128xf32, #tpu.memory_space<vmem>>, vector<8x128xf32>
    %reduce_sum3A_14 = arith.constant dense<0.000000e+00> : vector<128xf32>
    %reduce_sum3A_15 = vector.multi_reduction <add>, %get3A_13, %reduce_sum3A_14 [0] : vector<8x128xf32> to vector<128xf32>
    %broadcast_in_dim3A_16 = vector.shape_cast %reduce_sum3A_15 : vector<128xf32> to vector<1x128xf32>
    %add3A = arith.addf %broadcast_in_dim3A_10, %broadcast_in_dim3A_16 : vector<1x128xf32>
    %mul3A = arith.constant 9.99999974E-5 : f32
    %mul3A_17 = vector.broadcast %mul3A : f32 to vector<1x128xf32>
    %mul3A_18 = arith.mulf %add3A, %mul3A_17 : vector<1x128xf32>
    %get3A_19 = arith.constant 0 : index
    %get3A_20 = arith.constant 0 : index
    %get3A_21 = vector.load %arg1[%get3A_19, %get3A_20] : memref<488x128xf32, #tpu.memory_space<vmem>>, vector<488x128xf32>
    %get3A_22 = arith.constant 0 : index
    %get3A_23 = arith.constant 0 : index
    %get3A_24 = vector.load %arg2[%get3A_22, %get3A_23] : memref<488x128xf32, #tpu.memory_space<vmem>>, vector<488x128xf32>
    %broadcast_in_dim3A_25 = vector.shape_cast %broadcast_in_dim3A : vector<1x128xf32> to vector<1x128xf32>
    %broadcast_in_dim3A_26 = vector.broadcast %broadcast_in_dim3A_25 : vector<1x128xf32> to vector<488x128xf32>
    %broadcast_in_dim3A_27 = vector.shape_cast %mul3A_18 : vector<1x128xf32> to vector<1x128xf32>
    %broadcast_in_dim3A_28 = vector.broadcast %broadcast_in_dim3A_27 : vector<1x128xf32> to vector<488x128xf32>
    %concatenate3A = tpu.concatenate %get3A_21, %get3A_24, %broadcast_in_dim3A_26, %broadcast_in_dim3A_28 in 1 : vector<488x128xf32>, vector<488x128xf32>, vector<488x128xf32>, vector<488x128xf32> -> vector<488x512xf32>
    %get3A_29 = arith.constant 0 : index
    %get3A_30 = arith.constant 0 : index
    %get3A_31 = vector.load %arg7[%get3A_29, %get3A_30] : memref<512x384xf32, #tpu.memory_space<vmem>>, vector<512x384xf32>
    %dot_general3A = arith.constant dense<0.000000e+00> : vector<488x384xf32>
    %dot_general3A_32 = tpu.matmul %concatenate3A, %get3A_31, %dot_general3A {dimension_numbers = #tpu.dot_dimension_numbers<[1], [0], [0], [1], [0, 0, 1, 1], [], []>, transpose_lhs_hint = false} : vector<488x512xf32>, vector<512x384xf32>, vector<488x384xf32> -> vector<488x384xf32>
    %get3A_33 = arith.constant 0 : index
    %get3A_34 = arith.constant 0 : index
    %get3A_35 = vector.load %arg8[%get3A_33, %get3A_34] : memref<1x384xf32, #tpu.memory_space<vmem>>, vector<1x384xf32>
    %mul3A_36 = vector.broadcast %get3A_35 : vector<1x384xf32> to vector<488x384xf32>
    %mul3A_37 = arith.mulf %dot_general3A_32, %mul3A_36 : vector<488x384xf32>
    %get3A_38 = arith.constant 0 : index
    %get3A_39 = arith.constant 0 : index
    %get3A_40 = vector.load %arg9[%get3A_38, %get3A_39] : memref<1x384xf32, #tpu.memory_space<vmem>>, vector<1x384xf32>
    %add3A_41 = vector.broadcast %get3A_40 : vector<1x384xf32> to vector<488x384xf32>
    %add3A_42 = arith.addf %mul3A_37, %add3A_41 : vector<488x384xf32>
    %ge3A = arith.constant 0.000000e+00 : f32
    %ge3A_43 = vector.broadcast %ge3A : f32 to vector<488x384xf32>
    %ge3A_44 = arith.cmpf oge, %add3A_42, %ge3A_43 : vector<488x384xf32>
    %mul3A_45 = arith.constant 2.000000e-01 : f32
    %mul3A_46 = vector.broadcast %mul3A_45 : f32 to vector<488x384xf32>
    %mul3A_47 = arith.mulf %mul3A_46, %add3A_42 : vector<488x384xf32>
    %select_n3A = arith.select %ge3A_44, %add3A_42, %mul3A_47 : vector<488x384xi1>, vector<488x384xf32>
    %get3A_48 = arith.constant 0 : index
    %get3A_49 = arith.constant 0 : index
    %get3A_50 = vector.load %arg10[%get3A_48, %get3A_49] : memref<384x256xf32, #tpu.memory_space<vmem>>, vector<384x256xf32>
    %dot_general3A_51 = arith.constant dense<0.000000e+00> : vector<488x256xf32>
    %dot_general3A_52 = tpu.matmul %select_n3A, %get3A_50, %dot_general3A_51 {dimension_numbers = #tpu.dot_dimension_numbers<[1], [0], [0], [1], [0, 0, 1, 1], [], []>, transpose_lhs_hint = false} : vector<488x384xf32>, vector<384x256xf32>, vector<488x256xf32> -> vector<488x256xf32>
    %get3A_53 = arith.constant 0 : index
    %get3A_54 = arith.constant 0 : index
    %get3A_55 = vector.load %arg11[%get3A_53, %get3A_54] : memref<1x256xf32, #tpu.memory_space<vmem>>, vector<1x256xf32>
    %mul3A_56 = vector.broadcast %get3A_55 : vector<1x256xf32> to vector<488x256xf32>
    %mul3A_57 = arith.mulf %dot_general3A_52, %mul3A_56 : vector<488x256xf32>
    %get3A_58 = arith.constant 0 : index
    %get3A_59 = arith.constant 0 : index
    %get3A_60 = vector.load %arg12[%get3A_58, %get3A_59] : memref<1x256xf32, #tpu.memory_space<vmem>>, vector<1x256xf32>
    %add3A_61 = vector.broadcast %get3A_60 : vector<1x256xf32> to vector<488x256xf32>
    %add3A_62 = arith.addf %mul3A_57, %add3A_61 : vector<488x256xf32>
    %ge3A_63 = arith.constant 0.000000e+00 : f32
    %ge3A_64 = vector.broadcast %ge3A_63 : f32 to vector<488x256xf32>
    %ge3A_65 = arith.cmpf oge, %add3A_62, %ge3A_64 : vector<488x256xf32>
    %mul3A_66 = arith.constant 2.000000e-01 : f32
    %mul3A_67 = vector.broadcast %mul3A_66 : f32 to vector<488x256xf32>
    %mul3A_68 = arith.mulf %mul3A_67, %add3A_62 : vector<488x256xf32>
    %select_n3A_69 = arith.select %ge3A_65, %add3A_62, %mul3A_68 : vector<488x256xi1>, vector<488x256xf32>
    %get3A_70 = arith.constant 0 : index
    %get3A_71 = arith.constant 0 : index
    %get3A_72 = vector.load %arg13[%get3A_70, %get3A_71] : memref<256x128xf32, #tpu.memory_space<vmem>>, vector<256x128xf32>
    %dot_general3A_73 = arith.constant dense<0.000000e+00> : vector<488x128xf32>
    %dot_general3A_74 = tpu.matmul %select_n3A_69, %get3A_72, %dot_general3A_73 {dimension_numbers = #tpu.dot_dimension_numbers<[1], [0], [0], [1], [0, 0, 1, 1], [], []>, transpose_lhs_hint = false} : vector<488x256xf32>, vector<256x128xf32>, vector<488x128xf32> -> vector<488x128xf32>
    %get3A_75 = arith.constant 0 : index
    %get3A_76 = arith.constant 0 : index
    %get3A_77 = vector.load %arg14[%get3A_75, %get3A_76] : memref<1x128xf32, #tpu.memory_space<vmem>>, vector<1x128xf32>
    %mul3A_78 = vector.broadcast %get3A_77 : vector<1x128xf32> to vector<488x128xf32>
    %mul3A_79 = arith.mulf %dot_general3A_74, %mul3A_78 : vector<488x128xf32>
    %get3A_80 = arith.constant 0 : index
    %get3A_81 = arith.constant 0 : index
    %get3A_82 = vector.load %arg15[%get3A_80, %get3A_81] : memref<1x128xf32, #tpu.memory_space<vmem>>, vector<1x128xf32>
    %add3A_83 = vector.broadcast %get3A_82 : vector<1x128xf32> to vector<488x128xf32>
    %add3A_84 = arith.addf %mul3A_79, %add3A_83 : vector<488x128xf32>
    %ge3A_85 = arith.constant 0.000000e+00 : f32
    %ge3A_86 = vector.broadcast %ge3A_85 : f32 to vector<488x128xf32>
    %ge3A_87 = arith.cmpf oge, %add3A_84, %ge3A_86 : vector<488x128xf32>
    %mul3A_88 = arith.constant 2.000000e-01 : f32
    %mul3A_89 = vector.broadcast %mul3A_88 : f32 to vector<488x128xf32>
    %mul3A_90 = arith.mulf %mul3A_89, %add3A_84 : vector<488x128xf32>
    %select_n3A_91 = arith.select %ge3A_87, %add3A_84, %mul3A_90 : vector<488x128xi1>, vector<488x128xf32>
    %get3A_92 = arith.constant 0 : index
    %get3A_93 = arith.constant 0 : index
    %get3A_94 = vector.load %arg16[%get3A_92, %get3A_93] : memref<128x128xf32, #tpu.memory_space<vmem>>, vector<128x128xf32>
    %dot_general3A_95 = arith.constant dense<0.000000e+00> : vector<488x128xf32>
    %dot_general3A_96 = tpu.matmul %select_n3A_91, %get3A_94, %dot_general3A_95 {dimension_numbers = #tpu.dot_dimension_numbers<[1], [0], [0], [1], [0, 0, 1, 1], [], []>, transpose_lhs_hint = false} : vector<488x128xf32>, vector<128x128xf32>, vector<488x128xf32> -> vector<488x128xf32>
    %get3A_97 = arith.constant 0 : index
    %get3A_98 = arith.constant 0 : index
    %get3A_99 = vector.load %arg17[%get3A_97, %get3A_98] : memref<1x128xf32, #tpu.memory_space<vmem>>, vector<1x128xf32>
    %add3A_100 = vector.broadcast %get3A_99 : vector<1x128xf32> to vector<488x128xf32>
    %add3A_101 = arith.addf %dot_general3A_96, %add3A_100 : vector<488x128xf32>
    %swap3A = arith.constant 0 : index
    %swap3A_102 = arith.constant 0 : index
    %swap3A_103 = vector.load %arg18[%swap3A, %swap3A_102] : memref<488x128xf32, #tpu.memory_space<vmem>>, vector<488x128xf32>
    tpu.vector_store %arg18[%swap3A, %swap3A_102], %add3A_101 {strides = array<i32>} : memref<488x128xf32, #tpu.memory_space<vmem>>, vector<488x128xf32>,
    return
  }
  func.func @transform_0(%arg0: i32) -> (i32, i32) {
    %c0_i32 = arith.constant 0 : i32
    %c0_i32_0 = arith.constant 0 : i32
    return %arg0, %c0_i32 : i32, i32
  }
  func.func @transform_1(%arg0: i32) -> (i32, i32) {
    %c0_i32 = arith.constant 0 : i32
    %c0_i32_0 = arith.constant 0 : i32
    return %arg0, %c0_i32 : i32, i32
  }
  func.func @transform_2(%arg0: i32) -> (i32, i32) {
    %c0_i32 = arith.constant 0 : i32
    %c0_i32_0 = arith.constant 0 : i32
    %c0_i32_1 = arith.constant 0 : i32
    return %c0_i32, %c0_i32_0 : i32, i32
  }
  func.func @transform_3(%arg0: i32) -> (i32, i32) {
    %c0_i32 = arith.constant 0 : i32
    %c0_i32_0 = arith.constant 0 : i32
    %c0_i32_1 = arith.constant 0 : i32
    return %c0_i32, %c0_i32_0 : i32, i32
  }
  func.func @transform_4(%arg0: i32) -> (i32, i32) {
    %c0_i32 = arith.constant 0 : i32
    %c0_i32_0 = arith.constant 0 : i32
    %c0_i32_1 = arith.constant 0 : i32
    return %c0_i32, %c0_i32_0 : i32, i32
  }
  func.func @transform_5(%arg0: i32) -> (i32, i32) {
    %c0_i32 = arith.constant 0 : i32
    %c0_i32_0 = arith.constant 0 : i32
    %c0_i32_1 = arith.constant 0 : i32
    return %c0_i32, %c0_i32_0 : i32, i32
  }
  func.func @transform_6(%arg0: i32) -> (i32, i32) {
    %c0_i32 = arith.constant 0 : i32
    %c0_i32_0 = arith.constant 0 : i32
    %c0_i32_1 = arith.constant 0 : i32
    return %c0_i32, %c0_i32_0 : i32, i32
  }
  func.func @transform_7(%arg0: i32) -> (i32, i32) {
    %c0_i32 = arith.constant 0 : i32
    %c0_i32_0 = arith.constant 0 : i32
    %c0_i32_1 = arith.constant 0 : i32
    return %c0_i32, %c0_i32_0 : i32, i32
  }
  func.func @transform_8(%arg0: i32) -> (i32, i32) {
    %c0_i32 = arith.constant 0 : i32
    %c0_i32_0 = arith.constant 0 : i32
    %c0_i32_1 = arith.constant 0 : i32
    return %c0_i32, %c0_i32_0 : i32, i32
  }
  func.func @transform_9(%arg0: i32) -> (i32, i32) {
    %c0_i32 = arith.constant 0 : i32
    %c0_i32_0 = arith.constant 0 : i32
    %c0_i32_1 = arith.constant 0 : i32
    return %c0_i32, %c0_i32_0 : i32, i32
  }
  func.func @transform_10(%arg0: i32) -> (i32, i32) {
    %c0_i32 = arith.constant 0 : i32
    %c0_i32_0 = arith.constant 0 : i32
    %c0_i32_1 = arith.constant 0 : i32
    return %c0_i32, %c0_i32_0 : i32, i32
  }
  func.func @transform_11(%arg0: i32) -> (i32, i32) {
    %c0_i32 = arith.constant 0 : i32
    %c0_i32_0 = arith.constant 0 : i32
    %c0_i32_1 = arith.constant 0 : i32
    return %c0_i32, %c0_i32_0 : i32, i32
  }
  func.func @transform_12(%arg0: i32) -> (i32, i32) {
    %c0_i32 = arith.constant 0 : i32
    %c0_i32_0 = arith.constant 0 : i32
    %c0_i32_1 = arith.constant 0 : i32
    return %c0_i32, %c0_i32_0 : i32, i32
  }
  func.func @transform_13(%arg0: i32) -> (i32, i32) {
    %c0_i32 = arith.constant 0 : i32
    %c0_i32_0 = arith.constant 0 : i32
    %c0_i32_1 = arith.constant 0 : i32
    return %c0_i32, %c0_i32_0 : i32, i32
  }
  func.func @transform_14(%arg0: i32) -> (i32, i32) {
    %c0_i32 = arith.constant 0 : i32
    %c0_i32_0 = arith.constant 0 : i32
    %c0_i32_1 = arith.constant 0 : i32
    return %c0_i32, %c0_i32_0 : i32, i32
  }
  func.func @transform_15(%arg0: i32) -> (i32, i32) {
    %c0_i32 = arith.constant 0 : i32
    %c0_i32_0 = arith.constant 0 : i32
    %c0_i32_1 = arith.constant 0 : i32
    return %c0_i32, %c0_i32_0 : i32, i32
  }
  func.func @transform_16(%arg0: i32) -> (i32, i32) {
    %c0_i32 = arith.constant 0 : i32
    %c0_i32_0 = arith.constant 0 : i32
    %c0_i32_1 = arith.constant 0 : i32
    return %c0_i32, %c0_i32_0 : i32, i32
  }
  func.func @transform_17(%arg0: i32) -> (i32, i32) {
    %c0_i32 = arith.constant 0 : i32
    %c0_i32_0 = arith.constant 0 : i32
    return %arg0, %c0_i32 : i32, i32
  }
}

module attributes {stable_mosaic.version = 14 : i64} {
  func.func @_k4_body(%arg0: i32, %arg1: memref<320x128xf32, #tpu.memory_space<vmem>>, %arg2: memref<320x128xf32, #tpu.memory_space<vmem>>, %arg3: memref<8x128xf32, #tpu.memory_space<vmem>>, %arg4: memref<8x128xf32, #tpu.memory_space<vmem>>, %arg5: memref<8x128xf32, #tpu.memory_space<vmem>>, %arg6: memref<8x128xf32, #tpu.memory_space<vmem>>, %arg7: memref<512x384xf32, #tpu.memory_space<vmem>>, %arg8: memref<1x384xf32, #tpu.memory_space<vmem>>, %arg9: memref<1x384xf32, #tpu.memory_space<vmem>>, %arg10: memref<384x256xf32, #tpu.memory_space<vmem>>, %arg11: memref<1x256xf32, #tpu.memory_space<vmem>>, %arg12: memref<1x256xf32, #tpu.memory_space<vmem>>, %arg13: memref<256x128xf32, #tpu.memory_space<vmem>>, %arg14: memref<1x128xf32, #tpu.memory_space<vmem>>, %arg15: memref<1x128xf32, #tpu.memory_space<vmem>>, %arg16: memref<128x128xf32, #tpu.memory_space<vmem>>, %arg17: memref<1x128xf32, #tpu.memory_space<vmem>>, %arg18: memref<320x128xf32, #tpu.memory_space<vmem>>) attributes {dimension_semantics = [#tpu.dimension_semantics<arbitrary>], iteration_bounds = array<i64: 16>, scalar_prefetch = 0 : i64, scratch_operands = 0 : i64, tpu.core_type = #tpu.core_type<tc>, window_params = [{transform_indices = @transform_0, window_bounds = array<i64: 320, 128>}, {transform_indices = @transform_1, window_bounds = array<i64: 320, 128>}, {pipeline_mode = #tpu.pipeline_mode<synchronous>, transform_indices = @transform_2, window_bounds = array<i64: 8, 128>}, {pipeline_mode = #tpu.pipeline_mode<synchronous>, transform_indices = @transform_3, window_bounds = array<i64: 8, 128>}, {pipeline_mode = #tpu.pipeline_mode<synchronous>, transform_indices = @transform_4, window_bounds = array<i64: 8, 128>}, {pipeline_mode = #tpu.pipeline_mode<synchronous>, transform_indices = @transform_5, window_bounds = array<i64: 8, 128>}, {pipeline_mode = #tpu.pipeline_mode<synchronous>, transform_indices = @transform_6, window_bounds = array<i64: 512, 384>}, {pipeline_mode = #tpu.pipeline_mode<synchronous>, transform_indices = @transform_7, window_bounds = array<i64: 1, 384>}, {pipeline_mode = #tpu.pipeline_mode<synchronous>, transform_indices = @transform_8, window_bounds = array<i64: 1, 384>}, {pipeline_mode = #tpu.pipeline_mode<synchronous>, transform_indices = @transform_9, window_bounds = array<i64: 384, 256>}, {pipeline_mode = #tpu.pipeline_mode<synchronous>, transform_indices = @transform_10, window_bounds = array<i64: 1, 256>}, {pipeline_mode = #tpu.pipeline_mode<synchronous>, transform_indices = @transform_11, window_bounds = array<i64: 1, 256>}, {pipeline_mode = #tpu.pipeline_mode<synchronous>, transform_indices = @transform_12, window_bounds = array<i64: 256, 128>}, {pipeline_mode = #tpu.pipeline_mode<synchronous>, transform_indices = @transform_13, window_bounds = array<i64: 1, 128>}, {pipeline_mode = #tpu.pipeline_mode<synchronous>, transform_indices = @transform_14, window_bounds = array<i64: 1, 128>}, {pipeline_mode = #tpu.pipeline_mode<synchronous>, transform_indices = @transform_15, window_bounds = array<i64: 128, 128>}, {pipeline_mode = #tpu.pipeline_mode<synchronous>, transform_indices = @transform_16, window_bounds = array<i64: 1, 128>}, {transform_indices = @transform_17, window_bounds = array<i64: 320, 128>}]} {
    %get3A = arith.constant 0 : index
    %get3A_0 = arith.constant 0 : index
    %get3A_1 = vector.load %arg3[%get3A, %get3A_0] : memref<8x128xf32, #tpu.memory_space<vmem>>, vector<8x128xf32>
    %get3A_2 = arith.constant 0 : index
    %get3A_3 = arith.constant 0 : index
    %get3A_4 = vector.load %arg4[%get3A_2, %get3A_3] : memref<8x128xf32, #tpu.memory_space<vmem>>, vector<8x128xf32>
    %max3A = arith.maximumf %get3A_1, %get3A_4 : vector<8x128xf32>
    %reduce_max3A = arith.constant dense<0xFF800000> : vector<128xf32>
    %reduce_max3A_5 = vector.multi_reduction <maximumf>, %max3A, %reduce_max3A [0] : vector<8x128xf32> to vector<128xf32>
    %broadcast_in_dim3A = vector.shape_cast %reduce_max3A_5 : vector<128xf32> to vector<1x128xf32>
    %get3A_6 = arith.constant 0 : index
    %get3A_7 = arith.constant 0 : index
    %get3A_8 = vector.load %arg5[%get3A_6, %get3A_7] : memref<8x128xf32, #tpu.memory_space<vmem>>, vector<8x128xf32>
    %reduce_sum3A = arith.constant dense<0.000000e+00> : vector<128xf32>
    %reduce_sum3A_9 = vector.multi_reduction <add>, %get3A_8, %reduce_sum3A [0] : vector<8x128xf32> to vector<128xf32>
    %broadcast_in_dim3A_10 = vector.shape_cast %reduce_sum3A_9 : vector<128xf32> to vector<1x128xf32>
    %get3A_11 = arith.constant 0 : index
    %get3A_12 = arith.constant 0 : index
    %get3A_13 = vector.load %arg6[%get3A_11, %get3A_12] : memref<8x128xf32, #tpu.memory_space<vmem>>, vector<8x128xf32>
    %reduce_sum3A_14 = arith.constant dense<0.000000e+00> : vector<128xf32>
    %reduce_sum3A_15 = vector.multi_reduction <add>, %get3A_13, %reduce_sum3A_14 [0] : vector<8x128xf32> to vector<128xf32>
    %broadcast_in_dim3A_16 = vector.shape_cast %reduce_sum3A_15 : vector<128xf32> to vector<1x128xf32>
    %add3A = arith.addf %broadcast_in_dim3A_10, %broadcast_in_dim3A_16 : vector<1x128xf32>
    %mul3A = arith.constant 9.99999974E-5 : f32
    %mul3A_17 = vector.broadcast %mul3A : f32 to vector<1x128xf32>
    %mul3A_18 = arith.mulf %add3A, %mul3A_17 : vector<1x128xf32>
    %get3A_19 = arith.constant 0 : index
    %get3A_20 = arith.constant 0 : index
    %get3A_21 = vector.load %arg1[%get3A_19, %get3A_20] : memref<320x128xf32, #tpu.memory_space<vmem>>, vector<320x128xf32>
    %get3A_22 = arith.constant 0 : index
    %get3A_23 = arith.constant 0 : index
    %get3A_24 = vector.load %arg2[%get3A_22, %get3A_23] : memref<320x128xf32, #tpu.memory_space<vmem>>, vector<320x128xf32>
    %broadcast_in_dim3A_25 = vector.shape_cast %broadcast_in_dim3A : vector<1x128xf32> to vector<1x128xf32>
    %broadcast_in_dim3A_26 = vector.broadcast %broadcast_in_dim3A_25 : vector<1x128xf32> to vector<320x128xf32>
    %broadcast_in_dim3A_27 = vector.shape_cast %mul3A_18 : vector<1x128xf32> to vector<1x128xf32>
    %broadcast_in_dim3A_28 = vector.broadcast %broadcast_in_dim3A_27 : vector<1x128xf32> to vector<320x128xf32>
    %concatenate3A = tpu.concatenate %get3A_21, %get3A_24, %broadcast_in_dim3A_26, %broadcast_in_dim3A_28 in 1 : vector<320x128xf32>, vector<320x128xf32>, vector<320x128xf32>, vector<320x128xf32> -> vector<320x512xf32>
    %get3A_29 = arith.constant 0 : index
    %get3A_30 = arith.constant 0 : index
    %get3A_31 = vector.load %arg7[%get3A_29, %get3A_30] : memref<512x384xf32, #tpu.memory_space<vmem>>, vector<512x384xf32>
    %dot_general3A = arith.constant dense<0.000000e+00> : vector<320x384xf32>
    %dot_general3A_32 = tpu.matmul %concatenate3A, %get3A_31, %dot_general3A {dimension_numbers = #tpu.dot_dimension_numbers<[1], [0], [0], [1], [0, 0, 1, 1], [], []>, transpose_lhs_hint = false} : vector<320x512xf32>, vector<512x384xf32>, vector<320x384xf32> -> vector<320x384xf32>
    %get3A_33 = arith.constant 0 : index
    %get3A_34 = arith.constant 0 : index
    %get3A_35 = vector.load %arg8[%get3A_33, %get3A_34] : memref<1x384xf32, #tpu.memory_space<vmem>>, vector<1x384xf32>
    %mul3A_36 = vector.broadcast %get3A_35 : vector<1x384xf32> to vector<320x384xf32>
    %mul3A_37 = arith.mulf %dot_general3A_32, %mul3A_36 : vector<320x384xf32>
    %get3A_38 = arith.constant 0 : index
    %get3A_39 = arith.constant 0 : index
    %get3A_40 = vector.load %arg9[%get3A_38, %get3A_39] : memref<1x384xf32, #tpu.memory_space<vmem>>, vector<1x384xf32>
    %add3A_41 = vector.broadcast %get3A_40 : vector<1x384xf32> to vector<320x384xf32>
    %add3A_42 = arith.addf %mul3A_37, %add3A_41 : vector<320x384xf32>
    %ge3A = arith.constant 0.000000e+00 : f32
    %ge3A_43 = vector.broadcast %ge3A : f32 to vector<320x384xf32>
    %ge3A_44 = arith.cmpf oge, %add3A_42, %ge3A_43 : vector<320x384xf32>
    %mul3A_45 = arith.constant 2.000000e-01 : f32
    %mul3A_46 = vector.broadcast %mul3A_45 : f32 to vector<320x384xf32>
    %mul3A_47 = arith.mulf %mul3A_46, %add3A_42 : vector<320x384xf32>
    %select_n3A = arith.select %ge3A_44, %add3A_42, %mul3A_47 : vector<320x384xi1>, vector<320x384xf32>
    %get3A_48 = arith.constant 0 : index
    %get3A_49 = arith.constant 0 : index
    %get3A_50 = vector.load %arg10[%get3A_48, %get3A_49] : memref<384x256xf32, #tpu.memory_space<vmem>>, vector<384x256xf32>
    %dot_general3A_51 = arith.constant dense<0.000000e+00> : vector<320x256xf32>
    %dot_general3A_52 = tpu.matmul %select_n3A, %get3A_50, %dot_general3A_51 {dimension_numbers = #tpu.dot_dimension_numbers<[1], [0], [0], [1], [0, 0, 1, 1], [], []>, transpose_lhs_hint = false} : vector<320x384xf32>, vector<384x256xf32>, vector<320x256xf32> -> vector<320x256xf32>
    %get3A_53 = arith.constant 0 : index
    %get3A_54 = arith.constant 0 : index
    %get3A_55 = vector.load %arg11[%get3A_53, %get3A_54] : memref<1x256xf32, #tpu.memory_space<vmem>>, vector<1x256xf32>
    %mul3A_56 = vector.broadcast %get3A_55 : vector<1x256xf32> to vector<320x256xf32>
    %mul3A_57 = arith.mulf %dot_general3A_52, %mul3A_56 : vector<320x256xf32>
    %get3A_58 = arith.constant 0 : index
    %get3A_59 = arith.constant 0 : index
    %get3A_60 = vector.load %arg12[%get3A_58, %get3A_59] : memref<1x256xf32, #tpu.memory_space<vmem>>, vector<1x256xf32>
    %add3A_61 = vector.broadcast %get3A_60 : vector<1x256xf32> to vector<320x256xf32>
    %add3A_62 = arith.addf %mul3A_57, %add3A_61 : vector<320x256xf32>
    %ge3A_63 = arith.constant 0.000000e+00 : f32
    %ge3A_64 = vector.broadcast %ge3A_63 : f32 to vector<320x256xf32>
    %ge3A_65 = arith.cmpf oge, %add3A_62, %ge3A_64 : vector<320x256xf32>
    %mul3A_66 = arith.constant 2.000000e-01 : f32
    %mul3A_67 = vector.broadcast %mul3A_66 : f32 to vector<320x256xf32>
    %mul3A_68 = arith.mulf %mul3A_67, %add3A_62 : vector<320x256xf32>
    %select_n3A_69 = arith.select %ge3A_65, %add3A_62, %mul3A_68 : vector<320x256xi1>, vector<320x256xf32>
    %get3A_70 = arith.constant 0 : index
    %get3A_71 = arith.constant 0 : index
    %get3A_72 = vector.load %arg13[%get3A_70, %get3A_71] : memref<256x128xf32, #tpu.memory_space<vmem>>, vector<256x128xf32>
    %dot_general3A_73 = arith.constant dense<0.000000e+00> : vector<320x128xf32>
    %dot_general3A_74 = tpu.matmul %select_n3A_69, %get3A_72, %dot_general3A_73 {dimension_numbers = #tpu.dot_dimension_numbers<[1], [0], [0], [1], [0, 0, 1, 1], [], []>, transpose_lhs_hint = false} : vector<320x256xf32>, vector<256x128xf32>, vector<320x128xf32> -> vector<320x128xf32>
    %get3A_75 = arith.constant 0 : index
    %get3A_76 = arith.constant 0 : index
    %get3A_77 = vector.load %arg14[%get3A_75, %get3A_76] : memref<1x128xf32, #tpu.memory_space<vmem>>, vector<1x128xf32>
    %mul3A_78 = vector.broadcast %get3A_77 : vector<1x128xf32> to vector<320x128xf32>
    %mul3A_79 = arith.mulf %dot_general3A_74, %mul3A_78 : vector<320x128xf32>
    %get3A_80 = arith.constant 0 : index
    %get3A_81 = arith.constant 0 : index
    %get3A_82 = vector.load %arg15[%get3A_80, %get3A_81] : memref<1x128xf32, #tpu.memory_space<vmem>>, vector<1x128xf32>
    %add3A_83 = vector.broadcast %get3A_82 : vector<1x128xf32> to vector<320x128xf32>
    %add3A_84 = arith.addf %mul3A_79, %add3A_83 : vector<320x128xf32>
    %ge3A_85 = arith.constant 0.000000e+00 : f32
    %ge3A_86 = vector.broadcast %ge3A_85 : f32 to vector<320x128xf32>
    %ge3A_87 = arith.cmpf oge, %add3A_84, %ge3A_86 : vector<320x128xf32>
    %mul3A_88 = arith.constant 2.000000e-01 : f32
    %mul3A_89 = vector.broadcast %mul3A_88 : f32 to vector<320x128xf32>
    %mul3A_90 = arith.mulf %mul3A_89, %add3A_84 : vector<320x128xf32>
    %select_n3A_91 = arith.select %ge3A_87, %add3A_84, %mul3A_90 : vector<320x128xi1>, vector<320x128xf32>
    %get3A_92 = arith.constant 0 : index
    %get3A_93 = arith.constant 0 : index
    %get3A_94 = vector.load %arg16[%get3A_92, %get3A_93] : memref<128x128xf32, #tpu.memory_space<vmem>>, vector<128x128xf32>
    %dot_general3A_95 = arith.constant dense<0.000000e+00> : vector<320x128xf32>
    %dot_general3A_96 = tpu.matmul %select_n3A_91, %get3A_94, %dot_general3A_95 {dimension_numbers = #tpu.dot_dimension_numbers<[1], [0], [0], [1], [0, 0, 1, 1], [], []>, transpose_lhs_hint = false} : vector<320x128xf32>, vector<128x128xf32>, vector<320x128xf32> -> vector<320x128xf32>
    %get3A_97 = arith.constant 0 : index
    %get3A_98 = arith.constant 0 : index
    %get3A_99 = vector.load %arg17[%get3A_97, %get3A_98] : memref<1x128xf32, #tpu.memory_space<vmem>>, vector<1x128xf32>
    %add3A_100 = vector.broadcast %get3A_99 : vector<1x128xf32> to vector<320x128xf32>
    %add3A_101 = arith.addf %dot_general3A_96, %add3A_100 : vector<320x128xf32>
    %swap3A = arith.constant 0 : index
    %swap3A_102 = arith.constant 0 : index
    %swap3A_103 = vector.load %arg18[%swap3A, %swap3A_102] : memref<320x128xf32, #tpu.memory_space<vmem>>, vector<320x128xf32>
    tpu.vector_store %arg18[%swap3A, %swap3A_102], %add3A_101 {strides = array<i32>} : memref<320x128xf32, #tpu.memory_space<vmem>>, vector<320x128xf32>,
    return
  }
  func.func @transform_0(%arg0: i32) -> (i32, i32) {
    %c0_i32 = arith.constant 0 : i32
    %c0_i32_0 = arith.constant 0 : i32
    return %arg0, %c0_i32 : i32, i32
  }
  func.func @transform_1(%arg0: i32) -> (i32, i32) {
    %c0_i32 = arith.constant 0 : i32
    %c0_i32_0 = arith.constant 0 : i32
    return %arg0, %c0_i32 : i32, i32
  }
  func.func @transform_2(%arg0: i32) -> (i32, i32) {
    %c0_i32 = arith.constant 0 : i32
    %c0_i32_0 = arith.constant 0 : i32
    %c0_i32_1 = arith.constant 0 : i32
    return %c0_i32, %c0_i32_0 : i32, i32
  }
  func.func @transform_3(%arg0: i32) -> (i32, i32) {
    %c0_i32 = arith.constant 0 : i32
    %c0_i32_0 = arith.constant 0 : i32
    %c0_i32_1 = arith.constant 0 : i32
    return %c0_i32, %c0_i32_0 : i32, i32
  }
  func.func @transform_4(%arg0: i32) -> (i32, i32) {
    %c0_i32 = arith.constant 0 : i32
    %c0_i32_0 = arith.constant 0 : i32
    %c0_i32_1 = arith.constant 0 : i32
    return %c0_i32, %c0_i32_0 : i32, i32
  }
  func.func @transform_5(%arg0: i32) -> (i32, i32) {
    %c0_i32 = arith.constant 0 : i32
    %c0_i32_0 = arith.constant 0 : i32
    %c0_i32_1 = arith.constant 0 : i32
    return %c0_i32, %c0_i32_0 : i32, i32
  }
  func.func @transform_6(%arg0: i32) -> (i32, i32) {
    %c0_i32 = arith.constant 0 : i32
    %c0_i32_0 = arith.constant 0 : i32
    %c0_i32_1 = arith.constant 0 : i32
    return %c0_i32, %c0_i32_0 : i32, i32
  }
  func.func @transform_7(%arg0: i32) -> (i32, i32) {
    %c0_i32 = arith.constant 0 : i32
    %c0_i32_0 = arith.constant 0 : i32
    %c0_i32_1 = arith.constant 0 : i32
    return %c0_i32, %c0_i32_0 : i32, i32
  }
  func.func @transform_8(%arg0: i32) -> (i32, i32) {
    %c0_i32 = arith.constant 0 : i32
    %c0_i32_0 = arith.constant 0 : i32
    %c0_i32_1 = arith.constant 0 : i32
    return %c0_i32, %c0_i32_0 : i32, i32
  }
  func.func @transform_9(%arg0: i32) -> (i32, i32) {
    %c0_i32 = arith.constant 0 : i32
    %c0_i32_0 = arith.constant 0 : i32
    %c0_i32_1 = arith.constant 0 : i32
    return %c0_i32, %c0_i32_0 : i32, i32
  }
  func.func @transform_10(%arg0: i32) -> (i32, i32) {
    %c0_i32 = arith.constant 0 : i32
    %c0_i32_0 = arith.constant 0 : i32
    %c0_i32_1 = arith.constant 0 : i32
    return %c0_i32, %c0_i32_0 : i32, i32
  }
  func.func @transform_11(%arg0: i32) -> (i32, i32) {
    %c0_i32 = arith.constant 0 : i32
    %c0_i32_0 = arith.constant 0 : i32
    %c0_i32_1 = arith.constant 0 : i32
    return %c0_i32, %c0_i32_0 : i32, i32
  }
  func.func @transform_12(%arg0: i32) -> (i32, i32) {
    %c0_i32 = arith.constant 0 : i32
    %c0_i32_0 = arith.constant 0 : i32
    %c0_i32_1 = arith.constant 0 : i32
    return %c0_i32, %c0_i32_0 : i32, i32
  }
  func.func @transform_13(%arg0: i32) -> (i32, i32) {
    %c0_i32 = arith.constant 0 : i32
    %c0_i32_0 = arith.constant 0 : i32
    %c0_i32_1 = arith.constant 0 : i32
    return %c0_i32, %c0_i32_0 : i32, i32
  }
  func.func @transform_14(%arg0: i32) -> (i32, i32) {
    %c0_i32 = arith.constant 0 : i32
    %c0_i32_0 = arith.constant 0 : i32
    %c0_i32_1 = arith.constant 0 : i32
    return %c0_i32, %c0_i32_0 : i32, i32
  }
  func.func @transform_15(%arg0: i32) -> (i32, i32) {
    %c0_i32 = arith.constant 0 : i32
    %c0_i32_0 = arith.constant 0 : i32
    %c0_i32_1 = arith.constant 0 : i32
    return %c0_i32, %c0_i32_0 : i32, i32
  }
  func.func @transform_16(%arg0: i32) -> (i32, i32) {
    %c0_i32 = arith.constant 0 : i32
    %c0_i32_0 = arith.constant 0 : i32
    %c0_i32_1 = arith.constant 0 : i32
    return %c0_i32, %c0_i32_0 : i32, i32
  }
  func.func @transform_17(%arg0: i32) -> (i32, i32) {
    %c0_i32 = arith.constant 0 : i32
    %c0_i32_0 = arith.constant 0 : i32
    return %arg0, %c0_i32 : i32, i32
  }
}

</mosaic_0001>

<sc_bundles>
// kernel: kernel.12.cloned.1.call-start
scs
__scs_entry_jumppad:
0x0: {  	(pc) =	sbr.rel $0x88, $3  }
0x1: {  	(tag) =	ssettag $0x0;
	lr =	simm.s32 $0x1  }
0x2: {  	[smem:$0x3F90] =	sst lr;
	_ =	strace $0xD0000000  }
0x3: {  	_ = 	snop  }
0x4: {  	_ = 	snop  }
0x5: {  	_ = 	snop  }
0x6: {  	_ = 	snop  }
0x7: {  	_ = 	snop  }
__scs_overlays_trampoline_lowered:
0x8: {  	[smem:$0x3F9F] =	sst s0  }
0x9: {  	[smem:$0x3FA0] =	sst s1  }
0xa: {  	[smem:$0x3FA1] =	sst s2  }
0xb: {  	[smem:$0x3FA2] =	sst s3  }
0xc: {  	[smem:$0x3FA3] =	sst s4  }
0xd: {  	[smem:$0x3FA4] =	sst s5  }
0xe: {  	[smem:$0x3FA5] =	sst s6  }
0xf: {  	[smem:$0x3FA6] =	sst s7  }
0x10: {  	[smem:$0x3FA7] =	sst s8  }
0x11: {  	[smem:$0x3FA8] =	sst s9;
	s0 =	simm.s32 @!p0 $0x0  }
0x12: {  	s1 =	sld [smem:$0x3F8E];
	s0 =	simm.s32 @p0 $0x1  }
0x13: {  	[smem:$0x3FA9] =	sst s0;
	s0 =	simm.s32 @!p1 $0x0  }
0x14: {  	s2 =	sld [smem:$0x3F8D];
	s0 =	simm.s32 @p1 $0x1  }
0x15: {  	[smem:$0x3FAA] =	sst s0;
	s0 =	simm.s32 @!p2 $0x0  }
0x16: {  	s3 =	sld [smem:$0x3FDB];
	s0 =	simm.s32 @p2 $0x1  }
0x17: {  	s4 =	simm.s32 $0x1BF5;
	[smem:$0x3FAC] =	sst s0  }
0x18: {  	s0 =	sld [smem:$0x3F8F];
	_ =	swait.ge [sflag:s4], $0x0  }
0x19: {  	s7 =	sld [smem:$0x3F90]  }
0x1a: {  	s8 =	sadd.s32 $0xFFFFE003, lr  }
0x1b: {  	s9 =	sadd.s32 $0xFFFFFEF7, lr;
	s5 =	simm.s32 $0xFFFFFFFF;
	p2 =	slt.u32 s8, $0xFFFFF086  }
0x1c: {  	p1 =	slt.u32 s9, $0xF7A;
	s5 =	simm.s32 @!p2 $0x0  }
0x1d: {  	s5 =	simm.s32 @p1 $0x1;
	p0 =	seq.s32 s7, s2  }
0x1e: {  	s7 =	smul.u32 @!p0 $0xF7A, s2;
	p2 =	seq.s32 @!p0 s5, $0x0  }
0x1f: {  	s9 =	smul.u32 $0xF7A, s1;
	s8 =	simm.s32 @!p0 $0x1BF5;
	p2 =	por !p2, p0  }
0x20: {  	[sflag:s8] =	ssyncset.s32 @!p0 $0xFFFFF086;
	s6 =	sadd.s32 @!p0 s3, s7;
	s7 =	simm.s32 @!p0 $0x108  }
0x21: {  	s3 =	sadd.s32 s3, s9;
	s6 =	sadd.s32 @!p0 $0x88, s6;
	s7 =	simm.s32 @p2 $0x1082  }
0x22: {  	[simem:s7], [sflag:s8] =	dma.local @!p0 [hbm:s6], $0xF7A  }
0x23: {  	s9 =	sor.u32 $0xD0000000, s2;
	s6 =	simm.s32 $0x108;
	_ =	swait.ge @!p0 [sflag:s8], $0x0  }
0x24: {  	s3 =	sadd.s32 $0x88, s3;
	s6 =	simm.s32 @!p1 $0x1082;
	[sflag:s4] =	ssyncset.s32 $0xFFFFF086  }
0x25: {  	[simem:s6], [sflag:s4] =	dma.local [hbm:s3], $0xF7A  }
0x26: {  	[smem:$0x3F90] =	sst s1;
	(tag) =	ssettag s2;
	_ =	strace s9  }
0x27: {  	s1 =	sld [smem:$0x3FA0]  }
0x28: {  	s2 =	sld [smem:$0x3FA1]  }
0x29: {  	s4 =	sld [smem:$0x3FA3]  }
0x2a: {  	p0 =	seq.s32 s5, $0x0;
	s5 =	sld [smem:$0x3FA4]  }
0x2b: {  	s6 =	sld [smem:$0x3FA5]  }
0x2c: {  	s7 =	sld [smem:$0x3FA6]  }
0x2d: {  	s3 =	simm.s32 $0x108;
	s8 =	sld [smem:$0x3FA7]  }
0x2e: {  	s3 =	simm.s32 @!p0 $0x1082;
	s9 =	sld [smem:$0x3FA8]  }
0x2f: {  	lr =	sadd.s32 s0, s3;
	s0 =	sld [smem:$0x3F9F]  }
0x30: {  	s3 =	sld [smem:$0x3FA2]  }
0x31: {  	[smem:$0x3FAB] =	sst s10  }
0x32: {  	s10 =	sld [smem:$0x3FA9];
	_ =	sdelay $0x3  }
0x33: {  	p0 =	seq.s32 s10, $0x1;
	s10 =	sld [smem:$0x3FAB];
	_ =	sdelay $0x3  }
0x34: {  	[smem:$0x3FAB] =	sst s10  }
0x35: {  	s10 =	sld [smem:$0x3FAA];
	_ =	sdelay $0x3  }
0x36: {  	p1 =	seq.s32 s10, $0x1;
	s10 =	sld [smem:$0x3FAB];
	_ =	sdelay $0x3  }
0x37: {  	[smem:$0x3FAB] =	sst s10  }
0x38: {  	s10 =	sld [smem:$0x3FAC]  }
0x39: {  	_ = 	snop;
	(pc) =	sbr.ind lr, $3  }
0x3a: {  	_ = 	snop  }
0x3b: {  	_ = 	snop  }
0x3c: {  	p2 =	seq.s32 s10, $0x1;
	s10 =	sld [smem:$0x3FAB]  }
0x3d: {  	_ =	shalt  }
0x3e: {  	_ =	shalt  }
0x3f: {  	_ =	shalt  }
0x40: {  	_ =	shalt  }
0x41: {  	_ =	shalt  }
0x42: {  	_ =	shalt  }
0x43: {  	_ =	shalt  }
0x44: {  	_ =	shalt  }
0x45: {  	_ =	shalt  }
0x46: {  	_ =	shalt  }
0x47: {  	_ =	shalt  }
0x48: {  	_ =	shalt  }
0x49: {  	_ =	shalt  }
0x4a: {  	_ =	shalt  }
0x4b: {  	_ =	shalt  }
0x4c: {  	_ =	shalt  }
0x4d: {  	_ =	shalt  }
0x4e: {  	_ =	shalt  }
0x4f: {  	_ =	shalt  }
0x50: {  	_ =	shalt  }
0x51: {  	_ =	shalt  }
0x52: {  	_ =	shalt  }
0x53: {  	_ =	shalt  }
0x54: {  	_ =	shalt  }
0x55: {  	_ =	shalt  }
0x56: {  	_ =	shalt  }
0x57: {  	_ =	shalt  }
0x58: {  	_ =	shalt  }
0x59: {  	_ =	shalt  }
0x5a: {  	_ =	shalt  }
0x5b: {  	_ =	shalt  }
0x5c: {  	_ =	shalt  }
0x5d: {  	_ =	shalt  }
0x5e: {  	_ =	shalt  }
0x5f: {  	_ =	shalt  }
0x60: {  	_ =	shalt  }
0x61: {  	_ =	shalt  }
0x62: {  	_ =	shalt  }
0x63: {  	_ =	shalt  }
0x64: {  	_ =	shalt  }
0x65: {  	_ =	shalt  }
0x66: {  	_ =	shalt  }
0x67: {  	_ =	shalt  }
0x68: {  	_ =	shalt  }
0x69: {  	_ =	shalt  }
0x6a: {  	_ =	shalt  }
0x6b: {  	_ =	shalt  }
0x6c: {  	_ =	shalt  }
0x6d: {  	_ =	shalt  }
0x6e: {  	_ =	shalt  }
0x6f: {  	_ =	shalt  }
0x70: {  	_ =	shalt  }
0x71: {  	_ =	shalt  }
0x72: {  	_ =	shalt  }
0x73: {  	_ =	shalt  }
0x74: {  	_ =	shalt  }
0x75: {  	_ =	shalt  }
0x76: {  	_ =	shalt  }
0x77: {  	_ =	shalt  }
0x78: {  	_ =	shalt  }
0x79: {  	_ =	shalt  }
0x7a: {  	_ =	shalt  }
0x7b: {  	_ =	shalt  }
0x7c: {  	_ =	shalt  }
0x7d: {  	_ =	shalt  }
0x7e: {  	_ =	shalt  }
0x7f: {  	_ =	shalt  }
0x80: {  	_ =	shalt  }
0x81: {  	_ =	shalt  }
0x82: {  	_ =	shalt  }
0x83: {  	_ =	shalt  }
0x84: {  	_ =	shalt  }
0x85: {  	_ =	shalt  }
0x86: {  	_ =	shalt  }
0x87: {  	_ =	shalt  }
.Lfunc_end0:
.L_simem_size_0:
called_computation_lowered:
.L_overlay_start_0:
0x88: {  	s2 =	sld [smem:$0x3FD9]  }
0x89: {  	s3 =	sld [smem:$0x3FFE];
	_ =	sdelay $0x1  }
0x8a: {  	s1 =	srdreg.scid  }
0x8b: {  	s0 =	sand.u32 $0x1, s1  }
0x8c: {  	s17 =	sshll.u32 s0, $0xA;
	s2 =	sadd.s32 s3, s2  }
0x8d: {  	s2 =	sadd.s32 s2, s17  }
0x8e: {  	[smem:$0x3FB7] =	sst s2  }
0x8f: {  	_ = 	snop  }
0x90: {  	s18 =	sld [smem:$0x3FD0];
	(tm) =	ssettm $0x1  }
0x91: {  	s19 =	sld [smem:$0x3FFB];
	_ =	sdelay $0x3  }
0x92: {  	_ =	strace s19  }
0x93: {  	s2 =	sld [smem:$0x3FFC];
	_ =	sdelay $0x3  }
0x94: {  	_ =	strace s2  }
0x95: {  	s2 =	sld [smem:$0x3FFD];
	_ =	sdelay $0x3  }
0x96: {  	_ =	strace s2  }
0x97: {  	_ =	strace $0x8FFFFFFF  }
0x98: {  	s20 =	sld [smem:$0x3FDB];
	_ =	sdelay $0x1  }
0x99: {  	s4 =	simm.s32 $_scs_section_size  }
0x9a: {  	s5 =	simm.s32 $_size__tile_overlayer_lowered;
	s6 =	simm.s32 $_tile_overlayer_lowered  }
0x9b: {  	s7 =	simm.s32 $0x1BFF;
	s21 =	sshll.u32 s6, $0x1;
	s4 =	sadd.s32 s4, s20  }
0x9c: {  	s22 =	simm.s32 $0x0;
	s5 =	sshll.u32 s5, $0x1;
	s6 =	sadd.s32 s21, s4  }
0x9d: {  	[timem:s22], [sflag:s7] =	dma.local [hbm:s6], s5  }
0x9e: {  	_ =	swait.ge [sflag:s7], s5  }
0x9f: {  	s5 =	ssub.s32 $0x0, s5;
	[sflag:s7] =	ssyncset.done $0x0  }
0xa0: {  	[sflag:s7] =	ssyncadd.s32 s5;
	_ =	sdelay $0x1  }
0xa1: {  	s23 =	simm.s32 $0x1B8B  }
0xa2: {  	_ =	swait.ge [sflag:s23], $0x1  }
0xa3: {  	[sflag:s23] =	ssyncset.done $0x0  }
0xa4: {  	[sflag:s23] =	ssyncadd.s32 $0xFFFFFFFF  }
0xa5: {  	s5 =	sld [smem:$0x0]  }
0xa6: {  	s6 =	sand.u32 $0xFFFFFFFE, s1  }
0xa7: {  	p0 =	sne.s32 s1, s6  }
0xa8: {  	s6 =	sshll.u32 @p0 s6, $0xE  }
0xa9: {  	s6 =	sadd.s32 @p0 $0x11B8D, s6;
	s7 =	sshll.u32 @p0 s5, $0x11  }
0xaa: {  	s6 =	sor.u32 @p0 s7, s6  }
0xab: {  	[sflag:s6] =	ssyncadd.remote.s32 @p0 $0x1;
	_ =	sdelay $0x1  }
0xac: {  	s6 =	simm.s32 @p0 $0x1B8D  }
0xad: {  	_ =	swait.eq @p0 [sflag:s6], $0x1  }
0xae: {  	[sflag:s6] =	ssyncadd.s32 @p0 $0xFFFFFFFF  }
0xaf: {  	s7 =	sshll.u32 @!p0 s1, $0xE  }
0xb0: {  	s7 =	sor.u32 @!p0 $0x4000, s7;
	s6 =	simm.s32 @!p0 $0x1B8D  }
0xb1: {  	s5 =	sshll.u32 @!p0 s5, $0x11;
	s7 =	sadd.s32 @!p0 $0x11B8D, s7;
	_ =	swait.eq @!p0 [sflag:s6], $0x1  }
0xb2: {  	s5 =	sor.u32 @!p0 s5, s7;
	[sflag:s6] =	ssyncadd.s32 @!p0 $0xFFFFFFFF  }
0xb3: {  	s25 =	simm.s32 $0x1B8E;
	s24 =	sld [smem:$0x3FFE];
	[sflag:s5] =	ssyncadd.remote.s32 @!p0 $0x1  }
0xb4: {  	s26 =	simm.s32 $execute0_lowered;
	[smem:$0x3FD2] =	sst s25  }
0xb5: {  	s6 =	sshll.u32 s26, $0x1;
	_ =	strace $0x80000049;
	[dreg:$0x1] =	wrdreg $0xFFFFFFFF  }
0xb6: {  	s28 =	simm.s32 $_size_execute0_lowered;
	s4 =	sadd.s32 s4, s6;
	[dreg:$0x0] =	wrdreg $0x0  }
0xb7: {  	s6 =	sshll.u32 s28, $0x1;
	[dreg:$0x2] =	wrdreg s4  }
0xb8: {  	[dreg:$0x3] =	wrdreg s6  }
0xb9: {  	[dreg:$0x4] =	wrdreg $0xC0  }
0xba: {  	_ =	task [dreg:s22], $0x5FFFF  }
0xbb: {  	[dreg:$0x1] =	wrdreg $0xFFFFFFFF  }
0xbc: {  	[dreg:$0x0] =	wrdreg $0x60  }
0xbd: {  	[dreg:$0x2] =	wrdreg s24  }
0xbe: {  	[dreg:$0x3] =	wrdreg s18  }
0xbf: {  	[dreg:$0x4] =	wrdreg $0x9  }
0xc0: {  	_ =	task.clear_ibuf [dreg:s22], $0x5FFFF;
	_ =	strace $0x90000049  }
0xc1: {  	s29 =	simm.s32 $0x9;
	_ =	strace $0x8000004B  }
0xc2: {  	_ =	swait.ge [sflag:s29], $0x1  }
0xc3: {  	[sflag:s29] =	ssyncadd.s32 $0xFFFFFFFF  }
0xc4: {  	_ =	strace $0x9000004B  }
0xc5: {  	_ =	sfence  }
0xc6: {  	s30 =	sld [smem:$0x0];
	_ =	sdelay $0x2  }
0xc7: {  	s31 =	sshll.u32 s1, $0xD;
	s1 =	sshrl.u32 s1, $0x2  }
0xc8: {  	s4 =	sand.u32 $0x4000, s31;
	s1 =	sadd.s32 s1, s30  }
0xc9: {  	s0 =	sor.u32 s4, s0;
	s1 =	sshll.u32 s1, $0x11  }
0xca: {  	s0 =	sor.u32 s1, s0  }
0xcb: {  	s0 =	sadd.s32 $0x8F2B, s0  }
0xcc: {  	[sflag:s0] =	ssyncadd.remote.s32 $0x1  }
0xcd: {  	_ =	sfence.sel $0xFFFF  }
0xce: {  	[dreg:$0x0] =	wrdreg $0xFFFFFFFF;
	(pc) =	sbr.abs _section_cstart, $3  }
0xcf: {  	[dreg:$0x1] =	wrdreg $0xFFFFFFFF  }
0xd0: {  	_ =	task.clear_ibuf [dreg:s22], $0x2FFFF;
	_ =	strace $0x9FFFFFFF  }
0xd1: {  	(tm) =	ssettm $0x7FFFFFFF  }
tec
execute0_lowered:
.L_overlay_start_1:
0x0: {  	(tag) =	ssettag $0x1  }
0x1: {  	s4 =	rddreg [dreg:$0x0]  }
0x2: {  	s5 =	rddreg [dreg:$0x1];
	s2 =	simm.s32 $0x0  }
0x3: {  	s7 =	simm.s32 $0x1180;
	[smem:$0x7FF] =	sst s2  }
0x4: {  	s8 =	simm.s32 $0x1980;
	_ =	strace $0x8000004A;
	[dreg:$0x5] =	wrdreg s7  }
0x5: {  	s9 =	simm.s32 $0x2180;
	[dreg:$0x6] =	wrdreg s8  }
0x6: {  	s10 =	simm.s32 $0x2980;
	[dreg:$0x7] =	wrdreg s9  }
0x7: {  	s6 =	stileid.u32;
	s11 =	simm.s32 $0x3180;
	[dreg:$0x8] =	wrdreg s10  }
0x8: {  	s0 =	srdreg.scid;
	s13 =	simm.s32 $0x3980;
	[dreg:$0x9] =	wrdreg s11  }
0x9: {  	s14 =	simm.s32 $0x4180;
	s15 =	simm.s32 $0x4980;
	[dreg:$0xa] =	wrdreg s13  }
0xa: {  	s17 =	simm.s32 $0x5180;
	s19 =	simm.s32 $0x5980;
	[dreg:$0xb] =	wrdreg s14  }
0xb: {  	s20 =	simm.s32 $0x6180;
	s21 =	simm.s32 $0x6980;
	[dreg:$0xc] =	wrdreg s15  }
0xc: {  	s22 =	simm.s32 $0x7180;
	s23 =	simm.s32 $0x7980;
	[dreg:$0xd] =	wrdreg s17  }
0xd: {  	s24 =	simm.s32 $0x8180;
	s25 =	simm.s32 $0x8980;
	[dreg:$0xe] =	wrdreg s19  }
0xe: {  	s26 =	simm.s32 $0x9180;
	s28 =	simm.s32 $0x13180;
	[dreg:$0xf] =	wrdreg s20  }
0xf: {  	s29 =	simm.s32 $0x13980;
	s30 =	simm.s32 $0x1;
	[dreg:$0x10] =	wrdreg s21  }
0x10: {  	s31 =	simm.s32 $0x0;
	s1 =	smul.u32 $0x1400, s6;
	[dreg:$0x11] =	wrdreg s22  }
0x11: {  	s0 =	sand.u32 $0x1, s0;
	s12 =	smul.u32 $0x28000, s6;
	[dreg:$0x12] =	wrdreg s23  }
0x12: {  	s6 =	simm.s32 $0x2;
	s3 =	smul.u32 $0xA00, s0;
	[dreg:$0x13] =	wrdreg s24  }
0x13: {  	s16 =	ssub.s32 $0x2, s0;
	s0 =	smul.u32 $0x14000, s0;
	[dreg:$0x14] =	wrdreg s25  }
0x14: {  	s7 =	simm.s32 $0x180;
	[dreg:$0x15] =	wrdreg s26;
	s8 =	simm.s32 $0x9980  }
0x15: {  	s9 =	simm.s32 $0xA180;
	s10 =	simm.s32 $0xA980;
	s11 =	simm.s32 $0xB180  }
0x16: {  	s13 =	simm.s32 $0xC180;
	s14 =	simm.s32 $0xC980;
	s15 =	simm.s32 $0xD180  }
0x17: {  	s17 =	simm.s32 $0xE180;
	s19 =	simm.s32 $0xF180;
	s20 =	simm.s32 $0xF980  }
0x18: {  	s21 =	simm.s32 $0x10180;
	s22 =	simm.s32 $0x10980;
	s23 =	simm.s32 $0x11180  }
0x19: {  	s24 =	simm.s32 $0x11980;
	s25 =	simm.s32 $0x12180;
	s1 =	sadd.s32 s3, s1  }
0x1a: {  	s26 =	simm.s32 $0x12980;
	s18 =	sshrl.u32 s16, $0x1;
	s1 =	sshrl.u32 s1, $0x3  }
0x1b: {  	s3 =	sadd.s32 $0x57600, s4;
	s1 =	sadd.s32 s1, s5;
	s5 =	simm.s32 $0x980  }
0x1c: {  	[dreg:$0x4] =	wrdreg s5;
	s5 =	sadd.s32 s12, s4;
	s4 =	ssub.s32 s16, s18  }
0x1d: {  	v2 =	vlaneseq.u32;
	[dreg:$0x3] =	wrdreg s1;
	s4 =	smax.u32 s4, $0x1;
	s0 =	sadd.s32 s0, s5  }
0x1e: {  	vm0 =	vmmov $0xffff;
	v1 =	vshrl.u32 v2, $0x3;
	s12 =	simm.s32 $0xB980;
	[dreg:$0x16] =	wrdreg s4;
	s0 =	sadd.s32 $0x309600, s0  }
0x1f: {  	v0 =	vand.u32 $0x7, v2;
	v2 =	vor.u32 $0x8, v2;
	v1 =	vmul.u32 $0x8, v1;
	s16 =	simm.s32 $0xD980;
	s18 =	simm.s32 $0xE980;
	[dreg:$0x17] =	wrdreg s0  }
.LBB2_1:
0x20: {  	s5 =	rddreg [dreg:$0x17];
	s0 =	simm.s32 $0x0  }
.LBB2_2:
0x21: {  	s4 =	rddreg [dreg:$0x3]  }
0x22: {  	s4 =	sadd.s32 s0, s4  }
0x23: {  	[tilespmem:s2], [sflag:$0x2] =	stream.linear.gather [hbm4b:s4+s2], $0x140, $0x38;
	[tilespmem:$0x14180] =	vst v63  }
0x24: {  	_ =	swait.ge [sflag:s6], $0x140  }
0x25: {  	[sflag:s6] =	ssyncset.done $0x0  }
0x26: {  	[sflag:s6] =	ssyncadd.s32 $0xFFFFFEC0  }
0x27: {  	v3 =	vld [tilespmem:$0x0];
	_ =	sdelay $0x4  }
0x28: {  	v4 =	vshll.u32 v3, $0x1  }
0x29: {  	v3 =	vand.u32 $0x7, v3;
	v4 =	vand.u32 $0xFFFFFFF0, v4  }
0x2a: {  	v3 =	vor.u32 v3, v4  }
0x2b: {  	v4 =	vperm.xlane v3, v0;
	_ =	sdelay $0x1  }
0x2c: {  	v3 =	vperm.xlane v3, v2;
	v4 =	vadd.s32 v1, v4;
	_ =	sdelay $0x1  }
0x2d: {  	v3 =	vadd.s32 v1, v3;
	_ =	sdelay $0x2  }
0x2e: {  	[tilespmem:s7], [sflag:$0x1] =	stream.indirect_vreg.gather [hbm4b:s3+s2], $0x80, v4, vm0, $0xb8;
	[tilespmem:$0x14180] =	vst v63  }
0x2f: {  	s1 =	rddreg [dreg:$0x4]  }
0x30: {  	[tilespmem:s1], [sflag:$0x1] =	stream.indirect_vreg.gather [hbm4b:s3+s2], $0x80, v3, vm0, $0xb8;
	[tilespmem:$0x14180] =	vst v63  }
0x31: {  	v3 =	vld [tilespmem:$0x10];
	_ =	sdelay $0x4  }
0x32: {  	v45 =	vshll.u32 v3, $0x1  }
0x33: {  	v3 =	vand.u32 $0x7, v3;
	v4 =	vand.u32 $0xFFFFFFF0, v45  }
0x34: {  	v3 =	vor.u32 v3, v4  }
0x35: {  	v4 =	vperm.xlane v3, v0;
	_ =	sdelay $0x1  }
0x36: {  	v3 =	vperm.xlane v3, v2;
	v4 =	vadd.s32 v1, v4;
	_ =	sdelay $0x1  }
0x37: {  	v3 =	vadd.s32 v1, v3;
	_ =	sdelay $0x1  }
0x38: {  	s4 =	rddreg [dreg:$0x5]  }
0x39: {  	[tilespmem:s4], [sflag:$0x1] =	stream.indirect_vreg.gather [hbm4b:s3+s2], $0x80, v4, vm0, $0xb8;
	[tilespmem:$0x14180] =	vst v63  }
0x3a: {  	s1 =	rddreg [dreg:$0x6]  }
0x3b: {  	[tilespmem:s1], [sflag:$0x1] =	stream.indirect_vreg.gather [hbm4b:s3+s2], $0x80, v3, vm0, $0xb8;
	[tilespmem:$0x14180] =	vst v63  }
0x3c: {  	v3 =	vld [tilespmem:$0x20];
	_ =	sdelay $0x4  }
0x3d: {  	v46 =	vshll.u32 v3, $0x1  }
0x3e: {  	v3 =	vand.u32 $0x7, v3;
	v4 =	vand.u32 $0xFFFFFFF0, v46  }
0x3f: {  	v3 =	vor.u32 v3, v4  }
0x40: {  	v4 =	vperm.xlane v3, v0;
	_ =	sdelay $0x1  }
0x41: {  	v3 =	vperm.xlane v3, v2;
	v4 =	vadd.s32 v1, v4;
	_ =	sdelay $0x1  }
0x42: {  	v3 =	vadd.s32 v1, v3;
	_ =	sdelay $0x1  }
0x43: {  	s1 =	rddreg [dreg:$0x7]  }
0x44: {  	[tilespmem:s1], [sflag:$0x1] =	stream.indirect_vreg.gather [hbm4b:s3+s2], $0x80, v4, vm0, $0xb8;
	[tilespmem:$0x14180] =	vst v63  }
0x45: {  	s4 =	rddreg [dreg:$0x8]  }
0x46: {  	[tilespmem:s4], [sflag:$0x1] =	stream.indirect_vreg.gather [hbm4b:s3+s2], $0x80, v3, vm0, $0xb8;
	[tilespmem:$0x14180] =	vst v63  }
0x47: {  	v3 =	vld [tilespmem:$0x30];
	_ =	sdelay $0x4  }
0x48: {  	v47 =	vshll.u32 v3, $0x1  }
0x49: {  	v3 =	vand.u32 $0x7, v3;
	v4 =	vand.u32 $0xFFFFFFF0, v47  }
0x4a: {  	v3 =	vor.u32 v3, v4  }
0x4b: {  	v4 =	vperm.xlane v3, v0;
	_ =	sdelay $0x1  }
0x4c: {  	v3 =	vperm.xlane v3, v2;
	v4 =	vadd.s32 v1, v4;
	_ =	sdelay $0x1  }
0x4d: {  	v3 =	vadd.s32 v1, v3;
	_ =	sdelay $0x1  }
0x4e: {  	s1 =	rddreg [dreg:$0x9]  }
0x4f: {  	[tilespmem:s1], [sflag:$0x1] =	stream.indirect_vreg.gather [hbm4b:s3+s2], $0x80, v4, vm0, $0xb8;
	[tilespmem:$0x14180] =	vst v63  }
0x50: {  	s4 =	rddreg [dreg:$0xa]  }
0x51: {  	[tilespmem:s4], [sflag:$0x1] =	stream.indirect_vreg.gather [hbm4b:s3+s2], $0x80, v3, vm0, $0xb8;
	[tilespmem:$0x14180] =	vst v63  }
0x52: {  	v3 =	vld [tilespmem:$0x40];
	_ =	sdelay $0x4  }
0x53: {  	v48 =	vshll.u32 v3, $0x1  }
0x54: {  	v3 =	vand.u32 $0x7, v3;
	v4 =	vand.u32 $0xFFFFFFF0, v48  }
0x55: {  	v3 =	vor.u32 v3, v4  }
0x56: {  	v4 =	vperm.xlane v3, v0;
	_ =	sdelay $0x1  }
0x57: {  	v3 =	vperm.xlane v3, v2;
	v4 =	vadd.s32 v1, v4;
	_ =	sdelay $0x1  }
0x58: {  	v3 =	vadd.s32 v1, v3;
	_ =	sdelay $0x1  }
0x59: {  	s1 =	rddreg [dreg:$0xb]  }
0x5a: {  	[tilespmem:s1], [sflag:$0x1] =	stream.indirect_vreg.gather [hbm4b:s3+s2], $0x80, v4, vm0, $0xb8;
	[tilespmem:$0x14180] =	vst v63  }
0x5b: {  	s4 =	rddreg [dreg:$0xc]  }
0x5c: {  	[tilespmem:s4], [sflag:$0x1] =	stream.indirect_vreg.gather [hbm4b:s3+s2], $0x80, v3, vm0, $0xb8;
	[tilespmem:$0x14180] =	vst v63  }
0x5d: {  	v3 =	vld [tilespmem:$0x50];
	_ =	sdelay $0x4  }
0x5e: {  	v49 =	vshll.u32 v3, $0x1  }
0x5f: {  	v3 =	vand.u32 $0x7, v3;
	v4 =	vand.u32 $0xFFFFFFF0, v49  }
0x60: {  	v3 =	vor.u32 v3, v4  }
0x61: {  	v4 =	vperm.xlane v3, v0;
	_ =	sdelay $0x1  }
0x62: {  	v3 =	vperm.xlane v3, v2;
	v4 =	vadd.s32 v1, v4;
	_ =	sdelay $0x1  }
0x63: {  	v3 =	vadd.s32 v1, v3;
	_ =	sdelay $0x1  }
0x64: {  	s1 =	rddreg [dreg:$0xd]  }
0x65: {  	[tilespmem:s1], [sflag:$0x1] =	stream.indirect_vreg.gather [hbm4b:s3+s2], $0x80, v4, vm0, $0xb8;
	[tilespmem:$0x14180] =	vst v63  }
0x66: {  	s4 =	rddreg [dreg:$0xe]  }
0x67: {  	[tilespmem:s4], [sflag:$0x1] =	stream.indirect_vreg.gather [hbm4b:s3+s2], $0x80, v3, vm0, $0xb8;
	[tilespmem:$0x14180] =	vst v63  }
0x68: {  	v3 =	vld [tilespmem:$0x60];
	_ =	sdelay $0x4  }
0x69: {  	v50 =	vshll.u32 v3, $0x1  }
0x6a: {  	v3 =	vand.u32 $0x7, v3;
	v4 =	vand.u32 $0xFFFFFFF0, v50  }
0x6b: {  	v3 =	vor.u32 v3, v4  }
0x6c: {  	v4 =	vperm.xlane v3, v0;
	_ =	sdelay $0x1  }
0x6d: {  	v3 =	vperm.xlane v3, v2;
	v4 =	vadd.s32 v1, v4;
	_ =	sdelay $0x1  }
0x6e: {  	v3 =	vadd.s32 v1, v3;
	_ =	sdelay $0x1  }
0x6f: {  	s1 =	rddreg [dreg:$0xf]  }
0x70: {  	[tilespmem:s1], [sflag:$0x1] =	stream.indirect_vreg.gather [hbm4b:s3+s2], $0x80, v4, vm0, $0xb8;
	[tilespmem:$0x14180] =	vst v63  }
0x71: {  	s4 =	rddreg [dreg:$0x10]  }
0x72: {  	[tilespmem:s4], [sflag:$0x1] =	stream.indirect_vreg.gather [hbm4b:s3+s2], $0x80, v3, vm0, $0xb8;
	[tilespmem:$0x14180] =	vst v63  }
0x73: {  	v3 =	vld [tilespmem:$0x70];
	_ =	sdelay $0x4  }
0x74: {  	v51 =	vshll.u32 v3, $0x1  }
0x75: {  	v3 =	vand.u32 $0x7, v3;
	v4 =	vand.u32 $0xFFFFFFF0, v51  }
0x76: {  	v3 =	vor.u32 v3, v4  }
0x77: {  	v4 =	vperm.xlane v3, v0;
	_ =	sdelay $0x1  }
0x78: {  	v3 =	vperm.xlane v3, v2;
	v4 =	vadd.s32 v1, v4;
	_ =	sdelay $0x1  }
0x79: {  	v3 =	vadd.s32 v1, v3;
	_ =	sdelay $0x1  }
0x7a: {  	s1 =	rddreg [dreg:$0x11]  }
0x7b: {  	[tilespmem:s1], [sflag:$0x1] =	stream.indirect_vreg.gather [hbm4b:s3+s2], $0x80, v4, vm0, $0xb8;
	[tilespmem:$0x14180] =	vst v63  }
0x7c: {  	s4 =	rddreg [dreg:$0x12]  }
0x7d: {  	[tilespmem:s4], [sflag:$0x1] =	stream.indirect_vreg.gather [hbm4b:s3+s2], $0x80, v3, vm0, $0xb8;
	[tilespmem:$0x14180] =	vst v63  }
0x7e: {  	v3 =	vld [tilespmem:$0x80];
	_ =	sdelay $0x4  }
0x7f: {  	v52 =	vshll.u32 v3, $0x1  }
0x80: {  	v3 =	vand.u32 $0x7, v3;
	v4 =	vand.u32 $0xFFFFFFF0, v52  }
0x81: {  	v3 =	vor.u32 v3, v4  }
0x82: {  	v4 =	vperm.xlane v3, v0;
	_ =	sdelay $0x1  }
0x83: {  	v3 =	vperm.xlane v3, v2;
	v4 =	vadd.s32 v1, v4;
	_ =	sdelay $0x1  }
0x84: {  	v3 =	vadd.s32 v1, v3;
	_ =	sdelay $0x1  }
0x85: {  	s1 =	rddreg [dreg:$0x13]  }
0x86: {  	[tilespmem:s1], [sflag:$0x1] =	stream.indirect_vreg.gather [hbm4b:s3+s2], $0x80, v4, vm0, $0xb8;
	[tilespmem:$0x14180] =	vst v63  }
0x87: {  	s4 =	rddreg [dreg:$0x14]  }
0x88: {  	[tilespmem:s4], [sflag:$0x1] =	stream.indirect_vreg.gather [hbm4b:s3+s2], $0x80, v3, vm0, $0xb8;
	[tilespmem:$0x14180] =	vst v63  }
0x89: {  	v3 =	vld [tilespmem:$0x90];
	_ =	sdelay $0x4  }
0x8a: {  	v53 =	vshll.u32 v3, $0x1  }
0x8b: {  	v3 =	vand.u32 $0x7, v3;
	v4 =	vand.u32 $0xFFFFFFF0, v53  }
0x8c: {  	v3 =	vor.u32 v3, v4  }
0x8d: {  	v4 =	vperm.xlane v3, v0;
	_ =	sdelay $0x1  }
0x8e: {  	v3 =	vperm.xlane v3, v2;
	v4 =	vadd.s32 v1, v4;
	_ =	sdelay $0x1  }
0x8f: {  	v3 =	vadd.s32 v1, v3;
	_ =	sdelay $0x1  }
0x90: {  	s4 =	rddreg [dreg:$0x15]  }
0x91: {  	[tilespmem:s4], [sflag:$0x1] =	stream.indirect_vreg.gather [hbm4b:s3+s2], $0x80, v4, vm0, $0xb8;
	[tilespmem:$0x14180] =	vst v63  }
0x92: {  	_ = 	snop  }
0x93: {  	[tilespmem:s8], [sflag:$0x1] =	stream.indirect_vreg.gather [hbm4b:s3+s2], $0x80, v3, vm0, $0xb8;
	[tilespmem:$0x14180] =	vst v63  }
0x94: {  	v3 =	vld [tilespmem:$0xA0];
	_ =	sdelay $0x4  }
0x95: {  	v54 =	vshll.u32 v3, $0x1  }
0x96: {  	v3 =	vand.u32 $0x7, v3;
	v4 =	vand.u32 $0xFFFFFFF0, v54  }
0x97: {  	v3 =	vor.u32 v3, v4  }
0x98: {  	v4 =	vperm.xlane v3, v0;
	_ =	sdelay $0x1  }
0x99: {  	v3 =	vperm.xlane v3, v2;
	v4 =	vadd.s32 v1, v4;
	_ =	sdelay $0x1  }
0x9a: {  	v3 =	vadd.s32 v1, v3;
	_ =	sdelay $0x2  }
0x9b: {  	[tilespmem:s9], [sflag:$0x1] =	stream.indirect_vreg.gather [hbm4b:s3+s2], $0x80, v4, vm0, $0xb8;
	[tilespmem:$0x14180] =	vst v63  }
0x9c: {  	_ = 	snop  }
0x9d: {  	[tilespmem:s10], [sflag:$0x1] =	stream.indirect_vreg.gather [hbm4b:s3+s2], $0x80, v3, vm0, $0xb8;
	[tilespmem:$0x14180] =	vst v63  }
0x9e: {  	v3 =	vld [tilespmem:$0xB0];
	_ =	sdelay $0x4  }
0x9f: {  	v55 =	vshll.u32 v3, $0x1  }
0xa0: {  	v3 =	vand.u32 $0x7, v3;
	v4 =	vand.u32 $0xFFFFFFF0, v55  }
0xa1: {  	v3 =	vor.u32 v3, v4  }
0xa2: {  	v4 =	vperm.xlane v3, v0;
	_ =	sdelay $0x1  }
0xa3: {  	v3 =	vperm.xlane v3, v2;
	v4 =	vadd.s32 v1, v4;
	_ =	sdelay $0x1  }
0xa4: {  	v3 =	vadd.s32 v1, v3;
	_ =	sdelay $0x2  }
0xa5: {  	[tilespmem:s11], [sflag:$0x1] =	stream.indirect_vreg.gather [hbm4b:s3+s2], $0x80, v4, vm0, $0xb8;
	[tilespmem:$0x14180] =	vst v63  }
0xa6: {  	_ = 	snop  }
0xa7: {  	[tilespmem:s12], [sflag:$0x1] =	stream.indirect_vreg.gather [hbm4b:s3+s2], $0x80, v3, vm0, $0xb8;
	[tilespmem:$0x14180] =	vst v63  }
0xa8: {  	v3 =	vld [tilespmem:$0xC0];
	_ =	sdelay $0x4  }
0xa9: {  	v56 =	vshll.u32 v3, $0x1  }
0xaa: {  	v3 =	vand.u32 $0x7, v3;
	v4 =	vand.u32 $0xFFFFFFF0, v56  }
0xab: {  	v3 =	vor.u32 v3, v4  }
0xac: {  	v4 =	vperm.xlane v3, v0;
	_ =	sdelay $0x1  }
0xad: {  	v3 =	vperm.xlane v3, v2;
	v4 =	vadd.s32 v1, v4;
	_ =	sdelay $0x1  }
0xae: {  	v3 =	vadd.s32 v1, v3;
	_ =	sdelay $0x2  }
0xaf: {  	[tilespmem:s13], [sflag:$0x1] =	stream.indirect_vreg.gather [hbm4b:s3+s2], $0x80, v4, vm0, $0xb8;
	[tilespmem:$0x14180] =	vst v63  }
0xb0: {  	_ = 	snop  }
0xb1: {  	[tilespmem:s14], [sflag:$0x1] =	stream.indirect_vreg.gather [hbm4b:s3+s2], $0x80, v3, vm0, $0xb8;
	[tilespmem:$0x14180] =	vst v63  }
0xb2: {  	v3 =	vld [tilespmem:$0xD0];
	_ =	sdelay $0x4  }
0xb3: {  	v57 =	vshll.u32 v3, $0x1  }
0xb4: {  	v3 =	vand.u32 $0x7, v3;
	v4 =	vand.u32 $0xFFFFFFF0, v57  }
0xb5: {  	v3 =	vor.u32 v3, v4  }
0xb6: {  	v4 =	vperm.xlane v3, v0;
	_ =	sdelay $0x1  }
0xb7: {  	v3 =	vperm.xlane v3, v2;
	v4 =	vadd.s32 v1, v4;
	_ =	sdelay $0x1  }
0xb8: {  	v3 =	vadd.s32 v1, v3;
	_ =	sdelay $0x2  }
0xb9: {  	[tilespmem:s15], [sflag:$0x1] =	stream.indirect_vreg.gather [hbm4b:s3+s2], $0x80, v4, vm0, $0xb8;
	[tilespmem:$0x14180] =	vst v63  }
0xba: {  	_ = 	snop  }
0xbb: {  	[tilespmem:s16], [sflag:$0x1] =	stream.indirect_vreg.gather [hbm4b:s3+s2], $0x80, v3, vm0, $0xb8;
	[tilespmem:$0x14180] =	vst v63  }
0xbc: {  	v3 =	vld [tilespmem:$0xE0];
	_ =	sdelay $0x4  }
0xbd: {  	v58 =	vshll.u32 v3, $0x1  }
0xbe: {  	v3 =	vand.u32 $0x7, v3;
	v4 =	vand.u32 $0xFFFFFFF0, v58  }
0xbf: {  	v3 =	vor.u32 v3, v4  }
0xc0: {  	v4 =	vperm.xlane v3, v0;
	_ =	sdelay $0x1  }
0xc1: {  	v3 =	vperm.xlane v3, v2;
	v4 =	vadd.s32 v1, v4;
	_ =	sdelay $0x1  }
0xc2: {  	v3 =	vadd.s32 v1, v3;
	_ =	sdelay $0x2  }
0xc3: {  	[tilespmem:s17], [sflag:$0x1] =	stream.indirect_vreg.gather [hbm4b:s3+s2], $0x80, v4, vm0, $0xb8;
	[tilespmem:$0x14180] =	vst v63  }
0xc4: {  	_ = 	snop  }
0xc5: {  	[tilespmem:s18], [sflag:$0x1] =	stream.indirect_vreg.gather [hbm4b:s3+s2], $0x80, v3, vm0, $0xb8;
	[tilespmem:$0x14180] =	vst v63  }
0xc6: {  	v3 =	vld [tilespmem:$0xF0];
	_ =	sdelay $0x4  }
0xc7: {  	v59 =	vshll.u32 v3, $0x1  }
0xc8: {  	v3 =	vand.u32 $0x7, v3;
	v4 =	vand.u32 $0xFFFFFFF0, v59  }
0xc9: {  	v3 =	vor.u32 v3, v4  }
0xca: {  	v4 =	vperm.xlane v3, v0;
	_ =	sdelay $0x1  }
0xcb: {  	v3 =	vperm.xlane v3, v2;
	v4 =	vadd.s32 v1, v4;
	_ =	sdelay $0x1  }
0xcc: {  	v3 =	vadd.s32 v1, v3;
	_ =	sdelay $0x2  }
0xcd: {  	[tilespmem:s19], [sflag:$0x1] =	stream.indirect_vreg.gather [hbm4b:s3+s2], $0x80, v4, vm0, $0xb8;
	[tilespmem:$0x14180] =	vst v63  }
0xce: {  	_ = 	snop  }
0xcf: {  	[tilespmem:s20], [sflag:$0x1] =	stream.indirect_vreg.gather [hbm4b:s3+s2], $0x80, v3, vm0, $0xb8;
	[tilespmem:$0x14180] =	vst v63  }
0xd0: {  	v3 =	vld [tilespmem:$0x100];
	_ =	sdelay $0x4  }
0xd1: {  	v60 =	vshll.u32 v3, $0x1  }
0xd2: {  	v3 =	vand.u32 $0x7, v3;
	v4 =	vand.u32 $0xFFFFFFF0, v60  }
0xd3: {  	v3 =	vor.u32 v3, v4  }
0xd4: {  	v4 =	vperm.xlane v3, v0;
	_ =	sdelay $0x1  }
0xd5: {  	v3 =	vperm.xlane v3, v2;
	v4 =	vadd.s32 v1, v4;
	_ =	sdelay $0x1  }
0xd6: {  	v3 =	vadd.s32 v1, v3;
	_ =	sdelay $0x2  }
0xd7: {  	[tilespmem:s21], [sflag:$0x1] =	stream.indirect_vreg.gather [hbm4b:s3+s2], $0x80, v4, vm0, $0xb8;
	[tilespmem:$0x14180] =	vst v63  }
0xd8: {  	_ = 	snop  }
0xd9: {  	[tilespmem:s22], [sflag:$0x1] =	stream.indirect_vreg.gather [hbm4b:s3+s2], $0x80, v3, vm0, $0xb8;
	[tilespmem:$0x14180] =	vst v63  }
0xda: {  	v3 =	vld [tilespmem:$0x110];
	_ =	sdelay $0x4  }
0xdb: {  	v61 =	vshll.u32 v3, $0x1  }
0xdc: {  	v3 =	vand.u32 $0x7, v3;
	v4 =	vand.u32 $0xFFFFFFF0, v61  }
0xdd: {  	v3 =	vor.u32 v3, v4  }
0xde: {  	v4 =	vperm.xlane v3, v0;
	_ =	sdelay $0x1  }
0xdf: {  	v3 =	vperm.xlane v3, v2;
	v4 =	vadd.s32 v1, v4;
	_ =	sdelay $0x1  }
0xe0: {  	v3 =	vadd.s32 v1, v3;
	_ =	sdelay $0x2  }
0xe1: {  	[tilespmem:s23], [sflag:$0x1] =	stream.indirect_vreg.gather [hbm4b:s3+s2], $0x80, v4, vm0, $0xb8;
	[tilespmem:$0x14180] =	vst v63  }
0xe2: {  	_ = 	snop  }
0xe3: {  	[tilespmem:s24], [sflag:$0x1] =	stream.indirect_vreg.gather [hbm4b:s3+s2], $0x80, v3, vm0, $0xb8;
	[tilespmem:$0x14180] =	vst v63  }
0xe4: {  	v3 =	vld [tilespmem:$0x120];
	_ =	sdelay $0x4  }
0xe5: {  	v62 =	vshll.u32 v3, $0x1  }
0xe6: {  	v3 =	vand.u32 $0x7, v3;
	v4 =	vand.u32 $0xFFFFFFF0, v62  }
0xe7: {  	v3 =	vor.u32 v3, v4  }
0xe8: {  	v4 =	vperm.xlane v3, v0;
	_ =	sdelay $0x1  }
0xe9: {  	v3 =	vperm.xlane v3, v2;
	v4 =	vadd.s32 v1, v4;
	_ =	sdelay $0x1  }
0xea: {  	v3 =	vadd.s32 v1, v3;
	_ =	sdelay $0x2  }
0xeb: {  	[tilespmem:s25], [sflag:$0x1] =	stream.indirect_vreg.gather [hbm4b:s3+s2], $0x80, v4, vm0, $0xb8;
	[tilespmem:$0x14180] =	vst v63  }
0xec: {  	_ = 	snop  }
0xed: {  	[tilespmem:s26], [sflag:$0x1] =	stream.indirect_vreg.gather [hbm4b:s3+s2], $0x80, v3, vm0, $0xb8;
	[tilespmem:$0x14180] =	vst v63  }
0xee: {  	v3 =	vld [tilespmem:$0x130];
	_ =	sdelay $0x4  }
0xef: {  	v63 =	vshll.u32 v3, $0x1  }
0xf0: {  	v3 =	vand.u32 $0x7, v3;
	v4 =	vand.u32 $0xFFFFFFF0, v63  }
0xf1: {  	v3 =	vor.u32 v3, v4  }
0xf2: {  	v4 =	vperm.xlane v3, v0;
	_ =	sdelay $0x1  }
0xf3: {  	v3 =	vperm.xlane v3, v2;
	v4 =	vadd.s32 v1, v4;
	_ =	sdelay $0x1  }
0xf4: {  	v3 =	vadd.s32 v1, v3;
	_ =	sdelay $0x2  }
0xf5: {  	[tilespmem:s28], [sflag:$0x1] =	stream.indirect_vreg.gather [hbm4b:s3+s2], $0x80, v4, vm0, $0xb8;
	[tilespmem:$0x14180] =	vst v63  }
0xf6: {  	_ = 	snop  }
0xf7: {  	[tilespmem:s29], [sflag:$0x1] =	stream.indirect_vreg.gather [hbm4b:s3+s2], $0x80, v3, vm0, $0xb8;
	[tilespmem:$0x14180] =	vst v63  }
0xf8: {  	_ =	swait.ge [sflag:s30], $0x14000  }
0xf9: {  	p0 =	sne.s32 s0, $0x118;
	[sflag:s30] =	ssyncset.done $0x0  }
.Ltmp0:
0xfa: {  	[sflag:s30] =	ssyncadd.s32 $0xFFFEC000;
	(pc) =	sbr.rel @p0 .LBB2_2-.Ltmp0, $4  }
0xfb: {  	[hbm4b:s5+s2] =	stream.linear.scatter [tilespmem:s7], [sflag:$0x2], $0x14000, $0x38;
	[tilespmem:$0x14180] =	vst v63  }
0xfc: {  	_ =	swait.ge [sflag:s6], $0x14000  }
0xfd: {  	[sflag:s6] =	ssyncset.done $0x0  }
0xfe: {  	s0 =	sadd.s32 $0x28, s0;
	s5 =	sadd.s32 $0x2800, s5;
	[sflag:s6] =	ssyncadd.s32 $0xFFFEC000  }
0xff: {  	s31 =	sadd.s32 $0x1, s31;
	s0 =	rddreg [dreg:$0x16]  }
0x100: {  	p0 =	sne.s32 s31, s0  }
.Ltmp1:
0x101: {  	_ = 	snop;
	(pc) =	sbr.rel @p0 .LBB2_1-.Ltmp1, $1  }
0x102: {  	_ =	sdelay $0x3  }
0x103: {  	_ =	sfence.sel $0x180000  }
0x104: {  	[bflag:$0x0] =	sbarrier.arrive $0xFFFF  }
0x105: {  	_ =	strace $0x9000004A  }
0x106: {  	s0 =	stileid.u32;
	[bflag:$0x2] =	sbarrier.arrive $0xFFFF  }
0x107: {  	p0 =	sne.s32 s0, $0x0;
	s0 =	rddreg [dreg:$0x2]  }
0x108: {  	s0 =	sadd.s32 @!p0 $0x100000, s0  }
0x109: {  	[sflag:s0] =	ssyncadd.tile.s32 @!p0 $0x1;
	_ =	shalt  }
.Lfunc_end2:
_tile_overlayer_lowered:
.L_overlay_start_2:
0x10a: {  	(tag) =	ssettag $0x2  }
0x10b: {  	s0 =	rddreg [dreg:$0x0];
	s2 =	stileid.u32  }
0x10c: {  	s1 =	rddreg [dreg:$0x1];
	p0 =	sne.s32 s2, $0x0  }
0x10d: {  	s3 =	rddreg [dreg:$0x2];
	[bflag:$0x3] =	sbarrier.arrive $0xFFFF;
	s2 =	simm.s32 @!p0 $0x1C02  }
0x10e: {  	[timem:s3], [sflag:s2] =	dma.local @!p0 [hbm:s0], s1  }
0x10f: {  	s0 =	simm.s32 @!p0 $0x2  }
0x110: {  	_ =	swait.ge @!p0 [sflag:s0], s1  }
0x111: {  	s1 =	ssub.s32 @!p0 $0x0, s1;
	[sflag:s0] =	ssyncset.done @!p0 $0x0  }
0x112: {  	[sflag:s0] =	ssyncadd.s32 @!p0 s1  }
0x113: {  	[bflag:$0x3] =	sbarrier.arrive $0xFFFF  }
0x114: {  	_ =	shalt  }

// kernel: kernel.15.cloned.1.call-start
scs
__scs_entry_jumppad:
0x0: {  	(pc) =	sbr.rel $0x88, $3  }
0x1: {  	(tag) =	ssettag $0x0;
	lr =	simm.s32 $0x1  }
0x2: {  	[smem:$0x3F90] =	sst lr;
	_ =	strace $0xD0000000  }
0x3: {  	_ = 	snop  }
0x4: {  	_ = 	snop  }
0x5: {  	_ = 	snop  }
0x6: {  	_ = 	snop  }
0x7: {  	_ = 	snop  }
__scs_overlays_trampoline_lowered:
0x8: {  	[smem:$0x3F9F] =	sst s0  }
0x9: {  	[smem:$0x3FA0] =	sst s1  }
0xa: {  	[smem:$0x3FA1] =	sst s2  }
0xb: {  	[smem:$0x3FA2] =	sst s3  }
0xc: {  	[smem:$0x3FA3] =	sst s4  }
0xd: {  	[smem:$0x3FA4] =	sst s5  }
0xe: {  	[smem:$0x3FA5] =	sst s6  }
0xf: {  	[smem:$0x3FA6] =	sst s7  }
0x10: {  	[smem:$0x3FA7] =	sst s8  }
0x11: {  	[smem:$0x3FA8] =	sst s9;
	s0 =	simm.s32 @!p0 $0x0  }
0x12: {  	s1 =	sld [smem:$0x3F8E];
	s0 =	simm.s32 @p0 $0x1  }
0x13: {  	[smem:$0x3FA9] =	sst s0;
	s0 =	simm.s32 @!p1 $0x0  }
0x14: {  	s2 =	sld [smem:$0x3F8D];
	s0 =	simm.s32 @p1 $0x1  }
0x15: {  	[smem:$0x3FAA] =	sst s0;
	s0 =	simm.s32 @!p2 $0x0  }
0x16: {  	s3 =	sld [smem:$0x3FDB];
	s0 =	simm.s32 @p2 $0x1  }
0x17: {  	s4 =	simm.s32 $0x1BF5;
	[smem:$0x3FAC] =	sst s0  }
0x18: {  	s0 =	sld [smem:$0x3F8F];
	_ =	swait.ge [sflag:s4], $0x0  }
0x19: {  	s7 =	sld [smem:$0x3F90]  }
0x1a: {  	s8 =	sadd.s32 $0xFFFFE003, lr  }
0x1b: {  	s9 =	sadd.s32 $0xFFFFFEF7, lr;
	s5 =	simm.s32 $0xFFFFFFFF;
	p2 =	slt.u32 s8, $0xFFFFF086  }
0x1c: {  	p1 =	slt.u32 s9, $0xF7A;
	s5 =	simm.s32 @!p2 $0x0  }
0x1d: {  	s5 =	simm.s32 @p1 $0x1;
	p0 =	seq.s32 s7, s2  }
0x1e: {  	s7 =	smul.u32 @!p0 $0xF7A, s2;
	p2 =	seq.s32 @!p0 s5, $0x0  }
0x1f: {  	s9 =	smul.u32 $0xF7A, s1;
	s8 =	simm.s32 @!p0 $0x1BF5;
	p2 =	por !p2, p0  }
0x20: {  	[sflag:s8] =	ssyncset.s32 @!p0 $0xFFFFF086;
	s6 =	sadd.s32 @!p0 s3, s7;
	s7 =	simm.s32 @!p0 $0x108  }
0x21: {  	s3 =	sadd.s32 s3, s9;
	s6 =	sadd.s32 @!p0 $0x88, s6;
	s7 =	simm.s32 @p2 $0x1082  }
0x22: {  	[simem:s7], [sflag:s8] =	dma.local @!p0 [hbm:s6], $0xF7A  }
0x23: {  	s9 =	sor.u32 $0xD0000000, s2;
	s6 =	simm.s32 $0x108;
	_ =	swait.ge @!p0 [sflag:s8], $0x0  }
0x24: {  	s3 =	sadd.s32 $0x88, s3;
	s6 =	simm.s32 @!p1 $0x1082;
	[sflag:s4] =	ssyncset.s32 $0xFFFFF086  }
0x25: {  	[simem:s6], [sflag:s4] =	dma.local [hbm:s3], $0xF7A  }
0x26: {  	[smem:$0x3F90] =	sst s1;
	(tag) =	ssettag s2;
	_ =	strace s9  }
0x27: {  	s1 =	sld [smem:$0x3FA0]  }
0x28: {  	s2 =	sld [smem:$0x3FA1]  }
0x29: {  	s4 =	sld [smem:$0x3FA3]  }
0x2a: {  	p0 =	seq.s32 s5, $0x0;
	s5 =	sld [smem:$0x3FA4]  }
0x2b: {  	s6 =	sld [smem:$0x3FA5]  }
0x2c: {  	s7 =	sld [smem:$0x3FA6]  }
0x2d: {  	s3 =	simm.s32 $0x108;
	s8 =	sld [smem:$0x3FA7]  }
0x2e: {  	s3 =	simm.s32 @!p0 $0x1082;
	s9 =	sld [smem:$0x3FA8]  }
0x2f: {  	lr =	sadd.s32 s0, s3;
	s0 =	sld [smem:$0x3F9F]  }
0x30: {  	s3 =	sld [smem:$0x3FA2]  }
0x31: {  	[smem:$0x3FAB] =	sst s10  }
0x32: {  	s10 =	sld [smem:$0x3FA9];
	_ =	sdelay $0x3  }
0x33: {  	p0 =	seq.s32 s10, $0x1;
	s10 =	sld [smem:$0x3FAB];
	_ =	sdelay $0x3  }
0x34: {  	[smem:$0x3FAB] =	sst s10  }
0x35: {  	s10 =	sld [smem:$0x3FAA];
	_ =	sdelay $0x3  }
0x36: {  	p1 =	seq.s32 s10, $0x1;
	s10 =	sld [smem:$0x3FAB];
	_ =	sdelay $0x3  }
0x37: {  	[smem:$0x3FAB] =	sst s10  }
0x38: {  	s10 =	sld [smem:$0x3FAC]  }
0x39: {  	_ = 	snop;
	(pc) =	sbr.ind lr, $3  }
0x3a: {  	_ = 	snop  }
0x3b: {  	_ = 	snop  }
0x3c: {  	p2 =	seq.s32 s10, $0x1;
	s10 =	sld [smem:$0x3FAB]  }
0x3d: {  	_ =	shalt  }
0x3e: {  	_ =	shalt  }
0x3f: {  	_ =	shalt  }
0x40: {  	_ =	shalt  }
0x41: {  	_ =	shalt  }
0x42: {  	_ =	shalt  }
0x43: {  	_ =	shalt  }
0x44: {  	_ =	shalt  }
0x45: {  	_ =	shalt  }
0x46: {  	_ =	shalt  }
0x47: {  	_ =	shalt  }
0x48: {  	_ =	shalt  }
0x49: {  	_ =	shalt  }
0x4a: {  	_ =	shalt  }
0x4b: {  	_ =	shalt  }
0x4c: {  	_ =	shalt  }
0x4d: {  	_ =	shalt  }
0x4e: {  	_ =	shalt  }
0x4f: {  	_ =	shalt  }
0x50: {  	_ =	shalt  }
0x51: {  	_ =	shalt  }
0x52: {  	_ =	shalt  }
0x53: {  	_ =	shalt  }
0x54: {  	_ =	shalt  }
0x55: {  	_ =	shalt  }
0x56: {  	_ =	shalt  }
0x57: {  	_ =	shalt  }
0x58: {  	_ =	shalt  }
0x59: {  	_ =	shalt  }
0x5a: {  	_ =	shalt  }
0x5b: {  	_ =	shalt  }
0x5c: {  	_ =	shalt  }
0x5d: {  	_ =	shalt  }
0x5e: {  	_ =	shalt  }
0x5f: {  	_ =	shalt  }
0x60: {  	_ =	shalt  }
0x61: {  	_ =	shalt  }
0x62: {  	_ =	shalt  }
0x63: {  	_ =	shalt  }
0x64: {  	_ =	shalt  }
0x65: {  	_ =	shalt  }
0x66: {  	_ =	shalt  }
0x67: {  	_ =	shalt  }
0x68: {  	_ =	shalt  }
0x69: {  	_ =	shalt  }
0x6a: {  	_ =	shalt  }
0x6b: {  	_ =	shalt  }
0x6c: {  	_ =	shalt  }
0x6d: {  	_ =	shalt  }
0x6e: {  	_ =	shalt  }
0x6f: {  	_ =	shalt  }
0x70: {  	_ =	shalt  }
0x71: {  	_ =	shalt  }
0x72: {  	_ =	shalt  }
0x73: {  	_ =	shalt  }
0x74: {  	_ =	shalt  }
0x75: {  	_ =	shalt  }
0x76: {  	_ =	shalt  }
0x77: {  	_ =	shalt  }
0x78: {  	_ =	shalt  }
0x79: {  	_ =	shalt  }
0x7a: {  	_ =	shalt  }
0x7b: {  	_ =	shalt  }
0x7c: {  	_ =	shalt  }
0x7d: {  	_ =	shalt  }
0x7e: {  	_ =	shalt  }
0x7f: {  	_ =	shalt  }
0x80: {  	_ =	shalt  }
0x81: {  	_ =	shalt  }
0x82: {  	_ =	shalt  }
0x83: {  	_ =	shalt  }
0x84: {  	_ =	shalt  }
0x85: {  	_ =	shalt  }
0x86: {  	_ =	shalt  }
0x87: {  	_ =	shalt  }
.Lfunc_end0:
.L_simem_size_0:
called_computation.1_lowered:
.L_overlay_start_0:
0x88: {  	s2 =	sld [smem:$0x3FD9]  }
0x89: {  	s3 =	sld [smem:$0x3FFE];
	_ =	sdelay $0x1  }
0x8a: {  	s1 =	srdreg.scid  }
0x8b: {  	s0 =	sand.u32 $0x1, s1  }
0x8c: {  	s16 =	sshll.u32 s0, $0xA;
	s2 =	sadd.s32 s3, s2  }
0x8d: {  	s2 =	sadd.s32 s2, s16  }
0x8e: {  	[smem:$0x3FB7] =	sst s2  }
0x8f: {  	_ = 	snop  }
0x90: {  	(tm) =	ssettm $0x1  }
0x91: {  	s17 =	sld [smem:$0x3FFB];
	_ =	sdelay $0x3  }
0x92: {  	_ =	strace s17  }
0x93: {  	s2 =	sld [smem:$0x3FFC];
	_ =	sdelay $0x3  }
0x94: {  	_ =	strace s2  }
0x95: {  	s2 =	sld [smem:$0x3FFD];
	_ =	sdelay $0x3  }
0x96: {  	_ =	strace s2  }
0x97: {  	_ =	strace $0x8FFFFFFF  }
0x98: {  	s18 =	sld [smem:$0x3FDB];
	_ =	sdelay $0x1  }
0x99: {  	s19 =	simm.s32 $_scs_section_size  }
0x9a: {  	s4 =	simm.s32 $_size__tile_overlayer_lowered;
	s5 =	simm.s32 $_tile_overlayer_lowered  }
0x9b: {  	s22 =	simm.s32 $0x1BFF;
	s21 =	sshll.u32 s5, $0x1;
	s2 =	sadd.s32 s19, s18  }
0x9c: {  	s6 =	simm.s32 $0x0;
	s20 =	sshll.u32 s4, $0x1;
	s4 =	sadd.s32 s21, s2  }
0x9d: {  	[timem:s6], [sflag:s22] =	dma.local [hbm:s4], s20  }
0x9e: {  	_ =	swait.ge [sflag:s22], s20  }
0x9f: {  	s3 =	ssub.s32 $0x0, s20;
	[sflag:s22] =	ssyncset.done $0x0  }
0xa0: {  	[sflag:s22] =	ssyncadd.s32 s3;
	_ =	sdelay $0x1  }
0xa1: {  	s23 =	simm.s32 $0x1B8B  }
0xa2: {  	_ =	swait.ge [sflag:s23], $0x1  }
0xa3: {  	[sflag:s23] =	ssyncset.done $0x0  }
0xa4: {  	s25 =	simm.s32 $0x1B8E;
	s24 =	sld [smem:$0x3FFE];
	[sflag:s23] =	ssyncadd.s32 $0xFFFFFFFF  }
0xa5: {  	s26 =	simm.s32 $execute0_lowered;
	[smem:$0x3FD2] =	sst s25  }
0xa6: {  	s4 =	sshll.u32 s26, $0x1;
	_ =	strace $0x80000046;
	[dreg:$0x1] =	wrdreg $0xFFFFFFFF  }
0xa7: {  	s28 =	simm.s32 $_size_execute0_lowered;
	s2 =	sadd.s32 s2, s4;
	[dreg:$0x0] =	wrdreg $0x0  }
0xa8: {  	s4 =	sshll.u32 s28, $0x1;
	[dreg:$0x2] =	wrdreg s2  }
0xa9: {  	[dreg:$0x3] =	wrdreg s4  }
0xaa: {  	[dreg:$0x4] =	wrdreg $0xC0  }
0xab: {  	_ =	task [dreg:s6], $0x5FFFF  }
0xac: {  	[dreg:$0x1] =	wrdreg $0xFFFFFFFF  }
0xad: {  	[dreg:$0x0] =	wrdreg $0x60  }
0xae: {  	[dreg:$0x2] =	wrdreg s24  }
0xaf: {  	[dreg:$0x3] =	wrdreg $0xA  }
0xb0: {  	_ =	task.clear_ibuf [dreg:s6], $0x4FFFF;
	_ =	strace $0x90000046  }
0xb1: {  	s29 =	simm.s32 $0xA;
	_ =	strace $0x80000048  }
0xb2: {  	_ =	swait.ge [sflag:s29], $0x1  }
0xb3: {  	[sflag:s29] =	ssyncadd.s32 $0xFFFFFFFF  }
0xb4: {  	_ =	strace $0x90000048  }
0xb5: {  	_ =	sfence  }
0xb6: {  	s30 =	sld [smem:$0x0];
	_ =	sdelay $0x2  }
0xb7: {  	s31 =	sshll.u32 s1, $0xD;
	s1 =	sshrl.u32 s1, $0x2  }
0xb8: {  	s3 =	sand.u32 $0x4000, s31;
	s1 =	sadd.s32 s1, s30  }
0xb9: {  	s0 =	sor.u32 s3, s0;
	s1 =	sshll.u32 s1, $0x11  }
0xba: {  	s0 =	sor.u32 s1, s0  }
0xbb: {  	s0 =	sadd.s32 $0x8F2B, s0  }
0xbc: {  	[sflag:s0] =	ssyncadd.remote.s32 $0x1  }
0xbd: {  	_ =	sfence.sel $0xFFFF  }
0xbe: {  	[dreg:$0x0] =	wrdreg $0xFFFFFFFF;
	(pc) =	sbr.abs _section_cstart, $3  }
0xbf: {  	[dreg:$0x1] =	wrdreg $0xFFFFFFFF  }
0xc0: {  	_ =	task.clear_ibuf [dreg:s6], $0x2FFFF;
	_ =	strace $0x9FFFFFFF  }
0xc1: {  	(tm) =	ssettm $0x7FFFFFFF  }
tec
execute0_lowered:
.L_overlay_start_1:
0x0: {  	(tag) =	ssettag $0x1  }
0x1: {  	s0 =	srdreg.scid;
	s4 =	stileid.u32  }
0x2: {  	s0 =	sand.u32 $0x1, s0;
	s2 =	smul.u32 $0x1310, s4  }
0x3: {  	s3 =	smul.u32 $0x988, s0;
	_ =	sdelay $0x1  }
0x4: {  	s1 =	rddreg [dreg:$0x0];
	s3 =	sadd.s32 s3, s2;
	s2 =	simm.s32 $0x0  }
0x5: {  	s9 =	simm.s32 $0xA00;
	[smem:$0x7FF] =	sst s2  }
0x6: {  	s10 =	simm.s32 $0x1200;
	_ =	strace $0x80000047;
	[dreg:$0x3] =	wrdreg s9  }
0x7: {  	s11 =	simm.s32 $0x1A00;
	[dreg:$0x4] =	wrdreg s10  }
0x8: {  	s12 =	simm.s32 $0x2200;
	[dreg:$0x5] =	wrdreg s11  }
0x9: {  	s13 =	simm.s32 $0x2A00;
	[dreg:$0x6] =	wrdreg s12  }
0xa: {  	s14 =	simm.s32 $0x3200;
	[dreg:$0x7] =	wrdreg s13  }
0xb: {  	s15 =	simm.s32 $0x3A00;
	[dreg:$0x8] =	wrdreg s14  }
0xc: {  	s16 =	simm.s32 $0x4200;
	[dreg:$0x9] =	wrdreg s15  }
0xd: {  	s17 =	simm.s32 $0x4A00;
	[dreg:$0xa] =	wrdreg s16  }
0xe: {  	s18 =	simm.s32 $0x5200;
	[dreg:$0xb] =	wrdreg s17  }
0xf: {  	s19 =	simm.s32 $0x5A00;
	[dreg:$0xc] =	wrdreg s18  }
0x10: {  	s20 =	simm.s32 $0x6200;
	[dreg:$0xd] =	wrdreg s19  }
0x11: {  	s21 =	simm.s32 $0x6A00;
	[dreg:$0xe] =	wrdreg s20  }
0x12: {  	s22 =	simm.s32 $0x7200;
	[dreg:$0xf] =	wrdreg s21  }
0x13: {  	s23 =	simm.s32 $0x7A00;
	[dreg:$0x10] =	wrdreg s22  }
0x14: {  	s24 =	simm.s32 $0x8200;
	[dreg:$0x11] =	wrdreg s23  }
0x15: {  	s25 =	simm.s32 $0x8A00;
	[dreg:$0x12] =	wrdreg s24  }
0x16: {  	s26 =	simm.s32 $0x9200;
	[dreg:$0x13] =	wrdreg s25  }
0x17: {  	s5 =	simm.s32 $0x9A00;
	[dreg:$0x14] =	wrdreg s26  }
0x18: {  	s6 =	simm.s32 $0xA200;
	[dreg:$0x15] =	wrdreg s5  }
0x19: {  	s7 =	simm.s32 $0xAA00;
	[dreg:$0x16] =	wrdreg s6  }
0x1a: {  	s8 =	simm.s32 $0xB200;
	[dreg:$0x17] =	wrdreg s7  }
0x1b: {  	[dreg:$0x18] =	wrdreg s8;
	s9 =	simm.s32 $0xBA00  }
0x1c: {  	s10 =	simm.s32 $0xC200;
	[dreg:$0x19] =	wrdreg s9  }
0x1d: {  	s11 =	simm.s32 $0xCA00;
	[dreg:$0x1a] =	wrdreg s10  }
0x1e: {  	s12 =	simm.s32 $0xD200;
	[dreg:$0x1b] =	wrdreg s11  }
0x1f: {  	s13 =	simm.s32 $0xDA00;
	[dreg:$0x1c] =	wrdreg s12  }
0x20: {  	s28 =	simm.s32 $0x1DA00;
	s5 =	simm.s32 $0xE200;
	[dreg:$0x1d] =	wrdreg s13  }
0x21: {  	s29 =	simm.s32 $0x1E200;
	s14 =	simm.s32 $0xEA00;
	[dreg:$0x1e] =	wrdreg s5  }
0x22: {  	s30 =	simm.s32 $0x1;
	s15 =	simm.s32 $0xF200;
	[dreg:$0x1f] =	wrdreg s14  }
0x23: {  	s31 =	simm.s32 $0x0;
	s17 =	simm.s32 $0xFA00;
	[smem:$0x7F2] =	sst s15  }
0x24: {  	s4 =	smul.u32 $0x26200, s4;
	s18 =	simm.s32 $0x10200;
	[smem:$0x7F3] =	sst s17  }
0x25: {  	s3 =	sshrl.u32 s3, $0x3;
	s19 =	simm.s32 $0x10A00;
	[smem:$0x7F4] =	sst s18  }
0x26: {  	s3 =	sadd.s32 s3, s1;
	s20 =	simm.s32 $0x11200;
	[smem:$0x7F5] =	sst s19  }
0x27: {  	s16 =	ssub.s32 $0x2, s0;
	s22 =	simm.s32 $0x11A00;
	[smem:$0x7F7] =	sst s20  }
0x28: {  	s0 =	smul.u32 $0x13100, s0;
	s23 =	simm.s32 $0x12200;
	[smem:$0x7F8] =	sst s22  }
0x29: {  	s24 =	simm.s32 $0x12A00;
	s25 =	simm.s32 $0x13200;
	[smem:$0x7FA] =	sst s23  }
0x2a: {  	s7 =	simm.s32 $0x200;
	s26 =	simm.s32 $0x13A00;
	[smem:$0x7FB] =	sst s24  }
0x2b: {  	s8 =	simm.s32 $0x14200;
	s3 =	sadd.s32 $0x4E00, s3;
	[smem:$0x7FC] =	sst s25  }
0x2c: {  	s6 =	sshrl.u32 s16, $0x1;
	[smem:$0x7FD] =	sst s26;
	s9 =	simm.s32 $0x14A00  }
0x2d: {  	s10 =	simm.s32 $0x15200;
	s11 =	simm.s32 $0x15A00;
	s12 =	simm.s32 $0x16200  }
0x2e: {  	s13 =	simm.s32 $0x16A00;
	s14 =	simm.s32 $0x17200;
	s15 =	simm.s32 $0x17A00  }
0x2f: {  	s17 =	simm.s32 $0x18A00;
	s18 =	simm.s32 $0x19200;
	s19 =	simm.s32 $0x19A00  }
0x30: {  	s20 =	simm.s32 $0x1A200;
	s22 =	simm.s32 $0x1B200;
	s23 =	simm.s32 $0x1BA00  }
0x31: {  	s24 =	simm.s32 $0x1C200;
	s25 =	simm.s32 $0x1CA00;
	[dreg:$0x2] =	wrdreg s3  }
0x32: {  	s3 =	sadd.s32 $0x57600, s1;
	s1 =	sadd.s32 s4, s1;
	s5 =	ssub.s32 s16, s6  }
0x33: {  	v2 =	vlaneseq.u32;
	s26 =	simm.s32 $0x1D200;
	s21 =	smax.u32 s5, $0x1;
	s0 =	sadd.s32 s0, s1  }
0x34: {  	vm0 =	vmmov $0xffff;
	v1 =	vshrl.u32 v2, $0x3;
	s6 =	simm.s32 $0x2;
	[smem:$0x7F6] =	sst s21;
	s0 =	sadd.s32 $0xA7600, s0  }
0x35: {  	v0 =	vand.u32 $0x7, v2;
	v2 =	vor.u32 $0x8, v2;
	v1 =	vmul.u32 $0x8, v1;
	s16 =	simm.s32 $0x18200;
	s21 =	simm.s32 $0x1AA00;
	[smem:$0x7F9] =	sst s0  }
.LBB2_1:
0x36: {  	s5 =	sld [smem:$0x7F9];
	s0 =	simm.s32 $0x0  }
.LBB2_2:
0x37: {  	s4 =	rddreg [dreg:$0x2]  }
0x38: {  	s4 =	sadd.s32 s0, s4  }
0x39: {  	[tilespmem:s2], [sflag:$0x2] =	stream.linear.gather [hbm4b:s4+s2], $0x1E8, $0x38;
	[tilespmem:$0x1EA00] =	vst v63  }
0x3a: {  	_ =	swait.ge [sflag:s6], $0x1E8  }
0x3b: {  	[sflag:s6] =	ssyncset.done $0x0  }
0x3c: {  	[sflag:s6] =	ssyncadd.s32 $0xFFFFFE18  }
0x3d: {  	v3 =	vld [tilespmem:$0x0];
	_ =	sdelay $0x4  }
0x3e: {  	v4 =	vshll.u32 v3, $0x1  }
0x3f: {  	v3 =	vand.u32 $0x7, v3;
	v4 =	vand.u32 $0xFFFFFFF0, v4  }
0x40: {  	v3 =	vor.u32 v3, v4  }
0x41: {  	v4 =	vperm.xlane v3, v0;
	_ =	sdelay $0x1  }
0x42: {  	v3 =	vperm.xlane v3, v2;
	v4 =	vadd.s32 v1, v4;
	_ =	sdelay $0x1  }
0x43: {  	v3 =	vadd.s32 v1, v3;
	_ =	sdelay $0x2  }
0x44: {  	[tilespmem:s7], [sflag:$0x1] =	stream.indirect_vreg.gather [hbm4b:s3+s2], $0x80, v4, vm0, $0xb8;
	[tilespmem:$0x1EA00] =	vst v63  }
0x45: {  	s1 =	rddreg [dreg:$0x3]  }
0x46: {  	[tilespmem:s1], [sflag:$0x1] =	stream.indirect_vreg.gather [hbm4b:s3+s2], $0x80, v3, vm0, $0xb8;
	[tilespmem:$0x1EA00] =	vst v63  }
0x47: {  	v3 =	vld [tilespmem:$0x10];
	_ =	sdelay $0x4  }
0x48: {  	v34 =	vshll.u32 v3, $0x1  }
0x49: {  	v3 =	vand.u32 $0x7, v3;
	v4 =	vand.u32 $0xFFFFFFF0, v34  }
0x4a: {  	v3 =	vor.u32 v3, v4  }
0x4b: {  	v4 =	vperm.xlane v3, v0;
	_ =	sdelay $0x1  }
0x4c: {  	v3 =	vperm.xlane v3, v2;
	v4 =	vadd.s32 v1, v4;
	_ =	sdelay $0x1  }
0x4d: {  	v3 =	vadd.s32 v1, v3;
	_ =	sdelay $0x1  }
0x4e: {  	s4 =	rddreg [dreg:$0x4]  }
0x4f: {  	[tilespmem:s4], [sflag:$0x1] =	stream.indirect_vreg.gather [hbm4b:s3+s2], $0x80, v4, vm0, $0xb8;
	[tilespmem:$0x1EA00] =	vst v63  }
0x50: {  	s1 =	rddreg [dreg:$0x5]  }
0x51: {  	[tilespmem:s1], [sflag:$0x1] =	stream.indirect_vreg.gather [hbm4b:s3+s2], $0x80, v3, vm0, $0xb8;
	[tilespmem:$0x1EA00] =	vst v63  }
0x52: {  	v3 =	vld [tilespmem:$0x20];
	_ =	sdelay $0x4  }
0x53: {  	v35 =	vshll.u32 v3, $0x1  }
0x54: {  	v3 =	vand.u32 $0x7, v3;
	v4 =	vand.u32 $0xFFFFFFF0, v35  }
0x55: {  	v3 =	vor.u32 v3, v4  }
0x56: {  	v4 =	vperm.xlane v3, v0;
	_ =	sdelay $0x1  }
0x57: {  	v3 =	vperm.xlane v3, v2;
	v4 =	vadd.s32 v1, v4;
	_ =	sdelay $0x1  }
0x58: {  	v3 =	vadd.s32 v1, v3;
	_ =	sdelay $0x1  }
0x59: {  	s1 =	rddreg [dreg:$0x6]  }
0x5a: {  	[tilespmem:s1], [sflag:$0x1] =	stream.indirect_vreg.gather [hbm4b:s3+s2], $0x80, v4, vm0, $0xb8;
	[tilespmem:$0x1EA00] =	vst v63  }
0x5b: {  	s4 =	rddreg [dreg:$0x7]  }
0x5c: {  	[tilespmem:s4], [sflag:$0x1] =	stream.indirect_vreg.gather [hbm4b:s3+s2], $0x80, v3, vm0, $0xb8;
	[tilespmem:$0x1EA00] =	vst v63  }
0x5d: {  	v3 =	vld [tilespmem:$0x30];
	_ =	sdelay $0x4  }
0x5e: {  	v36 =	vshll.u32 v3, $0x1  }
0x5f: {  	v3 =	vand.u32 $0x7, v3;
	v4 =	vand.u32 $0xFFFFFFF0, v36  }
0x60: {  	v3 =	vor.u32 v3, v4  }
0x61: {  	v4 =	vperm.xlane v3, v0;
	_ =	sdelay $0x1  }
0x62: {  	v3 =	vperm.xlane v3, v2;
	v4 =	vadd.s32 v1, v4;
	_ =	sdelay $0x1  }
0x63: {  	v3 =	vadd.s32 v1, v3;
	_ =	sdelay $0x1  }
0x64: {  	s1 =	rddreg [dreg:$0x8]  }
0x65: {  	[tilespmem:s1], [sflag:$0x1] =	stream.indirect_vreg.gather [hbm4b:s3+s2], $0x80, v4, vm0, $0xb8;
	[tilespmem:$0x1EA00] =	vst v63  }
0x66: {  	s4 =	rddreg [dreg:$0x9]  }
0x67: {  	[tilespmem:s4], [sflag:$0x1] =	stream.indirect_vreg.gather [hbm4b:s3+s2], $0x80, v3, vm0, $0xb8;
	[tilespmem:$0x1EA00] =	vst v63  }
0x68: {  	v3 =	vld [tilespmem:$0x40];
	_ =	sdelay $0x4  }
0x69: {  	v37 =	vshll.u32 v3, $0x1  }
0x6a: {  	v3 =	vand.u32 $0x7, v3;
	v4 =	vand.u32 $0xFFFFFFF0, v37  }
0x6b: {  	v3 =	vor.u32 v3, v4  }
0x6c: {  	v4 =	vperm.xlane v3, v0;
	_ =	sdelay $0x1  }
0x6d: {  	v3 =	vperm.xlane v3, v2;
	v4 =	vadd.s32 v1, v4;
	_ =	sdelay $0x1  }
0x6e: {  	v3 =	vadd.s32 v1, v3;
	_ =	sdelay $0x1  }
0x6f: {  	s1 =	rddreg [dreg:$0xa]  }
0x70: {  	[tilespmem:s1], [sflag:$0x1] =	stream.indirect_vreg.gather [hbm4b:s3+s2], $0x80, v4, vm0, $0xb8;
	[tilespmem:$0x1EA00] =	vst v63  }
0x71: {  	s4 =	rddreg [dreg:$0xb]  }
0x72: {  	[tilespmem:s4], [sflag:$0x1] =	stream.indirect_vreg.gather [hbm4b:s3+s2], $0x80, v3, vm0, $0xb8;
	[tilespmem:$0x1EA00] =	vst v63  }
0x73: {  	v3 =	vld [tilespmem:$0x50];
	_ =	sdelay $0x4  }
0x74: {  	v38 =	vshll.u32 v3, $0x1  }
0x75: {  	v3 =	vand.u32 $0x7, v3;
	v4 =	vand.u32 $0xFFFFFFF0, v38  }
0x76: {  	v3 =	vor.u32 v3, v4  }
0x77: {  	v4 =	vperm.xlane v3, v0;
	_ =	sdelay $0x1  }
0x78: {  	v3 =	vperm.xlane v3, v2;
	v4 =	vadd.s32 v1, v4;
	_ =	sdelay $0x1  }
0x79: {  	v3 =	vadd.s32 v1, v3;
	_ =	sdelay $0x1  }
0x7a: {  	s1 =	rddreg [dreg:$0xc]  }
0x7b: {  	[tilespmem:s1], [sflag:$0x1] =	stream.indirect_vreg.gather [hbm4b:s3+s2], $0x80, v4, vm0, $0xb8;
	[tilespmem:$0x1EA00] =	vst v63  }
0x7c: {  	s4 =	rddreg [dreg:$0xd]  }
0x7d: {  	[tilespmem:s4], [sflag:$0x1] =	stream.indirect_vreg.gather [hbm4b:s3+s2], $0x80, v3, vm0, $0xb8;
	[tilespmem:$0x1EA00] =	vst v63  }
0x7e: {  	v3 =	vld [tilespmem:$0x60];
	_ =	sdelay $0x4  }
0x7f: {  	v39 =	vshll.u32 v3, $0x1  }
0x80: {  	v3 =	vand.u32 $0x7, v3;
	v4 =	vand.u32 $0xFFFFFFF0, v39  }
0x81: {  	v3 =	vor.u32 v3, v4  }
0x82: {  	v4 =	vperm.xlane v3, v0;
	_ =	sdelay $0x1  }
0x83: {  	v3 =	vperm.xlane v3, v2;
	v4 =	vadd.s32 v1, v4;
	_ =	sdelay $0x1  }
0x84: {  	v3 =	vadd.s32 v1, v3;
	_ =	sdelay $0x1  }
0x85: {  	s1 =	rddreg [dreg:$0xe]  }
0x86: {  	[tilespmem:s1], [sflag:$0x1] =	stream.indirect_vreg.gather [hbm4b:s3+s2], $0x80, v4, vm0, $0xb8;
	[tilespmem:$0x1EA00] =	vst v63  }
0x87: {  	s4 =	rddreg [dreg:$0xf]  }
0x88: {  	[tilespmem:s4], [sflag:$0x1] =	stream.indirect_vreg.gather [hbm4b:s3+s2], $0x80, v3, vm0, $0xb8;
	[tilespmem:$0x1EA00] =	vst v63  }
0x89: {  	v3 =	vld [tilespmem:$0x70];
	_ =	sdelay $0x4  }
0x8a: {  	v40 =	vshll.u32 v3, $0x1  }
0x8b: {  	v3 =	vand.u32 $0x7, v3;
	v4 =	vand.u32 $0xFFFFFFF0, v40  }
0x8c: {  	v3 =	vor.u32 v3, v4  }
0x8d: {  	v4 =	vperm.xlane v3, v0;
	_ =	sdelay $0x1  }
0x8e: {  	v3 =	vperm.xlane v3, v2;
	v4 =	vadd.s32 v1, v4;
	_ =	sdelay $0x1  }
0x8f: {  	v3 =	vadd.s32 v1, v3;
	_ =	sdelay $0x1  }
0x90: {  	s1 =	rddreg [dreg:$0x10]  }
0x91: {  	[tilespmem:s1], [sflag:$0x1] =	stream.indirect_vreg.gather [hbm4b:s3+s2], $0x80, v4, vm0, $0xb8;
	[tilespmem:$0x1EA00] =	vst v63  }
0x92: {  	s4 =	rddreg [dreg:$0x11]  }
0x93: {  	[tilespmem:s4], [sflag:$0x1] =	stream.indirect_vreg.gather [hbm4b:s3+s2], $0x80, v3, vm0, $0xb8;
	[tilespmem:$0x1EA00] =	vst v63  }
0x94: {  	v3 =	vld [tilespmem:$0x80];
	_ =	sdelay $0x4  }
0x95: {  	v41 =	vshll.u32 v3, $0x1  }
0x96: {  	v3 =	vand.u32 $0x7, v3;
	v4 =	vand.u32 $0xFFFFFFF0, v41  }
0x97: {  	v3 =	vor.u32 v3, v4  }
0x98: {  	v4 =	vperm.xlane v3, v0;
	_ =	sdelay $0x1  }
0x99: {  	v3 =	vperm.xlane v3, v2;
	v4 =	vadd.s32 v1, v4;
	_ =	sdelay $0x1  }
0x9a: {  	v3 =	vadd.s32 v1, v3;
	_ =	sdelay $0x1  }
0x9b: {  	s1 =	rddreg [dreg:$0x12]  }
0x9c: {  	[tilespmem:s1], [sflag:$0x1] =	stream.indirect_vreg.gather [hbm4b:s3+s2], $0x80, v4, vm0, $0xb8;
	[tilespmem:$0x1EA00] =	vst v63  }
0x9d: {  	s4 =	rddreg [dreg:$0x13]  }
0x9e: {  	[tilespmem:s4], [sflag:$0x1] =	stream.indirect_vreg.gather [hbm4b:s3+s2], $0x80, v3, vm0, $0xb8;
	[tilespmem:$0x1EA00] =	vst v63  }
0x9f: {  	v3 =	vld [tilespmem:$0x90];
	_ =	sdelay $0x4  }
0xa0: {  	v42 =	vshll.u32 v3, $0x1  }
0xa1: {  	v3 =	vand.u32 $0x7, v3;
	v4 =	vand.u32 $0xFFFFFFF0, v42  }
0xa2: {  	v3 =	vor.u32 v3, v4  }
0xa3: {  	v4 =	vperm.xlane v3, v0;
	_ =	sdelay $0x1  }
0xa4: {  	v3 =	vperm.xlane v3, v2;
	v4 =	vadd.s32 v1, v4;
	_ =	sdelay $0x1  }
0xa5: {  	v3 =	vadd.s32 v1, v3;
	_ =	sdelay $0x1  }
0xa6: {  	s1 =	rddreg [dreg:$0x14]  }
0xa7: {  	[tilespmem:s1], [sflag:$0x1] =	stream.indirect_vreg.gather [hbm4b:s3+s2], $0x80, v4, vm0, $0xb8;
	[tilespmem:$0x1EA00] =	vst v63  }
0xa8: {  	s4 =	rddreg [dreg:$0x15]  }
0xa9: {  	[tilespmem:s4], [sflag:$0x1] =	stream.indirect_vreg.gather [hbm4b:s3+s2], $0x80, v3, vm0, $0xb8;
	[tilespmem:$0x1EA00] =	vst v63  }
0xaa: {  	v3 =	vld [tilespmem:$0xA0];
	_ =	sdelay $0x4  }
0xab: {  	v43 =	vshll.u32 v3, $0x1  }
0xac: {  	v3 =	vand.u32 $0x7, v3;
	v4 =	vand.u32 $0xFFFFFFF0, v43  }
0xad: {  	v3 =	vor.u32 v3, v4  }
0xae: {  	v4 =	vperm.xlane v3, v0;
	_ =	sdelay $0x1  }
0xaf: {  	v3 =	vperm.xlane v3, v2;
	v4 =	vadd.s32 v1, v4;
	_ =	sdelay $0x1  }
0xb0: {  	v3 =	vadd.s32 v1, v3;
	_ =	sdelay $0x1  }
0xb1: {  	s1 =	rddreg [dreg:$0x16]  }
0xb2: {  	[tilespmem:s1], [sflag:$0x1] =	stream.indirect_vreg.gather [hbm4b:s3+s2], $0x80, v4, vm0, $0xb8;
	[tilespmem:$0x1EA00] =	vst v63  }
0xb3: {  	s4 =	rddreg [dreg:$0x17]  }
0xb4: {  	[tilespmem:s4], [sflag:$0x1] =	stream.indirect_vreg.gather [hbm4b:s3+s2], $0x80, v3, vm0, $0xb8;
	[tilespmem:$0x1EA00] =	vst v63  }
0xb5: {  	v3 =	vld [tilespmem:$0xB0];
	_ =	sdelay $0x4  }
0xb6: {  	v44 =	vshll.u32 v3, $0x1  }
0xb7: {  	v3 =	vand.u32 $0x7, v3;
	v4 =	vand.u32 $0xFFFFFFF0, v44  }
0xb8: {  	v3 =	vor.u32 v3, v4  }
0xb9: {  	v4 =	vperm.xlane v3, v0;
	_ =	sdelay $0x1  }
0xba: {  	v3 =	vperm.xlane v3, v2;
	v4 =	vadd.s32 v1, v4;
	_ =	sdelay $0x1  }
0xbb: {  	v3 =	vadd.s32 v1, v3;
	_ =	sdelay $0x1  }
0xbc: {  	s1 =	rddreg [dreg:$0x18]  }
0xbd: {  	[tilespmem:s1], [sflag:$0x1] =	stream.indirect_vreg.gather [hbm4b:s3+s2], $0x80, v4, vm0, $0xb8;
	[tilespmem:$0x1EA00] =	vst v63  }
0xbe: {  	s4 =	rddreg [dreg:$0x19]  }
0xbf: {  	[tilespmem:s4], [sflag:$0x1] =	stream.indirect_vreg.gather [hbm4b:s3+s2], $0x80, v3, vm0, $0xb8;
	[tilespmem:$0x1EA00] =	vst v63  }
0xc0: {  	v3 =	vld [tilespmem:$0xC0];
	_ =	sdelay $0x4  }
0xc1: {  	v45 =	vshll.u32 v3, $0x1  }
0xc2: {  	v3 =	vand.u32 $0x7, v3;
	v4 =	vand.u32 $0xFFFFFFF0, v45  }
0xc3: {  	v3 =	vor.u32 v3, v4  }
0xc4: {  	v4 =	vperm.xlane v3, v0;
	_ =	sdelay $0x1  }
0xc5: {  	v3 =	vperm.xlane v3, v2;
	v4 =	vadd.s32 v1, v4;
	_ =	sdelay $0x1  }
0xc6: {  	v3 =	vadd.s32 v1, v3;
	_ =	sdelay $0x1  }
0xc7: {  	s1 =	rddreg [dreg:$0x1a]  }
0xc8: {  	[tilespmem:s1], [sflag:$0x1] =	stream.indirect_vreg.gather [hbm4b:s3+s2], $0x80, v4, vm0, $0xb8;
	[tilespmem:$0x1EA00] =	vst v63  }
0xc9: {  	s4 =	rddreg [dreg:$0x1b]  }
0xca: {  	[tilespmem:s4], [sflag:$0x1] =	stream.indirect_vreg.gather [hbm4b:s3+s2], $0x80, v3, vm0, $0xb8;
	[tilespmem:$0x1EA00] =	vst v63  }
0xcb: {  	v3 =	vld [tilespmem:$0xD0];
	_ =	sdelay $0x4  }
0xcc: {  	v46 =	vshll.u32 v3, $0x1  }
0xcd: {  	v3 =	vand.u32 $0x7, v3;
	v4 =	vand.u32 $0xFFFFFFF0, v46  }
0xce: {  	v3 =	vor.u32 v3, v4  }
0xcf: {  	v4 =	vperm.xlane v3, v0;
	_ =	sdelay $0x1  }
0xd0: {  	v3 =	vperm.xlane v3, v2;
	v4 =	vadd.s32 v1, v4;
	_ =	sdelay $0x1  }
0xd1: {  	v3 =	vadd.s32 v1, v3;
	_ =	sdelay $0x1  }
0xd2: {  	s1 =	rddreg [dreg:$0x1c]  }
0xd3: {  	[tilespmem:s1], [sflag:$0x1] =	stream.indirect_vreg.gather [hbm4b:s3+s2], $0x80, v4, vm0, $0xb8;
	[tilespmem:$0x1EA00] =	vst v63  }
0xd4: {  	s4 =	rddreg [dreg:$0x1d]  }
0xd5: {  	[tilespmem:s4], [sflag:$0x1] =	stream.indirect_vreg.gather [hbm4b:s3+s2], $0x80, v3, vm0, $0xb8;
	[tilespmem:$0x1EA00] =	vst v63  }
0xd6: {  	v3 =	vld [tilespmem:$0xE0];
	_ =	sdelay $0x4  }
0xd7: {  	v47 =	vshll.u32 v3, $0x1  }
0xd8: {  	v3 =	vand.u32 $0x7, v3;
	v4 =	vand.u32 $0xFFFFFFF0, v47  }
0xd9: {  	v3 =	vor.u32 v3, v4  }
0xda: {  	v4 =	vperm.xlane v3, v0;
	_ =	sdelay $0x1  }
0xdb: {  	v3 =	vperm.xlane v3, v2;
	v4 =	vadd.s32 v1, v4;
	_ =	sdelay $0x1  }
0xdc: {  	v3 =	vadd.s32 v1, v3;
	_ =	sdelay $0x1  }
0xdd: {  	s1 =	rddreg [dreg:$0x1e]  }
0xde: {  	[tilespmem:s1], [sflag:$0x1] =	stream.indirect_vreg.gather [hbm4b:s3+s2], $0x80, v4, vm0, $0xb8;
	[tilespmem:$0x1EA00] =	vst v63  }
0xdf: {  	s4 =	rddreg [dreg:$0x1f]  }
0xe0: {  	[tilespmem:s4], [sflag:$0x1] =	stream.indirect_vreg.gather [hbm4b:s3+s2], $0x80, v3, vm0, $0xb8;
	[tilespmem:$0x1EA00] =	vst v63  }
0xe1: {  	v3 =	vld [tilespmem:$0xF0];
	_ =	sdelay $0x4  }
0xe2: {  	v48 =	vshll.u32 v3, $0x1  }
0xe3: {  	v3 =	vand.u32 $0x7, v3;
	v4 =	vand.u32 $0xFFFFFFF0, v48  }
0xe4: {  	v3 =	vor.u32 v3, v4  }
0xe5: {  	v4 =	vperm.xlane v3, v0;
	_ =	sdelay $0x1  }
0xe6: {  	v3 =	vperm.xlane v3, v2;
	v4 =	vadd.s32 v1, v4;
	_ =	sdelay $0x1  }
0xe7: {  	s1 =	sld [smem:$0x7F2];
	v3 =	vadd.s32 v1, v3;
	_ =	sdelay $0x1  }
0xe8: {  	s4 =	sld [smem:$0x7F3]  }
0xe9: {  	[tilespmem:s1], [sflag:$0x1] =	stream.indirect_vreg.gather [hbm4b:s3+s2], $0x80, v4, vm0, $0xb8;
	[tilespmem:$0x1EA00] =	vst v63  }
0xea: {  	_ = 	snop  }
0xeb: {  	[tilespmem:s4], [sflag:$0x1] =	stream.indirect_vreg.gather [hbm4b:s3+s2], $0x80, v3, vm0, $0xb8;
	[tilespmem:$0x1EA00] =	vst v63  }
0xec: {  	v3 =	vld [tilespmem:$0x100];
	_ =	sdelay $0x4  }
0xed: {  	v49 =	vshll.u32 v3, $0x1  }
0xee: {  	v3 =	vand.u32 $0x7, v3;
	v4 =	vand.u32 $0xFFFFFFF0, v49  }
0xef: {  	v3 =	vor.u32 v3, v4  }
0xf0: {  	v4 =	vperm.xlane v3, v0;
	_ =	sdelay $0x1  }
0xf1: {  	v3 =	vperm.xlane v3, v2;
	v4 =	vadd.s32 v1, v4;
	_ =	sdelay $0x1  }
0xf2: {  	s1 =	sld [smem:$0x7F4];
	v3 =	vadd.s32 v1, v3;
	_ =	sdelay $0x1  }
0xf3: {  	s4 =	sld [smem:$0x7F5]  }
0xf4: {  	[tilespmem:s1], [sflag:$0x1] =	stream.indirect_vreg.gather [hbm4b:s3+s2], $0x80, v4, vm0, $0xb8;
	[tilespmem:$0x1EA00] =	vst v63  }
0xf5: {  	_ = 	snop  }
0xf6: {  	[tilespmem:s4], [sflag:$0x1] =	stream.indirect_vreg.gather [hbm4b:s3+s2], $0x80, v3, vm0, $0xb8;
	[tilespmem:$0x1EA00] =	vst v63  }
0xf7: {  	v3 =	vld [tilespmem:$0x110];
	_ =	sdelay $0x4  }
0xf8: {  	v50 =	vshll.u32 v3, $0x1  }
0xf9: {  	v3 =	vand.u32 $0x7, v3;
	v4 =	vand.u32 $0xFFFFFFF0, v50  }
0xfa: {  	v3 =	vor.u32 v3, v4  }
0xfb: {  	v4 =	vperm.xlane v3, v0;
	_ =	sdelay $0x1  }
0xfc: {  	v3 =	vperm.xlane v3, v2;
	v4 =	vadd.s32 v1, v4;
	_ =	sdelay $0x1  }
0xfd: {  	s1 =	sld [smem:$0x7F7];
	v3 =	vadd.s32 v1, v3;
	_ =	sdelay $0x1  }
0xfe: {  	s4 =	sld [smem:$0x7F8]  }
0xff: {  	[tilespmem:s1], [sflag:$0x1] =	stream.indirect_vreg.gather [hbm4b:s3+s2], $0x80, v4, vm0, $0xb8;
	[tilespmem:$0x1EA00] =	vst v63  }
0x100: {  	_ = 	snop  }
0x101: {  	[tilespmem:s4], [sflag:$0x1] =	stream.indirect_vreg.gather [hbm4b:s3+s2], $0x80, v3, vm0, $0xb8;
	[tilespmem:$0x1EA00] =	vst v63  }
0x102: {  	v3 =	vld [tilespmem:$0x120];
	_ =	sdelay $0x4  }
0x103: {  	v51 =	vshll.u32 v3, $0x1  }
0x104: {  	v3 =	vand.u32 $0x7, v3;
	v4 =	vand.u32 $0xFFFFFFF0, v51  }
0x105: {  	v3 =	vor.u32 v3, v4  }
0x106: {  	v4 =	vperm.xlane v3, v0;
	_ =	sdelay $0x1  }
0x107: {  	v3 =	vperm.xlane v3, v2;
	v4 =	vadd.s32 v1, v4;
	_ =	sdelay $0x1  }
0x108: {  	s1 =	sld [smem:$0x7FA];
	v3 =	vadd.s32 v1, v3;
	_ =	sdelay $0x1  }
0x109: {  	s4 =	sld [smem:$0x7FB]  }
0x10a: {  	[tilespmem:s1], [sflag:$0x1] =	stream.indirect_vreg.gather [hbm4b:s3+s2], $0x80, v4, vm0, $0xb8;
	[tilespmem:$0x1EA00] =	vst v63  }
0x10b: {  	_ = 	snop  }
0x10c: {  	[tilespmem:s4], [sflag:$0x1] =	stream.indirect_vreg.gather [hbm4b:s3+s2], $0x80, v3, vm0, $0xb8;
	[tilespmem:$0x1EA00] =	vst v63  }
0x10d: {  	v3 =	vld [tilespmem:$0x130];
	_ =	sdelay $0x4  }
0x10e: {  	v52 =	vshll.u32 v3, $0x1  }
0x10f: {  	v3 =	vand.u32 $0x7, v3;
	v4 =	vand.u32 $0xFFFFFFF0, v52  }
0x110: {  	v3 =	vor.u32 v3, v4  }
0x111: {  	v4 =	vperm.xlane v3, v0;
	_ =	sdelay $0x1  }
0x112: {  	v3 =	vperm.xlane v3, v2;
	v4 =	vadd.s32 v1, v4;
	_ =	sdelay $0x1  }
0x113: {  	s1 =	sld [smem:$0x7FC];
	v3 =	vadd.s32 v1, v3;
	_ =	sdelay $0x1  }
0x114: {  	s4 =	sld [smem:$0x7FD]  }
0x115: {  	[tilespmem:s1], [sflag:$0x1] =	stream.indirect_vreg.gather [hbm4b:s3+s2], $0x80, v4, vm0, $0xb8;
	[tilespmem:$0x1EA00] =	vst v63  }
0x116: {  	_ = 	snop  }
0x117: {  	[tilespmem:s4], [sflag:$0x1] =	stream.indirect_vreg.gather [hbm4b:s3+s2], $0x80, v3, vm0, $0xb8;
	[tilespmem:$0x1EA00] =	vst v63  }
0x118: {  	v3 =	vld [tilespmem:$0x140];
	_ =	sdelay $0x4  }
0x119: {  	v53 =	vshll.u32 v3, $0x1  }
0x11a: {  	v3 =	vand.u32 $0x7, v3;
	v4 =	vand.u32 $0xFFFFFFF0, v53  }
0x11b: {  	v3 =	vor.u32 v3, v4  }
0x11c: {  	v4 =	vperm.xlane v3, v0;
	_ =	sdelay $0x1  }
0x11d: {  	v3 =	vperm.xlane v3, v2;
	v4 =	vadd.s32 v1, v4;
	_ =	sdelay $0x1  }
0x11e: {  	v3 =	vadd.s32 v1, v3;
	_ =	sdelay $0x2  }
0x11f: {  	[tilespmem:s8], [sflag:$0x1] =	stream.indirect_vreg.gather [hbm4b:s3+s2], $0x80, v4, vm0, $0xb8;
	[tilespmem:$0x1EA00] =	vst v63  }
0x120: {  	_ = 	snop  }
0x121: {  	[tilespmem:s9], [sflag:$0x1] =	stream.indirect_vreg.gather [hbm4b:s3+s2], $0x80, v3, vm0, $0xb8;
	[tilespmem:$0x1EA00] =	vst v63  }
0x122: {  	v3 =	vld [tilespmem:$0x150];
	_ =	sdelay $0x4  }
0x123: {  	v54 =	vshll.u32 v3, $0x1  }
0x124: {  	v3 =	vand.u32 $0x7, v3;
	v4 =	vand.u32 $0xFFFFFFF0, v54  }
0x125: {  	v3 =	vor.u32 v3, v4  }
0x126: {  	v4 =	vperm.xlane v3, v0;
	_ =	sdelay $0x1  }
0x127: {  	v3 =	vperm.xlane v3, v2;
	v4 =	vadd.s32 v1, v4;
	_ =	sdelay $0x1  }
0x128: {  	v3 =	vadd.s32 v1, v3;
	_ =	sdelay $0x2  }
0x129: {  	[tilespmem:s10], [sflag:$0x1] =	stream.indirect_vreg.gather [hbm4b:s3+s2], $0x80, v4, vm0, $0xb8;
	[tilespmem:$0x1EA00] =	vst v63  }
0x12a: {  	_ = 	snop  }
0x12b: {  	[tilespmem:s11], [sflag:$0x1] =	stream.indirect_vreg.gather [hbm4b:s3+s2], $0x80, v3, vm0, $0xb8;
	[tilespmem:$0x1EA00] =	vst v63  }
0x12c: {  	v3 =	vld [tilespmem:$0x160];
	_ =	sdelay $0x4  }
0x12d: {  	v55 =	vshll.u32 v3, $0x1  }
0x12e: {  	v3 =	vand.u32 $0x7, v3;
	v4 =	vand.u32 $0xFFFFFFF0, v55  }
0x12f: {  	v3 =	vor.u32 v3, v4  }
0x130: {  	v4 =	vperm.xlane v3, v0;
	_ =	sdelay $0x1  }
0x131: {  	v3 =	vperm.xlane v3, v2;
	v4 =	vadd.s32 v1, v4;
	_ =	sdelay $0x1  }
0x132: {  	v3 =	vadd.s32 v1, v3;
	_ =	sdelay $0x2  }
0x133: {  	[tilespmem:s12], [sflag:$0x1] =	stream.indirect_vreg.gather [hbm4b:s3+s2], $0x80, v4, vm0, $0xb8;
	[tilespmem:$0x1EA00] =	vst v63  }
0x134: {  	_ = 	snop  }
0x135: {  	[tilespmem:s13], [sflag:$0x1] =	stream.indirect_vreg.gather [hbm4b:s3+s2], $0x80, v3, vm0, $0xb8;
	[tilespmem:$0x1EA00] =	vst v63  }
0x136: {  	v3 =	vld [tilespmem:$0x170];
	_ =	sdelay $0x4  }
0x137: {  	v56 =	vshll.u32 v3, $0x1  }
0x138: {  	v3 =	vand.u32 $0x7, v3;
	v4 =	vand.u32 $0xFFFFFFF0, v56  }
0x139: {  	v3 =	vor.u32 v3, v4  }
0x13a: {  	v4 =	vperm.xlane v3, v0;
	_ =	sdelay $0x1  }
0x13b: {  	v3 =	vperm.xlane v3, v2;
	v4 =	vadd.s32 v1, v4;
	_ =	sdelay $0x1  }
0x13c: {  	v3 =	vadd.s32 v1, v3;
	_ =	sdelay $0x2  }
0x13d: {  	[tilespmem:s14], [sflag:$0x1] =	stream.indirect_vreg.gather [hbm4b:s3+s2], $0x80, v4, vm0, $0xb8;
	[tilespmem:$0x1EA00] =	vst v63  }
0x13e: {  	_ = 	snop  }
0x13f: {  	[tilespmem:s15], [sflag:$0x1] =	stream.indirect_vreg.gather [hbm4b:s3+s2], $0x80, v3, vm0, $0xb8;
	[tilespmem:$0x1EA00] =	vst v63  }
0x140: {  	v3 =	vld [tilespmem:$0x180];
	_ =	sdelay $0x4  }
0x141: {  	v57 =	vshll.u32 v3, $0x1  }
0x142: {  	v3 =	vand.u32 $0x7, v3;
	v4 =	vand.u32 $0xFFFFFFF0, v57  }
0x143: {  	v3 =	vor.u32 v3, v4  }
0x144: {  	v4 =	vperm.xlane v3, v0;
	_ =	sdelay $0x1  }
0x145: {  	v3 =	vperm.xlane v3, v2;
	v4 =	vadd.s32 v1, v4;
	_ =	sdelay $0x1  }
0x146: {  	v3 =	vadd.s32 v1, v3;
	_ =	sdelay $0x2  }
0x147: {  	[tilespmem:s16], [sflag:$0x1] =	stream.indirect_vreg.gather [hbm4b:s3+s2], $0x80, v4, vm0, $0xb8;
	[tilespmem:$0x1EA00] =	vst v63  }
0x148: {  	_ = 	snop  }
0x149: {  	[tilespmem:s17], [sflag:$0x1] =	stream.indirect_vreg.gather [hbm4b:s3+s2], $0x80, v3, vm0, $0xb8;
	[tilespmem:$0x1EA00] =	vst v63  }
0x14a: {  	v3 =	vld [tilespmem:$0x190];
	_ =	sdelay $0x4  }
0x14b: {  	v58 =	vshll.u32 v3, $0x1  }
0x14c: {  	v3 =	vand.u32 $0x7, v3;
	v4 =	vand.u32 $0xFFFFFFF0, v58  }
0x14d: {  	v3 =	vor.u32 v3, v4  }
0x14e: {  	v4 =	vperm.xlane v3, v0;
	_ =	sdelay $0x1  }
0x14f: {  	v3 =	vperm.xlane v3, v2;
	v4 =	vadd.s32 v1, v4;
	_ =	sdelay $0x1  }
0x150: {  	v3 =	vadd.s32 v1, v3;
	_ =	sdelay $0x2  }
0x151: {  	[tilespmem:s18], [sflag:$0x1] =	stream.indirect_vreg.gather [hbm4b:s3+s2], $0x80, v4, vm0, $0xb8;
	[tilespmem:$0x1EA00] =	vst v63  }
0x152: {  	_ = 	snop  }
0x153: {  	[tilespmem:s19], [sflag:$0x1] =	stream.indirect_vreg.gather [hbm4b:s3+s2], $0x80, v3, vm0, $0xb8;
	[tilespmem:$0x1EA00] =	vst v63  }
0x154: {  	v3 =	vld [tilespmem:$0x1A0];
	_ =	sdelay $0x4  }
0x155: {  	v59 =	vshll.u32 v3, $0x1  }
0x156: {  	v3 =	vand.u32 $0x7, v3;
	v4 =	vand.u32 $0xFFFFFFF0, v59  }
0x157: {  	v3 =	vor.u32 v3, v4  }
0x158: {  	v4 =	vperm.xlane v3, v0;
	_ =	sdelay $0x1  }
0x159: {  	v3 =	vperm.xlane v3, v2;
	v4 =	vadd.s32 v1, v4;
	_ =	sdelay $0x1  }
0x15a: {  	v3 =	vadd.s32 v1, v3;
	_ =	sdelay $0x2  }
0x15b: {  	[tilespmem:s20], [sflag:$0x1] =	stream.indirect_vreg.gather [hbm4b:s3+s2], $0x80, v4, vm0, $0xb8;
	[tilespmem:$0x1EA00] =	vst v63  }
0x15c: {  	_ = 	snop  }
0x15d: {  	[tilespmem:s21], [sflag:$0x1] =	stream.indirect_vreg.gather [hbm4b:s3+s2], $0x80, v3, vm0, $0xb8;
	[tilespmem:$0x1EA00] =	vst v63  }
0x15e: {  	v3 =	vld [tilespmem:$0x1B0];
	_ =	sdelay $0x4  }
0x15f: {  	v60 =	vshll.u32 v3, $0x1  }
0x160: {  	v3 =	vand.u32 $0x7, v3;
	v4 =	vand.u32 $0xFFFFFFF0, v60  }
0x161: {  	v3 =	vor.u32 v3, v4  }
0x162: {  	v4 =	vperm.xlane v3, v0;
	_ =	sdelay $0x1  }
0x163: {  	v3 =	vperm.xlane v3, v2;
	v4 =	vadd.s32 v1, v4;
	_ =	sdelay $0x1  }
0x164: {  	v3 =	vadd.s32 v1, v3;
	_ =	sdelay $0x2  }
0x165: {  	[tilespmem:s22], [sflag:$0x1] =	stream.indirect_vreg.gather [hbm4b:s3+s2], $0x80, v4, vm0, $0xb8;
	[tilespmem:$0x1EA00] =	vst v63  }
0x166: {  	_ = 	snop  }
0x167: {  	[tilespmem:s23], [sflag:$0x1] =	stream.indirect_vreg.gather [hbm4b:s3+s2], $0x80, v3, vm0, $0xb8;
	[tilespmem:$0x1EA00] =	vst v63  }
0x168: {  	v3 =	vld [tilespmem:$0x1C0];
	_ =	sdelay $0x4  }
0x169: {  	v61 =	vshll.u32 v3, $0x1  }
0x16a: {  	v3 =	vand.u32 $0x7, v3;
	v4 =	vand.u32 $0xFFFFFFF0, v61  }
0x16b: {  	v3 =	vor.u32 v3, v4  }
0x16c: {  	v4 =	vperm.xlane v3, v0;
	_ =	sdelay $0x1  }
0x16d: {  	v3 =	vperm.xlane v3, v2;
	v4 =	vadd.s32 v1, v4;
	_ =	sdelay $0x1  }
0x16e: {  	v3 =	vadd.s32 v1, v3;
	_ =	sdelay $0x2  }
0x16f: {  	[tilespmem:s24], [sflag:$0x1] =	stream.indirect_vreg.gather [hbm4b:s3+s2], $0x80, v4, vm0, $0xb8;
	[tilespmem:$0x1EA00] =	vst v63  }
0x170: {  	_ = 	snop  }
0x171: {  	[tilespmem:s25], [sflag:$0x1] =	stream.indirect_vreg.gather [hbm4b:s3+s2], $0x80, v3, vm0, $0xb8;
	[tilespmem:$0x1EA00] =	vst v63  }
0x172: {  	v3 =	vld [tilespmem:$0x1D0];
	_ =	sdelay $0x4  }
0x173: {  	v62 =	vshll.u32 v3, $0x1  }
0x174: {  	v3 =	vand.u32 $0x7, v3;
	v4 =	vand.u32 $0xFFFFFFF0, v62  }
0x175: {  	v3 =	vor.u32 v3, v4  }
0x176: {  	v4 =	vperm.xlane v3, v0;
	_ =	sdelay $0x1  }
0x177: {  	v3 =	vperm.xlane v3, v2;
	v4 =	vadd.s32 v1, v4;
	_ =	sdelay $0x1  }
0x178: {  	v3 =	vadd.s32 v1, v3;
	_ =	sdelay $0x2  }
0x179: {  	[tilespmem:s26], [sflag:$0x1] =	stream.indirect_vreg.gather [hbm4b:s3+s2], $0x80, v4, vm0, $0xb8;
	[tilespmem:$0x1EA00] =	vst v63  }
0x17a: {  	_ = 	snop  }
0x17b: {  	[tilespmem:s28], [sflag:$0x1] =	stream.indirect_vreg.gather [hbm4b:s3+s2], $0x80, v3, vm0, $0xb8;
	[tilespmem:$0x1EA00] =	vst v63  }
0x17c: {  	v3 =	vld.msk [tilespmem:$0x1E0], $0xff;
	_ =	sdelay $0x4  }
0x17d: {  	v63 =	vshll.u32 v3, $0x1  }
0x17e: {  	v3 =	vand.u32 $0x7, v3;
	v4 =	vand.u32 $0xFFFFFFF0, v63  }
0x17f: {  	v3 =	vor.u32 v3, v4  }
0x180: {  	v3 =	vperm.xlane v3, v0;
	_ =	sdelay $0x1  }
0x181: {  	v3 =	vadd.s32 v1, v3;
	_ =	sdelay $0x4  }
0x182: {  	[tilespmem:s29], [sflag:$0x1] =	stream.indirect_vreg.gather [hbm4b:s3+s2], $0x80, v3, vm0, $0xb8;
	[tilespmem:$0x1EA00] =	vst v63  }
0x183: {  	_ =	swait.ge [sflag:s30], $0x1E800  }
0x184: {  	p0 =	sne.s32 s0, $0xF4;
	[sflag:s30] =	ssyncset.done $0x0  }
.Ltmp0:
0x185: {  	[sflag:s30] =	ssyncadd.s32 $0xFFFE1800;
	(pc) =	sbr.rel @p0 .LBB2_2-.Ltmp0, $4  }
0x186: {  	[hbm4b:s5+s2] =	stream.linear.scatter [tilespmem:s7], [sflag:$0x2], $0x1E800, $0x38;
	[tilespmem:$0x1EA00] =	vst v63  }
0x187: {  	_ =	swait.ge [sflag:s6], $0x1E800  }
0x188: {  	[sflag:s6] =	ssyncset.done $0x0  }
0x189: {  	s0 =	sadd.s32 $0x3D, s0;
	s5 =	sadd.s32 $0x3D00, s5;
	[sflag:s6] =	ssyncadd.s32 $0xFFFE1800  }
0x18a: {  	s0 =	sld [smem:$0x7F6];
	_ =	sdelay $0x1  }
0x18b: {  	s31 =	sadd.s32 $0x1, s31  }
0x18c: {  	p0 =	sne.s32 s31, s0  }
.Ltmp1:
0x18d: {  	_ = 	snop;
	(pc) =	sbr.rel @p0 .LBB2_1-.Ltmp1, $1  }
0x18e: {  	_ =	sdelay $0x3  }
0x18f: {  	_ =	sfence.sel $0x180000  }
0x190: {  	[bflag:$0x0] =	sbarrier.arrive $0xFFFF  }
0x191: {  	_ =	strace $0x90000047  }
0x192: {  	s0 =	stileid.u32;
	[bflag:$0x2] =	sbarrier.arrive $0xFFFF  }
0x193: {  	p0 =	sne.s32 s0, $0x0;
	s0 =	rddreg [dreg:$0x1]  }
0x194: {  	s0 =	sadd.s32 @!p0 $0x100000, s0  }
0x195: {  	[sflag:s0] =	ssyncadd.tile.s32 @!p0 $0x1;
	_ =	shalt  }
.Lfunc_end2:
_tile_overlayer_lowered:
.L_overlay_start_2:
0x196: {  	(tag) =	ssettag $0x2  }
0x197: {  	s0 =	rddreg [dreg:$0x0];
	s2 =	stileid.u32  }
0x198: {  	s1 =	rddreg [dreg:$0x1];
	p0 =	sne.s32 s2, $0x0  }
0x199: {  	s3 =	rddreg [dreg:$0x2];
	[bflag:$0x3] =	sbarrier.arrive $0xFFFF;
	s2 =	simm.s32 @!p0 $0x1C02  }
0x19a: {  	[timem:s3], [sflag:s2] =	dma.local @!p0 [hbm:s0], s1  }
0x19b: {  	s0 =	simm.s32 @!p0 $0x2  }
0x19c: {  	_ =	swait.ge @!p0 [sflag:s0], s1  }
0x19d: {  	s1 =	ssub.s32 @!p0 $0x0, s1;
	[sflag:s0] =	ssyncset.done @!p0 $0x0  }
0x19e: {  	[sflag:s0] =	ssyncadd.s32 @!p0 s1  }
0x19f: {  	[bflag:$0x3] =	sbarrier.arrive $0xFFFF  }
0x1a0: {  	_ =	shalt  }

</sc_bundles>
